<compile_context>
chip_gen: v7x
topology: tpu7x:2x2x1
jax: 0.10.2.dev20260603
libtpu: 0.0.44.dev20260713+nightly
codegen_flags: <defaults>
</compile_context>

<pallas_src>
import functools

import jax
import jax.numpy as jnp
from jax import lax
from jax.experimental import pallas as pl
from jax.experimental.pallas import tpu as pltpu
from jax.experimental.pallas import tpu_sc as plsc

N_NODES = 10000
N_EDGES = 320000
NC = 2
NS = 16
NW = NC * NS
B = 112
NCH = 90
SEG = 6
SEGC = NCH // SEG
E_PAD = NW * NCH * B
ROWS_PER_TILE = 640
N_ACC = NS * ROWS_PER_TILE
ZROWS = 64


def _make_agg(D):
    mesh = plsc.VectorSubcoreMesh(core_axis_name="c", subcore_axis_name="s")

    @functools.partial(
        pl.kernel,
        mesh=mesh,
        out_type=jax.ShapeDtypeStruct((NC, N_ACC, D), jnp.float32),
        compiler_params=pltpu.CompilerParams(use_tc_tiling_on_sc=False),
        scratch_types=[
            pltpu.VMEM((SEGC, B), jnp.int32),
            pltpu.VMEM((SEGC, B), jnp.int32),
            pltpu.VMEM((B, D), jnp.float32),
            pltpu.VMEM((B, D), jnp.float32),
            pltpu.VMEM((B, D), jnp.float32),
            pltpu.VMEM_SHARED((N_ACC, D), jnp.float32),
            pltpu.SemaphoreType.DMA,
            pltpu.SemaphoreType.DMA,
            pltpu.SemaphoreType.DMA,
        ],
    )
    def agg(src_hbm, dst_hbm, h_hbm, out_hbm, src_v, dst_v, r0, r1, r2, acc,
            s0, s1, s2):
        c = lax.axis_index("c")
        s = lax.axis_index("s")
        wid = c * NS + s

        def _zb(k, _):
            i = k // (D // 16)
            j = k % (D // 16)
            r0[i, pl.ds(j * 16, 16)] = jnp.zeros((16,), jnp.float32)
            return 0
        lax.fori_loop(0, ZROWS * (D // 16), _zb, 0)

        def _zc(i, _):
            pltpu.sync_copy(
                r0.at[pl.ds(0, ZROWS)],
                acc.at[pl.ds(s * ROWS_PER_TILE + i * ZROWS, ZROWS)])
            return 0
        lax.fori_loop(0, ROWS_PER_TILE // ZROWS, _zc, 0)
        plsc.subcore_barrier()

        def _seg(sg, _):
            pltpu.sync_copy(src_hbm.at[wid, pl.ds(sg * SEGC, SEGC)], src_v)
            pltpu.sync_copy(dst_hbm.at[wid, pl.ds(sg * SEGC, SEGC)], dst_v)
            pltpu.async_copy(h_hbm.at[src_v.at[0]], r0, s0)
            pltpu.async_copy(h_hbm.at[src_v.at[1]], r1, s1)

            def _triple(t, _):
                j0 = 3 * t
                pltpu.make_async_copy(h_hbm.at[src_v.at[j0]], r0, s0).wait()
                pltpu.async_copy(h_hbm.at[src_v.at[j0 + 2]], r2, s2)
                pltpu.sync_copy(r0, acc.at[dst_v.at[j0]], add=True)

                pltpu.make_async_copy(h_hbm.at[src_v.at[j0 + 1]], r1, s1).wait()

                @pl.when(j0 + 3 < SEGC)
                def _():
                    pltpu.async_copy(h_hbm.at[src_v.at[j0 + 3]], r0, s0)
                pltpu.sync_copy(r1, acc.at[dst_v.at[j0 + 1]], add=True)

                pltpu.make_async_copy(h_hbm.at[src_v.at[j0 + 2]], r2, s2).wait()

                @pl.when(j0 + 4 < SEGC)
                def _():
                    pltpu.async_copy(h_hbm.at[src_v.at[j0 + 4]], r1, s1)
                pltpu.sync_copy(r2, acc.at[dst_v.at[j0 + 2]], add=True)
                return 0
            lax.fori_loop(0, SEGC // 3, _triple, 0)
            return 0
        lax.fori_loop(0, SEG, _seg, 0)
        plsc.subcore_barrier()

        pltpu.sync_copy(
            acc.at[pl.ds(s * ROWS_PER_TILE, ROWS_PER_TILE)],
            out_hbm.at[c, pl.ds(s * ROWS_PER_TILE, ROWS_PER_TILE)],
        )

    return agg


def _make_deg():
    D = 16
    mesh = plsc.VectorSubcoreMesh(core_axis_name="c", subcore_axis_name="s")

    @functools.partial(
        pl.kernel,
        mesh=mesh,
        out_type=jax.ShapeDtypeStruct((NC, N_ACC, D), jnp.float32),
        compiler_params=pltpu.CompilerParams(use_tc_tiling_on_sc=False),
        scratch_types=[
            pltpu.VMEM((NCH, B), jnp.int32),
            pltpu.VMEM((B, D), jnp.float32),
            pltpu.VMEM((ZROWS, D), jnp.float32),
            pltpu.VMEM_SHARED((N_ACC, D), jnp.float32),
        ],
    )
    def deg(dst_hbm, out_hbm, dst_v, ones_v, zbuf, acc):
        c = lax.axis_index("c")
        s = lax.axis_index("s")
        wid = c * NS + s

        def _init(i, _):
            ones_v[i] = jnp.ones((D,), jnp.float32)
            return 0
        lax.fori_loop(0, B, _init, 0)

        def _zb(i, _):
            zbuf[i] = jnp.zeros((D,), jnp.float32)
            return 0
        lax.fori_loop(0, ZROWS, _zb, 0)

        def _zc(i, _):
            pltpu.sync_copy(zbuf, acc.at[pl.ds(s * ROWS_PER_TILE + i * ZROWS, ZROWS)])
            return 0
        lax.fori_loop(0, ROWS_PER_TILE // ZROWS, _zc, 0)

        pltpu.sync_copy(dst_hbm.at[wid], dst_v)
        plsc.subcore_barrier()

        def _body(j, _):
            pltpu.sync_copy(ones_v, acc.at[dst_v.at[j]], add=True)
            return 0
        lax.fori_loop(0, NCH, _body, 0)
        plsc.subcore_barrier()

        pltpu.sync_copy(
            acc.at[pl.ds(s * ROWS_PER_TILE, ROWS_PER_TILE)],
            out_hbm.at[c, pl.ds(s * ROWS_PER_TILE, ROWS_PER_TILE)],
        )

    return deg


_BLK = 1000


def _norm_from(d_blk):
    deg = d_blk[:, 0:1] + d_blk[:, 1:2]
    return jnp.where(deg > 0, lax.rsqrt(deg), 0.0)


def _tc_first(feats, W, dpt):
    Dn = W.shape[1]

    def body(f_ref, w_ref, d_ref, o_ref):
        norm = _norm_from(d_ref[...])
        x = f_ref[...] * norm
        o_ref[...] = jnp.dot(x, w_ref[...], preferred_element_type=jnp.float32)

    return pl.pallas_call(
        body,
        grid=(N_NODES // _BLK,),
        in_specs=[
            pl.BlockSpec((_BLK, feats.shape[1]), lambda i: (i, 0)),
            pl.BlockSpec((feats.shape[1], Dn), lambda i: (0, 0)),
            pl.BlockSpec((_BLK, 2), lambda i: (i, 0)),
        ],
        out_specs=pl.BlockSpec((_BLK, Dn), lambda i: (i, 0)),
        out_shape=jax.ShapeDtypeStruct((N_NODES, Dn), jnp.float32),
    )(feats, W, dpt)


def _tc_mid(parts, dpt, b, W):
    D = parts.shape[2]
    Dn = W.shape[1]

    def body(p_ref, d_ref, b_ref, w_ref, o_ref):
        norm = _norm_from(d_ref[...])
        p = p_ref[...]
        x = (p[0] + p[1]) * norm + b_ref[...]
        x = jnp.maximum(x, 0.0) * norm
        o_ref[...] = jnp.dot(x, w_ref[...], preferred_element_type=jnp.float32)

    return pl.pallas_call(
        body,
        grid=(N_NODES // _BLK,),
        in_specs=[
            pl.BlockSpec((NC, _BLK, D), lambda i: (0, i, 0)),
            pl.BlockSpec((_BLK, 2), lambda i: (i, 0)),
            pl.BlockSpec((1, D), lambda i: (0, 0)),
            pl.BlockSpec((D, Dn), lambda i: (0, 0)),
        ],
        out_specs=pl.BlockSpec((_BLK, Dn), lambda i: (i, 0)),
        out_shape=jax.ShapeDtypeStruct((N_NODES, Dn), jnp.float32),
    )(parts, dpt, b, W)


def _tc_last(parts, dpt, b):
    D = parts.shape[2]

    def body(p_ref, d_ref, b_ref, o_ref):
        norm = _norm_from(d_ref[...])
        p = p_ref[...]
        x = (p[0] + p[1]) * norm + b_ref[...]
        o_ref[...] = jnp.tanh(x)

    return pl.pallas_call(
        body,
        grid=(N_NODES // _BLK,),
        in_specs=[
            pl.BlockSpec((NC, _BLK, D), lambda i: (0, i, 0)),
            pl.BlockSpec((_BLK, 2), lambda i: (i, 0)),
            pl.BlockSpec((1, D), lambda i: (0, 0)),
        ],
        out_specs=pl.BlockSpec((_BLK, D), lambda i: (i, 0)),
        out_shape=jax.ShapeDtypeStruct((N_NODES, D), jnp.float32),
    )(parts, dpt, b)


def kernel(features, edge_index, W1, b1, W2, b2, W3, b3):
    src = edge_index[0].astype(jnp.int32)
    dst = edge_index[1].astype(jnp.int32)
    pad = E_PAD - N_EDGES
    ar = jnp.arange(pad, dtype=jnp.int32)
    src_p = jnp.concatenate([src, ar % N_NODES]).reshape(NW, NCH, B)
    trash = N_NODES + (ar % (N_ACC - N_NODES))
    dst_p = jnp.concatenate([dst, trash]).reshape(NW, NCH, B)

    deg_parts = _make_deg()(dst_p)
    dpt = deg_parts[:, :N_NODES, 0].T

    agg128 = _make_agg(128)
    agg48 = _make_agg(48)

    hw1 = _tc_first(features, W1, dpt)
    p1 = agg128(src_p, dst_p, hw1)
    hw2 = _tc_mid(p1, dpt, b1.reshape(1, 128), W2)
    p2 = agg128(src_p, dst_p, hw2)
    W3p = jnp.pad(W3, ((0, 0), (0, 8)))
    b3p = jnp.pad(b3, (0, 8)).reshape(1, 48)
    hw3 = _tc_mid(p2, dpt, b2.reshape(1, 128), W3p)
    p3 = agg48(src_p, dst_p, hw3)
    out48 = _tc_last(p3, dpt, b3p)
    return out48[:, :40]

# --- scband reference (transcript-rebuilt; emitter-appended) ---
"""Pipeline reference for scband-gcn-62156766707824 (READ-ONLY COPY).

The authoritative reference and input builder live on the scoring server;
editing this copy changes nothing except your own understanding.
"""

import jax, jax.numpy as jnp
import numpy as np

N_NODES = 10000
N_EDGES = 320000
IN_FEATS = 128
N_HIDDEN = 128
N_CLASSES = 40


def setup_inputs(seed: int = 0) -> dict:
    key = jax.random.key(seed)
    k_feat, k_edge, k1, k2, k3, kb1, kb2, kb3 = [jax.random.fold_in(key, i) for i in range(8)]
    features = jax.random.normal(k_feat, (N_NODES, IN_FEATS), dtype=jnp.float32)
    edge_index = jax.random.randint(k_edge, (2, N_EDGES), 0, N_NODES, dtype=jnp.int64)
    def xavier(k, fan_in, fan_out):
        std = 1.414 * np.sqrt(2.0 / (fan_in + fan_out))
        return jax.random.normal(k, (fan_in, fan_out), dtype=jnp.float32) * std
    def bias_init(k, fan_out):
        stdv = 1.0 / np.sqrt(fan_out)
        return jax.random.uniform(k, (fan_out,), minval=-stdv, maxval=stdv, dtype=jnp.float32)
    W1 = xavier(k1, IN_FEATS, N_HIDDEN)
    b1 = bias_init(kb1, N_HIDDEN)
    W2 = xavier(k2, N_HIDDEN, N_HIDDEN)
    b2 = bias_init(kb2, N_HIDDEN)
    W3 = xavier(k3, N_HIDDEN, N_CLASSES)
    b3 = bias_init(kb3, N_CLASSES)
    return {"features": features, "edge_index": edge_index, "W1": W1, "b1": b1, "W2": W2, "b2": b2, "W3": W3, "b3": b3}


def reference(features, edge_index, W1, b1, W2, b2, W3, b3):
    src = edge_index[0]
    dst = edge_index[1]
    n = features.shape[0]
    # in-degrees and symmetric norm, as in GCN.forward
    deg = jnp.zeros((n,), dtype=jnp.float32).at[dst].add(1.0)
    norm = jnp.where(deg > 0, jnp.power(deg, -0.5), 0.0)[:, None]

    def gcn_layer(h, W, b, act):
        h = h @ W
        h = h * norm
        # copy_src + sum: scatter-add messages from src nodes into dst nodes
        agg = jnp.zeros((n, h.shape[1]), dtype=h.dtype).at[dst].add(h[src])
        h = agg * norm
        h = h + b
        return act(h)

    h = gcn_layer(features, W1, b1, jax.nn.relu)
    h = gcn_layer(h, W2, b2, jax.nn.relu)
    h = gcn_layer(h, W3, b3, jnp.tanh)
    return h

if __name__ == "__main__":
    import jax
    _d = setup_inputs()
    print(jax.jit(kernel)(*tuple(_d.values())))

</pallas_src>

<mosaic_0001>
#map = affine_map<(d0, d1) -> (0, 0, 0)>
module attributes {stable_mosaic.version = 14 : i64} {
  func.func @deg(%arg0: i32, %arg1: i32, %arg2: memref<32x90x112xi32, #tpu.memory_space<hbm>>, %arg3: memref<2x10240x16xf32, #tpu.memory_space<hbm>>, %arg4: memref<90x112xi32, #tpu.memory_space<vmem>>, %arg5: memref<112x16xf32, #tpu.memory_space<vmem>>, %arg6: memref<64x16xf32, #tpu.memory_space<vmem>>, %arg7: memref<10240x16xf32, #tpu.memory_space<vmem_shared>>) attributes {dimension_semantics = [#tpu.dimension_semantics<core_parallel>, #tpu.dimension_semantics<subcore_parallel>], iteration_bounds = array<i64: 2, 16>, scalar_prefetch = 0 : i64, scratch_operands = 4 : i64, tpu.core_type = #tpu.core_type<sc_vector_subcore>, window_params = [{transform_indices = #map}, {transform_indices = #map}]} {
    %mul3A = arith.constant 16 : i32
    %mul3A_0 = arith.muli %arg0, %mul3A : i32
    %add3A = arith.addi %mul3A_0, %arg1 : i32
    %scan3A = arith.constant 0 : i32
    %scan3A_1 = arith.constant 0 : i32
    %scan3A_2 = arith.constant 112 : i32
    %scan3A_3 = arith.addi %scan3A_1, %scan3A_2 : i32
    %scan3A_4 = arith.constant 1 : i32
    %scan3A_5 = scf.for %scan3A_33 = %scan3A_1 to %scan3A_3 step %scan3A_4 iter_args(%scan3A_34 = %scan3A) -> (i32)  : i32 {
      %broadcast_in_dim3A = arith.constant 1.000000e+00 : f32
      %broadcast_in_dim3A_35 = vector.broadcast %broadcast_in_dim3A : f32 to vector<16xf32>
      %swap3A = arith.index_cast %scan3A_33 : i32 to index
      %swap3A_36 = arith.constant 0 : index
      %swap3A_37 = tpu.vector_load %arg5[%swap3A, %swap3A_36] {strides = array<i32>} : memref<112x16xf32, #tpu.memory_space<vmem>>, vector<1x16xf32>,
      %swap3A_38 = vector.shape_cast %swap3A_37 : vector<1x16xf32> to vector<16xf32>
      %swap3A_39 = vector.shape_cast %broadcast_in_dim3A_35 : vector<16xf32> to vector<1x16xf32>
      tpu.vector_store %arg5[%swap3A, %swap3A_36], %swap3A_39 {strides = array<i32>} : memref<112x16xf32, #tpu.memory_space<vmem>>, vector<1x16xf32>,
      %scan3A_40 = arith.constant 0 : i32
      scf.yield %scan3A_40 : i32
    }
    %scan3A_6 = arith.constant 112 : i32
    %scan3A_7 = arith.constant 0 : i32
    %scan3A_8 = arith.constant 0 : i32
    %scan3A_9 = arith.constant 64 : i32
    %scan3A_10 = arith.addi %scan3A_8, %scan3A_9 : i32
    %scan3A_11 = arith.constant 1 : i32
    %scan3A_12 = scf.for %scan3A_33 = %scan3A_8 to %scan3A_10 step %scan3A_11 iter_args(%scan3A_34 = %scan3A_7) -> (i32)  : i32 {
      %broadcast_in_dim3A = arith.constant 0.000000e+00 : f32
      %broadcast_in_dim3A_35 = vector.broadcast %broadcast_in_dim3A : f32 to vector<16xf32>
      %swap3A = arith.index_cast %scan3A_33 : i32 to index
      %swap3A_36 = arith.constant 0 : index
      %swap3A_37 = tpu.vector_load %arg6[%swap3A, %swap3A_36] {strides = array<i32>} : memref<64x16xf32, #tpu.memory_space<vmem>>, vector<1x16xf32>,
      %swap3A_38 = vector.shape_cast %swap3A_37 : vector<1x16xf32> to vector<16xf32>
      %swap3A_39 = vector.shape_cast %broadcast_in_dim3A_35 : vector<16xf32> to vector<1x16xf32>
      tpu.vector_store %arg6[%swap3A, %swap3A_36], %swap3A_39 {strides = array<i32>} : memref<64x16xf32, #tpu.memory_space<vmem>>, vector<1x16xf32>,
      %scan3A_40 = arith.constant 0 : i32
      scf.yield %scan3A_40 : i32
    }
    %scan3A_13 = arith.constant 64 : i32
    %scan3A_14 = arith.constant 0 : i32
    %scan3A_15 = arith.constant 0 : i32
    %scan3A_16 = arith.constant 10 : i32
    %scan3A_17 = arith.addi %scan3A_15, %scan3A_16 : i32
    %scan3A_18 = arith.constant 1 : i32
    %scan3A_19 = scf.for %scan3A_33 = %scan3A_15 to %scan3A_17 step %scan3A_18 iter_args(%scan3A_34 = %scan3A_14) -> (i32)  : i32 {
      %mul3A_35 = arith.constant 640 : i32
      %mul3A_36 = arith.muli %arg1, %mul3A_35 : i32
      %mul3A_37 = arith.constant 64 : i32
      %mul3A_38 = arith.muli %scan3A_33, %mul3A_37 : i32
      %add3A_39 = arith.addi %mul3A_36, %mul3A_38 : i32
      "tpu.region"() ({
        %run_scoped3A = tpu.sem_alloc : memref<!tpu.dma_semaphore, #tpu.memory_space<semaphore_mem>>
        %dma_start3A = arith.constant 0 : i32
        %dma_start3A_41 = tpu.memref_slice %arg7[%add3A_39, %dma_start3A] : memref<10240x16xf32, #tpu.memory_space<vmem_shared>> -> memref<64x16xf32, #tpu.memory_space<vmem_shared>>
        %dma_start3A_42 = arith.constant 0 : i32
        %dma_start3A_43 = tpu.memref_slice %arg7[%add3A_39, %dma_start3A_42] : memref<10240x16xf32, #tpu.memory_space<vmem_shared>> -> memref<64x16xf32, #tpu.memory_space<vmem_shared>>
        tpu.enqueue_dma source(%arg6 : memref<64x16xf32, #tpu.memory_space<vmem>>) target(%dma_start3A_43 : memref<64x16xf32, #tpu.memory_space<vmem_shared>>) target_semaphore(%run_scoped3A : memref<!tpu.dma_semaphore, #tpu.memory_space<semaphore_mem>>)
        %dma_wait3A = arith.constant 0 : i32
        %dma_wait3A_44 = tpu.memref_slice %arg7[%add3A_39, %dma_wait3A] : memref<10240x16xf32, #tpu.memory_space<vmem_shared>> -> memref<64x16xf32, #tpu.memory_space<vmem_shared>>
        %dma_wait3A_45 = arith.constant 0 : i32
        %dma_wait3A_46 = tpu.memref_slice %arg7[%add3A_39, %dma_wait3A_45] : memref<10240x16xf32, #tpu.memory_space<vmem_shared>> -> memref<64x16xf32, #tpu.memory_space<vmem_shared>>
        tpu.wait_dma2 semaphore(%run_scoped3A : memref<!tpu.dma_semaphore, #tpu.memory_space<semaphore_mem>>) src(%arg6 : memref<64x16xf32, #tpu.memory_space<vmem>>) dst(%dma_wait3A_46 : memref<64x16xf32, #tpu.memory_space<vmem_shared>>)
        tpu.yield
      }) : () -> ()
      %scan3A_40 = arith.constant 0 : i32
      scf.yield %scan3A_40 : i32
    }
    %scan3A_20 = arith.constant 10 : i32
    "tpu.region"() ({
      %run_scoped3A = tpu.sem_alloc : memref<!tpu.dma_semaphore, #tpu.memory_space<semaphore_mem>>
      %dma_start3A = arith.constant 0 : i32
      %dma_start3A_33 = arith.constant 0 : i32
      %dma_start3A_34 = tpu.memref_slice %arg2[%add3A, %dma_start3A, %dma_start3A_33] : memref<32x90x112xi32, #tpu.memory_space<hbm>> -> memref<1x90x112xi32, #tpu.memory_space<hbm>>
      %dma_start3A_35 = tpu.memref_squeeze %dma_start3A_34 : memref<1x90x112xi32, #tpu.memory_space<hbm>> -> memref<90x112xi32, #tpu.memory_space<hbm>>
      %dma_start3A_36 = arith.constant 0 : i32
      %dma_start3A_37 = arith.constant 0 : i32
      %dma_start3A_38 = tpu.memref_slice %arg2[%add3A, %dma_start3A_36, %dma_start3A_37] : memref<32x90x112xi32, #tpu.memory_space<hbm>> -> memref<1x90x112xi32, #tpu.memory_space<hbm>>
      %dma_start3A_39 = tpu.memref_squeeze %dma_start3A_38 : memref<1x90x112xi32, #tpu.memory_space<hbm>> -> memref<90x112xi32, #tpu.memory_space<hbm>>
      tpu.enqueue_dma source(%dma_start3A_39 : memref<90x112xi32, #tpu.memory_space<hbm>>) target(%arg4 : memref<90x112xi32, #tpu.memory_space<vmem>>) target_semaphore(%run_scoped3A : memref<!tpu.dma_semaphore, #tpu.memory_space<semaphore_mem>>)
      %dma_wait3A = arith.constant 0 : i32
      %dma_wait3A_40 = arith.constant 0 : i32
      %dma_wait3A_41 = tpu.memref_slice %arg2[%add3A, %dma_wait3A, %dma_wait3A_40] : memref<32x90x112xi32, #tpu.memory_space<hbm>> -> memref<1x90x112xi32, #tpu.memory_space<hbm>>
      %dma_wait3A_42 = tpu.memref_squeeze %dma_wait3A_41 : memref<1x90x112xi32, #tpu.memory_space<hbm>> -> memref<90x112xi32, #tpu.memory_space<hbm>>
      %dma_wait3A_43 = arith.constant 0 : i32
      %dma_wait3A_44 = arith.constant 0 : i32
      %dma_wait3A_45 = tpu.memref_slice %arg2[%add3A, %dma_wait3A_43, %dma_wait3A_44] : memref<32x90x112xi32, #tpu.memory_space<hbm>> -> memref<1x90x112xi32, #tpu.memory_space<hbm>>
      %dma_wait3A_46 = tpu.memref_squeeze %dma_wait3A_45 : memref<1x90x112xi32, #tpu.memory_space<hbm>> -> memref<90x112xi32, #tpu.memory_space<hbm>>
      tpu.wait_dma2 semaphore(%run_scoped3A : memref<!tpu.dma_semaphore, #tpu.memory_space<semaphore_mem>>) src(%dma_wait3A_46 : memref<90x112xi32, #tpu.memory_space<hbm>>) dst(%arg4 : memref<90x112xi32, #tpu.memory_space<vmem>>)
      tpu.yield
    }) : () -> ()
    %barrier3A = arith.constant 0 : index
    tpu.barrier barrier_id(%barrier3A)
    %scan3A_21 = arith.constant 0 : i32
    %scan3A_22 = arith.constant 0 : i32
    %scan3A_23 = arith.constant 90 : i32
    %scan3A_24 = arith.addi %scan3A_22, %scan3A_23 : i32
    %scan3A_25 = arith.constant 1 : i32
    %scan3A_26 = scf.for %scan3A_33 = %scan3A_22 to %scan3A_24 step %scan3A_25 iter_args(%scan3A_34 = %scan3A_21) -> (i32)  : i32 {
      "tpu.region"() ({
        %run_scoped3A = tpu.sem_alloc : memref<!tpu.dma_semaphore, #tpu.memory_space<semaphore_mem>>
        %dma_start3A = arith.constant 0 : i32
        %dma_start3A_36 = tpu.memref_slice %arg4[%scan3A_33, %dma_start3A] : memref<90x112xi32, #tpu.memory_space<vmem>> -> memref<1x112xi32, #tpu.memory_space<vmem>>
        %dma_start3A_37 = tpu.memref_squeeze %dma_start3A_36 : memref<1x112xi32, #tpu.memory_space<vmem>> -> memref<112xi32, #tpu.memory_space<vmem>>
        %dma_start3A_38 = arith.constant 0 : i32
        %dma_start3A_39 = arith.constant 0 : i32
        %dma_start3A_40 = tpu.memref_slice %arg7[%dma_start3A_38, %dma_start3A_39] : memref<10240x16xf32, #tpu.memory_space<vmem_shared>> -> memref<10240x16xf32, #tpu.memory_space<vmem_shared>>
        tpu.enqueue_indirect_dma source(%arg5 : memref<112x16xf32, #tpu.memory_space<vmem>>) target(%dma_start3A_40 : memref<10240x16xf32, #tpu.memory_space<vmem_shared>>) offsets(%dma_start3A_37 : memref<112xi32, #tpu.memory_space<vmem>>) semaphore(%run_scoped3A : memref<!tpu.dma_semaphore, #tpu.memory_space<semaphore_mem>>) {add = true}
        %dma_wait3A = arith.constant 0 : i32
        %dma_wait3A_41 = tpu.memref_slice %arg4[%scan3A_33, %dma_wait3A] : memref<90x112xi32, #tpu.memory_space<vmem>> -> memref<1x112xi32, #tpu.memory_space<vmem>>
        %dma_wait3A_42 = tpu.memref_squeeze %dma_wait3A_41 : memref<1x112xi32, #tpu.memory_space<vmem>> -> memref<112xi32, #tpu.memory_space<vmem>>
        %dma_wait3A_43 = arith.constant 0 : i32
        %dma_wait3A_44 = arith.constant 0 : i32
        %dma_wait3A_45 = tpu.memref_slice %arg7[%dma_wait3A_43, %dma_wait3A_44] : memref<10240x16xf32, #tpu.memory_space<vmem_shared>> -> memref<10240x16xf32, #tpu.memory_space<vmem_shared>>
        tpu.wait_indirect_dma semaphore(%run_scoped3A : memref<!tpu.dma_semaphore, #tpu.memory_space<semaphore_mem>>) src(%arg5 : memref<112x16xf32, #tpu.memory_space<vmem>>) dst(%dma_wait3A_45 : memref<10240x16xf32, #tpu.memory_space<vmem_shared>>)
        tpu.yield
      }) : () -> ()
      %scan3A_35 = arith.constant 0 : i32
      scf.yield %scan3A_35 : i32
    }
    %scan3A_27 = arith.constant 90 : i32
    %barrier3A_28 = arith.constant 0 : index
    tpu.barrier barrier_id(%barrier3A_28)
    %mul3A_29 = arith.constant 640 : i32
    %mul3A_30 = arith.muli %arg1, %mul3A_29 : i32
    %mul3A_31 = arith.constant 640 : i32
    %mul3A_32 = arith.muli %arg1, %mul3A_31 : i32
    "tpu.region"() ({
      %run_scoped3A = tpu.sem_alloc : memref<!tpu.dma_semaphore, #tpu.memory_space<semaphore_mem>>
      %dma_start3A = arith.constant 0 : i32
      %dma_start3A_33 = tpu.memref_slice %arg3[%arg0, %mul3A_32, %dma_start3A] : memref<2x10240x16xf32, #tpu.memory_space<hbm>> -> memref<1x640x16xf32, #tpu.memory_space<hbm>>
      %dma_start3A_34 = tpu.memref_squeeze %dma_start3A_33 : memref<1x640x16xf32, #tpu.memory_space<hbm>> -> memref<640x16xf32, #tpu.memory_space<hbm>>
      %dma_start3A_35 = arith.constant 0 : i32
      %dma_start3A_36 = tpu.memref_slice %arg7[%mul3A_30, %dma_start3A_35] : memref<10240x16xf32, #tpu.memory_space<vmem_shared>> -> memref<640x16xf32, #tpu.memory_space<vmem_shared>>
      tpu.enqueue_dma source(%dma_start3A_36 : memref<640x16xf32, #tpu.memory_space<vmem_shared>>) target(%dma_start3A_34 : memref<640x16xf32, #tpu.memory_space<hbm>>) target_semaphore(%run_scoped3A : memref<!tpu.dma_semaphore, #tpu.memory_space<semaphore_mem>>)
      %dma_wait3A = arith.constant 0 : i32
      %dma_wait3A_37 = tpu.memref_slice %arg3[%arg0, %mul3A_32, %dma_wait3A] : memref<2x10240x16xf32, #tpu.memory_space<hbm>> -> memref<1x640x16xf32, #tpu.memory_space<hbm>>
      %dma_wait3A_38 = tpu.memref_squeeze %dma_wait3A_37 : memref<1x640x16xf32, #tpu.memory_space<hbm>> -> memref<640x16xf32, #tpu.memory_space<hbm>>
      %dma_wait3A_39 = arith.constant 0 : i32
      %dma_wait3A_40 = tpu.memref_slice %arg7[%mul3A_30, %dma_wait3A_39] : memref<10240x16xf32, #tpu.memory_space<vmem_shared>> -> memref<640x16xf32, #tpu.memory_space<vmem_shared>>
      tpu.wait_dma2 semaphore(%run_scoped3A : memref<!tpu.dma_semaphore, #tpu.memory_space<semaphore_mem>>) src(%dma_wait3A_40 : memref<640x16xf32, #tpu.memory_space<vmem_shared>>) dst(%dma_wait3A_38 : memref<640x16xf32, #tpu.memory_space<hbm>>)
      tpu.yield
    }) : () -> ()
    return
  }
}

#map = affine_map<(d0, d1) -> (0, 0, 0)>
#map1 = affine_map<(d0, d1) -> (0, 0)>
module attributes {stable_mosaic.version = 14 : i64} {
  func.func @agg(%arg0: i32, %arg1: i32, %arg2: memref<32x90x112xi32, #tpu.memory_space<hbm>>, %arg3: memref<32x90x112xi32, #tpu.memory_space<hbm>>, %arg4: memref<10000x48xf32, #tpu.memory_space<hbm>>, %arg5: memref<2x10240x48xf32, #tpu.memory_space<hbm>>, %arg6: memref<15x112xi32, #tpu.memory_space<vmem>>, %arg7: memref<15x112xi32, #tpu.memory_space<vmem>>, %arg8: memref<112x48xf32, #tpu.memory_space<vmem>>, %arg9: memref<112x48xf32, #tpu.memory_space<vmem>>, %arg10: memref<112x48xf32, #tpu.memory_space<vmem>>, %arg11: memref<10240x48xf32, #tpu.memory_space<vmem_shared>>, %arg12: memref<!tpu.dma_semaphore, #tpu.memory_space<semaphore_mem>>, %arg13: memref<!tpu.dma_semaphore, #tpu.memory_space<semaphore_mem>>, %arg14: memref<!tpu.dma_semaphore, #tpu.memory_space<semaphore_mem>>) attributes {dimension_semantics = [#tpu.dimension_semantics<core_parallel>, #tpu.dimension_semantics<subcore_parallel>], iteration_bounds = array<i64: 2, 16>, scalar_prefetch = 0 : i64, scratch_operands = 9 : i64, tpu.core_type = #tpu.core_type<sc_vector_subcore>, window_params = [{transform_indices = #map}, {transform_indices = #map}, {transform_indices = #map1}, {transform_indices = #map}]} {
    %mul3A = arith.constant 16 : i32
    %mul3A_0 = arith.muli %arg0, %mul3A : i32
    %add3A = arith.addi %mul3A_0, %arg1 : i32
    %scan3A = arith.constant 0 : i32
    %scan3A_1 = arith.constant 0 : i32
    %scan3A_2 = arith.constant 192 : i32
    %scan3A_3 = arith.addi %scan3A_1, %scan3A_2 : i32
    %scan3A_4 = arith.constant 1 : i32
    %scan3A_5 = scf.for %scan3A_26 = %scan3A_1 to %scan3A_3 step %scan3A_4 iter_args(%scan3A_27 = %scan3A) -> (i32)  : i32 {
      %jit3A = arith.constant 3 : i32
      %div3A = arith.divsi %scan3A_26, %jit3A : i32
      %sign3A = arith.constant 0 : i32
      %sign3A_28 = arith.cmpi sgt, %scan3A_26, %sign3A : i32
      %sign3A_29 = arith.extui %sign3A_28 : i1 to i32
      %sign3A_30 = arith.constant 0 : i32
      %sign3A_31 = arith.cmpi slt, %scan3A_26, %sign3A_30 : i32
      %sign3A_32 = arith.extui %sign3A_31 : i1 to i32
      %sign3A_33 = arith.subi %sign3A_29, %sign3A_32 : i32
      %sign3A_34 = arith.constant 0 : i32
      %sign3A_35 = arith.cmpi sgt, %jit3A, %sign3A_34 : i32
      %sign3A_36 = arith.extui %sign3A_35 : i1 to i32
      %sign3A_37 = arith.constant 0 : i32
      %sign3A_38 = arith.cmpi slt, %jit3A, %sign3A_37 : i32
      %sign3A_39 = arith.extui %sign3A_38 : i1 to i32
      %sign3A_40 = arith.subi %sign3A_36, %sign3A_39 : i32
      %ne3A = arith.cmpi ne, %sign3A_33, %sign3A_40 : i32
      %rem3A = arith.remsi %scan3A_26, %jit3A : i32
      %ne3A_41 = arith.constant 0 : i32
      %ne3A_42 = arith.cmpi ne, %rem3A, %ne3A_41 : i32
      %and3A = arith.andi %ne3A, %ne3A_42 : i1
      %sub3A = arith.constant 1 : i32
      %sub3A_43 = arith.subi %div3A, %sub3A : i32
      %select_n3A = arith.select %and3A, %sub3A_43, %div3A : i32
      %jit3A_44 = arith.constant 3 : i32
      %eq3A = arith.constant 0 : i32
      %eq3A_45 = arith.cmpi eq, %jit3A_44, %eq3A : i32
      %jit3A_46 = arith.constant 1 : i32
      %select_n3A_47 = arith.select %eq3A_45, %jit3A_46, %jit3A_44 : i32
      %rem3A_48 = arith.remsi %scan3A_26, %select_n3A_47 : i32
      %ne3A_49 = arith.constant 0 : i32
      %ne3A_50 = arith.cmpi ne, %rem3A_48, %ne3A_49 : i32
      %lt3A = arith.constant 0 : i32
      %lt3A_51 = arith.cmpi slt, %rem3A_48, %lt3A : i32
      %lt3A_52 = arith.constant 0 : i32
      %lt3A_53 = arith.cmpi slt, %select_n3A_47, %lt3A_52 : i32
      %ne3A_54 = arith.xori %lt3A_51, %lt3A_53 : i1
      %and3A_55 = arith.andi %ne3A_54, %ne3A_50 : i1
      %add3A_56 = arith.addi %rem3A_48, %select_n3A_47 : i32
      %select_n3A_57 = arith.select %and3A_55, %add3A_56, %rem3A_48 : i32
      %broadcast_in_dim3A = arith.constant 0.000000e+00 : f32
      %broadcast_in_dim3A_58 = vector.broadcast %broadcast_in_dim3A : f32 to vector<16xf32>
      %mul3A_59 = arith.constant 16 : i32
      %mul3A_60 = arith.muli %select_n3A_57, %mul3A_59 : i32
      %swap3A = arith.index_cast %select_n3A : i32 to index
      %swap3A_61 = arith.index_cast %mul3A_60 : i32 to index
      %swap3A_62 = tpu.vector_load %arg8[%swap3A, %swap3A_61] {strides = array<i32>} : memref<112x48xf32, #tpu.memory_space<vmem>>, vector<1x16xf32>,
      %swap3A_63 = vector.shape_cast %swap3A_62 : vector<1x16xf32> to vector<16xf32>
      %swap3A_64 = vector.shape_cast %broadcast_in_dim3A_58 : vector<16xf32> to vector<1x16xf32>
      tpu.vector_store %arg8[%swap3A, %swap3A_61], %swap3A_64 {strides = array<i32>} : memref<112x48xf32, #tpu.memory_space<vmem>>, vector<1x16xf32>,
      %scan3A_65 = arith.constant 0 : i32
      scf.yield %scan3A_65 : i32
    }
    %scan3A_6 = arith.constant 192 : i32
    %scan3A_7 = arith.constant 0 : i32
    %scan3A_8 = arith.constant 0 : i32
    %scan3A_9 = arith.constant 10 : i32
    %scan3A_10 = arith.addi %scan3A_8, %scan3A_9 : i32
    %scan3A_11 = arith.constant 1 : i32
    %scan3A_12 = scf.for %scan3A_26 = %scan3A_8 to %scan3A_10 step %scan3A_11 iter_args(%scan3A_27 = %scan3A_7) -> (i32)  : i32 {
      %mul3A_28 = arith.constant 640 : i32
      %mul3A_29 = arith.muli %arg1, %mul3A_28 : i32
      %mul3A_30 = arith.constant 64 : i32
      %mul3A_31 = arith.muli %scan3A_26, %mul3A_30 : i32
      %add3A_32 = arith.addi %mul3A_29, %mul3A_31 : i32
      "tpu.region"() ({
        %run_scoped3A = tpu.sem_alloc : memref<!tpu.dma_semaphore, #tpu.memory_space<semaphore_mem>>
        %dma_start3A = arith.constant 0 : i32
        %dma_start3A_34 = arith.constant 0 : i32
        %dma_start3A_35 = tpu.memref_slice %arg8[%dma_start3A, %dma_start3A_34] : memref<112x48xf32, #tpu.memory_space<vmem>> -> memref<64x48xf32, #tpu.memory_space<vmem>>
        %dma_start3A_36 = arith.constant 0 : i32
        %dma_start3A_37 = tpu.memref_slice %arg11[%add3A_32, %dma_start3A_36] : memref<10240x48xf32, #tpu.memory_space<vmem_shared>> -> memref<64x48xf32, #tpu.memory_space<vmem_shared>>
        %dma_start3A_38 = arith.constant 0 : i32
        %dma_start3A_39 = tpu.memref_slice %arg11[%add3A_32, %dma_start3A_38] : memref<10240x48xf32, #tpu.memory_space<vmem_shared>> -> memref<64x48xf32, #tpu.memory_space<vmem_shared>>
        %dma_start3A_40 = arith.constant 0 : i32
        %dma_start3A_41 = arith.constant 0 : i32
        %dma_start3A_42 = tpu.memref_slice %arg8[%dma_start3A_40, %dma_start3A_41] : memref<112x48xf32, #tpu.memory_space<vmem>> -> memref<64x48xf32, #tpu.memory_space<vmem>>
        tpu.enqueue_dma source(%dma_start3A_42 : memref<64x48xf32, #tpu.memory_space<vmem>>) target(%dma_start3A_39 : memref<64x48xf32, #tpu.memory_space<vmem_shared>>) target_semaphore(%run_scoped3A : memref<!tpu.dma_semaphore, #tpu.memory_space<semaphore_mem>>)
        %dma_wait3A = arith.constant 0 : i32
        %dma_wait3A_43 = arith.constant 0 : i32
        %dma_wait3A_44 = tpu.memref_slice %arg8[%dma_wait3A, %dma_wait3A_43] : memref<112x48xf32, #tpu.memory_space<vmem>> -> memref<64x48xf32, #tpu.memory_space<vmem>>
        %dma_wait3A_45 = arith.constant 0 : i32
        %dma_wait3A_46 = tpu.memref_slice %arg11[%add3A_32, %dma_wait3A_45] : memref<10240x48xf32, #tpu.memory_space<vmem_shared>> -> memref<64x48xf32, #tpu.memory_space<vmem_shared>>
        %dma_wait3A_47 = arith.constant 0 : i32
        %dma_wait3A_48 = tpu.memref_slice %arg11[%add3A_32, %dma_wait3A_47] : memref<10240x48xf32, #tpu.memory_space<vmem_shared>> -> memref<64x48xf32, #tpu.memory_space<vmem_shared>>
        %dma_wait3A_49 = arith.constant 0 : i32
        %dma_wait3A_50 = arith.constant 0 : i32
        %dma_wait3A_51 = tpu.memref_slice %arg8[%dma_wait3A_49, %dma_wait3A_50] : memref<112x48xf32, #tpu.memory_space<vmem>> -> memref<64x48xf32, #tpu.memory_space<vmem>>
        tpu.wait_dma2 semaphore(%run_scoped3A : memref<!tpu.dma_semaphore, #tpu.memory_space<semaphore_mem>>) src(%dma_wait3A_51 : memref<64x48xf32, #tpu.memory_space<vmem>>) dst(%dma_wait3A_48 : memref<64x48xf32, #tpu.memory_space<vmem_shared>>)
        tpu.yield
      }) : () -> ()
      %scan3A_33 = arith.constant 0 : i32
      scf.yield %scan3A_33 : i32
    }
    %scan3A_13 = arith.constant 10 : i32
    %barrier3A = arith.constant 0 : index
    tpu.barrier barrier_id(%barrier3A)
    %scan3A_14 = arith.constant 0 : i32
    %scan3A_15 = arith.constant 0 : i32
    %scan3A_16 = arith.constant 6 : i32
    %scan3A_17 = arith.addi %scan3A_15, %scan3A_16 : i32
    %scan3A_18 = arith.constant 1 : i32
    %scan3A_19 = scf.for %scan3A_26 = %scan3A_15 to %scan3A_17 step %scan3A_18 iter_args(%scan3A_27 = %scan3A_14) -> (i32)  : i32 {
      %mul3A_28 = arith.constant 15 : i32
      %mul3A_29 = arith.muli %scan3A_26, %mul3A_28 : i32
      "tpu.region"() ({
        %run_scoped3A = tpu.sem_alloc : memref<!tpu.dma_semaphore, #tpu.memory_space<semaphore_mem>>
        %dma_start3A_53 = arith.constant 0 : i32
        %dma_start3A_54 = tpu.memref_slice %arg2[%add3A, %mul3A_29, %dma_start3A_53] : memref<32x90x112xi32, #tpu.memory_space<hbm>> -> memref<1x15x112xi32, #tpu.memory_space<hbm>>
        %dma_start3A_55 = tpu.memref_squeeze %dma_start3A_54 : memref<1x15x112xi32, #tpu.memory_space<hbm>> -> memref<15x112xi32, #tpu.memory_space<hbm>>
        %dma_start3A_56 = arith.constant 0 : i32
        %dma_start3A_57 = tpu.memref_slice %arg2[%add3A, %mul3A_29, %dma_start3A_56] : memref<32x90x112xi32, #tpu.memory_space<hbm>> -> memref<1x15x112xi32, #tpu.memory_space<hbm>>
        %dma_start3A_58 = tpu.memref_squeeze %dma_start3A_57 : memref<1x15x112xi32, #tpu.memory_space<hbm>> -> memref<15x112xi32, #tpu.memory_space<hbm>>
        tpu.enqueue_dma source(%dma_start3A_58 : memref<15x112xi32, #tpu.memory_space<hbm>>) target(%arg6 : memref<15x112xi32, #tpu.memory_space<vmem>>) target_semaphore(%run_scoped3A : memref<!tpu.dma_semaphore, #tpu.memory_space<semaphore_mem>>)
        %dma_wait3A = arith.constant 0 : i32
        %dma_wait3A_59 = tpu.memref_slice %arg2[%add3A, %mul3A_29, %dma_wait3A] : memref<32x90x112xi32, #tpu.memory_space<hbm>> -> memref<1x15x112xi32, #tpu.memory_space<hbm>>
        %dma_wait3A_60 = tpu.memref_squeeze %dma_wait3A_59 : memref<1x15x112xi32, #tpu.memory_space<hbm>> -> memref<15x112xi32, #tpu.memory_space<hbm>>
        %dma_wait3A_61 = arith.constant 0 : i32
        %dma_wait3A_62 = tpu.memref_slice %arg2[%add3A, %mul3A_29, %dma_wait3A_61] : memref<32x90x112xi32, #tpu.memory_space<hbm>> -> memref<1x15x112xi32, #tpu.memory_space<hbm>>
        %dma_wait3A_63 = tpu.memref_squeeze %dma_wait3A_62 : memref<1x15x112xi32, #tpu.memory_space<hbm>> -> memref<15x112xi32, #tpu.memory_space<hbm>>
        tpu.wait_dma2 semaphore(%run_scoped3A : memref<!tpu.dma_semaphore, #tpu.memory_space<semaphore_mem>>) src(%dma_wait3A_63 : memref<15x112xi32, #tpu.memory_space<hbm>>) dst(%arg6 : memref<15x112xi32, #tpu.memory_space<vmem>>)
        tpu.yield
      }) : () -> ()
      %mul3A_30 = arith.constant 15 : i32
      %mul3A_31 = arith.muli %scan3A_26, %mul3A_30 : i32
      "tpu.region"() ({
        %run_scoped3A = tpu.sem_alloc : memref<!tpu.dma_semaphore, #tpu.memory_space<semaphore_mem>>
        %dma_start3A_53 = arith.constant 0 : i32
        %dma_start3A_54 = tpu.memref_slice %arg3[%add3A, %mul3A_31, %dma_start3A_53] : memref<32x90x112xi32, #tpu.memory_space<hbm>> -> memref<1x15x112xi32, #tpu.memory_space<hbm>>
        %dma_start3A_55 = tpu.memref_squeeze %dma_start3A_54 : memref<1x15x112xi32, #tpu.memory_space<hbm>> -> memref<15x112xi32, #tpu.memory_space<hbm>>
        %dma_start3A_56 = arith.constant 0 : i32
        %dma_start3A_57 = tpu.memref_slice %arg3[%add3A, %mul3A_31, %dma_start3A_56] : memref<32x90x112xi32, #tpu.memory_space<hbm>> -> memref<1x15x112xi32, #tpu.memory_space<hbm>>
        %dma_start3A_58 = tpu.memref_squeeze %dma_start3A_57 : memref<1x15x112xi32, #tpu.memory_space<hbm>> -> memref<15x112xi32, #tpu.memory_space<hbm>>
        tpu.enqueue_dma source(%dma_start3A_58 : memref<15x112xi32, #tpu.memory_space<hbm>>) target(%arg7 : memref<15x112xi32, #tpu.memory_space<vmem>>) target_semaphore(%run_scoped3A : memref<!tpu.dma_semaphore, #tpu.memory_space<semaphore_mem>>)
        %dma_wait3A = arith.constant 0 : i32
        %dma_wait3A_59 = tpu.memref_slice %arg3[%add3A, %mul3A_31, %dma_wait3A] : memref<32x90x112xi32, #tpu.memory_space<hbm>> -> memref<1x15x112xi32, #tpu.memory_space<hbm>>
        %dma_wait3A_60 = tpu.memref_squeeze %dma_wait3A_59 : memref<1x15x112xi32, #tpu.memory_space<hbm>> -> memref<15x112xi32, #tpu.memory_space<hbm>>
        %dma_wait3A_61 = arith.constant 0 : i32
        %dma_wait3A_62 = tpu.memref_slice %arg3[%add3A, %mul3A_31, %dma_wait3A_61] : memref<32x90x112xi32, #tpu.memory_space<hbm>> -> memref<1x15x112xi32, #tpu.memory_space<hbm>>
        %dma_wait3A_63 = tpu.memref_squeeze %dma_wait3A_62 : memref<1x15x112xi32, #tpu.memory_space<hbm>> -> memref<15x112xi32, #tpu.memory_space<hbm>>
        tpu.wait_dma2 semaphore(%run_scoped3A : memref<!tpu.dma_semaphore, #tpu.memory_space<semaphore_mem>>) src(%dma_wait3A_63 : memref<15x112xi32, #tpu.memory_space<hbm>>) dst(%arg7 : memref<15x112xi32, #tpu.memory_space<vmem>>)
        tpu.yield
      }) : () -> ()
      %dma_start3A = arith.constant 0 : i32
      %dma_start3A_32 = arith.constant 0 : i32
      %dma_start3A_33 = tpu.memref_slice %arg6[%dma_start3A, %dma_start3A_32] : memref<15x112xi32, #tpu.memory_space<vmem>> -> memref<1x112xi32, #tpu.memory_space<vmem>>
      %dma_start3A_34 = tpu.memref_squeeze %dma_start3A_33 : memref<1x112xi32, #tpu.memory_space<vmem>> -> memref<112xi32, #tpu.memory_space<vmem>>
      %dma_start3A_35 = arith.constant 0 : i32
      %dma_start3A_36 = arith.constant 0 : i32
      %dma_start3A_37 = tpu.memref_slice %arg4[%dma_start3A_35, %dma_start3A_36] : memref<10000x48xf32, #tpu.memory_space<hbm>> -> memref<10000x48xf32, #tpu.memory_space<hbm>>
      tpu.enqueue_indirect_dma source(%dma_start3A_37 : memref<10000x48xf32, #tpu.memory_space<hbm>>) target(%arg8 : memref<112x48xf32, #tpu.memory_space<vmem>>) offsets(%dma_start3A_34 : memref<112xi32, #tpu.memory_space<vmem>>) semaphore(%arg12 : memref<!tpu.dma_semaphore, #tpu.memory_space<semaphore_mem>>)
      %dma_start3A_38 = arith.constant 1 : i32
      %dma_start3A_39 = arith.constant 0 : i32
      %dma_start3A_40 = tpu.memref_slice %arg6[%dma_start3A_38, %dma_start3A_39] : memref<15x112xi32, #tpu.memory_space<vmem>> -> memref<1x112xi32, #tpu.memory_space<vmem>>
      %dma_start3A_41 = tpu.memref_squeeze %dma_start3A_40 : memref<1x112xi32, #tpu.memory_space<vmem>> -> memref<112xi32, #tpu.memory_space<vmem>>
      %dma_start3A_42 = arith.constant 0 : i32
      %dma_start3A_43 = arith.constant 0 : i32
      %dma_start3A_44 = tpu.memref_slice %arg4[%dma_start3A_42, %dma_start3A_43] : memref<10000x48xf32, #tpu.memory_space<hbm>> -> memref<10000x48xf32, #tpu.memory_space<hbm>>
      tpu.enqueue_indirect_dma source(%dma_start3A_44 : memref<10000x48xf32, #tpu.memory_space<hbm>>) target(%arg9 : memref<112x48xf32, #tpu.memory_space<vmem>>) offsets(%dma_start3A_41 : memref<112xi32, #tpu.memory_space<vmem>>) semaphore(%arg13 : memref<!tpu.dma_semaphore, #tpu.memory_space<semaphore_mem>>)
      %scan3A_45 = arith.constant 0 : i32
      %scan3A_46 = arith.constant 0 : i32
      %scan3A_47 = arith.constant 5 : i32
      %scan3A_48 = arith.addi %scan3A_46, %scan3A_47 : i32
      %scan3A_49 = arith.constant 1 : i32
      %scan3A_50 = scf.for %scan3A_53 = %scan3A_46 to %scan3A_48 step %scan3A_49 iter_args(%scan3A_54 = %scan3A_45) -> (i32)  : i32 {
        %mul3A_55 = arith.constant 3 : i32
        %mul3A_56 = arith.muli %mul3A_55, %scan3A_53 : i32
        %dma_wait3A = arith.constant 0 : i32
        %dma_wait3A_57 = tpu.memref_slice %arg6[%mul3A_56, %dma_wait3A] : memref<15x112xi32, #tpu.memory_space<vmem>> -> memref<1x112xi32, #tpu.memory_space<vmem>>
        %dma_wait3A_58 = tpu.memref_squeeze %dma_wait3A_57 : memref<1x112xi32, #tpu.memory_space<vmem>> -> memref<112xi32, #tpu.memory_space<vmem>>
        %dma_wait3A_59 = arith.constant 0 : i32
        %dma_wait3A_60 = arith.constant 0 : i32
        %dma_wait3A_61 = tpu.memref_slice %arg4[%dma_wait3A_59, %dma_wait3A_60] : memref<10000x48xf32, #tpu.memory_space<hbm>> -> memref<10000x48xf32, #tpu.memory_space<hbm>>
        tpu.wait_indirect_dma semaphore(%arg12 : memref<!tpu.dma_semaphore, #tpu.memory_space<semaphore_mem>>) src(%dma_wait3A_61 : memref<10000x48xf32, #tpu.memory_space<hbm>>) dst(%arg8 : memref<112x48xf32, #tpu.memory_space<vmem>>)
        %add3A_62 = arith.constant 2 : i32
        %add3A_63 = arith.addi %mul3A_56, %add3A_62 : i32
        %dma_start3A_64 = arith.constant 0 : i32
        %dma_start3A_65 = tpu.memref_slice %arg6[%add3A_63, %dma_start3A_64] : memref<15x112xi32, #tpu.memory_space<vmem>> -> memref<1x112xi32, #tpu.memory_space<vmem>>
        %dma_start3A_66 = tpu.memref_squeeze %dma_start3A_65 : memref<1x112xi32, #tpu.memory_space<vmem>> -> memref<112xi32, #tpu.memory_space<vmem>>
        %dma_start3A_67 = arith.constant 0 : i32
        %dma_start3A_68 = arith.constant 0 : i32
        %dma_start3A_69 = tpu.memref_slice %arg4[%dma_start3A_67, %dma_start3A_68] : memref<10000x48xf32, #tpu.memory_space<hbm>> -> memref<10000x48xf32, #tpu.memory_space<hbm>>
        tpu.enqueue_indirect_dma source(%dma_start3A_69 : memref<10000x48xf32, #tpu.memory_space<hbm>>) target(%arg10 : memref<112x48xf32, #tpu.memory_space<vmem>>) offsets(%dma_start3A_66 : memref<112xi32, #tpu.memory_space<vmem>>) semaphore(%arg14 : memref<!tpu.dma_semaphore, #tpu.memory_space<semaphore_mem>>)
        "tpu.region"() ({
          %run_scoped3A = tpu.sem_alloc : memref<!tpu.dma_semaphore, #tpu.memory_space<semaphore_mem>>
          %dma_start3A_102 = arith.constant 0 : i32
          %dma_start3A_103 = tpu.memref_slice %arg7[%mul3A_56, %dma_start3A_102] : memref<15x112xi32, #tpu.memory_space<vmem>> -> memref<1x112xi32, #tpu.memory_space<vmem>>
          %dma_start3A_104 = tpu.memref_squeeze %dma_start3A_103 : memref<1x112xi32, #tpu.memory_space<vmem>> -> memref<112xi32, #tpu.memory_space<vmem>>
          %dma_start3A_105 = arith.constant 0 : i32
          %dma_start3A_106 = arith.constant 0 : i32
          %dma_start3A_107 = tpu.memref_slice %arg11[%dma_start3A_105, %dma_start3A_106] : memref<10240x48xf32, #tpu.memory_space<vmem_shared>> -> memref<10240x48xf32, #tpu.memory_space<vmem_shared>>
          tpu.enqueue_indirect_dma source(%arg8 : memref<112x48xf32, #tpu.memory_space<vmem>>) target(%dma_start3A_107 : memref<10240x48xf32, #tpu.memory_space<vmem_shared>>) offsets(%dma_start3A_104 : memref<112xi32, #tpu.memory_space<vmem>>) semaphore(%run_scoped3A : memref<!tpu.dma_semaphore, #tpu.memory_space<semaphore_mem>>) {add = true}
          %dma_wait3A_108 = arith.constant 0 : i32
          %dma_wait3A_109 = tpu.memref_slice %arg7[%mul3A_56, %dma_wait3A_108] : memref<15x112xi32, #tpu.memory_space<vmem>> -> memref<1x112xi32, #tpu.memory_space<vmem>>
          %dma_wait3A_110 = tpu.memref_squeeze %dma_wait3A_109 : memref<1x112xi32, #tpu.memory_space<vmem>> -> memref<112xi32, #tpu.memory_space<vmem>>
          %dma_wait3A_111 = arith.constant 0 : i32
          %dma_wait3A_112 = arith.constant 0 : i32
          %dma_wait3A_113 = tpu.memref_slice %arg11[%dma_wait3A_111, %dma_wait3A_112] : memref<10240x48xf32, #tpu.memory_space<vmem_shared>> -> memref<10240x48xf32, #tpu.memory_space<vmem_shared>>
          tpu.wait_indirect_dma semaphore(%run_scoped3A : memref<!tpu.dma_semaphore, #tpu.memory_space<semaphore_mem>>) src(%arg8 : memref<112x48xf32, #tpu.memory_space<vmem>>) dst(%dma_wait3A_113 : memref<10240x48xf32, #tpu.memory_space<vmem_shared>>)
          tpu.yield
        }) : () -> ()
        %add3A_70 = arith.constant 1 : i32
        %add3A_71 = arith.addi %mul3A_56, %add3A_70 : i32
        %dma_wait3A_72 = arith.constant 0 : i32
        %dma_wait3A_73 = tpu.memref_slice %arg6[%add3A_71, %dma_wait3A_72] : memref<15x112xi32, #tpu.memory_space<vmem>> -> memref<1x112xi32, #tpu.memory_space<vmem>>
        %dma_wait3A_74 = tpu.memref_squeeze %dma_wait3A_73 : memref<1x112xi32, #tpu.memory_space<vmem>> -> memref<112xi32, #tpu.memory_space<vmem>>
        %dma_wait3A_75 = arith.constant 0 : i32
        %dma_wait3A_76 = arith.constant 0 : i32
        %dma_wait3A_77 = tpu.memref_slice %arg4[%dma_wait3A_75, %dma_wait3A_76] : memref<10000x48xf32, #tpu.memory_space<hbm>> -> memref<10000x48xf32, #tpu.memory_space<hbm>>
        tpu.wait_indirect_dma semaphore(%arg13 : memref<!tpu.dma_semaphore, #tpu.memory_space<semaphore_mem>>) src(%dma_wait3A_77 : memref<10000x48xf32, #tpu.memory_space<hbm>>) dst(%arg9 : memref<112x48xf32, #tpu.memory_space<vmem>>)
        %add3A_78 = arith.constant 3 : i32
        %add3A_79 = arith.addi %mul3A_56, %add3A_78 : i32
        %lt3A = arith.constant 15 : i32
        %lt3A_80 = arith.cmpi slt, %add3A_79, %lt3A : i32
        %convert_element_type3A = arith.extui %lt3A_80 : i1 to i32
        %cond3A = arith.constant 0 : i32
        %cond3A_81 = arith.cmpi ne, %convert_element_type3A, %cond3A : i32
        scf.if %cond3A_81 {
          %add3A_102 = arith.constant 3 : i32
          %add3A_103 = arith.addi %mul3A_56, %add3A_102 : i32
          %dma_start3A_104 = arith.constant 0 : i32
          %dma_start3A_105 = tpu.memref_slice %arg6[%add3A_103, %dma_start3A_104] : memref<15x112xi32, #tpu.memory_space<vmem>> -> memref<1x112xi32, #tpu.memory_space<vmem>>
          %dma_start3A_106 = tpu.memref_squeeze %dma_start3A_105 : memref<1x112xi32, #tpu.memory_space<vmem>> -> memref<112xi32, #tpu.memory_space<vmem>>
          %dma_start3A_107 = arith.constant 0 : i32
          %dma_start3A_108 = arith.constant 0 : i32
          %dma_start3A_109 = tpu.memref_slice %arg4[%dma_start3A_107, %dma_start3A_108] : memref<10000x48xf32, #tpu.memory_space<hbm>> -> memref<10000x48xf32, #tpu.memory_space<hbm>>
          tpu.enqueue_indirect_dma source(%dma_start3A_109 : memref<10000x48xf32, #tpu.memory_space<hbm>>) target(%arg8 : memref<112x48xf32, #tpu.memory_space<vmem>>) offsets(%dma_start3A_106 : memref<112xi32, #tpu.memory_space<vmem>>) semaphore(%arg12 : memref<!tpu.dma_semaphore, #tpu.memory_space<semaphore_mem>>)
        } else {
        }
        %add3A_82 = arith.constant 1 : i32
        %add3A_83 = arith.addi %mul3A_56, %add3A_82 : i32
        "tpu.region"() ({
          %run_scoped3A = tpu.sem_alloc : memref<!tpu.dma_semaphore, #tpu.memory_space<semaphore_mem>>
          %dma_start3A_102 = arith.constant 0 : i32
          %dma_start3A_103 = tpu.memref_slice %arg7[%add3A_83, %dma_start3A_102] : memref<15x112xi32, #tpu.memory_space<vmem>> -> memref<1x112xi32, #tpu.memory_space<vmem>>
          %dma_start3A_104 = tpu.memref_squeeze %dma_start3A_103 : memref<1x112xi32, #tpu.memory_space<vmem>> -> memref<112xi32, #tpu.memory_space<vmem>>
          %dma_start3A_105 = arith.constant 0 : i32
          %dma_start3A_106 = arith.constant 0 : i32
          %dma_start3A_107 = tpu.memref_slice %arg11[%dma_start3A_105, %dma_start3A_106] : memref<10240x48xf32, #tpu.memory_space<vmem_shared>> -> memref<10240x48xf32, #tpu.memory_space<vmem_shared>>
          tpu.enqueue_indirect_dma source(%arg9 : memref<112x48xf32, #tpu.memory_space<vmem>>) target(%dma_start3A_107 : memref<10240x48xf32, #tpu.memory_space<vmem_shared>>) offsets(%dma_start3A_104 : memref<112xi32, #tpu.memory_space<vmem>>) semaphore(%run_scoped3A : memref<!tpu.dma_semaphore, #tpu.memory_space<semaphore_mem>>) {add = true}
          %dma_wait3A_108 = arith.constant 0 : i32
          %dma_wait3A_109 = tpu.memref_slice %arg7[%add3A_83, %dma_wait3A_108] : memref<15x112xi32, #tpu.memory_space<vmem>> -> memref<1x112xi32, #tpu.memory_space<vmem>>
          %dma_wait3A_110 = tpu.memref_squeeze %dma_wait3A_109 : memref<1x112xi32, #tpu.memory_space<vmem>> -> memref<112xi32, #tpu.memory_space<vmem>>
          %dma_wait3A_111 = arith.constant 0 : i32
          %dma_wait3A_112 = arith.constant 0 : i32
          %dma_wait3A_113 = tpu.memref_slice %arg11[%dma_wait3A_111, %dma_wait3A_112] : memref<10240x48xf32, #tpu.memory_space<vmem_shared>> -> memref<10240x48xf32, #tpu.memory_space<vmem_shared>>
          tpu.wait_indirect_dma semaphore(%run_scoped3A : memref<!tpu.dma_semaphore, #tpu.memory_space<semaphore_mem>>) src(%arg9 : memref<112x48xf32, #tpu.memory_space<vmem>>) dst(%dma_wait3A_113 : memref<10240x48xf32, #tpu.memory_space<vmem_shared>>)
          tpu.yield
        }) : () -> ()
        %add3A_84 = arith.constant 2 : i32
        %add3A_85 = arith.addi %mul3A_56, %add3A_84 : i32
        %dma_wait3A_86 = arith.constant 0 : i32
        %dma_wait3A_87 = tpu.memref_slice %arg6[%add3A_85, %dma_wait3A_86] : memref<15x112xi32, #tpu.memory_space<vmem>> -> memref<1x112xi32, #tpu.memory_space<vmem>>
        %dma_wait3A_88 = tpu.memref_squeeze %dma_wait3A_87 : memref<1x112xi32, #tpu.memory_space<vmem>> -> memref<112xi32, #tpu.memory_space<vmem>>
        %dma_wait3A_89 = arith.constant 0 : i32
        %dma_wait3A_90 = arith.constant 0 : i32
        %dma_wait3A_91 = tpu.memref_slice %arg4[%dma_wait3A_89, %dma_wait3A_90] : memref<10000x48xf32, #tpu.memory_space<hbm>> -> memref<10000x48xf32, #tpu.memory_space<hbm>>
        tpu.wait_indirect_dma semaphore(%arg14 : memref<!tpu.dma_semaphore, #tpu.memory_space<semaphore_mem>>) src(%dma_wait3A_91 : memref<10000x48xf32, #tpu.memory_space<hbm>>) dst(%arg10 : memref<112x48xf32, #tpu.memory_space<vmem>>)
        %add3A_92 = arith.constant 4 : i32
        %add3A_93 = arith.addi %mul3A_56, %add3A_92 : i32
        %lt3A_94 = arith.constant 15 : i32
        %lt3A_95 = arith.cmpi slt, %add3A_93, %lt3A_94 : i32
        %convert_element_type3A_96 = arith.extui %lt3A_95 : i1 to i32
        %cond3A_97 = arith.constant 0 : i32
        %cond3A_98 = arith.cmpi ne, %convert_element_type3A_96, %cond3A_97 : i32
        scf.if %cond3A_98 {
          %add3A_102 = arith.constant 4 : i32
          %add3A_103 = arith.addi %mul3A_56, %add3A_102 : i32
          %dma_start3A_104 = arith.constant 0 : i32
          %dma_start3A_105 = tpu.memref_slice %arg6[%add3A_103, %dma_start3A_104] : memref<15x112xi32, #tpu.memory_space<vmem>> -> memref<1x112xi32, #tpu.memory_space<vmem>>
          %dma_start3A_106 = tpu.memref_squeeze %dma_start3A_105 : memref<1x112xi32, #tpu.memory_space<vmem>> -> memref<112xi32, #tpu.memory_space<vmem>>
          %dma_start3A_107 = arith.constant 0 : i32
          %dma_start3A_108 = arith.constant 0 : i32
          %dma_start3A_109 = tpu.memref_slice %arg4[%dma_start3A_107, %dma_start3A_108] : memref<10000x48xf32, #tpu.memory_space<hbm>> -> memref<10000x48xf32, #tpu.memory_space<hbm>>
          tpu.enqueue_indirect_dma source(%dma_start3A_109 : memref<10000x48xf32, #tpu.memory_space<hbm>>) target(%arg9 : memref<112x48xf32, #tpu.memory_space<vmem>>) offsets(%dma_start3A_106 : memref<112xi32, #tpu.memory_space<vmem>>) semaphore(%arg13 : memref<!tpu.dma_semaphore, #tpu.memory_space<semaphore_mem>>)
        } else {
        }
        %add3A_99 = arith.constant 2 : i32
        %add3A_100 = arith.addi %mul3A_56, %add3A_99 : i32
        "tpu.region"() ({
          %run_scoped3A = tpu.sem_alloc : memref<!tpu.dma_semaphore, #tpu.memory_space<semaphore_mem>>
          %dma_start3A_102 = arith.constant 0 : i32
          %dma_start3A_103 = tpu.memref_slice %arg7[%add3A_100, %dma_start3A_102] : memref<15x112xi32, #tpu.memory_space<vmem>> -> memref<1x112xi32, #tpu.memory_space<vmem>>
          %dma_start3A_104 = tpu.memref_squeeze %dma_start3A_103 : memref<1x112xi32, #tpu.memory_space<vmem>> -> memref<112xi32, #tpu.memory_space<vmem>>
          %dma_start3A_105 = arith.constant 0 : i32
          %dma_start3A_106 = arith.constant 0 : i32
          %dma_start3A_107 = tpu.memref_slice %arg11[%dma_start3A_105, %dma_start3A_106] : memref<10240x48xf32, #tpu.memory_space<vmem_shared>> -> memref<10240x48xf32, #tpu.memory_space<vmem_shared>>
          tpu.enqueue_indirect_dma source(%arg10 : memref<112x48xf32, #tpu.memory_space<vmem>>) target(%dma_start3A_107 : memref<10240x48xf32, #tpu.memory_space<vmem_shared>>) offsets(%dma_start3A_104 : memref<112xi32, #tpu.memory_space<vmem>>) semaphore(%run_scoped3A : memref<!tpu.dma_semaphore, #tpu.memory_space<semaphore_mem>>) {add = true}
          %dma_wait3A_108 = arith.constant 0 : i32
          %dma_wait3A_109 = tpu.memref_slice %arg7[%add3A_100, %dma_wait3A_108] : memref<15x112xi32, #tpu.memory_space<vmem>> -> memref<1x112xi32, #tpu.memory_space<vmem>>
          %dma_wait3A_110 = tpu.memref_squeeze %dma_wait3A_109 : memref<1x112xi32, #tpu.memory_space<vmem>> -> memref<112xi32, #tpu.memory_space<vmem>>
          %dma_wait3A_111 = arith.constant 0 : i32
          %dma_wait3A_112 = arith.constant 0 : i32
          %dma_wait3A_113 = tpu.memref_slice %arg11[%dma_wait3A_111, %dma_wait3A_112] : memref<10240x48xf32, #tpu.memory_space<vmem_shared>> -> memref<10240x48xf32, #tpu.memory_space<vmem_shared>>
          tpu.wait_indirect_dma semaphore(%run_scoped3A : memref<!tpu.dma_semaphore, #tpu.memory_space<semaphore_mem>>) src(%arg10 : memref<112x48xf32, #tpu.memory_space<vmem>>) dst(%dma_wait3A_113 : memref<10240x48xf32, #tpu.memory_space<vmem_shared>>)
          tpu.yield
        }) : () -> ()
        %scan3A_101 = arith.constant 0 : i32
        scf.yield %scan3A_101 : i32
      }
      %scan3A_51 = arith.constant 5 : i32
      %scan3A_52 = arith.constant 0 : i32
      scf.yield %scan3A_52 : i32
    }
    %scan3A_20 = arith.constant 6 : i32
    %barrier3A_21 = arith.constant 0 : index
    tpu.barrier barrier_id(%barrier3A_21)
    %mul3A_22 = arith.constant 640 : i32
    %mul3A_23 = arith.muli %arg1, %mul3A_22 : i32
    %mul3A_24 = arith.constant 640 : i32
    %mul3A_25 = arith.muli %arg1, %mul3A_24 : i32
    "tpu.region"() ({
      %run_scoped3A = tpu.sem_alloc : memref<!tpu.dma_semaphore, #tpu.memory_space<semaphore_mem>>
      %dma_start3A = arith.constant 0 : i32
      %dma_start3A_26 = tpu.memref_slice %arg5[%arg0, %mul3A_25, %dma_start3A] : memref<2x10240x48xf32, #tpu.memory_space<hbm>> -> memref<1x640x48xf32, #tpu.memory_space<hbm>>
      %dma_start3A_27 = tpu.memref_squeeze %dma_start3A_26 : memref<1x640x48xf32, #tpu.memory_space<hbm>> -> memref<640x48xf32, #tpu.memory_space<hbm>>
      %dma_start3A_28 = arith.constant 0 : i32
      %dma_start3A_29 = tpu.memref_slice %arg11[%mul3A_23, %dma_start3A_28] : memref<10240x48xf32, #tpu.memory_space<vmem_shared>> -> memref<640x48xf32, #tpu.memory_space<vmem_shared>>
      tpu.enqueue_dma source(%dma_start3A_29 : memref<640x48xf32, #tpu.memory_space<vmem_shared>>) target(%dma_start3A_27 : memref<640x48xf32, #tpu.memory_space<hbm>>) target_semaphore(%run_scoped3A : memref<!tpu.dma_semaphore, #tpu.memory_space<semaphore_mem>>)
      %dma_wait3A = arith.constant 0 : i32
      %dma_wait3A_30 = tpu.memref_slice %arg5[%arg0, %mul3A_25, %dma_wait3A] : memref<2x10240x48xf32, #tpu.memory_space<hbm>> -> memref<1x640x48xf32, #tpu.memory_space<hbm>>
      %dma_wait3A_31 = tpu.memref_squeeze %dma_wait3A_30 : memref<1x640x48xf32, #tpu.memory_space<hbm>> -> memref<640x48xf32, #tpu.memory_space<hbm>>
      %dma_wait3A_32 = arith.constant 0 : i32
      %dma_wait3A_33 = tpu.memref_slice %arg11[%mul3A_23, %dma_wait3A_32] : memref<10240x48xf32, #tpu.memory_space<vmem_shared>> -> memref<640x48xf32, #tpu.memory_space<vmem_shared>>
      tpu.wait_dma2 semaphore(%run_scoped3A : memref<!tpu.dma_semaphore, #tpu.memory_space<semaphore_mem>>) src(%dma_wait3A_33 : memref<640x48xf32, #tpu.memory_space<vmem_shared>>) dst(%dma_wait3A_31 : memref<640x48xf32, #tpu.memory_space<hbm>>)
      tpu.yield
    }) : () -> ()
    return
  }
}

#map = affine_map<(d0, d1) -> (0, 0, 0)>
#map1 = affine_map<(d0, d1) -> (0, 0)>
module attributes {stable_mosaic.version = 14 : i64} {
  func.func @agg(%arg0: i32, %arg1: i32, %arg2: memref<32x90x112xi32, #tpu.memory_space<hbm>>, %arg3: memref<32x90x112xi32, #tpu.memory_space<hbm>>, %arg4: memref<10000x128xf32, #tpu.memory_space<hbm>>, %arg5: memref<2x10240x128xf32, #tpu.memory_space<hbm>>, %arg6: memref<15x112xi32, #tpu.memory_space<vmem>>, %arg7: memref<15x112xi32, #tpu.memory_space<vmem>>, %arg8: memref<112x128xf32, #tpu.memory_space<vmem>>, %arg9: memref<112x128xf32, #tpu.memory_space<vmem>>, %arg10: memref<112x128xf32, #tpu.memory_space<vmem>>, %arg11: memref<10240x128xf32, #tpu.memory_space<vmem_shared>>, %arg12: memref<!tpu.dma_semaphore, #tpu.memory_space<semaphore_mem>>, %arg13: memref<!tpu.dma_semaphore, #tpu.memory_space<semaphore_mem>>, %arg14: memref<!tpu.dma_semaphore, #tpu.memory_space<semaphore_mem>>) attributes {dimension_semantics = [#tpu.dimension_semantics<core_parallel>, #tpu.dimension_semantics<subcore_parallel>], iteration_bounds = array<i64: 2, 16>, scalar_prefetch = 0 : i64, scratch_operands = 9 : i64, tpu.core_type = #tpu.core_type<sc_vector_subcore>, window_params = [{transform_indices = #map}, {transform_indices = #map}, {transform_indices = #map1}, {transform_indices = #map}]} {
    %mul3A = arith.constant 16 : i32
    %mul3A_0 = arith.muli %arg0, %mul3A : i32
    %add3A = arith.addi %mul3A_0, %arg1 : i32
    %scan3A = arith.constant 0 : i32
    %scan3A_1 = arith.constant 0 : i32
    %scan3A_2 = arith.constant 512 : i32
    %scan3A_3 = arith.addi %scan3A_1, %scan3A_2 : i32
    %scan3A_4 = arith.constant 1 : i32
    %scan3A_5 = scf.for %scan3A_26 = %scan3A_1 to %scan3A_3 step %scan3A_4 iter_args(%scan3A_27 = %scan3A) -> (i32)  : i32 {
      %jit3A = arith.constant 8 : i32
      %div3A = arith.divsi %scan3A_26, %jit3A : i32
      %sign3A = arith.constant 0 : i32
      %sign3A_28 = arith.cmpi sgt, %scan3A_26, %sign3A : i32
      %sign3A_29 = arith.extui %sign3A_28 : i1 to i32
      %sign3A_30 = arith.constant 0 : i32
      %sign3A_31 = arith.cmpi slt, %scan3A_26, %sign3A_30 : i32
      %sign3A_32 = arith.extui %sign3A_31 : i1 to i32
      %sign3A_33 = arith.subi %sign3A_29, %sign3A_32 : i32
      %sign3A_34 = arith.constant 0 : i32
      %sign3A_35 = arith.cmpi sgt, %jit3A, %sign3A_34 : i32
      %sign3A_36 = arith.extui %sign3A_35 : i1 to i32
      %sign3A_37 = arith.constant 0 : i32
      %sign3A_38 = arith.cmpi slt, %jit3A, %sign3A_37 : i32
      %sign3A_39 = arith.extui %sign3A_38 : i1 to i32
      %sign3A_40 = arith.subi %sign3A_36, %sign3A_39 : i32
      %ne3A = arith.cmpi ne, %sign3A_33, %sign3A_40 : i32
      %rem3A = arith.remsi %scan3A_26, %jit3A : i32
      %ne3A_41 = arith.constant 0 : i32
      %ne3A_42 = arith.cmpi ne, %rem3A, %ne3A_41 : i32
      %and3A = arith.andi %ne3A, %ne3A_42 : i1
      %sub3A = arith.constant 1 : i32
      %sub3A_43 = arith.subi %div3A, %sub3A : i32
      %select_n3A = arith.select %and3A, %sub3A_43, %div3A : i32
      %jit3A_44 = arith.constant 8 : i32
      %eq3A = arith.constant 0 : i32
      %eq3A_45 = arith.cmpi eq, %jit3A_44, %eq3A : i32
      %jit3A_46 = arith.constant 1 : i32
      %select_n3A_47 = arith.select %eq3A_45, %jit3A_46, %jit3A_44 : i32
      %rem3A_48 = arith.remsi %scan3A_26, %select_n3A_47 : i32
      %ne3A_49 = arith.constant 0 : i32
      %ne3A_50 = arith.cmpi ne, %rem3A_48, %ne3A_49 : i32
      %lt3A = arith.constant 0 : i32
      %lt3A_51 = arith.cmpi slt, %rem3A_48, %lt3A : i32
      %lt3A_52 = arith.constant 0 : i32
      %lt3A_53 = arith.cmpi slt, %select_n3A_47, %lt3A_52 : i32
      %ne3A_54 = arith.xori %lt3A_51, %lt3A_53 : i1
      %and3A_55 = arith.andi %ne3A_54, %ne3A_50 : i1
      %add3A_56 = arith.addi %rem3A_48, %select_n3A_47 : i32
      %select_n3A_57 = arith.select %and3A_55, %add3A_56, %rem3A_48 : i32
      %broadcast_in_dim3A = arith.constant 0.000000e+00 : f32
      %broadcast_in_dim3A_58 = vector.broadcast %broadcast_in_dim3A : f32 to vector<16xf32>
      %mul3A_59 = arith.constant 16 : i32
      %mul3A_60 = arith.muli %select_n3A_57, %mul3A_59 : i32
      %swap3A = arith.index_cast %select_n3A : i32 to index
      %swap3A_61 = arith.index_cast %mul3A_60 : i32 to index
      %swap3A_62 = tpu.vector_load %arg8[%swap3A, %swap3A_61] {strides = array<i32>} : memref<112x128xf32, #tpu.memory_space<vmem>>, vector<1x16xf32>,
      %swap3A_63 = vector.shape_cast %swap3A_62 : vector<1x16xf32> to vector<16xf32>
      %swap3A_64 = vector.shape_cast %broadcast_in_dim3A_58 : vector<16xf32> to vector<1x16xf32>
      tpu.vector_store %arg8[%swap3A, %swap3A_61], %swap3A_64 {strides = array<i32>} : memref<112x128xf32, #tpu.memory_space<vmem>>, vector<1x16xf32>,
      %scan3A_65 = arith.constant 0 : i32
      scf.yield %scan3A_65 : i32
    }
    %scan3A_6 = arith.constant 512 : i32
    %scan3A_7 = arith.constant 0 : i32
    %scan3A_8 = arith.constant 0 : i32
    %scan3A_9 = arith.constant 10 : i32
    %scan3A_10 = arith.addi %scan3A_8, %scan3A_9 : i32
    %scan3A_11 = arith.constant 1 : i32
    %scan3A_12 = scf.for %scan3A_26 = %scan3A_8 to %scan3A_10 step %scan3A_11 iter_args(%scan3A_27 = %scan3A_7) -> (i32)  : i32 {
      %mul3A_28 = arith.constant 640 : i32
      %mul3A_29 = arith.muli %arg1, %mul3A_28 : i32
      %mul3A_30 = arith.constant 64 : i32
      %mul3A_31 = arith.muli %scan3A_26, %mul3A_30 : i32
      %add3A_32 = arith.addi %mul3A_29, %mul3A_31 : i32
      "tpu.region"() ({
        %run_scoped3A = tpu.sem_alloc : memref<!tpu.dma_semaphore, #tpu.memory_space<semaphore_mem>>
        %dma_start3A = arith.constant 0 : i32
        %dma_start3A_34 = arith.constant 0 : i32
        %dma_start3A_35 = tpu.memref_slice %arg8[%dma_start3A, %dma_start3A_34] : memref<112x128xf32, #tpu.memory_space<vmem>> -> memref<64x128xf32, #tpu.memory_space<vmem>>
        %dma_start3A_36 = arith.constant 0 : i32
        %dma_start3A_37 = tpu.memref_slice %arg11[%add3A_32, %dma_start3A_36] : memref<10240x128xf32, #tpu.memory_space<vmem_shared>> -> memref<64x128xf32, #tpu.memory_space<vmem_shared>>
        %dma_start3A_38 = arith.constant 0 : i32
        %dma_start3A_39 = tpu.memref_slice %arg11[%add3A_32, %dma_start3A_38] : memref<10240x128xf32, #tpu.memory_space<vmem_shared>> -> memref<64x128xf32, #tpu.memory_space<vmem_shared>>
        %dma_start3A_40 = arith.constant 0 : i32
        %dma_start3A_41 = arith.constant 0 : i32
        %dma_start3A_42 = tpu.memref_slice %arg8[%dma_start3A_40, %dma_start3A_41] : memref<112x128xf32, #tpu.memory_space<vmem>> -> memref<64x128xf32, #tpu.memory_space<vmem>>
        tpu.enqueue_dma source(%dma_start3A_42 : memref<64x128xf32, #tpu.memory_space<vmem>>) target(%dma_start3A_39 : memref<64x128xf32, #tpu.memory_space<vmem_shared>>) target_semaphore(%run_scoped3A : memref<!tpu.dma_semaphore, #tpu.memory_space<semaphore_mem>>)
        %dma_wait3A = arith.constant 0 : i32
        %dma_wait3A_43 = arith.constant 0 : i32
        %dma_wait3A_44 = tpu.memref_slice %arg8[%dma_wait3A, %dma_wait3A_43] : memref<112x128xf32, #tpu.memory_space<vmem>> -> memref<64x128xf32, #tpu.memory_space<vmem>>
        %dma_wait3A_45 = arith.constant 0 : i32
        %dma_wait3A_46 = tpu.memref_slice %arg11[%add3A_32, %dma_wait3A_45] : memref<10240x128xf32, #tpu.memory_space<vmem_shared>> -> memref<64x128xf32, #tpu.memory_space<vmem_shared>>
        %dma_wait3A_47 = arith.constant 0 : i32
        %dma_wait3A_48 = tpu.memref_slice %arg11[%add3A_32, %dma_wait3A_47] : memref<10240x128xf32, #tpu.memory_space<vmem_shared>> -> memref<64x128xf32, #tpu.memory_space<vmem_shared>>
        %dma_wait3A_49 = arith.constant 0 : i32
        %dma_wait3A_50 = arith.constant 0 : i32
        %dma_wait3A_51 = tpu.memref_slice %arg8[%dma_wait3A_49, %dma_wait3A_50] : memref<112x128xf32, #tpu.memory_space<vmem>> -> memref<64x128xf32, #tpu.memory_space<vmem>>
        tpu.wait_dma2 semaphore(%run_scoped3A : memref<!tpu.dma_semaphore, #tpu.memory_space<semaphore_mem>>) src(%dma_wait3A_51 : memref<64x128xf32, #tpu.memory_space<vmem>>) dst(%dma_wait3A_48 : memref<64x128xf32, #tpu.memory_space<vmem_shared>>)
        tpu.yield
      }) : () -> ()
      %scan3A_33 = arith.constant 0 : i32
      scf.yield %scan3A_33 : i32
    }
    %scan3A_13 = arith.constant 10 : i32
    %barrier3A = arith.constant 0 : index
    tpu.barrier barrier_id(%barrier3A)
    %scan3A_14 = arith.constant 0 : i32
    %scan3A_15 = arith.constant 0 : i32
    %scan3A_16 = arith.constant 6 : i32
    %scan3A_17 = arith.addi %scan3A_15, %scan3A_16 : i32
    %scan3A_18 = arith.constant 1 : i32
    %scan3A_19 = scf.for %scan3A_26 = %scan3A_15 to %scan3A_17 step %scan3A_18 iter_args(%scan3A_27 = %scan3A_14) -> (i32)  : i32 {
      %mul3A_28 = arith.constant 15 : i32
      %mul3A_29 = arith.muli %scan3A_26, %mul3A_28 : i32
      "tpu.region"() ({
        %run_scoped3A = tpu.sem_alloc : memref<!tpu.dma_semaphore, #tpu.memory_space<semaphore_mem>>
        %dma_start3A_53 = arith.constant 0 : i32
        %dma_start3A_54 = tpu.memref_slice %arg2[%add3A, %mul3A_29, %dma_start3A_53] : memref<32x90x112xi32, #tpu.memory_space<hbm>> -> memref<1x15x112xi32, #tpu.memory_space<hbm>>
        %dma_start3A_55 = tpu.memref_squeeze %dma_start3A_54 : memref<1x15x112xi32, #tpu.memory_space<hbm>> -> memref<15x112xi32, #tpu.memory_space<hbm>>
        %dma_start3A_56 = arith.constant 0 : i32
        %dma_start3A_57 = tpu.memref_slice %arg2[%add3A, %mul3A_29, %dma_start3A_56] : memref<32x90x112xi32, #tpu.memory_space<hbm>> -> memref<1x15x112xi32, #tpu.memory_space<hbm>>
        %dma_start3A_58 = tpu.memref_squeeze %dma_start3A_57 : memref<1x15x112xi32, #tpu.memory_space<hbm>> -> memref<15x112xi32, #tpu.memory_space<hbm>>
        tpu.enqueue_dma source(%dma_start3A_58 : memref<15x112xi32, #tpu.memory_space<hbm>>) target(%arg6 : memref<15x112xi32, #tpu.memory_space<vmem>>) target_semaphore(%run_scoped3A : memref<!tpu.dma_semaphore, #tpu.memory_space<semaphore_mem>>)
        %dma_wait3A = arith.constant 0 : i32
        %dma_wait3A_59 = tpu.memref_slice %arg2[%add3A, %mul3A_29, %dma_wait3A] : memref<32x90x112xi32, #tpu.memory_space<hbm>> -> memref<1x15x112xi32, #tpu.memory_space<hbm>>
        %dma_wait3A_60 = tpu.memref_squeeze %dma_wait3A_59 : memref<1x15x112xi32, #tpu.memory_space<hbm>> -> memref<15x112xi32, #tpu.memory_space<hbm>>
        %dma_wait3A_61 = arith.constant 0 : i32
        %dma_wait3A_62 = tpu.memref_slice %arg2[%add3A, %mul3A_29, %dma_wait3A_61] : memref<32x90x112xi32, #tpu.memory_space<hbm>> -> memref<1x15x112xi32, #tpu.memory_space<hbm>>
        %dma_wait3A_63 = tpu.memref_squeeze %dma_wait3A_62 : memref<1x15x112xi32, #tpu.memory_space<hbm>> -> memref<15x112xi32, #tpu.memory_space<hbm>>
        tpu.wait_dma2 semaphore(%run_scoped3A : memref<!tpu.dma_semaphore, #tpu.memory_space<semaphore_mem>>) src(%dma_wait3A_63 : memref<15x112xi32, #tpu.memory_space<hbm>>) dst(%arg6 : memref<15x112xi32, #tpu.memory_space<vmem>>)
        tpu.yield
      }) : () -> ()
      %mul3A_30 = arith.constant 15 : i32
      %mul3A_31 = arith.muli %scan3A_26, %mul3A_30 : i32
      "tpu.region"() ({
        %run_scoped3A = tpu.sem_alloc : memref<!tpu.dma_semaphore, #tpu.memory_space<semaphore_mem>>
        %dma_start3A_53 = arith.constant 0 : i32
        %dma_start3A_54 = tpu.memref_slice %arg3[%add3A, %mul3A_31, %dma_start3A_53] : memref<32x90x112xi32, #tpu.memory_space<hbm>> -> memref<1x15x112xi32, #tpu.memory_space<hbm>>
        %dma_start3A_55 = tpu.memref_squeeze %dma_start3A_54 : memref<1x15x112xi32, #tpu.memory_space<hbm>> -> memref<15x112xi32, #tpu.memory_space<hbm>>
        %dma_start3A_56 = arith.constant 0 : i32
        %dma_start3A_57 = tpu.memref_slice %arg3[%add3A, %mul3A_31, %dma_start3A_56] : memref<32x90x112xi32, #tpu.memory_space<hbm>> -> memref<1x15x112xi32, #tpu.memory_space<hbm>>
        %dma_start3A_58 = tpu.memref_squeeze %dma_start3A_57 : memref<1x15x112xi32, #tpu.memory_space<hbm>> -> memref<15x112xi32, #tpu.memory_space<hbm>>
        tpu.enqueue_dma source(%dma_start3A_58 : memref<15x112xi32, #tpu.memory_space<hbm>>) target(%arg7 : memref<15x112xi32, #tpu.memory_space<vmem>>) target_semaphore(%run_scoped3A : memref<!tpu.dma_semaphore, #tpu.memory_space<semaphore_mem>>)
        %dma_wait3A = arith.constant 0 : i32
        %dma_wait3A_59 = tpu.memref_slice %arg3[%add3A, %mul3A_31, %dma_wait3A] : memref<32x90x112xi32, #tpu.memory_space<hbm>> -> memref<1x15x112xi32, #tpu.memory_space<hbm>>
        %dma_wait3A_60 = tpu.memref_squeeze %dma_wait3A_59 : memref<1x15x112xi32, #tpu.memory_space<hbm>> -> memref<15x112xi32, #tpu.memory_space<hbm>>
        %dma_wait3A_61 = arith.constant 0 : i32
        %dma_wait3A_62 = tpu.memref_slice %arg3[%add3A, %mul3A_31, %dma_wait3A_61] : memref<32x90x112xi32, #tpu.memory_space<hbm>> -> memref<1x15x112xi32, #tpu.memory_space<hbm>>
        %dma_wait3A_63 = tpu.memref_squeeze %dma_wait3A_62 : memref<1x15x112xi32, #tpu.memory_space<hbm>> -> memref<15x112xi32, #tpu.memory_space<hbm>>
        tpu.wait_dma2 semaphore(%run_scoped3A : memref<!tpu.dma_semaphore, #tpu.memory_space<semaphore_mem>>) src(%dma_wait3A_63 : memref<15x112xi32, #tpu.memory_space<hbm>>) dst(%arg7 : memref<15x112xi32, #tpu.memory_space<vmem>>)
        tpu.yield
      }) : () -> ()
      %dma_start3A = arith.constant 0 : i32
      %dma_start3A_32 = arith.constant 0 : i32
      %dma_start3A_33 = tpu.memref_slice %arg6[%dma_start3A, %dma_start3A_32] : memref<15x112xi32, #tpu.memory_space<vmem>> -> memref<1x112xi32, #tpu.memory_space<vmem>>
      %dma_start3A_34 = tpu.memref_squeeze %dma_start3A_33 : memref<1x112xi32, #tpu.memory_space<vmem>> -> memref<112xi32, #tpu.memory_space<vmem>>
      %dma_start3A_35 = arith.constant 0 : i32
      %dma_start3A_36 = arith.constant 0 : i32
      %dma_start3A_37 = tpu.memref_slice %arg4[%dma_start3A_35, %dma_start3A_36] : memref<10000x128xf32, #tpu.memory_space<hbm>> -> memref<10000x128xf32, #tpu.memory_space<hbm>>
      tpu.enqueue_indirect_dma source(%dma_start3A_37 : memref<10000x128xf32, #tpu.memory_space<hbm>>) target(%arg8 : memref<112x128xf32, #tpu.memory_space<vmem>>) offsets(%dma_start3A_34 : memref<112xi32, #tpu.memory_space<vmem>>) semaphore(%arg12 : memref<!tpu.dma_semaphore, #tpu.memory_space<semaphore_mem>>)
      %dma_start3A_38 = arith.constant 1 : i32
      %dma_start3A_39 = arith.constant 0 : i32
      %dma_start3A_40 = tpu.memref_slice %arg6[%dma_start3A_38, %dma_start3A_39] : memref<15x112xi32, #tpu.memory_space<vmem>> -> memref<1x112xi32, #tpu.memory_space<vmem>>
      %dma_start3A_41 = tpu.memref_squeeze %dma_start3A_40 : memref<1x112xi32, #tpu.memory_space<vmem>> -> memref<112xi32, #tpu.memory_space<vmem>>
      %dma_start3A_42 = arith.constant 0 : i32
      %dma_start3A_43 = arith.constant 0 : i32
      %dma_start3A_44 = tpu.memref_slice %arg4[%dma_start3A_42, %dma_start3A_43] : memref<10000x128xf32, #tpu.memory_space<hbm>> -> memref<10000x128xf32, #tpu.memory_space<hbm>>
      tpu.enqueue_indirect_dma source(%dma_start3A_44 : memref<10000x128xf32, #tpu.memory_space<hbm>>) target(%arg9 : memref<112x128xf32, #tpu.memory_space<vmem>>) offsets(%dma_start3A_41 : memref<112xi32, #tpu.memory_space<vmem>>) semaphore(%arg13 : memref<!tpu.dma_semaphore, #tpu.memory_space<semaphore_mem>>)
      %scan3A_45 = arith.constant 0 : i32
      %scan3A_46 = arith.constant 0 : i32
      %scan3A_47 = arith.constant 5 : i32
      %scan3A_48 = arith.addi %scan3A_46, %scan3A_47 : i32
      %scan3A_49 = arith.constant 1 : i32
      %scan3A_50 = scf.for %scan3A_53 = %scan3A_46 to %scan3A_48 step %scan3A_49 iter_args(%scan3A_54 = %scan3A_45) -> (i32)  : i32 {
        %mul3A_55 = arith.constant 3 : i32
        %mul3A_56 = arith.muli %mul3A_55, %scan3A_53 : i32
        %dma_wait3A = arith.constant 0 : i32
        %dma_wait3A_57 = tpu.memref_slice %arg6[%mul3A_56, %dma_wait3A] : memref<15x112xi32, #tpu.memory_space<vmem>> -> memref<1x112xi32, #tpu.memory_space<vmem>>
        %dma_wait3A_58 = tpu.memref_squeeze %dma_wait3A_57 : memref<1x112xi32, #tpu.memory_space<vmem>> -> memref<112xi32, #tpu.memory_space<vmem>>
        %dma_wait3A_59 = arith.constant 0 : i32
        %dma_wait3A_60 = arith.constant 0 : i32
        %dma_wait3A_61 = tpu.memref_slice %arg4[%dma_wait3A_59, %dma_wait3A_60] : memref<10000x128xf32, #tpu.memory_space<hbm>> -> memref<10000x128xf32, #tpu.memory_space<hbm>>
        tpu.wait_indirect_dma semaphore(%arg12 : memref<!tpu.dma_semaphore, #tpu.memory_space<semaphore_mem>>) src(%dma_wait3A_61 : memref<10000x128xf32, #tpu.memory_space<hbm>>) dst(%arg8 : memref<112x128xf32, #tpu.memory_space<vmem>>)
        %add3A_62 = arith.constant 2 : i32
        %add3A_63 = arith.addi %mul3A_56, %add3A_62 : i32
        %dma_start3A_64 = arith.constant 0 : i32
        %dma_start3A_65 = tpu.memref_slice %arg6[%add3A_63, %dma_start3A_64] : memref<15x112xi32, #tpu.memory_space<vmem>> -> memref<1x112xi32, #tpu.memory_space<vmem>>
        %dma_start3A_66 = tpu.memref_squeeze %dma_start3A_65 : memref<1x112xi32, #tpu.memory_space<vmem>> -> memref<112xi32, #tpu.memory_space<vmem>>
        %dma_start3A_67 = arith.constant 0 : i32
        %dma_start3A_68 = arith.constant 0 : i32
        %dma_start3A_69 = tpu.memref_slice %arg4[%dma_start3A_67, %dma_start3A_68] : memref<10000x128xf32, #tpu.memory_space<hbm>> -> memref<10000x128xf32, #tpu.memory_space<hbm>>
        tpu.enqueue_indirect_dma source(%dma_start3A_69 : memref<10000x128xf32, #tpu.memory_space<hbm>>) target(%arg10 : memref<112x128xf32, #tpu.memory_space<vmem>>) offsets(%dma_start3A_66 : memref<112xi32, #tpu.memory_space<vmem>>) semaphore(%arg14 : memref<!tpu.dma_semaphore, #tpu.memory_space<semaphore_mem>>)
        "tpu.region"() ({
          %run_scoped3A = tpu.sem_alloc : memref<!tpu.dma_semaphore, #tpu.memory_space<semaphore_mem>>
          %dma_start3A_102 = arith.constant 0 : i32
          %dma_start3A_103 = tpu.memref_slice %arg7[%mul3A_56, %dma_start3A_102] : memref<15x112xi32, #tpu.memory_space<vmem>> -> memref<1x112xi32, #tpu.memory_space<vmem>>
          %dma_start3A_104 = tpu.memref_squeeze %dma_start3A_103 : memref<1x112xi32, #tpu.memory_space<vmem>> -> memref<112xi32, #tpu.memory_space<vmem>>
          %dma_start3A_105 = arith.constant 0 : i32
          %dma_start3A_106 = arith.constant 0 : i32
          %dma_start3A_107 = tpu.memref_slice %arg11[%dma_start3A_105, %dma_start3A_106] : memref<10240x128xf32, #tpu.memory_space<vmem_shared>> -> memref<10240x128xf32, #tpu.memory_space<vmem_shared>>
          tpu.enqueue_indirect_dma source(%arg8 : memref<112x128xf32, #tpu.memory_space<vmem>>) target(%dma_start3A_107 : memref<10240x128xf32, #tpu.memory_space<vmem_shared>>) offsets(%dma_start3A_104 : memref<112xi32, #tpu.memory_space<vmem>>) semaphore(%run_scoped3A : memref<!tpu.dma_semaphore, #tpu.memory_space<semaphore_mem>>) {add = true}
          %dma_wait3A_108 = arith.constant 0 : i32
          %dma_wait3A_109 = tpu.memref_slice %arg7[%mul3A_56, %dma_wait3A_108] : memref<15x112xi32, #tpu.memory_space<vmem>> -> memref<1x112xi32, #tpu.memory_space<vmem>>
          %dma_wait3A_110 = tpu.memref_squeeze %dma_wait3A_109 : memref<1x112xi32, #tpu.memory_space<vmem>> -> memref<112xi32, #tpu.memory_space<vmem>>
          %dma_wait3A_111 = arith.constant 0 : i32
          %dma_wait3A_112 = arith.constant 0 : i32
          %dma_wait3A_113 = tpu.memref_slice %arg11[%dma_wait3A_111, %dma_wait3A_112] : memref<10240x128xf32, #tpu.memory_space<vmem_shared>> -> memref<10240x128xf32, #tpu.memory_space<vmem_shared>>
          tpu.wait_indirect_dma semaphore(%run_scoped3A : memref<!tpu.dma_semaphore, #tpu.memory_space<semaphore_mem>>) src(%arg8 : memref<112x128xf32, #tpu.memory_space<vmem>>) dst(%dma_wait3A_113 : memref<10240x128xf32, #tpu.memory_space<vmem_shared>>)
          tpu.yield
        }) : () -> ()
        %add3A_70 = arith.constant 1 : i32
        %add3A_71 = arith.addi %mul3A_56, %add3A_70 : i32
        %dma_wait3A_72 = arith.constant 0 : i32
        %dma_wait3A_73 = tpu.memref_slice %arg6[%add3A_71, %dma_wait3A_72] : memref<15x112xi32, #tpu.memory_space<vmem>> -> memref<1x112xi32, #tpu.memory_space<vmem>>
        %dma_wait3A_74 = tpu.memref_squeeze %dma_wait3A_73 : memref<1x112xi32, #tpu.memory_space<vmem>> -> memref<112xi32, #tpu.memory_space<vmem>>
        %dma_wait3A_75 = arith.constant 0 : i32
        %dma_wait3A_76 = arith.constant 0 : i32
        %dma_wait3A_77 = tpu.memref_slice %arg4[%dma_wait3A_75, %dma_wait3A_76] : memref<10000x128xf32, #tpu.memory_space<hbm>> -> memref<10000x128xf32, #tpu.memory_space<hbm>>
        tpu.wait_indirect_dma semaphore(%arg13 : memref<!tpu.dma_semaphore, #tpu.memory_space<semaphore_mem>>) src(%dma_wait3A_77 : memref<10000x128xf32, #tpu.memory_space<hbm>>) dst(%arg9 : memref<112x128xf32, #tpu.memory_space<vmem>>)
        %add3A_78 = arith.constant 3 : i32
        %add3A_79 = arith.addi %mul3A_56, %add3A_78 : i32
        %lt3A = arith.constant 15 : i32
        %lt3A_80 = arith.cmpi slt, %add3A_79, %lt3A : i32
        %convert_element_type3A = arith.extui %lt3A_80 : i1 to i32
        %cond3A = arith.constant 0 : i32
        %cond3A_81 = arith.cmpi ne, %convert_element_type3A, %cond3A : i32
        scf.if %cond3A_81 {
          %add3A_102 = arith.constant 3 : i32
          %add3A_103 = arith.addi %mul3A_56, %add3A_102 : i32
          %dma_start3A_104 = arith.constant 0 : i32
          %dma_start3A_105 = tpu.memref_slice %arg6[%add3A_103, %dma_start3A_104] : memref<15x112xi32, #tpu.memory_space<vmem>> -> memref<1x112xi32, #tpu.memory_space<vmem>>
          %dma_start3A_106 = tpu.memref_squeeze %dma_start3A_105 : memref<1x112xi32, #tpu.memory_space<vmem>> -> memref<112xi32, #tpu.memory_space<vmem>>
          %dma_start3A_107 = arith.constant 0 : i32
          %dma_start3A_108 = arith.constant 0 : i32
          %dma_start3A_109 = tpu.memref_slice %arg4[%dma_start3A_107, %dma_start3A_108] : memref<10000x128xf32, #tpu.memory_space<hbm>> -> memref<10000x128xf32, #tpu.memory_space<hbm>>
          tpu.enqueue_indirect_dma source(%dma_start3A_109 : memref<10000x128xf32, #tpu.memory_space<hbm>>) target(%arg8 : memref<112x128xf32, #tpu.memory_space<vmem>>) offsets(%dma_start3A_106 : memref<112xi32, #tpu.memory_space<vmem>>) semaphore(%arg12 : memref<!tpu.dma_semaphore, #tpu.memory_space<semaphore_mem>>)
        } else {
        }
        %add3A_82 = arith.constant 1 : i32
        %add3A_83 = arith.addi %mul3A_56, %add3A_82 : i32
        "tpu.region"() ({
          %run_scoped3A = tpu.sem_alloc : memref<!tpu.dma_semaphore, #tpu.memory_space<semaphore_mem>>
          %dma_start3A_102 = arith.constant 0 : i32
          %dma_start3A_103 = tpu.memref_slice %arg7[%add3A_83, %dma_start3A_102] : memref<15x112xi32, #tpu.memory_space<vmem>> -> memref<1x112xi32, #tpu.memory_space<vmem>>
          %dma_start3A_104 = tpu.memref_squeeze %dma_start3A_103 : memref<1x112xi32, #tpu.memory_space<vmem>> -> memref<112xi32, #tpu.memory_space<vmem>>
          %dma_start3A_105 = arith.constant 0 : i32
          %dma_start3A_106 = arith.constant 0 : i32
          %dma_start3A_107 = tpu.memref_slice %arg11[%dma_start3A_105, %dma_start3A_106] : memref<10240x128xf32, #tpu.memory_space<vmem_shared>> -> memref<10240x128xf32, #tpu.memory_space<vmem_shared>>
          tpu.enqueue_indirect_dma source(%arg9 : memref<112x128xf32, #tpu.memory_space<vmem>>) target(%dma_start3A_107 : memref<10240x128xf32, #tpu.memory_space<vmem_shared>>) offsets(%dma_start3A_104 : memref<112xi32, #tpu.memory_space<vmem>>) semaphore(%run_scoped3A : memref<!tpu.dma_semaphore, #tpu.memory_space<semaphore_mem>>) {add = true}
          %dma_wait3A_108 = arith.constant 0 : i32
          %dma_wait3A_109 = tpu.memref_slice %arg7[%add3A_83, %dma_wait3A_108] : memref<15x112xi32, #tpu.memory_space<vmem>> -> memref<1x112xi32, #tpu.memory_space<vmem>>
          %dma_wait3A_110 = tpu.memref_squeeze %dma_wait3A_109 : memref<1x112xi32, #tpu.memory_space<vmem>> -> memref<112xi32, #tpu.memory_space<vmem>>
          %dma_wait3A_111 = arith.constant 0 : i32
          %dma_wait3A_112 = arith.constant 0 : i32
          %dma_wait3A_113 = tpu.memref_slice %arg11[%dma_wait3A_111, %dma_wait3A_112] : memref<10240x128xf32, #tpu.memory_space<vmem_shared>> -> memref<10240x128xf32, #tpu.memory_space<vmem_shared>>
          tpu.wait_indirect_dma semaphore(%run_scoped3A : memref<!tpu.dma_semaphore, #tpu.memory_space<semaphore_mem>>) src(%arg9 : memref<112x128xf32, #tpu.memory_space<vmem>>) dst(%dma_wait3A_113 : memref<10240x128xf32, #tpu.memory_space<vmem_shared>>)
          tpu.yield
        }) : () -> ()
        %add3A_84 = arith.constant 2 : i32
        %add3A_85 = arith.addi %mul3A_56, %add3A_84 : i32
        %dma_wait3A_86 = arith.constant 0 : i32
        %dma_wait3A_87 = tpu.memref_slice %arg6[%add3A_85, %dma_wait3A_86] : memref<15x112xi32, #tpu.memory_space<vmem>> -> memref<1x112xi32, #tpu.memory_space<vmem>>
        %dma_wait3A_88 = tpu.memref_squeeze %dma_wait3A_87 : memref<1x112xi32, #tpu.memory_space<vmem>> -> memref<112xi32, #tpu.memory_space<vmem>>
        %dma_wait3A_89 = arith.constant 0 : i32
        %dma_wait3A_90 = arith.constant 0 : i32
        %dma_wait3A_91 = tpu.memref_slice %arg4[%dma_wait3A_89, %dma_wait3A_90] : memref<10000x128xf32, #tpu.memory_space<hbm>> -> memref<10000x128xf32, #tpu.memory_space<hbm>>
        tpu.wait_indirect_dma semaphore(%arg14 : memref<!tpu.dma_semaphore, #tpu.memory_space<semaphore_mem>>) src(%dma_wait3A_91 : memref<10000x128xf32, #tpu.memory_space<hbm>>) dst(%arg10 : memref<112x128xf32, #tpu.memory_space<vmem>>)
        %add3A_92 = arith.constant 4 : i32
        %add3A_93 = arith.addi %mul3A_56, %add3A_92 : i32
        %lt3A_94 = arith.constant 15 : i32
        %lt3A_95 = arith.cmpi slt, %add3A_93, %lt3A_94 : i32
        %convert_element_type3A_96 = arith.extui %lt3A_95 : i1 to i32
        %cond3A_97 = arith.constant 0 : i32
        %cond3A_98 = arith.cmpi ne, %convert_element_type3A_96, %cond3A_97 : i32
        scf.if %cond3A_98 {
          %add3A_102 = arith.constant 4 : i32
          %add3A_103 = arith.addi %mul3A_56, %add3A_102 : i32
          %dma_start3A_104 = arith.constant 0 : i32
          %dma_start3A_105 = tpu.memref_slice %arg6[%add3A_103, %dma_start3A_104] : memref<15x112xi32, #tpu.memory_space<vmem>> -> memref<1x112xi32, #tpu.memory_space<vmem>>
          %dma_start3A_106 = tpu.memref_squeeze %dma_start3A_105 : memref<1x112xi32, #tpu.memory_space<vmem>> -> memref<112xi32, #tpu.memory_space<vmem>>
          %dma_start3A_107 = arith.constant 0 : i32
          %dma_start3A_108 = arith.constant 0 : i32
          %dma_start3A_109 = tpu.memref_slice %arg4[%dma_start3A_107, %dma_start3A_108] : memref<10000x128xf32, #tpu.memory_space<hbm>> -> memref<10000x128xf32, #tpu.memory_space<hbm>>
          tpu.enqueue_indirect_dma source(%dma_start3A_109 : memref<10000x128xf32, #tpu.memory_space<hbm>>) target(%arg9 : memref<112x128xf32, #tpu.memory_space<vmem>>) offsets(%dma_start3A_106 : memref<112xi32, #tpu.memory_space<vmem>>) semaphore(%arg13 : memref<!tpu.dma_semaphore, #tpu.memory_space<semaphore_mem>>)
        } else {
        }
        %add3A_99 = arith.constant 2 : i32
        %add3A_100 = arith.addi %mul3A_56, %add3A_99 : i32
        "tpu.region"() ({
          %run_scoped3A = tpu.sem_alloc : memref<!tpu.dma_semaphore, #tpu.memory_space<semaphore_mem>>
          %dma_start3A_102 = arith.constant 0 : i32
          %dma_start3A_103 = tpu.memref_slice %arg7[%add3A_100, %dma_start3A_102] : memref<15x112xi32, #tpu.memory_space<vmem>> -> memref<1x112xi32, #tpu.memory_space<vmem>>
          %dma_start3A_104 = tpu.memref_squeeze %dma_start3A_103 : memref<1x112xi32, #tpu.memory_space<vmem>> -> memref<112xi32, #tpu.memory_space<vmem>>
          %dma_start3A_105 = arith.constant 0 : i32
          %dma_start3A_106 = arith.constant 0 : i32
          %dma_start3A_107 = tpu.memref_slice %arg11[%dma_start3A_105, %dma_start3A_106] : memref<10240x128xf32, #tpu.memory_space<vmem_shared>> -> memref<10240x128xf32, #tpu.memory_space<vmem_shared>>
          tpu.enqueue_indirect_dma source(%arg10 : memref<112x128xf32, #tpu.memory_space<vmem>>) target(%dma_start3A_107 : memref<10240x128xf32, #tpu.memory_space<vmem_shared>>) offsets(%dma_start3A_104 : memref<112xi32, #tpu.memory_space<vmem>>) semaphore(%run_scoped3A : memref<!tpu.dma_semaphore, #tpu.memory_space<semaphore_mem>>) {add = true}
          %dma_wait3A_108 = arith.constant 0 : i32
          %dma_wait3A_109 = tpu.memref_slice %arg7[%add3A_100, %dma_wait3A_108] : memref<15x112xi32, #tpu.memory_space<vmem>> -> memref<1x112xi32, #tpu.memory_space<vmem>>
          %dma_wait3A_110 = tpu.memref_squeeze %dma_wait3A_109 : memref<1x112xi32, #tpu.memory_space<vmem>> -> memref<112xi32, #tpu.memory_space<vmem>>
          %dma_wait3A_111 = arith.constant 0 : i32
          %dma_wait3A_112 = arith.constant 0 : i32
          %dma_wait3A_113 = tpu.memref_slice %arg11[%dma_wait3A_111, %dma_wait3A_112] : memref<10240x128xf32, #tpu.memory_space<vmem_shared>> -> memref<10240x128xf32, #tpu.memory_space<vmem_shared>>
          tpu.wait_indirect_dma semaphore(%run_scoped3A : memref<!tpu.dma_semaphore, #tpu.memory_space<semaphore_mem>>) src(%arg10 : memref<112x128xf32, #tpu.memory_space<vmem>>) dst(%dma_wait3A_113 : memref<10240x128xf32, #tpu.memory_space<vmem_shared>>)
          tpu.yield
        }) : () -> ()
        %scan3A_101 = arith.constant 0 : i32
        scf.yield %scan3A_101 : i32
      }
      %scan3A_51 = arith.constant 5 : i32
      %scan3A_52 = arith.constant 0 : i32
      scf.yield %scan3A_52 : i32
    }
    %scan3A_20 = arith.constant 6 : i32
    %barrier3A_21 = arith.constant 0 : index
    tpu.barrier barrier_id(%barrier3A_21)
    %mul3A_22 = arith.constant 640 : i32
    %mul3A_23 = arith.muli %arg1, %mul3A_22 : i32
    %mul3A_24 = arith.constant 640 : i32
    %mul3A_25 = arith.muli %arg1, %mul3A_24 : i32
    "tpu.region"() ({
      %run_scoped3A = tpu.sem_alloc : memref<!tpu.dma_semaphore, #tpu.memory_space<semaphore_mem>>
      %dma_start3A = arith.constant 0 : i32
      %dma_start3A_26 = tpu.memref_slice %arg5[%arg0, %mul3A_25, %dma_start3A] : memref<2x10240x128xf32, #tpu.memory_space<hbm>> -> memref<1x640x128xf32, #tpu.memory_space<hbm>>
      %dma_start3A_27 = tpu.memref_squeeze %dma_start3A_26 : memref<1x640x128xf32, #tpu.memory_space<hbm>> -> memref<640x128xf32, #tpu.memory_space<hbm>>
      %dma_start3A_28 = arith.constant 0 : i32
      %dma_start3A_29 = tpu.memref_slice %arg11[%mul3A_23, %dma_start3A_28] : memref<10240x128xf32, #tpu.memory_space<vmem_shared>> -> memref<640x128xf32, #tpu.memory_space<vmem_shared>>
      tpu.enqueue_dma source(%dma_start3A_29 : memref<640x128xf32, #tpu.memory_space<vmem_shared>>) target(%dma_start3A_27 : memref<640x128xf32, #tpu.memory_space<hbm>>) target_semaphore(%run_scoped3A : memref<!tpu.dma_semaphore, #tpu.memory_space<semaphore_mem>>)
      %dma_wait3A = arith.constant 0 : i32
      %dma_wait3A_30 = tpu.memref_slice %arg5[%arg0, %mul3A_25, %dma_wait3A] : memref<2x10240x128xf32, #tpu.memory_space<hbm>> -> memref<1x640x128xf32, #tpu.memory_space<hbm>>
      %dma_wait3A_31 = tpu.memref_squeeze %dma_wait3A_30 : memref<1x640x128xf32, #tpu.memory_space<hbm>> -> memref<640x128xf32, #tpu.memory_space<hbm>>
      %dma_wait3A_32 = arith.constant 0 : i32
      %dma_wait3A_33 = tpu.memref_slice %arg11[%mul3A_23, %dma_wait3A_32] : memref<10240x128xf32, #tpu.memory_space<vmem_shared>> -> memref<640x128xf32, #tpu.memory_space<vmem_shared>>
      tpu.wait_dma2 semaphore(%run_scoped3A : memref<!tpu.dma_semaphore, #tpu.memory_space<semaphore_mem>>) src(%dma_wait3A_33 : memref<640x128xf32, #tpu.memory_space<vmem_shared>>) dst(%dma_wait3A_31 : memref<640x128xf32, #tpu.memory_space<hbm>>)
      tpu.yield
    }) : () -> ()
    return
  }
}

#map = affine_map<(d0, d1) -> (0, 0, 0)>
#map1 = affine_map<(d0, d1) -> (0, 0)>
module attributes {stable_mosaic.version = 14 : i64} {
  func.func @agg(%arg0: i32, %arg1: i32, %arg2: memref<32x90x112xi32, #tpu.memory_space<hbm>>, %arg3: memref<32x90x112xi32, #tpu.memory_space<hbm>>, %arg4: memref<10000x128xf32, #tpu.memory_space<hbm>>, %arg5: memref<2x10240x128xf32, #tpu.memory_space<hbm>>, %arg6: memref<15x112xi32, #tpu.memory_space<vmem>>, %arg7: memref<15x112xi32, #tpu.memory_space<vmem>>, %arg8: memref<112x128xf32, #tpu.memory_space<vmem>>, %arg9: memref<112x128xf32, #tpu.memory_space<vmem>>, %arg10: memref<112x128xf32, #tpu.memory_space<vmem>>, %arg11: memref<10240x128xf32, #tpu.memory_space<vmem_shared>>, %arg12: memref<!tpu.dma_semaphore, #tpu.memory_space<semaphore_mem>>, %arg13: memref<!tpu.dma_semaphore, #tpu.memory_space<semaphore_mem>>, %arg14: memref<!tpu.dma_semaphore, #tpu.memory_space<semaphore_mem>>) attributes {dimension_semantics = [#tpu.dimension_semantics<core_parallel>, #tpu.dimension_semantics<subcore_parallel>], iteration_bounds = array<i64: 2, 16>, scalar_prefetch = 0 : i64, scratch_operands = 9 : i64, tpu.core_type = #tpu.core_type<sc_vector_subcore>, window_params = [{transform_indices = #map}, {transform_indices = #map}, {transform_indices = #map1}, {transform_indices = #map}]} {
    %mul3A = arith.constant 16 : i32
    %mul3A_0 = arith.muli %arg0, %mul3A : i32
    %add3A = arith.addi %mul3A_0, %arg1 : i32
    %scan3A = arith.constant 0 : i32
    %scan3A_1 = arith.constant 0 : i32
    %scan3A_2 = arith.constant 512 : i32
    %scan3A_3 = arith.addi %scan3A_1, %scan3A_2 : i32
    %scan3A_4 = arith.constant 1 : i32
    %scan3A_5 = scf.for %scan3A_26 = %scan3A_1 to %scan3A_3 step %scan3A_4 iter_args(%scan3A_27 = %scan3A) -> (i32)  : i32 {
      %jit3A = arith.constant 8 : i32
      %div3A = arith.divsi %scan3A_26, %jit3A : i32
      %sign3A = arith.constant 0 : i32
      %sign3A_28 = arith.cmpi sgt, %scan3A_26, %sign3A : i32
      %sign3A_29 = arith.extui %sign3A_28 : i1 to i32
      %sign3A_30 = arith.constant 0 : i32
      %sign3A_31 = arith.cmpi slt, %scan3A_26, %sign3A_30 : i32
      %sign3A_32 = arith.extui %sign3A_31 : i1 to i32
      %sign3A_33 = arith.subi %sign3A_29, %sign3A_32 : i32
      %sign3A_34 = arith.constant 0 : i32
      %sign3A_35 = arith.cmpi sgt, %jit3A, %sign3A_34 : i32
      %sign3A_36 = arith.extui %sign3A_35 : i1 to i32
      %sign3A_37 = arith.constant 0 : i32
      %sign3A_38 = arith.cmpi slt, %jit3A, %sign3A_37 : i32
      %sign3A_39 = arith.extui %sign3A_38 : i1 to i32
      %sign3A_40 = arith.subi %sign3A_36, %sign3A_39 : i32
      %ne3A = arith.cmpi ne, %sign3A_33, %sign3A_40 : i32
      %rem3A = arith.remsi %scan3A_26, %jit3A : i32
      %ne3A_41 = arith.constant 0 : i32
      %ne3A_42 = arith.cmpi ne, %rem3A, %ne3A_41 : i32
      %and3A = arith.andi %ne3A, %ne3A_42 : i1
      %sub3A = arith.constant 1 : i32
      %sub3A_43 = arith.subi %div3A, %sub3A : i32
      %select_n3A = arith.select %and3A, %sub3A_43, %div3A : i32
      %jit3A_44 = arith.constant 8 : i32
      %eq3A = arith.constant 0 : i32
      %eq3A_45 = arith.cmpi eq, %jit3A_44, %eq3A : i32
      %jit3A_46 = arith.constant 1 : i32
      %select_n3A_47 = arith.select %eq3A_45, %jit3A_46, %jit3A_44 : i32
      %rem3A_48 = arith.remsi %scan3A_26, %select_n3A_47 : i32
      %ne3A_49 = arith.constant 0 : i32
      %ne3A_50 = arith.cmpi ne, %rem3A_48, %ne3A_49 : i32
      %lt3A = arith.constant 0 : i32
      %lt3A_51 = arith.cmpi slt, %rem3A_48, %lt3A : i32
      %lt3A_52 = arith.constant 0 : i32
      %lt3A_53 = arith.cmpi slt, %select_n3A_47, %lt3A_52 : i32
      %ne3A_54 = arith.xori %lt3A_51, %lt3A_53 : i1
      %and3A_55 = arith.andi %ne3A_54, %ne3A_50 : i1
      %add3A_56 = arith.addi %rem3A_48, %select_n3A_47 : i32
      %select_n3A_57 = arith.select %and3A_55, %add3A_56, %rem3A_48 : i32
      %broadcast_in_dim3A = arith.constant 0.000000e+00 : f32
      %broadcast_in_dim3A_58 = vector.broadcast %broadcast_in_dim3A : f32 to vector<16xf32>
      %mul3A_59 = arith.constant 16 : i32
      %mul3A_60 = arith.muli %select_n3A_57, %mul3A_59 : i32
      %swap3A = arith.index_cast %select_n3A : i32 to index
      %swap3A_61 = arith.index_cast %mul3A_60 : i32 to index
      %swap3A_62 = tpu.vector_load %arg8[%swap3A, %swap3A_61] {strides = array<i32>} : memref<112x128xf32, #tpu.memory_space<vmem>>, vector<1x16xf32>,
      %swap3A_63 = vector.shape_cast %swap3A_62 : vector<1x16xf32> to vector<16xf32>
      %swap3A_64 = vector.shape_cast %broadcast_in_dim3A_58 : vector<16xf32> to vector<1x16xf32>
      tpu.vector_store %arg8[%swap3A, %swap3A_61], %swap3A_64 {strides = array<i32>} : memref<112x128xf32, #tpu.memory_space<vmem>>, vector<1x16xf32>,
      %scan3A_65 = arith.constant 0 : i32
      scf.yield %scan3A_65 : i32
    }
    %scan3A_6 = arith.constant 512 : i32
    %scan3A_7 = arith.constant 0 : i32
    %scan3A_8 = arith.constant 0 : i32
    %scan3A_9 = arith.constant 10 : i32
    %scan3A_10 = arith.addi %scan3A_8, %scan3A_9 : i32
    %scan3A_11 = arith.constant 1 : i32
    %scan3A_12 = scf.for %scan3A_26 = %scan3A_8 to %scan3A_10 step %scan3A_11 iter_args(%scan3A_27 = %scan3A_7) -> (i32)  : i32 {
      %mul3A_28 = arith.constant 640 : i32
      %mul3A_29 = arith.muli %arg1, %mul3A_28 : i32
      %mul3A_30 = arith.constant 64 : i32
      %mul3A_31 = arith.muli %scan3A_26, %mul3A_30 : i32
      %add3A_32 = arith.addi %mul3A_29, %mul3A_31 : i32
      "tpu.region"() ({
        %run_scoped3A = tpu.sem_alloc : memref<!tpu.dma_semaphore, #tpu.memory_space<semaphore_mem>>
        %dma_start3A = arith.constant 0 : i32
        %dma_start3A_34 = arith.constant 0 : i32
        %dma_start3A_35 = tpu.memref_slice %arg8[%dma_start3A, %dma_start3A_34] : memref<112x128xf32, #tpu.memory_space<vmem>> -> memref<64x128xf32, #tpu.memory_space<vmem>>
        %dma_start3A_36 = arith.constant 0 : i32
        %dma_start3A_37 = tpu.memref_slice %arg11[%add3A_32, %dma_start3A_36] : memref<10240x128xf32, #tpu.memory_space<vmem_shared>> -> memref<64x128xf32, #tpu.memory_space<vmem_shared>>
        %dma_start3A_38 = arith.constant 0 : i32
        %dma_start3A_39 = tpu.memref_slice %arg11[%add3A_32, %dma_start3A_38] : memref<10240x128xf32, #tpu.memory_space<vmem_shared>> -> memref<64x128xf32, #tpu.memory_space<vmem_shared>>
        %dma_start3A_40 = arith.constant 0 : i32
        %dma_start3A_41 = arith.constant 0 : i32
        %dma_start3A_42 = tpu.memref_slice %arg8[%dma_start3A_40, %dma_start3A_41] : memref<112x128xf32, #tpu.memory_space<vmem>> -> memref<64x128xf32, #tpu.memory_space<vmem>>
        tpu.enqueue_dma source(%dma_start3A_42 : memref<64x128xf32, #tpu.memory_space<vmem>>) target(%dma_start3A_39 : memref<64x128xf32, #tpu.memory_space<vmem_shared>>) target_semaphore(%run_scoped3A : memref<!tpu.dma_semaphore, #tpu.memory_space<semaphore_mem>>)
        %dma_wait3A = arith.constant 0 : i32
        %dma_wait3A_43 = arith.constant 0 : i32
        %dma_wait3A_44 = tpu.memref_slice %arg8[%dma_wait3A, %dma_wait3A_43] : memref<112x128xf32, #tpu.memory_space<vmem>> -> memref<64x128xf32, #tpu.memory_space<vmem>>
        %dma_wait3A_45 = arith.constant 0 : i32
        %dma_wait3A_46 = tpu.memref_slice %arg11[%add3A_32, %dma_wait3A_45] : memref<10240x128xf32, #tpu.memory_space<vmem_shared>> -> memref<64x128xf32, #tpu.memory_space<vmem_shared>>
        %dma_wait3A_47 = arith.constant 0 : i32
        %dma_wait3A_48 = tpu.memref_slice %arg11[%add3A_32, %dma_wait3A_47] : memref<10240x128xf32, #tpu.memory_space<vmem_shared>> -> memref<64x128xf32, #tpu.memory_space<vmem_shared>>
        %dma_wait3A_49 = arith.constant 0 : i32
        %dma_wait3A_50 = arith.constant 0 : i32
        %dma_wait3A_51 = tpu.memref_slice %arg8[%dma_wait3A_49, %dma_wait3A_50] : memref<112x128xf32, #tpu.memory_space<vmem>> -> memref<64x128xf32, #tpu.memory_space<vmem>>
        tpu.wait_dma2 semaphore(%run_scoped3A : memref<!tpu.dma_semaphore, #tpu.memory_space<semaphore_mem>>) src(%dma_wait3A_51 : memref<64x128xf32, #tpu.memory_space<vmem>>) dst(%dma_wait3A_48 : memref<64x128xf32, #tpu.memory_space<vmem_shared>>)
        tpu.yield
      }) : () -> ()
      %scan3A_33 = arith.constant 0 : i32
      scf.yield %scan3A_33 : i32
    }
    %scan3A_13 = arith.constant 10 : i32
    %barrier3A = arith.constant 0 : index
    tpu.barrier barrier_id(%barrier3A)
    %scan3A_14 = arith.constant 0 : i32
    %scan3A_15 = arith.constant 0 : i32
    %scan3A_16 = arith.constant 6 : i32
    %scan3A_17 = arith.addi %scan3A_15, %scan3A_16 : i32
    %scan3A_18 = arith.constant 1 : i32
    %scan3A_19 = scf.for %scan3A_26 = %scan3A_15 to %scan3A_17 step %scan3A_18 iter_args(%scan3A_27 = %scan3A_14) -> (i32)  : i32 {
      %mul3A_28 = arith.constant 15 : i32
      %mul3A_29 = arith.muli %scan3A_26, %mul3A_28 : i32
      "tpu.region"() ({
        %run_scoped3A = tpu.sem_alloc : memref<!tpu.dma_semaphore, #tpu.memory_space<semaphore_mem>>
        %dma_start3A_53 = arith.constant 0 : i32
        %dma_start3A_54 = tpu.memref_slice %arg2[%add3A, %mul3A_29, %dma_start3A_53] : memref<32x90x112xi32, #tpu.memory_space<hbm>> -> memref<1x15x112xi32, #tpu.memory_space<hbm>>
        %dma_start3A_55 = tpu.memref_squeeze %dma_start3A_54 : memref<1x15x112xi32, #tpu.memory_space<hbm>> -> memref<15x112xi32, #tpu.memory_space<hbm>>
        %dma_start3A_56 = arith.constant 0 : i32
        %dma_start3A_57 = tpu.memref_slice %arg2[%add3A, %mul3A_29, %dma_start3A_56] : memref<32x90x112xi32, #tpu.memory_space<hbm>> -> memref<1x15x112xi32, #tpu.memory_space<hbm>>
        %dma_start3A_58 = tpu.memref_squeeze %dma_start3A_57 : memref<1x15x112xi32, #tpu.memory_space<hbm>> -> memref<15x112xi32, #tpu.memory_space<hbm>>
        tpu.enqueue_dma source(%dma_start3A_58 : memref<15x112xi32, #tpu.memory_space<hbm>>) target(%arg6 : memref<15x112xi32, #tpu.memory_space<vmem>>) target_semaphore(%run_scoped3A : memref<!tpu.dma_semaphore, #tpu.memory_space<semaphore_mem>>)
        %dma_wait3A = arith.constant 0 : i32
        %dma_wait3A_59 = tpu.memref_slice %arg2[%add3A, %mul3A_29, %dma_wait3A] : memref<32x90x112xi32, #tpu.memory_space<hbm>> -> memref<1x15x112xi32, #tpu.memory_space<hbm>>
        %dma_wait3A_60 = tpu.memref_squeeze %dma_wait3A_59 : memref<1x15x112xi32, #tpu.memory_space<hbm>> -> memref<15x112xi32, #tpu.memory_space<hbm>>
        %dma_wait3A_61 = arith.constant 0 : i32
        %dma_wait3A_62 = tpu.memref_slice %arg2[%add3A, %mul3A_29, %dma_wait3A_61] : memref<32x90x112xi32, #tpu.memory_space<hbm>> -> memref<1x15x112xi32, #tpu.memory_space<hbm>>
        %dma_wait3A_63 = tpu.memref_squeeze %dma_wait3A_62 : memref<1x15x112xi32, #tpu.memory_space<hbm>> -> memref<15x112xi32, #tpu.memory_space<hbm>>
        tpu.wait_dma2 semaphore(%run_scoped3A : memref<!tpu.dma_semaphore, #tpu.memory_space<semaphore_mem>>) src(%dma_wait3A_63 : memref<15x112xi32, #tpu.memory_space<hbm>>) dst(%arg6 : memref<15x112xi32, #tpu.memory_space<vmem>>)
        tpu.yield
      }) : () -> ()
      %mul3A_30 = arith.constant 15 : i32
      %mul3A_31 = arith.muli %scan3A_26, %mul3A_30 : i32
      "tpu.region"() ({
        %run_scoped3A = tpu.sem_alloc : memref<!tpu.dma_semaphore, #tpu.memory_space<semaphore_mem>>
        %dma_start3A_53 = arith.constant 0 : i32
        %dma_start3A_54 = tpu.memref_slice %arg3[%add3A, %mul3A_31, %dma_start3A_53] : memref<32x90x112xi32, #tpu.memory_space<hbm>> -> memref<1x15x112xi32, #tpu.memory_space<hbm>>
        %dma_start3A_55 = tpu.memref_squeeze %dma_start3A_54 : memref<1x15x112xi32, #tpu.memory_space<hbm>> -> memref<15x112xi32, #tpu.memory_space<hbm>>
        %dma_start3A_56 = arith.constant 0 : i32
        %dma_start3A_57 = tpu.memref_slice %arg3[%add3A, %mul3A_31, %dma_start3A_56] : memref<32x90x112xi32, #tpu.memory_space<hbm>> -> memref<1x15x112xi32, #tpu.memory_space<hbm>>
        %dma_start3A_58 = tpu.memref_squeeze %dma_start3A_57 : memref<1x15x112xi32, #tpu.memory_space<hbm>> -> memref<15x112xi32, #tpu.memory_space<hbm>>
        tpu.enqueue_dma source(%dma_start3A_58 : memref<15x112xi32, #tpu.memory_space<hbm>>) target(%arg7 : memref<15x112xi32, #tpu.memory_space<vmem>>) target_semaphore(%run_scoped3A : memref<!tpu.dma_semaphore, #tpu.memory_space<semaphore_mem>>)
        %dma_wait3A = arith.constant 0 : i32
        %dma_wait3A_59 = tpu.memref_slice %arg3[%add3A, %mul3A_31, %dma_wait3A] : memref<32x90x112xi32, #tpu.memory_space<hbm>> -> memref<1x15x112xi32, #tpu.memory_space<hbm>>
        %dma_wait3A_60 = tpu.memref_squeeze %dma_wait3A_59 : memref<1x15x112xi32, #tpu.memory_space<hbm>> -> memref<15x112xi32, #tpu.memory_space<hbm>>
        %dma_wait3A_61 = arith.constant 0 : i32
        %dma_wait3A_62 = tpu.memref_slice %arg3[%add3A, %mul3A_31, %dma_wait3A_61] : memref<32x90x112xi32, #tpu.memory_space<hbm>> -> memref<1x15x112xi32, #tpu.memory_space<hbm>>
        %dma_wait3A_63 = tpu.memref_squeeze %dma_wait3A_62 : memref<1x15x112xi32, #tpu.memory_space<hbm>> -> memref<15x112xi32, #tpu.memory_space<hbm>>
        tpu.wait_dma2 semaphore(%run_scoped3A : memref<!tpu.dma_semaphore, #tpu.memory_space<semaphore_mem>>) src(%dma_wait3A_63 : memref<15x112xi32, #tpu.memory_space<hbm>>) dst(%arg7 : memref<15x112xi32, #tpu.memory_space<vmem>>)
        tpu.yield
      }) : () -> ()
      %dma_start3A = arith.constant 0 : i32
      %dma_start3A_32 = arith.constant 0 : i32
      %dma_start3A_33 = tpu.memref_slice %arg6[%dma_start3A, %dma_start3A_32] : memref<15x112xi32, #tpu.memory_space<vmem>> -> memref<1x112xi32, #tpu.memory_space<vmem>>
      %dma_start3A_34 = tpu.memref_squeeze %dma_start3A_33 : memref<1x112xi32, #tpu.memory_space<vmem>> -> memref<112xi32, #tpu.memory_space<vmem>>
      %dma_start3A_35 = arith.constant 0 : i32
      %dma_start3A_36 = arith.constant 0 : i32
      %dma_start3A_37 = tpu.memref_slice %arg4[%dma_start3A_35, %dma_start3A_36] : memref<10000x128xf32, #tpu.memory_space<hbm>> -> memref<10000x128xf32, #tpu.memory_space<hbm>>
      tpu.enqueue_indirect_dma source(%dma_start3A_37 : memref<10000x128xf32, #tpu.memory_space<hbm>>) target(%arg8 : memref<112x128xf32, #tpu.memory_space<vmem>>) offsets(%dma_start3A_34 : memref<112xi32, #tpu.memory_space<vmem>>) semaphore(%arg12 : memref<!tpu.dma_semaphore, #tpu.memory_space<semaphore_mem>>)
      %dma_start3A_38 = arith.constant 1 : i32
      %dma_start3A_39 = arith.constant 0 : i32
      %dma_start3A_40 = tpu.memref_slice %arg6[%dma_start3A_38, %dma_start3A_39] : memref<15x112xi32, #tpu.memory_space<vmem>> -> memref<1x112xi32, #tpu.memory_space<vmem>>
      %dma_start3A_41 = tpu.memref_squeeze %dma_start3A_40 : memref<1x112xi32, #tpu.memory_space<vmem>> -> memref<112xi32, #tpu.memory_space<vmem>>
      %dma_start3A_42 = arith.constant 0 : i32
      %dma_start3A_43 = arith.constant 0 : i32
      %dma_start3A_44 = tpu.memref_slice %arg4[%dma_start3A_42, %dma_start3A_43] : memref<10000x128xf32, #tpu.memory_space<hbm>> -> memref<10000x128xf32, #tpu.memory_space<hbm>>
      tpu.enqueue_indirect_dma source(%dma_start3A_44 : memref<10000x128xf32, #tpu.memory_space<hbm>>) target(%arg9 : memref<112x128xf32, #tpu.memory_space<vmem>>) offsets(%dma_start3A_41 : memref<112xi32, #tpu.memory_space<vmem>>) semaphore(%arg13 : memref<!tpu.dma_semaphore, #tpu.memory_space<semaphore_mem>>)
      %scan3A_45 = arith.constant 0 : i32
      %scan3A_46 = arith.constant 0 : i32
      %scan3A_47 = arith.constant 5 : i32
      %scan3A_48 = arith.addi %scan3A_46, %scan3A_47 : i32
      %scan3A_49 = arith.constant 1 : i32
      %scan3A_50 = scf.for %scan3A_53 = %scan3A_46 to %scan3A_48 step %scan3A_49 iter_args(%scan3A_54 = %scan3A_45) -> (i32)  : i32 {
        %mul3A_55 = arith.constant 3 : i32
        %mul3A_56 = arith.muli %mul3A_55, %scan3A_53 : i32
        %dma_wait3A = arith.constant 0 : i32
        %dma_wait3A_57 = tpu.memref_slice %arg6[%mul3A_56, %dma_wait3A] : memref<15x112xi32, #tpu.memory_space<vmem>> -> memref<1x112xi32, #tpu.memory_space<vmem>>
        %dma_wait3A_58 = tpu.memref_squeeze %dma_wait3A_57 : memref<1x112xi32, #tpu.memory_space<vmem>> -> memref<112xi32, #tpu.memory_space<vmem>>
        %dma_wait3A_59 = arith.constant 0 : i32
        %dma_wait3A_60 = arith.constant 0 : i32
        %dma_wait3A_61 = tpu.memref_slice %arg4[%dma_wait3A_59, %dma_wait3A_60] : memref<10000x128xf32, #tpu.memory_space<hbm>> -> memref<10000x128xf32, #tpu.memory_space<hbm>>
        tpu.wait_indirect_dma semaphore(%arg12 : memref<!tpu.dma_semaphore, #tpu.memory_space<semaphore_mem>>) src(%dma_wait3A_61 : memref<10000x128xf32, #tpu.memory_space<hbm>>) dst(%arg8 : memref<112x128xf32, #tpu.memory_space<vmem>>)
        %add3A_62 = arith.constant 2 : i32
        %add3A_63 = arith.addi %mul3A_56, %add3A_62 : i32
        %dma_start3A_64 = arith.constant 0 : i32
        %dma_start3A_65 = tpu.memref_slice %arg6[%add3A_63, %dma_start3A_64] : memref<15x112xi32, #tpu.memory_space<vmem>> -> memref<1x112xi32, #tpu.memory_space<vmem>>
        %dma_start3A_66 = tpu.memref_squeeze %dma_start3A_65 : memref<1x112xi32, #tpu.memory_space<vmem>> -> memref<112xi32, #tpu.memory_space<vmem>>
        %dma_start3A_67 = arith.constant 0 : i32
        %dma_start3A_68 = arith.constant 0 : i32
        %dma_start3A_69 = tpu.memref_slice %arg4[%dma_start3A_67, %dma_start3A_68] : memref<10000x128xf32, #tpu.memory_space<hbm>> -> memref<10000x128xf32, #tpu.memory_space<hbm>>
        tpu.enqueue_indirect_dma source(%dma_start3A_69 : memref<10000x128xf32, #tpu.memory_space<hbm>>) target(%arg10 : memref<112x128xf32, #tpu.memory_space<vmem>>) offsets(%dma_start3A_66 : memref<112xi32, #tpu.memory_space<vmem>>) semaphore(%arg14 : memref<!tpu.dma_semaphore, #tpu.memory_space<semaphore_mem>>)
        "tpu.region"() ({
          %run_scoped3A = tpu.sem_alloc : memref<!tpu.dma_semaphore, #tpu.memory_space<semaphore_mem>>
          %dma_start3A_102 = arith.constant 0 : i32
          %dma_start3A_103 = tpu.memref_slice %arg7[%mul3A_56, %dma_start3A_102] : memref<15x112xi32, #tpu.memory_space<vmem>> -> memref<1x112xi32, #tpu.memory_space<vmem>>
          %dma_start3A_104 = tpu.memref_squeeze %dma_start3A_103 : memref<1x112xi32, #tpu.memory_space<vmem>> -> memref<112xi32, #tpu.memory_space<vmem>>
          %dma_start3A_105 = arith.constant 0 : i32
          %dma_start3A_106 = arith.constant 0 : i32
          %dma_start3A_107 = tpu.memref_slice %arg11[%dma_start3A_105, %dma_start3A_106] : memref<10240x128xf32, #tpu.memory_space<vmem_shared>> -> memref<10240x128xf32, #tpu.memory_space<vmem_shared>>
          tpu.enqueue_indirect_dma source(%arg8 : memref<112x128xf32, #tpu.memory_space<vmem>>) target(%dma_start3A_107 : memref<10240x128xf32, #tpu.memory_space<vmem_shared>>) offsets(%dma_start3A_104 : memref<112xi32, #tpu.memory_space<vmem>>) semaphore(%run_scoped3A : memref<!tpu.dma_semaphore, #tpu.memory_space<semaphore_mem>>) {add = true}
          %dma_wait3A_108 = arith.constant 0 : i32
          %dma_wait3A_109 = tpu.memref_slice %arg7[%mul3A_56, %dma_wait3A_108] : memref<15x112xi32, #tpu.memory_space<vmem>> -> memref<1x112xi32, #tpu.memory_space<vmem>>
          %dma_wait3A_110 = tpu.memref_squeeze %dma_wait3A_109 : memref<1x112xi32, #tpu.memory_space<vmem>> -> memref<112xi32, #tpu.memory_space<vmem>>
          %dma_wait3A_111 = arith.constant 0 : i32
          %dma_wait3A_112 = arith.constant 0 : i32
          %dma_wait3A_113 = tpu.memref_slice %arg11[%dma_wait3A_111, %dma_wait3A_112] : memref<10240x128xf32, #tpu.memory_space<vmem_shared>> -> memref<10240x128xf32, #tpu.memory_space<vmem_shared>>
          tpu.wait_indirect_dma semaphore(%run_scoped3A : memref<!tpu.dma_semaphore, #tpu.memory_space<semaphore_mem>>) src(%arg8 : memref<112x128xf32, #tpu.memory_space<vmem>>) dst(%dma_wait3A_113 : memref<10240x128xf32, #tpu.memory_space<vmem_shared>>)
          tpu.yield
        }) : () -> ()
        %add3A_70 = arith.constant 1 : i32
        %add3A_71 = arith.addi %mul3A_56, %add3A_70 : i32
        %dma_wait3A_72 = arith.constant 0 : i32
        %dma_wait3A_73 = tpu.memref_slice %arg6[%add3A_71, %dma_wait3A_72] : memref<15x112xi32, #tpu.memory_space<vmem>> -> memref<1x112xi32, #tpu.memory_space<vmem>>
        %dma_wait3A_74 = tpu.memref_squeeze %dma_wait3A_73 : memref<1x112xi32, #tpu.memory_space<vmem>> -> memref<112xi32, #tpu.memory_space<vmem>>
        %dma_wait3A_75 = arith.constant 0 : i32
        %dma_wait3A_76 = arith.constant 0 : i32
        %dma_wait3A_77 = tpu.memref_slice %arg4[%dma_wait3A_75, %dma_wait3A_76] : memref<10000x128xf32, #tpu.memory_space<hbm>> -> memref<10000x128xf32, #tpu.memory_space<hbm>>
        tpu.wait_indirect_dma semaphore(%arg13 : memref<!tpu.dma_semaphore, #tpu.memory_space<semaphore_mem>>) src(%dma_wait3A_77 : memref<10000x128xf32, #tpu.memory_space<hbm>>) dst(%arg9 : memref<112x128xf32, #tpu.memory_space<vmem>>)
        %add3A_78 = arith.constant 3 : i32
        %add3A_79 = arith.addi %mul3A_56, %add3A_78 : i32
        %lt3A = arith.constant 15 : i32
        %lt3A_80 = arith.cmpi slt, %add3A_79, %lt3A : i32
        %convert_element_type3A = arith.extui %lt3A_80 : i1 to i32
        %cond3A = arith.constant 0 : i32
        %cond3A_81 = arith.cmpi ne, %convert_element_type3A, %cond3A : i32
        scf.if %cond3A_81 {
          %add3A_102 = arith.constant 3 : i32
          %add3A_103 = arith.addi %mul3A_56, %add3A_102 : i32
          %dma_start3A_104 = arith.constant 0 : i32
          %dma_start3A_105 = tpu.memref_slice %arg6[%add3A_103, %dma_start3A_104] : memref<15x112xi32, #tpu.memory_space<vmem>> -> memref<1x112xi32, #tpu.memory_space<vmem>>
          %dma_start3A_106 = tpu.memref_squeeze %dma_start3A_105 : memref<1x112xi32, #tpu.memory_space<vmem>> -> memref<112xi32, #tpu.memory_space<vmem>>
          %dma_start3A_107 = arith.constant 0 : i32
          %dma_start3A_108 = arith.constant 0 : i32
          %dma_start3A_109 = tpu.memref_slice %arg4[%dma_start3A_107, %dma_start3A_108] : memref<10000x128xf32, #tpu.memory_space<hbm>> -> memref<10000x128xf32, #tpu.memory_space<hbm>>
          tpu.enqueue_indirect_dma source(%dma_start3A_109 : memref<10000x128xf32, #tpu.memory_space<hbm>>) target(%arg8 : memref<112x128xf32, #tpu.memory_space<vmem>>) offsets(%dma_start3A_106 : memref<112xi32, #tpu.memory_space<vmem>>) semaphore(%arg12 : memref<!tpu.dma_semaphore, #tpu.memory_space<semaphore_mem>>)
        } else {
        }
        %add3A_82 = arith.constant 1 : i32
        %add3A_83 = arith.addi %mul3A_56, %add3A_82 : i32
        "tpu.region"() ({
          %run_scoped3A = tpu.sem_alloc : memref<!tpu.dma_semaphore, #tpu.memory_space<semaphore_mem>>
          %dma_start3A_102 = arith.constant 0 : i32
          %dma_start3A_103 = tpu.memref_slice %arg7[%add3A_83, %dma_start3A_102] : memref<15x112xi32, #tpu.memory_space<vmem>> -> memref<1x112xi32, #tpu.memory_space<vmem>>
          %dma_start3A_104 = tpu.memref_squeeze %dma_start3A_103 : memref<1x112xi32, #tpu.memory_space<vmem>> -> memref<112xi32, #tpu.memory_space<vmem>>
          %dma_start3A_105 = arith.constant 0 : i32
          %dma_start3A_106 = arith.constant 0 : i32
          %dma_start3A_107 = tpu.memref_slice %arg11[%dma_start3A_105, %dma_start3A_106] : memref<10240x128xf32, #tpu.memory_space<vmem_shared>> -> memref<10240x128xf32, #tpu.memory_space<vmem_shared>>
          tpu.enqueue_indirect_dma source(%arg9 : memref<112x128xf32, #tpu.memory_space<vmem>>) target(%dma_start3A_107 : memref<10240x128xf32, #tpu.memory_space<vmem_shared>>) offsets(%dma_start3A_104 : memref<112xi32, #tpu.memory_space<vmem>>) semaphore(%run_scoped3A : memref<!tpu.dma_semaphore, #tpu.memory_space<semaphore_mem>>) {add = true}
          %dma_wait3A_108 = arith.constant 0 : i32
          %dma_wait3A_109 = tpu.memref_slice %arg7[%add3A_83, %dma_wait3A_108] : memref<15x112xi32, #tpu.memory_space<vmem>> -> memref<1x112xi32, #tpu.memory_space<vmem>>
          %dma_wait3A_110 = tpu.memref_squeeze %dma_wait3A_109 : memref<1x112xi32, #tpu.memory_space<vmem>> -> memref<112xi32, #tpu.memory_space<vmem>>
          %dma_wait3A_111 = arith.constant 0 : i32
          %dma_wait3A_112 = arith.constant 0 : i32
          %dma_wait3A_113 = tpu.memref_slice %arg11[%dma_wait3A_111, %dma_wait3A_112] : memref<10240x128xf32, #tpu.memory_space<vmem_shared>> -> memref<10240x128xf32, #tpu.memory_space<vmem_shared>>
          tpu.wait_indirect_dma semaphore(%run_scoped3A : memref<!tpu.dma_semaphore, #tpu.memory_space<semaphore_mem>>) src(%arg9 : memref<112x128xf32, #tpu.memory_space<vmem>>) dst(%dma_wait3A_113 : memref<10240x128xf32, #tpu.memory_space<vmem_shared>>)
          tpu.yield
        }) : () -> ()
        %add3A_84 = arith.constant 2 : i32
        %add3A_85 = arith.addi %mul3A_56, %add3A_84 : i32
        %dma_wait3A_86 = arith.constant 0 : i32
        %dma_wait3A_87 = tpu.memref_slice %arg6[%add3A_85, %dma_wait3A_86] : memref<15x112xi32, #tpu.memory_space<vmem>> -> memref<1x112xi32, #tpu.memory_space<vmem>>
        %dma_wait3A_88 = tpu.memref_squeeze %dma_wait3A_87 : memref<1x112xi32, #tpu.memory_space<vmem>> -> memref<112xi32, #tpu.memory_space<vmem>>
        %dma_wait3A_89 = arith.constant 0 : i32
        %dma_wait3A_90 = arith.constant 0 : i32
        %dma_wait3A_91 = tpu.memref_slice %arg4[%dma_wait3A_89, %dma_wait3A_90] : memref<10000x128xf32, #tpu.memory_space<hbm>> -> memref<10000x128xf32, #tpu.memory_space<hbm>>
        tpu.wait_indirect_dma semaphore(%arg14 : memref<!tpu.dma_semaphore, #tpu.memory_space<semaphore_mem>>) src(%dma_wait3A_91 : memref<10000x128xf32, #tpu.memory_space<hbm>>) dst(%arg10 : memref<112x128xf32, #tpu.memory_space<vmem>>)
        %add3A_92 = arith.constant 4 : i32
        %add3A_93 = arith.addi %mul3A_56, %add3A_92 : i32
        %lt3A_94 = arith.constant 15 : i32
        %lt3A_95 = arith.cmpi slt, %add3A_93, %lt3A_94 : i32
        %convert_element_type3A_96 = arith.extui %lt3A_95 : i1 to i32
        %cond3A_97 = arith.constant 0 : i32
        %cond3A_98 = arith.cmpi ne, %convert_element_type3A_96, %cond3A_97 : i32
        scf.if %cond3A_98 {
          %add3A_102 = arith.constant 4 : i32
          %add3A_103 = arith.addi %mul3A_56, %add3A_102 : i32
          %dma_start3A_104 = arith.constant 0 : i32
          %dma_start3A_105 = tpu.memref_slice %arg6[%add3A_103, %dma_start3A_104] : memref<15x112xi32, #tpu.memory_space<vmem>> -> memref<1x112xi32, #tpu.memory_space<vmem>>
          %dma_start3A_106 = tpu.memref_squeeze %dma_start3A_105 : memref<1x112xi32, #tpu.memory_space<vmem>> -> memref<112xi32, #tpu.memory_space<vmem>>
          %dma_start3A_107 = arith.constant 0 : i32
          %dma_start3A_108 = arith.constant 0 : i32
          %dma_start3A_109 = tpu.memref_slice %arg4[%dma_start3A_107, %dma_start3A_108] : memref<10000x128xf32, #tpu.memory_space<hbm>> -> memref<10000x128xf32, #tpu.memory_space<hbm>>
          tpu.enqueue_indirect_dma source(%dma_start3A_109 : memref<10000x128xf32, #tpu.memory_space<hbm>>) target(%arg9 : memref<112x128xf32, #tpu.memory_space<vmem>>) offsets(%dma_start3A_106 : memref<112xi32, #tpu.memory_space<vmem>>) semaphore(%arg13 : memref<!tpu.dma_semaphore, #tpu.memory_space<semaphore_mem>>)
        } else {
        }
        %add3A_99 = arith.constant 2 : i32
        %add3A_100 = arith.addi %mul3A_56, %add3A_99 : i32
        "tpu.region"() ({
          %run_scoped3A = tpu.sem_alloc : memref<!tpu.dma_semaphore, #tpu.memory_space<semaphore_mem>>
          %dma_start3A_102 = arith.constant 0 : i32
          %dma_start3A_103 = tpu.memref_slice %arg7[%add3A_100, %dma_start3A_102] : memref<15x112xi32, #tpu.memory_space<vmem>> -> memref<1x112xi32, #tpu.memory_space<vmem>>
          %dma_start3A_104 = tpu.memref_squeeze %dma_start3A_103 : memref<1x112xi32, #tpu.memory_space<vmem>> -> memref<112xi32, #tpu.memory_space<vmem>>
          %dma_start3A_105 = arith.constant 0 : i32
          %dma_start3A_106 = arith.constant 0 : i32
          %dma_start3A_107 = tpu.memref_slice %arg11[%dma_start3A_105, %dma_start3A_106] : memref<10240x128xf32, #tpu.memory_space<vmem_shared>> -> memref<10240x128xf32, #tpu.memory_space<vmem_shared>>
          tpu.enqueue_indirect_dma source(%arg10 : memref<112x128xf32, #tpu.memory_space<vmem>>) target(%dma_start3A_107 : memref<10240x128xf32, #tpu.memory_space<vmem_shared>>) offsets(%dma_start3A_104 : memref<112xi32, #tpu.memory_space<vmem>>) semaphore(%run_scoped3A : memref<!tpu.dma_semaphore, #tpu.memory_space<semaphore_mem>>) {add = true}
          %dma_wait3A_108 = arith.constant 0 : i32
          %dma_wait3A_109 = tpu.memref_slice %arg7[%add3A_100, %dma_wait3A_108] : memref<15x112xi32, #tpu.memory_space<vmem>> -> memref<1x112xi32, #tpu.memory_space<vmem>>
          %dma_wait3A_110 = tpu.memref_squeeze %dma_wait3A_109 : memref<1x112xi32, #tpu.memory_space<vmem>> -> memref<112xi32, #tpu.memory_space<vmem>>
          %dma_wait3A_111 = arith.constant 0 : i32
          %dma_wait3A_112 = arith.constant 0 : i32
          %dma_wait3A_113 = tpu.memref_slice %arg11[%dma_wait3A_111, %dma_wait3A_112] : memref<10240x128xf32, #tpu.memory_space<vmem_shared>> -> memref<10240x128xf32, #tpu.memory_space<vmem_shared>>
          tpu.wait_indirect_dma semaphore(%run_scoped3A : memref<!tpu.dma_semaphore, #tpu.memory_space<semaphore_mem>>) src(%arg10 : memref<112x128xf32, #tpu.memory_space<vmem>>) dst(%dma_wait3A_113 : memref<10240x128xf32, #tpu.memory_space<vmem_shared>>)
          tpu.yield
        }) : () -> ()
        %scan3A_101 = arith.constant 0 : i32
        scf.yield %scan3A_101 : i32
      }
      %scan3A_51 = arith.constant 5 : i32
      %scan3A_52 = arith.constant 0 : i32
      scf.yield %scan3A_52 : i32
    }
    %scan3A_20 = arith.constant 6 : i32
    %barrier3A_21 = arith.constant 0 : index
    tpu.barrier barrier_id(%barrier3A_21)
    %mul3A_22 = arith.constant 640 : i32
    %mul3A_23 = arith.muli %arg1, %mul3A_22 : i32
    %mul3A_24 = arith.constant 640 : i32
    %mul3A_25 = arith.muli %arg1, %mul3A_24 : i32
    "tpu.region"() ({
      %run_scoped3A = tpu.sem_alloc : memref<!tpu.dma_semaphore, #tpu.memory_space<semaphore_mem>>
      %dma_start3A = arith.constant 0 : i32
      %dma_start3A_26 = tpu.memref_slice %arg5[%arg0, %mul3A_25, %dma_start3A] : memref<2x10240x128xf32, #tpu.memory_space<hbm>> -> memref<1x640x128xf32, #tpu.memory_space<hbm>>
      %dma_start3A_27 = tpu.memref_squeeze %dma_start3A_26 : memref<1x640x128xf32, #tpu.memory_space<hbm>> -> memref<640x128xf32, #tpu.memory_space<hbm>>
      %dma_start3A_28 = arith.constant 0 : i32
      %dma_start3A_29 = tpu.memref_slice %arg11[%mul3A_23, %dma_start3A_28] : memref<10240x128xf32, #tpu.memory_space<vmem_shared>> -> memref<640x128xf32, #tpu.memory_space<vmem_shared>>
      tpu.enqueue_dma source(%dma_start3A_29 : memref<640x128xf32, #tpu.memory_space<vmem_shared>>) target(%dma_start3A_27 : memref<640x128xf32, #tpu.memory_space<hbm>>) target_semaphore(%run_scoped3A : memref<!tpu.dma_semaphore, #tpu.memory_space<semaphore_mem>>)
      %dma_wait3A = arith.constant 0 : i32
      %dma_wait3A_30 = tpu.memref_slice %arg5[%arg0, %mul3A_25, %dma_wait3A] : memref<2x10240x128xf32, #tpu.memory_space<hbm>> -> memref<1x640x128xf32, #tpu.memory_space<hbm>>
      %dma_wait3A_31 = tpu.memref_squeeze %dma_wait3A_30 : memref<1x640x128xf32, #tpu.memory_space<hbm>> -> memref<640x128xf32, #tpu.memory_space<hbm>>
      %dma_wait3A_32 = arith.constant 0 : i32
      %dma_wait3A_33 = tpu.memref_slice %arg11[%mul3A_23, %dma_wait3A_32] : memref<10240x128xf32, #tpu.memory_space<vmem_shared>> -> memref<640x128xf32, #tpu.memory_space<vmem_shared>>
      tpu.wait_dma2 semaphore(%run_scoped3A : memref<!tpu.dma_semaphore, #tpu.memory_space<semaphore_mem>>) src(%dma_wait3A_33 : memref<640x128xf32, #tpu.memory_space<vmem_shared>>) dst(%dma_wait3A_31 : memref<640x128xf32, #tpu.memory_space<hbm>>)
      tpu.yield
    }) : () -> ()
    return
  }
}

module attributes {stable_mosaic.version = 14 : i64} {
  func.func @body(%arg0: i32, %arg1: memref<1000x128xf32, #tpu.memory_space<vmem>>, %arg2: memref<128x128xf32, #tpu.memory_space<vmem>>, %arg3: memref<1000x2xf32, #tpu.memory_space<vmem>>, %arg4: memref<1000x128xf32, #tpu.memory_space<vmem>>) attributes {dimension_semantics = [#tpu.dimension_semantics<arbitrary>], iteration_bounds = array<i64: 10>, scalar_prefetch = 0 : i64, scratch_operands = 0 : i64, tpu.core_type = #tpu.core_type<tc>, window_params = [{transform_indices = @transform_0, window_bounds = array<i64: 1000, 128>}, {pipeline_mode = #tpu.pipeline_mode<synchronous>, transform_indices = @transform_1, window_bounds = array<i64: 128, 128>}, {transform_indices = @transform_2, window_bounds = array<i64: 1000, 2>}, {transform_indices = @transform_3, window_bounds = array<i64: 1000, 128>}]} {
    %get3A = arith.constant 0 : index
    %get3A_0 = arith.constant 0 : index
    %get3A_1 = vector.load %arg3[%get3A, %get3A_0] : memref<1000x2xf32, #tpu.memory_space<vmem>>, vector<1000x2xf32>
    %slice3A = vector.extract_strided_slice %get3A_1 {offsets = [0, 0], sizes = [1000, 1], strides = [1, 1]} : vector<1000x2xf32> to vector<1000x1xf32>
    %slice3A_2 = vector.extract_strided_slice %get3A_1 {offsets = [0, 1], sizes = [1000, 1], strides = [1, 1]} : vector<1000x2xf32> to vector<1000x1xf32>
    %add3A = arith.addf %slice3A, %slice3A_2 : vector<1000x1xf32>
    %gt3A = arith.constant 0.000000e+00 : f32
    %gt3A_3 = vector.broadcast %gt3A : f32 to vector<1000x1xf32>
    %gt3A_4 = arith.cmpf ogt, %add3A, %gt3A_3 : vector<1000x1xf32>
    %rsqrt3A = math.rsqrt %add3A : vector<1000x1xf32>
    %jit3A = arith.constant 0.000000e+00 : f32
    %broadcast_in_dim3A = vector.broadcast %jit3A : f32 to vector<1000x1xf32>
    %select_n3A = arith.select %gt3A_4, %rsqrt3A, %broadcast_in_dim3A : vector<1000x1xi1>, vector<1000x1xf32>
    %get3A_5 = arith.constant 0 : index
    %get3A_6 = arith.constant 0 : index
    %get3A_7 = vector.load %arg1[%get3A_5, %get3A_6] : memref<1000x128xf32, #tpu.memory_space<vmem>>, vector<1000x128xf32>
    %mul3A = vector.broadcast %select_n3A : vector<1000x1xf32> to vector<1000x128xf32>
    %mul3A_8 = arith.mulf %get3A_7, %mul3A : vector<1000x128xf32>
    %get3A_9 = arith.constant 0 : index
    %get3A_10 = arith.constant 0 : index
    %get3A_11 = vector.load %arg2[%get3A_9, %get3A_10] : memref<128x128xf32, #tpu.memory_space<vmem>>, vector<128x128xf32>
    %dot_general3A = arith.constant dense<0.000000e+00> : vector<1000x128xf32>
    %dot_general3A_12 = tpu.matmul %mul3A_8, %get3A_11, %dot_general3A {dimension_numbers = #tpu.dot_dimension_numbers<[1], [0], [0], [1], [0, 0, 1, 1], [], []>, transpose_lhs_hint = false} : vector<1000x128xf32>, vector<128x128xf32>, vector<1000x128xf32> -> vector<1000x128xf32>
    %swap3A = arith.constant 0 : index
    %swap3A_13 = arith.constant 0 : index
    %swap3A_14 = vector.load %arg4[%swap3A, %swap3A_13] : memref<1000x128xf32, #tpu.memory_space<vmem>>, vector<1000x128xf32>
    tpu.vector_store %arg4[%swap3A, %swap3A_13], %dot_general3A_12 {strides = array<i32>} : memref<1000x128xf32, #tpu.memory_space<vmem>>, vector<1000x128xf32>,
    return
  }
  func.func @transform_0(%arg0: i32) -> (i32, i32) {
    %c0_i32 = arith.constant 0 : i32
    %c0_i32_0 = arith.constant 0 : i32
    return %arg0, %c0_i32 : i32, i32
  }
  func.func @transform_1(%arg0: i32) -> (i32, i32) {
    %c0_i32 = arith.constant 0 : i32
    %c0_i32_0 = arith.constant 0 : i32
    %c0_i32_1 = arith.constant 0 : i32
    return %c0_i32, %c0_i32_0 : i32, i32
  }
  func.func @transform_2(%arg0: i32) -> (i32, i32) {
    %c0_i32 = arith.constant 0 : i32
    %c0_i32_0 = arith.constant 0 : i32
    return %arg0, %c0_i32 : i32, i32
  }
  func.func @transform_3(%arg0: i32) -> (i32, i32) {
    %c0_i32 = arith.constant 0 : i32
    %c0_i32_0 = arith.constant 0 : i32
    return %arg0, %c0_i32 : i32, i32
  }
}

module attributes {stable_mosaic.version = 14 : i64} {
  func.func @body(%arg0: i32, %arg1: memref<2x1000x128xf32, #tpu.memory_space<vmem>>, %arg2: memref<1000x2xf32, #tpu.memory_space<vmem>>, %arg3: memref<1x128xf32, #tpu.memory_space<vmem>>, %arg4: memref<128x128xf32, #tpu.memory_space<vmem>>, %arg5: memref<1000x128xf32, #tpu.memory_space<vmem>>) attributes {dimension_semantics = [#tpu.dimension_semantics<arbitrary>], iteration_bounds = array<i64: 10>, scalar_prefetch = 0 : i64, scratch_operands = 0 : i64, tpu.core_type = #tpu.core_type<tc>, window_params = [{transform_indices = @transform_0, window_bounds = array<i64: 2, 1000, 128>}, {transform_indices = @transform_1, window_bounds = array<i64: 1000, 2>}, {pipeline_mode = #tpu.pipeline_mode<synchronous>, transform_indices = @transform_2, window_bounds = array<i64: 1, 128>}, {pipeline_mode = #tpu.pipeline_mode<synchronous>, transform_indices = @transform_3, window_bounds = array<i64: 128, 128>}, {transform_indices = @transform_4, window_bounds = array<i64: 1000, 128>}]} {
    %get3A = arith.constant 0 : index
    %get3A_0 = arith.constant 0 : index
    %get3A_1 = vector.load %arg2[%get3A, %get3A_0] : memref<1000x2xf32, #tpu.memory_space<vmem>>, vector<1000x2xf32>
    %slice3A = vector.extract_strided_slice %get3A_1 {offsets = [0, 0], sizes = [1000, 1], strides = [1, 1]} : vector<1000x2xf32> to vector<1000x1xf32>
    %slice3A_2 = vector.extract_strided_slice %get3A_1 {offsets = [0, 1], sizes = [1000, 1], strides = [1, 1]} : vector<1000x2xf32> to vector<1000x1xf32>
    %add3A = arith.addf %slice3A, %slice3A_2 : vector<1000x1xf32>
    %gt3A = arith.constant 0.000000e+00 : f32
    %gt3A_3 = vector.broadcast %gt3A : f32 to vector<1000x1xf32>
    %gt3A_4 = arith.cmpf ogt, %add3A, %gt3A_3 : vector<1000x1xf32>
    %rsqrt3A = math.rsqrt %add3A : vector<1000x1xf32>
    %jit3A = arith.constant 0.000000e+00 : f32
    %broadcast_in_dim3A = vector.broadcast %jit3A : f32 to vector<1000x1xf32>
    %select_n3A = arith.select %gt3A_4, %rsqrt3A, %broadcast_in_dim3A : vector<1000x1xi1>, vector<1000x1xf32>
    %get3A_5 = arith.constant 0 : index
    %get3A_6 = arith.constant 0 : index
    %get3A_7 = arith.constant 0 : index
    %get3A_8 = vector.load %arg1[%get3A_5, %get3A_6, %get3A_7] : memref<2x1000x128xf32, #tpu.memory_space<vmem>>, vector<2x1000x128xf32>
    %slice3A_9 = vector.extract_strided_slice %get3A_8 {offsets = [0, 0, 0], sizes = [1, 1000, 128], strides = [1, 1, 1]} : vector<2x1000x128xf32> to vector<1x1000x128xf32>
    %squeeze3A = vector.shape_cast %slice3A_9 : vector<1x1000x128xf32> to vector<1000x128xf32>
    %slice3A_10 = vector.extract_strided_slice %get3A_8 {offsets = [1, 0, 0], sizes = [1, 1000, 128], strides = [1, 1, 1]} : vector<2x1000x128xf32> to vector<1x1000x128xf32>
    %squeeze3A_11 = vector.shape_cast %slice3A_10 : vector<1x1000x128xf32> to vector<1000x128xf32>
    %add3A_12 = arith.addf %squeeze3A, %squeeze3A_11 : vector<1000x128xf32>
    %mul3A = vector.broadcast %select_n3A : vector<1000x1xf32> to vector<1000x128xf32>
    %mul3A_13 = arith.mulf %add3A_12, %mul3A : vector<1000x128xf32>
    %get3A_14 = arith.constant 0 : index
    %get3A_15 = arith.constant 0 : index
    %get3A_16 = vector.load %arg3[%get3A_14, %get3A_15] : memref<1x128xf32, #tpu.memory_space<vmem>>, vector<1x128xf32>
    %add3A_17 = vector.broadcast %get3A_16 : vector<1x128xf32> to vector<1000x128xf32>
    %add3A_18 = arith.addf %mul3A_13, %add3A_17 : vector<1000x128xf32>
    %max3A = arith.constant 0.000000e+00 : f32
    %max3A_19 = vector.broadcast %max3A : f32 to vector<1000x128xf32>
    %max3A_20 = arith.maximumf %add3A_18, %max3A_19 : vector<1000x128xf32>
    %mul3A_21 = vector.broadcast %select_n3A : vector<1000x1xf32> to vector<1000x128xf32>
    %mul3A_22 = arith.mulf %max3A_20, %mul3A_21 : vector<1000x128xf32>
    %get3A_23 = arith.constant 0 : index
    %get3A_24 = arith.constant 0 : index
    %get3A_25 = vector.load %arg4[%get3A_23, %get3A_24] : memref<128x128xf32, #tpu.memory_space<vmem>>, vector<128x128xf32>
    %dot_general3A = arith.constant dense<0.000000e+00> : vector<1000x128xf32>
    %dot_general3A_26 = tpu.matmul %mul3A_22, %get3A_25, %dot_general3A {dimension_numbers = #tpu.dot_dimension_numbers<[1], [0], [0], [1], [0, 0, 1, 1], [], []>, transpose_lhs_hint = false} : vector<1000x128xf32>, vector<128x128xf32>, vector<1000x128xf32> -> vector<1000x128xf32>
    %swap3A = arith.constant 0 : index
    %swap3A_27 = arith.constant 0 : index
    %swap3A_28 = vector.load %arg5[%swap3A, %swap3A_27] : memref<1000x128xf32, #tpu.memory_space<vmem>>, vector<1000x128xf32>
    tpu.vector_store %arg5[%swap3A, %swap3A_27], %dot_general3A_26 {strides = array<i32>} : memref<1000x128xf32, #tpu.memory_space<vmem>>, vector<1000x128xf32>,
    return
  }
  func.func @transform_0(%arg0: i32) -> (i32, i32, i32) {
    %c0_i32 = arith.constant 0 : i32
    %c0_i32_0 = arith.constant 0 : i32
    %c0_i32_1 = arith.constant 0 : i32
    return %c0_i32, %arg0, %c0_i32_0 : i32, i32, i32
  }
  func.func @transform_1(%arg0: i32) -> (i32, i32) {
    %c0_i32 = arith.constant 0 : i32
    %c0_i32_0 = arith.constant 0 : i32
    return %arg0, %c0_i32 : i32, i32
  }
  func.func @transform_2(%arg0: i32) -> (i32, i32) {
    %c0_i32 = arith.constant 0 : i32
    %c0_i32_0 = arith.constant 0 : i32
    %c0_i32_1 = arith.constant 0 : i32
    return %c0_i32, %c0_i32_0 : i32, i32
  }
  func.func @transform_3(%arg0: i32) -> (i32, i32) {
    %c0_i32 = arith.constant 0 : i32
    %c0_i32_0 = arith.constant 0 : i32
    %c0_i32_1 = arith.constant 0 : i32
    return %c0_i32, %c0_i32_0 : i32, i32
  }
  func.func @transform_4(%arg0: i32) -> (i32, i32) {
    %c0_i32 = arith.constant 0 : i32
    %c0_i32_0 = arith.constant 0 : i32
    return %arg0, %c0_i32 : i32, i32
  }
}

module attributes {stable_mosaic.version = 14 : i64} {
  func.func @body(%arg0: i32, %arg1: memref<2x1000x128xf32, #tpu.memory_space<vmem>>, %arg2: memref<1000x2xf32, #tpu.memory_space<vmem>>, %arg3: memref<1x128xf32, #tpu.memory_space<vmem>>, %arg4: memref<128x48xf32, #tpu.memory_space<vmem>>, %arg5: memref<1000x48xf32, #tpu.memory_space<vmem>>) attributes {dimension_semantics = [#tpu.dimension_semantics<arbitrary>], iteration_bounds = array<i64: 10>, scalar_prefetch = 0 : i64, scratch_operands = 0 : i64, tpu.core_type = #tpu.core_type<tc>, window_params = [{transform_indices = @transform_0, window_bounds = array<i64: 2, 1000, 128>}, {transform_indices = @transform_1, window_bounds = array<i64: 1000, 2>}, {pipeline_mode = #tpu.pipeline_mode<synchronous>, transform_indices = @transform_2, window_bounds = array<i64: 1, 128>}, {pipeline_mode = #tpu.pipeline_mode<synchronous>, transform_indices = @transform_3, window_bounds = array<i64: 128, 48>}, {transform_indices = @transform_4, window_bounds = array<i64: 1000, 48>}]} {
    %get3A = arith.constant 0 : index
    %get3A_0 = arith.constant 0 : index
    %get3A_1 = vector.load %arg2[%get3A, %get3A_0] : memref<1000x2xf32, #tpu.memory_space<vmem>>, vector<1000x2xf32>
    %slice3A = vector.extract_strided_slice %get3A_1 {offsets = [0, 0], sizes = [1000, 1], strides = [1, 1]} : vector<1000x2xf32> to vector<1000x1xf32>
    %slice3A_2 = vector.extract_strided_slice %get3A_1 {offsets = [0, 1], sizes = [1000, 1], strides = [1, 1]} : vector<1000x2xf32> to vector<1000x1xf32>
    %add3A = arith.addf %slice3A, %slice3A_2 : vector<1000x1xf32>
    %gt3A = arith.constant 0.000000e+00 : f32
    %gt3A_3 = vector.broadcast %gt3A : f32 to vector<1000x1xf32>
    %gt3A_4 = arith.cmpf ogt, %add3A, %gt3A_3 : vector<1000x1xf32>
    %rsqrt3A = math.rsqrt %add3A : vector<1000x1xf32>
    %jit3A = arith.constant 0.000000e+00 : f32
    %broadcast_in_dim3A = vector.broadcast %jit3A : f32 to vector<1000x1xf32>
    %select_n3A = arith.select %gt3A_4, %rsqrt3A, %broadcast_in_dim3A : vector<1000x1xi1>, vector<1000x1xf32>
    %get3A_5 = arith.constant 0 : index
    %get3A_6 = arith.constant 0 : index
    %get3A_7 = arith.constant 0 : index
    %get3A_8 = vector.load %arg1[%get3A_5, %get3A_6, %get3A_7] : memref<2x1000x128xf32, #tpu.memory_space<vmem>>, vector<2x1000x128xf32>
    %slice3A_9 = vector.extract_strided_slice %get3A_8 {offsets = [0, 0, 0], sizes = [1, 1000, 128], strides = [1, 1, 1]} : vector<2x1000x128xf32> to vector<1x1000x128xf32>
    %squeeze3A = vector.shape_cast %slice3A_9 : vector<1x1000x128xf32> to vector<1000x128xf32>
    %slice3A_10 = vector.extract_strided_slice %get3A_8 {offsets = [1, 0, 0], sizes = [1, 1000, 128], strides = [1, 1, 1]} : vector<2x1000x128xf32> to vector<1x1000x128xf32>
    %squeeze3A_11 = vector.shape_cast %slice3A_10 : vector<1x1000x128xf32> to vector<1000x128xf32>
    %add3A_12 = arith.addf %squeeze3A, %squeeze3A_11 : vector<1000x128xf32>
    %mul3A = vector.broadcast %select_n3A : vector<1000x1xf32> to vector<1000x128xf32>
    %mul3A_13 = arith.mulf %add3A_12, %mul3A : vector<1000x128xf32>
    %get3A_14 = arith.constant 0 : index
    %get3A_15 = arith.constant 0 : index
    %get3A_16 = vector.load %arg3[%get3A_14, %get3A_15] : memref<1x128xf32, #tpu.memory_space<vmem>>, vector<1x128xf32>
    %add3A_17 = vector.broadcast %get3A_16 : vector<1x128xf32> to vector<1000x128xf32>
    %add3A_18 = arith.addf %mul3A_13, %add3A_17 : vector<1000x128xf32>
    %max3A = arith.constant 0.000000e+00 : f32
    %max3A_19 = vector.broadcast %max3A : f32 to vector<1000x128xf32>
    %max3A_20 = arith.maximumf %add3A_18, %max3A_19 : vector<1000x128xf32>
    %mul3A_21 = vector.broadcast %select_n3A : vector<1000x1xf32> to vector<1000x128xf32>
    %mul3A_22 = arith.mulf %max3A_20, %mul3A_21 : vector<1000x128xf32>
    %get3A_23 = arith.constant 0 : index
    %get3A_24 = arith.constant 0 : index
    %get3A_25 = vector.load %arg4[%get3A_23, %get3A_24] : memref<128x48xf32, #tpu.memory_space<vmem>>, vector<128x48xf32>
    %dot_general3A = arith.constant dense<0.000000e+00> : vector<1000x48xf32>
    %dot_general3A_26 = tpu.matmul %mul3A_22, %get3A_25, %dot_general3A {dimension_numbers = #tpu.dot_dimension_numbers<[1], [0], [0], [1], [0, 0, 1, 1], [], []>, transpose_lhs_hint = false} : vector<1000x128xf32>, vector<128x48xf32>, vector<1000x48xf32> -> vector<1000x48xf32>
    %swap3A = arith.constant 0 : index
    %swap3A_27 = arith.constant 0 : index
    %swap3A_28 = vector.load %arg5[%swap3A, %swap3A_27] : memref<1000x48xf32, #tpu.memory_space<vmem>>, vector<1000x48xf32>
    tpu.vector_store %arg5[%swap3A, %swap3A_27], %dot_general3A_26 {strides = array<i32>} : memref<1000x48xf32, #tpu.memory_space<vmem>>, vector<1000x48xf32>,
    return
  }
  func.func @transform_0(%arg0: i32) -> (i32, i32, i32) {
    %c0_i32 = arith.constant 0 : i32
    %c0_i32_0 = arith.constant 0 : i32
    %c0_i32_1 = arith.constant 0 : i32
    return %c0_i32, %arg0, %c0_i32_0 : i32, i32, i32
  }
  func.func @transform_1(%arg0: i32) -> (i32, i32) {
    %c0_i32 = arith.constant 0 : i32
    %c0_i32_0 = arith.constant 0 : i32
    return %arg0, %c0_i32 : i32, i32
  }
  func.func @transform_2(%arg0: i32) -> (i32, i32) {
    %c0_i32 = arith.constant 0 : i32
    %c0_i32_0 = arith.constant 0 : i32
    %c0_i32_1 = arith.constant 0 : i32
    return %c0_i32, %c0_i32_0 : i32, i32
  }
  func.func @transform_3(%arg0: i32) -> (i32, i32) {
    %c0_i32 = arith.constant 0 : i32
    %c0_i32_0 = arith.constant 0 : i32
    %c0_i32_1 = arith.constant 0 : i32
    return %c0_i32, %c0_i32_0 : i32, i32
  }
  func.func @transform_4(%arg0: i32) -> (i32, i32) {
    %c0_i32 = arith.constant 0 : i32
    %c0_i32_0 = arith.constant 0 : i32
    return %arg0, %c0_i32 : i32, i32
  }
}

module attributes {stable_mosaic.version = 14 : i64} {
  func.func @body(%arg0: i32, %arg1: memref<2x1000x48xf32, #tpu.memory_space<vmem>>, %arg2: memref<1000x2xf32, #tpu.memory_space<vmem>>, %arg3: memref<1x48xf32, #tpu.memory_space<vmem>>, %arg4: memref<1000x48xf32, #tpu.memory_space<vmem>>) attributes {dimension_semantics = [#tpu.dimension_semantics<arbitrary>], iteration_bounds = array<i64: 10>, scalar_prefetch = 0 : i64, scratch_operands = 0 : i64, tpu.core_type = #tpu.core_type<tc>, window_params = [{transform_indices = @transform_0, window_bounds = array<i64: 2, 1000, 48>}, {transform_indices = @transform_1, window_bounds = array<i64: 1000, 2>}, {pipeline_mode = #tpu.pipeline_mode<synchronous>, transform_indices = @transform_2, window_bounds = array<i64: 1, 48>}, {transform_indices = @transform_3, window_bounds = array<i64: 1000, 48>}]} {
    %get3A = arith.constant 0 : index
    %get3A_0 = arith.constant 0 : index
    %get3A_1 = vector.load %arg2[%get3A, %get3A_0] : memref<1000x2xf32, #tpu.memory_space<vmem>>, vector<1000x2xf32>
    %slice3A = vector.extract_strided_slice %get3A_1 {offsets = [0, 0], sizes = [1000, 1], strides = [1, 1]} : vector<1000x2xf32> to vector<1000x1xf32>
    %slice3A_2 = vector.extract_strided_slice %get3A_1 {offsets = [0, 1], sizes = [1000, 1], strides = [1, 1]} : vector<1000x2xf32> to vector<1000x1xf32>
    %add3A = arith.addf %slice3A, %slice3A_2 : vector<1000x1xf32>
    %gt3A = arith.constant 0.000000e+00 : f32
    %gt3A_3 = vector.broadcast %gt3A : f32 to vector<1000x1xf32>
    %gt3A_4 = arith.cmpf ogt, %add3A, %gt3A_3 : vector<1000x1xf32>
    %rsqrt3A = math.rsqrt %add3A : vector<1000x1xf32>
    %jit3A = arith.constant 0.000000e+00 : f32
    %broadcast_in_dim3A = vector.broadcast %jit3A : f32 to vector<1000x1xf32>
    %select_n3A = arith.select %gt3A_4, %rsqrt3A, %broadcast_in_dim3A : vector<1000x1xi1>, vector<1000x1xf32>
    %get3A_5 = arith.constant 0 : index
    %get3A_6 = arith.constant 0 : index
    %get3A_7 = arith.constant 0 : index
    %get3A_8 = vector.load %arg1[%get3A_5, %get3A_6, %get3A_7] : memref<2x1000x48xf32, #tpu.memory_space<vmem>>, vector<2x1000x48xf32>
    %slice3A_9 = vector.extract_strided_slice %get3A_8 {offsets = [0, 0, 0], sizes = [1, 1000, 48], strides = [1, 1, 1]} : vector<2x1000x48xf32> to vector<1x1000x48xf32>
    %squeeze3A = vector.shape_cast %slice3A_9 : vector<1x1000x48xf32> to vector<1000x48xf32>
    %slice3A_10 = vector.extract_strided_slice %get3A_8 {offsets = [1, 0, 0], sizes = [1, 1000, 48], strides = [1, 1, 1]} : vector<2x1000x48xf32> to vector<1x1000x48xf32>
    %squeeze3A_11 = vector.shape_cast %slice3A_10 : vector<1x1000x48xf32> to vector<1000x48xf32>
    %add3A_12 = arith.addf %squeeze3A, %squeeze3A_11 : vector<1000x48xf32>
    %mul3A = vector.broadcast %select_n3A : vector<1000x1xf32> to vector<1000x48xf32>
    %mul3A_13 = arith.mulf %add3A_12, %mul3A : vector<1000x48xf32>
    %get3A_14 = arith.constant 0 : index
    %get3A_15 = arith.constant 0 : index
    %get3A_16 = vector.load %arg3[%get3A_14, %get3A_15] : memref<1x48xf32, #tpu.memory_space<vmem>>, vector<1x48xf32>
    %add3A_17 = vector.broadcast %get3A_16 : vector<1x48xf32> to vector<1000x48xf32>
    %add3A_18 = arith.addf %mul3A_13, %add3A_17 : vector<1000x48xf32>
    %tanh3A = math.tanh %add3A_18 : vector<1000x48xf32>
    %swap3A = arith.constant 0 : index
    %swap3A_19 = arith.constant 0 : index
    %swap3A_20 = vector.load %arg4[%swap3A, %swap3A_19] : memref<1000x48xf32, #tpu.memory_space<vmem>>, vector<1000x48xf32>
    tpu.vector_store %arg4[%swap3A, %swap3A_19], %tanh3A {strides = array<i32>} : memref<1000x48xf32, #tpu.memory_space<vmem>>, vector<1000x48xf32>,
    return
  }
  func.func @transform_0(%arg0: i32) -> (i32, i32, i32) {
    %c0_i32 = arith.constant 0 : i32
    %c0_i32_0 = arith.constant 0 : i32
    %c0_i32_1 = arith.constant 0 : i32
    return %c0_i32, %arg0, %c0_i32_0 : i32, i32, i32
  }
  func.func @transform_1(%arg0: i32) -> (i32, i32) {
    %c0_i32 = arith.constant 0 : i32
    %c0_i32_0 = arith.constant 0 : i32
    return %arg0, %c0_i32 : i32, i32
  }
  func.func @transform_2(%arg0: i32) -> (i32, i32) {
    %c0_i32 = arith.constant 0 : i32
    %c0_i32_0 = arith.constant 0 : i32
    %c0_i32_1 = arith.constant 0 : i32
    return %c0_i32, %c0_i32_0 : i32, i32
  }
  func.func @transform_3(%arg0: i32) -> (i32, i32) {
    %c0_i32 = arith.constant 0 : i32
    %c0_i32_0 = arith.constant 0 : i32
    return %arg0, %c0_i32 : i32, i32
  }
}

</mosaic_0001>

<sc_bundles>
// kernel: kernel.10.cloned.1.call-start
scs
__scs_entry_jumppad:
0x0: {  	(pc) =	sbr.rel $0x88, $3  }
0x1: {  	(tag) =	ssettag $0x0;
	lr =	simm.s32 $0x1  }
0x2: {  	[smem:$0x3F99] =	sst lr;
	_ =	strace $0xD0000000  }
0x3: {  	_ = 	snop  }
0x4: {  	_ = 	snop  }
0x5: {  	_ = 	snop  }
0x6: {  	_ = 	snop  }
0x7: {  	_ = 	snop  }
__scs_overlays_trampoline_lowered:
0x8: {  	[smem:$0x3FA8] =	sst s0  }
0x9: {  	[smem:$0x3FA9] =	sst s1  }
0xa: {  	[smem:$0x3FAA] =	sst s2  }
0xb: {  	[smem:$0x3FAB] =	sst s3  }
0xc: {  	[smem:$0x3FAC] =	sst s4  }
0xd: {  	[smem:$0x3FAD] =	sst s5  }
0xe: {  	[smem:$0x3FAE] =	sst s6  }
0xf: {  	[smem:$0x3FAF] =	sst s7  }
0x10: {  	[smem:$0x3FB0] =	sst s8  }
0x11: {  	[smem:$0x3FB1] =	sst s9;
	s0 =	simm.s32 @!p0 $0x0  }
0x12: {  	s1 =	sld [smem:$0x3F97];
	s0 =	simm.s32 @p0 $0x1  }
0x13: {  	[smem:$0x3FB2] =	sst s0;
	s0 =	simm.s32 @!p1 $0x0  }
0x14: {  	s2 =	sld [smem:$0x3F96];
	s0 =	simm.s32 @p1 $0x1  }
0x15: {  	[smem:$0x3FB3] =	sst s0;
	s0 =	simm.s32 @!p2 $0x0  }
0x16: {  	s3 =	sld [smem:$0x3FDB];
	s0 =	simm.s32 @p2 $0x1  }
0x17: {  	s4 =	simm.s32 $0x1BF5;
	[smem:$0x3FB5] =	sst s0  }
0x18: {  	s0 =	sld [smem:$0x3F98];
	_ =	swait.ge [sflag:s4], $0x0  }
0x19: {  	s7 =	sld [smem:$0x3F99]  }
0x1a: {  	s8 =	sadd.s32 $0xFFFFE003, lr  }
0x1b: {  	s9 =	sadd.s32 $0xFFFFFEF7, lr;
	s5 =	simm.s32 $0xFFFFFFFF;
	p2 =	slt.u32 s8, $0xFFFFF086  }
0x1c: {  	p1 =	slt.u32 s9, $0xF7A;
	s5 =	simm.s32 @!p2 $0x0  }
0x1d: {  	s5 =	simm.s32 @p1 $0x1;
	p0 =	seq.s32 s7, s2  }
0x1e: {  	s7 =	smul.u32 @!p0 $0xF7A, s2;
	p2 =	seq.s32 @!p0 s5, $0x0  }
0x1f: {  	s9 =	smul.u32 $0xF7A, s1;
	s8 =	simm.s32 @!p0 $0x1BF5;
	p2 =	por !p2, p0  }
0x20: {  	[sflag:s8] =	ssyncset.s32 @!p0 $0xFFFFF086;
	s6 =	sadd.s32 @!p0 s3, s7;
	s7 =	simm.s32 @!p0 $0x108  }
0x21: {  	s3 =	sadd.s32 s3, s9;
	s6 =	sadd.s32 @!p0 $0x88, s6;
	s7 =	simm.s32 @p2 $0x1082  }
0x22: {  	[simem:s7], [sflag:s8] =	dma.local @!p0 [hbm:s6], $0xF7A  }
0x23: {  	s9 =	sor.u32 $0xD0000000, s2;
	s6 =	simm.s32 $0x108;
	_ =	swait.ge @!p0 [sflag:s8], $0x0  }
0x24: {  	s3 =	sadd.s32 $0x88, s3;
	s6 =	simm.s32 @!p1 $0x1082;
	[sflag:s4] =	ssyncset.s32 $0xFFFFF086  }
0x25: {  	[simem:s6], [sflag:s4] =	dma.local [hbm:s3], $0xF7A  }
0x26: {  	[smem:$0x3F99] =	sst s1;
	(tag) =	ssettag s2;
	_ =	strace s9  }
0x27: {  	s1 =	sld [smem:$0x3FA9]  }
0x28: {  	s2 =	sld [smem:$0x3FAA]  }
0x29: {  	s4 =	sld [smem:$0x3FAC]  }
0x2a: {  	p0 =	seq.s32 s5, $0x0;
	s5 =	sld [smem:$0x3FAD]  }
0x2b: {  	s6 =	sld [smem:$0x3FAE]  }
0x2c: {  	s7 =	sld [smem:$0x3FAF]  }
0x2d: {  	s3 =	simm.s32 $0x108;
	s8 =	sld [smem:$0x3FB0]  }
0x2e: {  	s3 =	simm.s32 @!p0 $0x1082;
	s9 =	sld [smem:$0x3FB1]  }
0x2f: {  	lr =	sadd.s32 s0, s3;
	s0 =	sld [smem:$0x3FA8]  }
0x30: {  	s3 =	sld [smem:$0x3FAB]  }
0x31: {  	[smem:$0x3FB4] =	sst s10  }
0x32: {  	s10 =	sld [smem:$0x3FB2];
	_ =	sdelay $0x3  }
0x33: {  	p0 =	seq.s32 s10, $0x1;
	s10 =	sld [smem:$0x3FB4];
	_ =	sdelay $0x3  }
0x34: {  	[smem:$0x3FB4] =	sst s10  }
0x35: {  	s10 =	sld [smem:$0x3FB3];
	_ =	sdelay $0x3  }
0x36: {  	p1 =	seq.s32 s10, $0x1;
	s10 =	sld [smem:$0x3FB4];
	_ =	sdelay $0x3  }
0x37: {  	[smem:$0x3FB4] =	sst s10  }
0x38: {  	s10 =	sld [smem:$0x3FB5]  }
0x39: {  	_ = 	snop;
	(pc) =	sbr.ind lr, $3  }
0x3a: {  	_ = 	snop  }
0x3b: {  	_ = 	snop  }
0x3c: {  	p2 =	seq.s32 s10, $0x1;
	s10 =	sld [smem:$0x3FB4]  }
0x3d: {  	_ =	shalt  }
0x3e: {  	_ =	shalt  }
0x3f: {  	_ =	shalt  }
0x40: {  	_ =	shalt  }
0x41: {  	_ =	shalt  }
0x42: {  	_ =	shalt  }
0x43: {  	_ =	shalt  }
0x44: {  	_ =	shalt  }
0x45: {  	_ =	shalt  }
0x46: {  	_ =	shalt  }
0x47: {  	_ =	shalt  }
0x48: {  	_ =	shalt  }
0x49: {  	_ =	shalt  }
0x4a: {  	_ =	shalt  }
0x4b: {  	_ =	shalt  }
0x4c: {  	_ =	shalt  }
0x4d: {  	_ =	shalt  }
0x4e: {  	_ =	shalt  }
0x4f: {  	_ =	shalt  }
0x50: {  	_ =	shalt  }
0x51: {  	_ =	shalt  }
0x52: {  	_ =	shalt  }
0x53: {  	_ =	shalt  }
0x54: {  	_ =	shalt  }
0x55: {  	_ =	shalt  }
0x56: {  	_ =	shalt  }
0x57: {  	_ =	shalt  }
0x58: {  	_ =	shalt  }
0x59: {  	_ =	shalt  }
0x5a: {  	_ =	shalt  }
0x5b: {  	_ =	shalt  }
0x5c: {  	_ =	shalt  }
0x5d: {  	_ =	shalt  }
0x5e: {  	_ =	shalt  }
0x5f: {  	_ =	shalt  }
0x60: {  	_ =	shalt  }
0x61: {  	_ =	shalt  }
0x62: {  	_ =	shalt  }
0x63: {  	_ =	shalt  }
0x64: {  	_ =	shalt  }
0x65: {  	_ =	shalt  }
0x66: {  	_ =	shalt  }
0x67: {  	_ =	shalt  }
0x68: {  	_ =	shalt  }
0x69: {  	_ =	shalt  }
0x6a: {  	_ =	shalt  }
0x6b: {  	_ =	shalt  }
0x6c: {  	_ =	shalt  }
0x6d: {  	_ =	shalt  }
0x6e: {  	_ =	shalt  }
0x6f: {  	_ =	shalt  }
0x70: {  	_ =	shalt  }
0x71: {  	_ =	shalt  }
0x72: {  	_ =	shalt  }
0x73: {  	_ =	shalt  }
0x74: {  	_ =	shalt  }
0x75: {  	_ =	shalt  }
0x76: {  	_ =	shalt  }
0x77: {  	_ =	shalt  }
0x78: {  	_ =	shalt  }
0x79: {  	_ =	shalt  }
0x7a: {  	_ =	shalt  }
0x7b: {  	_ =	shalt  }
0x7c: {  	_ =	shalt  }
0x7d: {  	_ =	shalt  }
0x7e: {  	_ =	shalt  }
0x7f: {  	_ =	shalt  }
0x80: {  	_ =	shalt  }
0x81: {  	_ =	shalt  }
0x82: {  	_ =	shalt  }
0x83: {  	_ =	shalt  }
0x84: {  	_ =	shalt  }
0x85: {  	_ =	shalt  }
0x86: {  	_ =	shalt  }
0x87: {  	_ =	shalt  }
.Lfunc_end0:
.L_simem_size_0:
called_computation_lowered:
.L_overlay_start_0:
0x88: {  	s2 =	sld [smem:$0x3FD9]  }
0x89: {  	s3 =	sld [smem:$0x3FFE];
	_ =	sdelay $0x1  }
0x8a: {  	s1 =	srdreg.scid  }
0x8b: {  	s0 =	sand.u32 $0x1, s1  }
0x8c: {  	s17 =	sshll.u32 s0, $0xA;
	s2 =	sadd.s32 s3, s2  }
0x8d: {  	s2 =	sadd.s32 s2, s17  }
0x8e: {  	[smem:$0x3FC0] =	sst s2  }
0x8f: {  	_ = 	snop  }
0x90: {  	s2 =	sld [smem:$0x3FD0];
	(tm) =	ssettm $0x1  }
0x91: {  	s18 =	sld [smem:$0x3FFB];
	_ =	sdelay $0x3  }
0x92: {  	_ =	strace s18  }
0x93: {  	s3 =	sld [smem:$0x3FFC];
	_ =	sdelay $0x3  }
0x94: {  	_ =	strace s3  }
0x95: {  	s3 =	sld [smem:$0x3FFD];
	_ =	sdelay $0x3  }
0x96: {  	_ =	strace s3  }
0x97: {  	_ =	strace $0x8FFFFFFF  }
0x98: {  	s19 =	sld [smem:$0x3FDB];
	_ =	sdelay $0x1  }
0x99: {  	s4 =	simm.s32 $_scs_section_size  }
0x9a: {  	s5 =	simm.s32 $_size__tile_overlayer_lowered;
	s6 =	simm.s32 $_tile_overlayer_lowered  }
0x9b: {  	s22 =	simm.s32 $0x1BFF;
	s21 =	sshll.u32 s6, $0x1;
	s3 =	sadd.s32 s4, s19  }
0x9c: {  	s7 =	simm.s32 $0x0;
	s20 =	sshll.u32 s5, $0x1;
	s5 =	sadd.s32 s21, s3  }
0x9d: {  	[timem:s7], [sflag:s22] =	dma.local [hbm:s5], s20  }
0x9e: {  	_ =	swait.ge [sflag:s22], s20  }
0x9f: {  	s4 =	ssub.s32 $0x0, s20;
	[sflag:s22] =	ssyncset.done $0x0  }
0xa0: {  	[sflag:s22] =	ssyncadd.s32 s4;
	_ =	sdelay $0x1  }
0xa1: {  	s23 =	simm.s32 $0x1B8B  }
0xa2: {  	_ =	swait.ge [sflag:s23], $0x1  }
0xa3: {  	[sflag:s23] =	ssyncset.done $0x0  }
0xa4: {  	s25 =	simm.s32 $0x1B8E;
	s24 =	sld [smem:$0x3FFE];
	[sflag:s23] =	ssyncadd.s32 $0xFFFFFFFF  }
0xa5: {  	s26 =	simm.s32 $execute0_lowered;
	[smem:$0x3FD2] =	sst s25  }
0xa6: {  	s5 =	sshll.u32 s26, $0x1;
	_ =	strace $0x80000046;
	[dreg:$0x1] =	wrdreg $0xFFFFFFFF  }
0xa7: {  	s28 =	simm.s32 $_size_execute0_lowered;
	s3 =	sadd.s32 s3, s5;
	[dreg:$0x0] =	wrdreg $0x0  }
0xa8: {  	s5 =	sshll.u32 s28, $0x1;
	[dreg:$0x2] =	wrdreg s3  }
0xa9: {  	[dreg:$0x3] =	wrdreg s5  }
0xaa: {  	[dreg:$0x4] =	wrdreg $0xC0  }
0xab: {  	_ =	task [dreg:s7], $0x5FFFF  }
0xac: {  	[dreg:$0x1] =	wrdreg $0xFFFFFFFF  }
0xad: {  	[dreg:$0x0] =	wrdreg $0x60  }
0xae: {  	[dreg:$0x2] =	wrdreg s24  }
0xaf: {  	[dreg:$0x3] =	wrdreg s2  }
0xb0: {  	[dreg:$0x4] =	wrdreg $0x32600  }
0xb1: {  	[dreg:$0x5] =	wrdreg $0x9  }
0xb2: {  	_ =	task.clear_ibuf [dreg:s7], $0x6FFFF;
	_ =	strace $0x90000046  }
0xb3: {  	s29 =	simm.s32 $0x9;
	_ =	strace $0x80000048  }
0xb4: {  	_ =	swait.ge [sflag:s29], $0x1  }
0xb5: {  	[sflag:s29] =	ssyncadd.s32 $0xFFFFFFFF  }
0xb6: {  	_ =	strace $0x90000048  }
0xb7: {  	_ =	sfence  }
0xb8: {  	s30 =	sld [smem:$0x0];
	_ =	sdelay $0x2  }
0xb9: {  	s31 =	sshll.u32 s1, $0xD;
	s1 =	sshrl.u32 s1, $0x2  }
0xba: {  	s3 =	sand.u32 $0x4000, s31;
	s1 =	sadd.s32 s1, s30  }
0xbb: {  	s0 =	sor.u32 s3, s0;
	s1 =	sshll.u32 s1, $0x11  }
0xbc: {  	s0 =	sor.u32 s1, s0  }
0xbd: {  	s0 =	sadd.s32 $0x8F2B, s0  }
0xbe: {  	[sflag:s0] =	ssyncadd.remote.s32 $0x1  }
0xbf: {  	_ =	sfence.sel $0xFFFF  }
0xc0: {  	[dreg:$0x0] =	wrdreg $0xFFFFFFFF;
	(pc) =	sbr.abs _section_cstart, $3  }
0xc1: {  	[dreg:$0x1] =	wrdreg $0xFFFFFFFF  }
0xc2: {  	_ =	task.clear_ibuf [dreg:s7], $0x2FFFF;
	_ =	strace $0x9FFFFFFF  }
0xc3: {  	(tm) =	ssettm $0x7FFFFFFF  }
tec
execute0_lowered:
.L_overlay_start_1:
0x0: {  	(tag) =	ssettag $0x1  }
0x1: {  	s5 =	rddreg [dreg:$0x0]  }
0x2: {  	s0 =	srdreg.scid;
	s6 =	rddreg [dreg:$0x1]  }
0x3: {  	s2 =	rddreg [dreg:$0x2];
	s3 =	simm.s32 $0x0;
	s17 =	simm.s32 $0x2E60  }
0x4: {  	s18 =	simm.s32 $0x1;
	s4 =	sand.u32 $0x1, s0;
	s0 =	stileid.u32  }
0x5: {  	s19 =	simm.s32 $0x70;
	s20 =	simm.s32 $0x2760;
	s8 =	smul.u32 $0xA000, s0  }
0x6: {  	[smem:$0x7FF] =	sst s3;
	s1 =	sshll.u32 s4, $0x4;
	s9 =	smul.u32 $0x28000, s4  }
0x7: {  	s10 =	smul.u32 $0x2800, s0;
	s4 =	ssub.s32 $0x2, s4;
	s1 =	sor.u32 s0, s1  }
0x8: {  	s30 =	sshrl.u32 s4, $0x1;
	s7 =	smul.u32 $0x4EC, s1;
	s1 =	rddreg [dreg:$0x3]  }
0x9: {  	_ =	strace $0x80000047;
	s9 =	sadd.s32 s10, s9;
	s21 =	sadd.s32 s10, s2  }
0xa: {  	s8 =	sshrl.u32 s8, $0x2;
	s31 =	sshrl.u32 s9, $0x3;
	s21 =	sshrl.u32 s21, $0x3  }
0xb: {  	s5 =	sadd.s32 s7, s5;
	s7 =	ssub.s32 s4, s30;
	s4 =	sadd.s32 s8, s2  }
0xc: {  	s6 =	sadd.s32 s6, s31;
	s5 =	sadd.s32 $0xC400, s5;
	s7 =	smax.u32 s7, $0x1  }
0xd: {  	s8 =	sadd.s32 $0x400, s4;
	s9 =	sadd.s32 $0x800, s4;
	s10 =	sadd.s32 $0xC00, s4  }
0xe: {  	s11 =	sadd.s32 $0x1000, s4;
	s12 =	sadd.s32 $0x1400, s4;
	s13 =	sadd.s32 $0x1800, s4  }
0xf: {  	v0 =	vimm.f32 $1.000000000e+00;
	v1 =	vimm.f32 $0.0e+00;
	s14 =	sadd.s32 $0x1C00, s4;
	s15 =	sadd.s32 $0x2000, s4;
	s16 =	sadd.s32 $0x2400, s4  }
.LBB2_1:
0x10: {  	s22 =	simm.s32 $0x0  }
.LBB2_2:
0x11: {  	p0 =	sne.s32 s22, $0x1BC0  }
.Ltmp0:
0x12: {  	_ = 	snop;
	(pc) =	sbr.rel @p0 .LBB2_2-.Ltmp0, $3  }
0x13: {  	_ =	sdelay $0x1  }
0x14: {  	s23 =	sshra.s32 s22, $0x2  }
0x15: {  	s22 =	sadd.s32 $0x40, s22;
	[tilespmem:s23+$0x2760] =	vst v0  }
0x16: {  	s22 =	simm.s32 $0x40;
	s23 =	simm.s32 $0x0  }
.LBB2_4:
0x17: {  	p0 =	sne.s32 s22, $0xFC0;
	[tilespmem:s23+$0x2E60] =	vst v1;
	s23 =	smov.u32 s22;
	s22 =	sadd.s32 $0x40, s22  }
.Ltmp1:
0x18: {  	(pc) =	sbr.rel @p0 .LBB2_4-.Ltmp1, $2  }
0x19: {  	_ =	sdelay $0x2  }
0x1a: {  	s23 =	sshra.s32 s23, $0x2  }
0x1b: {  	[tilespmem:s23+$0x2E60] =	vst v1  }
0x1c: {  	[spmem:s4] =	stream.linear.scatter [tilespmem:s17], [sflag:$0x1], $0x400, $0x38;
	[tilespmem:$0x5A60] =	vst v63  }
0x1d: {  	_ =	swait.ge [sflag:s18], $0x400  }
0x1e: {  	[sflag:s18] =	ssyncset.done $0x0  }
0x1f: {  	[sflag:s18] =	ssyncadd.s32 $0xFFFFFC00  }
0x20: {  	[spmem:s8] =	stream.linear.scatter [tilespmem:s17], [sflag:$0x1], $0x400, $0x38;
	[tilespmem:$0x5A60] =	vst v63  }
0x21: {  	_ =	swait.ge [sflag:s18], $0x400  }
0x22: {  	[sflag:s18] =	ssyncset.done $0x0  }
0x23: {  	[sflag:s18] =	ssyncadd.s32 $0xFFFFFC00  }
0x24: {  	[spmem:s9] =	stream.linear.scatter [tilespmem:s17], [sflag:$0x1], $0x400, $0x38;
	[tilespmem:$0x5A60] =	vst v63  }
0x25: {  	_ =	swait.ge [sflag:s18], $0x400  }
0x26: {  	[sflag:s18] =	ssyncset.done $0x0  }
0x27: {  	[sflag:s18] =	ssyncadd.s32 $0xFFFFFC00  }
0x28: {  	[spmem:s10] =	stream.linear.scatter [tilespmem:s17], [sflag:$0x1], $0x400, $0x38;
	[tilespmem:$0x5A60] =	vst v63  }
0x29: {  	_ =	swait.ge [sflag:s18], $0x400  }
0x2a: {  	[sflag:s18] =	ssyncset.done $0x0  }
0x2b: {  	[sflag:s18] =	ssyncadd.s32 $0xFFFFFC00  }
0x2c: {  	[spmem:s11] =	stream.linear.scatter [tilespmem:s17], [sflag:$0x1], $0x400, $0x38;
	[tilespmem:$0x5A60] =	vst v63  }
0x2d: {  	_ =	swait.ge [sflag:s18], $0x400  }
0x2e: {  	[sflag:s18] =	ssyncset.done $0x0  }
0x2f: {  	[sflag:s18] =	ssyncadd.s32 $0xFFFFFC00  }
0x30: {  	[spmem:s12] =	stream.linear.scatter [tilespmem:s17], [sflag:$0x1], $0x400, $0x38;
	[tilespmem:$0x5A60] =	vst v63  }
0x31: {  	_ =	swait.ge [sflag:s18], $0x400  }
0x32: {  	[sflag:s18] =	ssyncset.done $0x0  }
0x33: {  	[sflag:s18] =	ssyncadd.s32 $0xFFFFFC00  }
0x34: {  	[spmem:s13] =	stream.linear.scatter [tilespmem:s17], [sflag:$0x1], $0x400, $0x38;
	[tilespmem:$0x5A60] =	vst v63  }
0x35: {  	_ =	swait.ge [sflag:s18], $0x400  }
0x36: {  	[sflag:s18] =	ssyncset.done $0x0  }
0x37: {  	[sflag:s18] =	ssyncadd.s32 $0xFFFFFC00  }
0x38: {  	[spmem:s14] =	stream.linear.scatter [tilespmem:s17], [sflag:$0x1], $0x400, $0x38;
	[tilespmem:$0x5A60] =	vst v63  }
0x39: {  	_ =	swait.ge [sflag:s18], $0x400  }
0x3a: {  	[sflag:s18] =	ssyncset.done $0x0  }
0x3b: {  	[sflag:s18] =	ssyncadd.s32 $0xFFFFFC00  }
0x3c: {  	[spmem:s15] =	stream.linear.scatter [tilespmem:s17], [sflag:$0x1], $0x400, $0x38;
	[tilespmem:$0x5A60] =	vst v63  }
0x3d: {  	_ =	swait.ge [sflag:s18], $0x400  }
0x3e: {  	[sflag:s18] =	ssyncset.done $0x0  }
0x3f: {  	[sflag:s18] =	ssyncadd.s32 $0xFFFFFC00  }
0x40: {  	[spmem:s16] =	stream.linear.scatter [tilespmem:s17], [sflag:$0x1], $0x400, $0x38;
	[tilespmem:$0x5A60] =	vst v63  }
0x41: {  	_ =	swait.ge [sflag:s18], $0x400  }
0x42: {  	[sflag:s18] =	ssyncset.done $0x0  }
0x43: {  	s22 =	simm.s32 $0x0;
	[sflag:s18] =	ssyncadd.s32 $0xFFFFFC00  }
0x44: {  	[tilespmem:s22], [sflag:$0x1] =	stream.linear.gather [hbm4b:s5+s22], $0x2760, $0x38;
	[tilespmem:$0x5A60] =	vst v63  }
0x45: {  	_ =	swait.ge [sflag:s18], $0x2760  }
0x46: {  	[sflag:s18] =	ssyncset.done $0x0  }
0x47: {  	[sflag:s18] =	ssyncadd.s32 $0xFFFFD8A0  }
0x48: {  	s31 =	simm.s32 $0x0;
	[bflag:$0x0] =	sbarrier.arrive $0xFFFF  }
0x49: {  	[spmem:s2] =	stream.indirect.scatter.add.f32 [tilespmem:s20], [sflag:$0x1], $0x10, s31, s19, $0xb8;
	[tilespmem:$0x5A60] =	vst v63  }
0x4a: {  	_ =	swait.ge [sflag:s18], $0x700  }
0x4b: {  	s22 =	simm.s32 $0x1C0;
	[sflag:s18] =	ssyncset.done $0x0  }
.LBB2_6:
0x4c: {  	s23 =	sshra.s32 s22, $0x2;
	[sflag:s18] =	ssyncadd.s32 $0xFFFFF900;
	p0 =	sne.s32 s22, $0x9BC0  }
0x4d: {  	[spmem:s2] =	stream.indirect.scatter.add.f32 [tilespmem:s20], [sflag:$0x1], $0x10, s23, s19, $0xb8;
	[tilespmem:$0x5A60] =	vst v63  }
.Ltmp2:
0x4e: {  	_ = 	snop;
	(pc) =	sbr.rel @p0 .LBB2_6-.Ltmp2, $4  }
0x4f: {  	_ = 	snop  }
0x50: {  	s22 =	sadd.s32 $0x1C0, s22  }
0x51: {  	_ =	swait.ge [sflag:s18], $0x700  }
0x52: {  	[sflag:s18] =	ssyncset.done $0x0  }
0x53: {  	s3 =	sadd.s32 $0x1, s3  }
0x54: {  	[sflag:s18] =	ssyncadd.s32 $0xFFFFF900;
	s22 =	sshll.u32 s0, $0x6;
	p0 =	sne.s32 s3, s7  }
.Ltmp3:
0x55: {  	[bflag:$0x0] =	sbarrier.arrive $0xFFFF;
	s22 =	sor.u32 $0x1C01, s22;
	(pc) =	sbr.rel @p0 .LBB2_1-.Ltmp3, $4  }
0x56: {  	[hbm:s6], [sflag:s22] =	dma.local [spmem:s21], $0x500  }
0x57: {  	_ =	swait.ge [sflag:s18], $0x500  }
0x58: {  	[sflag:s18] =	ssyncset.done $0x0  }
0x59: {  	[sflag:s18] =	ssyncadd.s32 $0xFFFFFB00  }
0x5a: {  	_ =	sfence.sel $0x180000  }
0x5b: {  	[bflag:$0x0] =	sbarrier.arrive $0xFFFF  }
0x5c: {  	p0 =	sne.s32 s0, $0x0;
	_ =	strace $0x90000047  }
0x5d: {  	s0 =	sadd.s32 @!p0 $0x100000, s1;
	[bflag:$0x2] =	sbarrier.arrive $0xFFFF  }
0x5e: {  	[sflag:s0] =	ssyncadd.tile.s32 @!p0 $0x1;
	_ =	shalt  }
.Lfunc_end2:
_tile_overlayer_lowered:
.L_overlay_start_2:
0x5f: {  	(tag) =	ssettag $0x2  }
0x60: {  	s0 =	rddreg [dreg:$0x0];
	s2 =	stileid.u32  }
0x61: {  	s1 =	rddreg [dreg:$0x1];
	p0 =	sne.s32 s2, $0x0  }
0x62: {  	s3 =	rddreg [dreg:$0x2];
	[bflag:$0x3] =	sbarrier.arrive $0xFFFF;
	s2 =	simm.s32 @!p0 $0x1C01  }
0x63: {  	[timem:s3], [sflag:s2] =	dma.local @!p0 [hbm:s0], s1  }
0x64: {  	s0 =	simm.s32 @!p0 $0x1  }
0x65: {  	_ =	swait.ge @!p0 [sflag:s0], s1  }
0x66: {  	s1 =	ssub.s32 @!p0 $0x0, s1;
	[sflag:s0] =	ssyncset.done @!p0 $0x0  }
0x67: {  	[sflag:s0] =	ssyncadd.s32 @!p0 s1  }
0x68: {  	[bflag:$0x3] =	sbarrier.arrive $0xFFFF  }
0x69: {  	_ =	shalt  }

// kernel: kernel.13.cloned.1.call-start
scs
__scs_entry_jumppad:
0x0: {  	(pc) =	sbr.rel $0x88, $3  }
0x1: {  	(tag) =	ssettag $0x0;
	lr =	simm.s32 $0x1  }
0x2: {  	[smem:$0x3F99] =	sst lr;
	_ =	strace $0xD0000000  }
0x3: {  	_ = 	snop  }
0x4: {  	_ = 	snop  }
0x5: {  	_ = 	snop  }
0x6: {  	_ = 	snop  }
0x7: {  	_ = 	snop  }
__scs_overlays_trampoline_lowered:
0x8: {  	[smem:$0x3FA8] =	sst s0  }
0x9: {  	[smem:$0x3FA9] =	sst s1  }
0xa: {  	[smem:$0x3FAA] =	sst s2  }
0xb: {  	[smem:$0x3FAB] =	sst s3  }
0xc: {  	[smem:$0x3FAC] =	sst s4  }
0xd: {  	[smem:$0x3FAD] =	sst s5  }
0xe: {  	[smem:$0x3FAE] =	sst s6  }
0xf: {  	[smem:$0x3FAF] =	sst s7  }
0x10: {  	[smem:$0x3FB0] =	sst s8  }
0x11: {  	[smem:$0x3FB1] =	sst s9;
	s0 =	simm.s32 @!p0 $0x0  }
0x12: {  	s1 =	sld [smem:$0x3F97];
	s0 =	simm.s32 @p0 $0x1  }
0x13: {  	[smem:$0x3FB2] =	sst s0;
	s0 =	simm.s32 @!p1 $0x0  }
0x14: {  	s2 =	sld [smem:$0x3F96];
	s0 =	simm.s32 @p1 $0x1  }
0x15: {  	[smem:$0x3FB3] =	sst s0;
	s0 =	simm.s32 @!p2 $0x0  }
0x16: {  	s3 =	sld [smem:$0x3FDB];
	s0 =	simm.s32 @p2 $0x1  }
0x17: {  	s4 =	simm.s32 $0x1BF5;
	[smem:$0x3FB5] =	sst s0  }
0x18: {  	s0 =	sld [smem:$0x3F98];
	_ =	swait.ge [sflag:s4], $0x0  }
0x19: {  	s7 =	sld [smem:$0x3F99]  }
0x1a: {  	s8 =	sadd.s32 $0xFFFFE003, lr  }
0x1b: {  	s9 =	sadd.s32 $0xFFFFFEF7, lr;
	s5 =	simm.s32 $0xFFFFFFFF;
	p2 =	slt.u32 s8, $0xFFFFF086  }
0x1c: {  	p1 =	slt.u32 s9, $0xF7A;
	s5 =	simm.s32 @!p2 $0x0  }
0x1d: {  	s5 =	simm.s32 @p1 $0x1;
	p0 =	seq.s32 s7, s2  }
0x1e: {  	s7 =	smul.u32 @!p0 $0xF7A, s2;
	p2 =	seq.s32 @!p0 s5, $0x0  }
0x1f: {  	s9 =	smul.u32 $0xF7A, s1;
	s8 =	simm.s32 @!p0 $0x1BF5;
	p2 =	por !p2, p0  }
0x20: {  	[sflag:s8] =	ssyncset.s32 @!p0 $0xFFFFF086;
	s6 =	sadd.s32 @!p0 s3, s7;
	s7 =	simm.s32 @!p0 $0x108  }
0x21: {  	s3 =	sadd.s32 s3, s9;
	s6 =	sadd.s32 @!p0 $0x88, s6;
	s7 =	simm.s32 @p2 $0x1082  }
0x22: {  	[simem:s7], [sflag:s8] =	dma.local @!p0 [hbm:s6], $0xF7A  }
0x23: {  	s9 =	sor.u32 $0xD0000000, s2;
	s6 =	simm.s32 $0x108;
	_ =	swait.ge @!p0 [sflag:s8], $0x0  }
0x24: {  	s3 =	sadd.s32 $0x88, s3;
	s6 =	simm.s32 @!p1 $0x1082;
	[sflag:s4] =	ssyncset.s32 $0xFFFFF086  }
0x25: {  	[simem:s6], [sflag:s4] =	dma.local [hbm:s3], $0xF7A  }
0x26: {  	[smem:$0x3F99] =	sst s1;
	(tag) =	ssettag s2;
	_ =	strace s9  }
0x27: {  	s1 =	sld [smem:$0x3FA9]  }
0x28: {  	s2 =	sld [smem:$0x3FAA]  }
0x29: {  	s4 =	sld [smem:$0x3FAC]  }
0x2a: {  	p0 =	seq.s32 s5, $0x0;
	s5 =	sld [smem:$0x3FAD]  }
0x2b: {  	s6 =	sld [smem:$0x3FAE]  }
0x2c: {  	s7 =	sld [smem:$0x3FAF]  }
0x2d: {  	s3 =	simm.s32 $0x108;
	s8 =	sld [smem:$0x3FB0]  }
0x2e: {  	s3 =	simm.s32 @!p0 $0x1082;
	s9 =	sld [smem:$0x3FB1]  }
0x2f: {  	lr =	sadd.s32 s0, s3;
	s0 =	sld [smem:$0x3FA8]  }
0x30: {  	s3 =	sld [smem:$0x3FAB]  }
0x31: {  	[smem:$0x3FB4] =	sst s10  }
0x32: {  	s10 =	sld [smem:$0x3FB2];
	_ =	sdelay $0x3  }
0x33: {  	p0 =	seq.s32 s10, $0x1;
	s10 =	sld [smem:$0x3FB4];
	_ =	sdelay $0x3  }
0x34: {  	[smem:$0x3FB4] =	sst s10  }
0x35: {  	s10 =	sld [smem:$0x3FB3];
	_ =	sdelay $0x3  }
0x36: {  	p1 =	seq.s32 s10, $0x1;
	s10 =	sld [smem:$0x3FB4];
	_ =	sdelay $0x3  }
0x37: {  	[smem:$0x3FB4] =	sst s10  }
0x38: {  	s10 =	sld [smem:$0x3FB5]  }
0x39: {  	_ = 	snop;
	(pc) =	sbr.ind lr, $3  }
0x3a: {  	_ = 	snop  }
0x3b: {  	_ = 	snop  }
0x3c: {  	p2 =	seq.s32 s10, $0x1;
	s10 =	sld [smem:$0x3FB4]  }
0x3d: {  	_ =	shalt  }
0x3e: {  	_ =	shalt  }
0x3f: {  	_ =	shalt  }
0x40: {  	_ =	shalt  }
0x41: {  	_ =	shalt  }
0x42: {  	_ =	shalt  }
0x43: {  	_ =	shalt  }
0x44: {  	_ =	shalt  }
0x45: {  	_ =	shalt  }
0x46: {  	_ =	shalt  }
0x47: {  	_ =	shalt  }
0x48: {  	_ =	shalt  }
0x49: {  	_ =	shalt  }
0x4a: {  	_ =	shalt  }
0x4b: {  	_ =	shalt  }
0x4c: {  	_ =	shalt  }
0x4d: {  	_ =	shalt  }
0x4e: {  	_ =	shalt  }
0x4f: {  	_ =	shalt  }
0x50: {  	_ =	shalt  }
0x51: {  	_ =	shalt  }
0x52: {  	_ =	shalt  }
0x53: {  	_ =	shalt  }
0x54: {  	_ =	shalt  }
0x55: {  	_ =	shalt  }
0x56: {  	_ =	shalt  }
0x57: {  	_ =	shalt  }
0x58: {  	_ =	shalt  }
0x59: {  	_ =	shalt  }
0x5a: {  	_ =	shalt  }
0x5b: {  	_ =	shalt  }
0x5c: {  	_ =	shalt  }
0x5d: {  	_ =	shalt  }
0x5e: {  	_ =	shalt  }
0x5f: {  	_ =	shalt  }
0x60: {  	_ =	shalt  }
0x61: {  	_ =	shalt  }
0x62: {  	_ =	shalt  }
0x63: {  	_ =	shalt  }
0x64: {  	_ =	shalt  }
0x65: {  	_ =	shalt  }
0x66: {  	_ =	shalt  }
0x67: {  	_ =	shalt  }
0x68: {  	_ =	shalt  }
0x69: {  	_ =	shalt  }
0x6a: {  	_ =	shalt  }
0x6b: {  	_ =	shalt  }
0x6c: {  	_ =	shalt  }
0x6d: {  	_ =	shalt  }
0x6e: {  	_ =	shalt  }
0x6f: {  	_ =	shalt  }
0x70: {  	_ =	shalt  }
0x71: {  	_ =	shalt  }
0x72: {  	_ =	shalt  }
0x73: {  	_ =	shalt  }
0x74: {  	_ =	shalt  }
0x75: {  	_ =	shalt  }
0x76: {  	_ =	shalt  }
0x77: {  	_ =	shalt  }
0x78: {  	_ =	shalt  }
0x79: {  	_ =	shalt  }
0x7a: {  	_ =	shalt  }
0x7b: {  	_ =	shalt  }
0x7c: {  	_ =	shalt  }
0x7d: {  	_ =	shalt  }
0x7e: {  	_ =	shalt  }
0x7f: {  	_ =	shalt  }
0x80: {  	_ =	shalt  }
0x81: {  	_ =	shalt  }
0x82: {  	_ =	shalt  }
0x83: {  	_ =	shalt  }
0x84: {  	_ =	shalt  }
0x85: {  	_ =	shalt  }
0x86: {  	_ =	shalt  }
0x87: {  	_ =	shalt  }
.Lfunc_end0:
.L_simem_size_0:
called_computation.1_lowered:
.L_overlay_start_0:
0x88: {  	s2 =	sld [smem:$0x3FD9]  }
0x89: {  	s3 =	sld [smem:$0x3FFE];
	_ =	sdelay $0x1  }
0x8a: {  	s1 =	srdreg.scid  }
0x8b: {  	s0 =	sand.u32 $0x1, s1  }
0x8c: {  	s16 =	sshll.u32 s0, $0xA;
	s2 =	sadd.s32 s3, s2  }
0x8d: {  	s2 =	sadd.s32 s2, s16  }
0x8e: {  	[smem:$0x3FC0] =	sst s2  }
0x8f: {  	_ = 	snop  }
0x90: {  	(tm) =	ssettm $0x1  }
0x91: {  	s17 =	sld [smem:$0x3FFB];
	_ =	sdelay $0x3  }
0x92: {  	_ =	strace s17  }
0x93: {  	s2 =	sld [smem:$0x3FFC];
	_ =	sdelay $0x3  }
0x94: {  	_ =	strace s2  }
0x95: {  	s2 =	sld [smem:$0x3FFD];
	_ =	sdelay $0x3  }
0x96: {  	_ =	strace s2  }
0x97: {  	_ =	strace $0x8FFFFFFF  }
0x98: {  	s18 =	sld [smem:$0x3FDB];
	_ =	sdelay $0x1  }
0x99: {  	s19 =	simm.s32 $_scs_section_size  }
0x9a: {  	s4 =	simm.s32 $_size__tile_overlayer_lowered;
	s5 =	simm.s32 $_tile_overlayer_lowered  }
0x9b: {  	s22 =	simm.s32 $0x1BFF;
	s21 =	sshll.u32 s5, $0x1;
	s2 =	sadd.s32 s19, s18  }
0x9c: {  	s6 =	simm.s32 $0x0;
	s20 =	sshll.u32 s4, $0x1;
	s4 =	sadd.s32 s21, s2  }
0x9d: {  	[timem:s6], [sflag:s22] =	dma.local [hbm:s4], s20  }
0x9e: {  	_ =	swait.ge [sflag:s22], s20  }
0x9f: {  	s3 =	ssub.s32 $0x0, s20;
	[sflag:s22] =	ssyncset.done $0x0  }
0xa0: {  	[sflag:s22] =	ssyncadd.s32 s3;
	_ =	sdelay $0x1  }
0xa1: {  	s23 =	simm.s32 $0x1B8B  }
0xa2: {  	_ =	swait.ge [sflag:s23], $0x1  }
0xa3: {  	[sflag:s23] =	ssyncset.done $0x0  }
0xa4: {  	s25 =	simm.s32 $0x1B8E;
	s24 =	sld [smem:$0x3FFE];
	[sflag:s23] =	ssyncadd.s32 $0xFFFFFFFF  }
0xa5: {  	s26 =	simm.s32 $execute0_lowered;
	[smem:$0x3FD2] =	sst s25  }
0xa6: {  	s4 =	sshll.u32 s26, $0x1;
	_ =	strace $0x80000049;
	[dreg:$0x1] =	wrdreg $0xFFFFFFFF  }
0xa7: {  	s28 =	simm.s32 $_size_execute0_lowered;
	s2 =	sadd.s32 s2, s4;
	[dreg:$0x0] =	wrdreg $0x0  }
0xa8: {  	s4 =	sshll.u32 s28, $0x1;
	[dreg:$0x2] =	wrdreg s2  }
0xa9: {  	[dreg:$0x3] =	wrdreg s4  }
0xaa: {  	[dreg:$0x4] =	wrdreg $0xC0  }
0xab: {  	_ =	task [dreg:s6], $0x5FFFF  }
0xac: {  	[dreg:$0x1] =	wrdreg $0xFFFFFFFF  }
0xad: {  	[dreg:$0x0] =	wrdreg $0x60  }
0xae: {  	[dreg:$0x2] =	wrdreg s24  }
0xaf: {  	[dreg:$0x3] =	wrdreg $0xB5200  }
0xb0: {  	[dreg:$0x4] =	wrdreg $0x9  }
0xb1: {  	_ =	task.clear_ibuf [dreg:s6], $0x5FFFF;
	_ =	strace $0x90000049  }
0xb2: {  	s29 =	simm.s32 $0x9;
	_ =	strace $0x8000004B  }
0xb3: {  	_ =	swait.ge [sflag:s29], $0x1  }
0xb4: {  	[sflag:s29] =	ssyncadd.s32 $0xFFFFFFFF  }
0xb5: {  	_ =	strace $0x9000004B  }
0xb6: {  	_ =	sfence  }
0xb7: {  	s30 =	sld [smem:$0x0];
	_ =	sdelay $0x2  }
0xb8: {  	s31 =	sshll.u32 s1, $0xD;
	s1 =	sshrl.u32 s1, $0x2  }
0xb9: {  	s3 =	sand.u32 $0x4000, s31;
	s1 =	sadd.s32 s1, s30  }
0xba: {  	s0 =	sor.u32 s3, s0;
	s1 =	sshll.u32 s1, $0x11  }
0xbb: {  	s0 =	sor.u32 s1, s0  }
0xbc: {  	s0 =	sadd.s32 $0x8F2B, s0  }
0xbd: {  	[sflag:s0] =	ssyncadd.remote.s32 $0x1  }
0xbe: {  	_ =	sfence.sel $0xFFFF  }
0xbf: {  	[dreg:$0x0] =	wrdreg $0xFFFFFFFF;
	(pc) =	sbr.abs _section_cstart, $3  }
0xc0: {  	[dreg:$0x1] =	wrdreg $0xFFFFFFFF  }
0xc1: {  	_ =	task.clear_ibuf [dreg:s6], $0x2FFFF;
	_ =	strace $0x9FFFFFFF  }
0xc2: {  	(tm) =	ssettm $0x7FFFFFFF  }
0xc3: {  	_ =	shalt  }
tec
execute0_lowered:
.L_overlay_start_1:
0x0: {  	(tag) =	ssettag $0x1  }
0x1: {  	s0 =	srdreg.scid;
	s1 =	rddreg [dreg:$0x0]  }
0x2: {  	s8 =	stileid.u32;
	s2 =	rddreg [dreg:$0x1];
	s3 =	simm.s32 $0x0  }
0x3: {  	s10 =	simm.s32 $0xE0;
	s12 =	simm.s32 $0x150;
	s14 =	simm.s32 $0x700  }
0x4: {  	s16 =	simm.s32 $0x1C0;
	s18 =	simm.s32 $0x770;
	s19 =	simm.s32 $0x230  }
0x5: {  	s20 =	simm.s32 $0x7E0;
	s28 =	simm.s32 $0x930;
	[smem:$0x7FF] =	sst s3  }
0x6: {  	s5 =	smul.u32 $0x2760, s8;
	_ =	strace $0x8000004A;
	[dreg:$0x5] =	wrdreg s10  }
0x7: {  	s29 =	simm.s32 $0x3F0;
	s6 =	smul.u32 $0x14000, s8;
	[dreg:$0x6] =	wrdreg s12  }
0x8: {  	s0 =	sand.u32 $0x1, s0;
	s8 =	smul.u32 $0x50000, s8;
	[dreg:$0x7] =	wrdreg s14  }
0x9: {  	s30 =	simm.s32 $0x9A0;
	s4 =	smul.u32 $0x27600, s0;
	[dreg:$0x8] =	wrdreg s16  }
0xa: {  	s31 =	simm.s32 $0x460;
	s21 =	smul.u32 $0x140000, s0;
	[dreg:$0x9] =	wrdreg s18  }
0xb: {  	s0 =	ssub.s32 $0x2, s0;
	[dreg:$0xa] =	wrdreg s19;
	s18 =	simm.s32 $0x4  }
0xc: {  	[dreg:$0xb] =	wrdreg s20;
	s9 =	sshrl.u32 s0, $0x1;
	s8 =	sshrl.u32 s8, $0x2  }
0xd: {  	s4 =	sadd.s32 s5, s4;
	s5 =	sadd.s32 s6, s21;
	s22 =	sadd.s32 s8, s2  }
0xe: {  	s0 =	ssub.s32 s0, s9;
	s21 =	simm.s32 $0x2A0;
	[dreg:$0x11] =	wrdreg s22  }
0xf: {  	s19 =	simm.s32 $0x690;
	s0 =	smax.u32 s0, $0x1;
	[dreg:$0xc] =	wrdreg s21  }
0x10: {  	s20 =	simm.s32 $0x70;
	s23 =	sadd.s32 $0x2000, s22;
	[dreg:$0x13] =	wrdreg s0  }
0x11: {  	s10 =	simm.s32 $0xB60;
	s24 =	sadd.s32 $0x4000, s22;
	[dreg:$0x14] =	wrdreg s23  }
0x12: {  	s12 =	simm.s32 $0xBD0;
	s26 =	sadd.s32 $0x6000, s22;
	[dreg:$0x15] =	wrdreg s24  }
0x13: {  	s14 =	simm.s32 $0xCB0;
	s9 =	sadd.s32 $0x8000, s22;
	[dreg:$0x16] =	wrdreg s26  }
0x14: {  	s4 =	sshrl.u32 s4, $0x3;
	s11 =	sadd.s32 $0xA000, s22;
	[dreg:$0x17] =	wrdreg s9  }
0x15: {  	s5 =	sshrl.u32 s5, $0x3;
	s13 =	sadd.s32 $0xC000, s22;
	[dreg:$0x18] =	wrdreg s11  }
0x16: {  	s15 =	sadd.s32 $0xE000, s22;
	s17 =	sadd.s32 $0x10000, s22;
	[dreg:$0x19] =	wrdreg s13  }
0x17: {  	s21 =	simm.s32 $0x4520;
	s7 =	sadd.s32 s4, s1;
	[dreg:$0x1a] =	wrdreg s15  }
0x18: {  	s4 =	sadd.s32 $0x16200, s1;
	s1 =	sadd.s32 s5, s1;
	[dreg:$0x1b] =	wrdreg s17  }
0x19: {  	s5 =	sadd.s32 $0x12000, s22;
	s17 =	simm.s32 $0xD20;
	s22 =	simm.s32 $0x850  }
0x1a: {  	s23 =	simm.s32 $0x310;
	s24 =	simm.s32 $0x8C0;
	s0 =	simm.s32 $0x4D0  }
0x1b: {  	s9 =	simm.s32 $0x5B0;
	s11 =	simm.s32 $0x620;
	[dreg:$0x1c] =	wrdreg s5  }
0x1c: {  	s13 =	simm.s32 $0xC40;
	s15 =	simm.s32 $0x0;
	[dreg:$0xd] =	wrdreg s22  }
0x1d: {  	s1 =	sadd.s32 $0x3D400, s1;
	s25 =	sadd.s32 $0xC400, s7;
	[dreg:$0xe] =	wrdreg s23  }
0x1e: {  	s8 =	sadd.s32 $0x2600, s7;
	s22 =	simm.s32 $0x1;
	[dreg:$0xf] =	wrdreg s24  }
0x1f: {  	s23 =	simm.s32 $0x7D20;
	s24 =	simm.s32 $0x2;
	[dreg:$0x12] =	wrdreg s1  }
0x20: {  	s7 =	simm.s32 $0x540;
	s1 =	sadd.s32 s6, s2;
	[dreg:$0x3] =	wrdreg s25  }
0x21: {  	[dreg:$0x4] =	wrdreg s8;
	s25 =	simm.s32 $0x380;
	s6 =	simm.s32 $0xA80  }
0x22: {  	s8 =	simm.s32 $0xAF0;
	[dreg:$0x10] =	wrdreg s25;
	s26 =	sshrl.u32 s1, $0x3  }
0x23: {  	v0 =	vimm.f32 $0.0e+00;
	s1 =	simm.s32 $0xA10;
	[dreg:$0x1d] =	wrdreg s26;
	s26 =	simm.s32 $0x3  }
.LBB2_1:
0x24: {  	s5 =	sand.u32 $0x7E00, s3  }
0x25: {  	[dreg:$0x1e] =	wrdreg s15;
	s25 =	sand.u32 $0x70, s3;
	s5 =	sshrl.u32 s5, $0x2  }
0x26: {  	s16 =	simm.s32 $0x40;
	s5 =	sor.u32 s25, s5;
	s25 =	simm.s32 $0x0  }
.LBB2_2:
0x27: {  	p0 =	sne.s32 s16, $0x7FC0  }
0x28: {  	[tilespmem:s5+$0xD20] =	vst v0;
	s25 =	sadd.s32 $0x10, s25;
	s5 =	smov.u32 s16;
	s16 =	sadd.s32 $0x40, s16  }
.Ltmp0:
0x29: {  	(pc) =	sbr.rel @p0 .LBB2_2-.Ltmp0, $4  }
0x2a: {  	_ = 	snop  }
0x2b: {  	s5 =	sand.u32 $0x7E00, s5  }
0x2c: {  	s15 =	sand.u32 $0x70, s25;
	s5 =	sshrl.u32 s5, $0x2  }
0x2d: {  	s5 =	sor.u32 s15, s5  }
0x2e: {  	[tilespmem:s5+$0xD20] =	vst v0;
	s16 =	rddreg [dreg:$0x11]  }
0x2f: {  	[spmem:s16] =	stream.linear.scatter [tilespmem:s17], [sflag:$0x4], $0x2000, $0x38;
	[tilespmem:$0x1F520] =	vst v63  }
0x30: {  	_ =	swait.ge [sflag:s18], $0x2000  }
0x31: {  	[sflag:s18] =	ssyncset.done $0x0  }
0x32: {  	s25 =	rddreg [dreg:$0x14];
	[sflag:s18] =	ssyncadd.s32 $0xFFFFE000  }
0x33: {  	[spmem:s25] =	stream.linear.scatter [tilespmem:s17], [sflag:$0x4], $0x2000, $0x38;
	[tilespmem:$0x1F520] =	vst v63  }
0x34: {  	_ =	swait.ge [sflag:s18], $0x2000  }
0x35: {  	[sflag:s18] =	ssyncset.done $0x0  }
0x36: {  	s15 =	rddreg [dreg:$0x15];
	[sflag:s18] =	ssyncadd.s32 $0xFFFFE000  }
0x37: {  	[spmem:s15] =	stream.linear.scatter [tilespmem:s17], [sflag:$0x4], $0x2000, $0x38;
	[tilespmem:$0x1F520] =	vst v63  }
0x38: {  	_ =	swait.ge [sflag:s18], $0x2000  }
0x39: {  	[sflag:s18] =	ssyncset.done $0x0  }
0x3a: {  	s16 =	rddreg [dreg:$0x16];
	[sflag:s18] =	ssyncadd.s32 $0xFFFFE000  }
0x3b: {  	[spmem:s16] =	stream.linear.scatter [tilespmem:s17], [sflag:$0x4], $0x2000, $0x38;
	[tilespmem:$0x1F520] =	vst v63  }
0x3c: {  	_ =	swait.ge [sflag:s18], $0x2000  }
0x3d: {  	[sflag:s18] =	ssyncset.done $0x0  }
0x3e: {  	s25 =	rddreg [dreg:$0x17];
	[sflag:s18] =	ssyncadd.s32 $0xFFFFE000  }
0x3f: {  	[spmem:s25] =	stream.linear.scatter [tilespmem:s17], [sflag:$0x4], $0x2000, $0x38;
	[tilespmem:$0x1F520] =	vst v63  }
0x40: {  	_ =	swait.ge [sflag:s18], $0x2000  }
0x41: {  	[sflag:s18] =	ssyncset.done $0x0  }
0x42: {  	s15 =	rddreg [dreg:$0x18];
	[sflag:s18] =	ssyncadd.s32 $0xFFFFE000  }
0x43: {  	[spmem:s15] =	stream.linear.scatter [tilespmem:s17], [sflag:$0x4], $0x2000, $0x38;
	[tilespmem:$0x1F520] =	vst v63  }
0x44: {  	_ =	swait.ge [sflag:s18], $0x2000  }
0x45: {  	[sflag:s18] =	ssyncset.done $0x0  }
0x46: {  	s16 =	rddreg [dreg:$0x19];
	[sflag:s18] =	ssyncadd.s32 $0xFFFFE000  }
0x47: {  	[spmem:s16] =	stream.linear.scatter [tilespmem:s17], [sflag:$0x4], $0x2000, $0x38;
	[tilespmem:$0x1F520] =	vst v63  }
0x48: {  	_ =	swait.ge [sflag:s18], $0x2000  }
0x49: {  	[sflag:s18] =	ssyncset.done $0x0  }
0x4a: {  	s25 =	rddreg [dreg:$0x1a];
	[sflag:s18] =	ssyncadd.s32 $0xFFFFE000  }
0x4b: {  	[spmem:s25] =	stream.linear.scatter [tilespmem:s17], [sflag:$0x4], $0x2000, $0x38;
	[tilespmem:$0x1F520] =	vst v63  }
0x4c: {  	_ =	swait.ge [sflag:s18], $0x2000  }
0x4d: {  	[sflag:s18] =	ssyncset.done $0x0  }
0x4e: {  	s15 =	rddreg [dreg:$0x1b];
	[sflag:s18] =	ssyncadd.s32 $0xFFFFE000  }
0x4f: {  	[spmem:s15] =	stream.linear.scatter [tilespmem:s17], [sflag:$0x4], $0x2000, $0x38;
	[tilespmem:$0x1F520] =	vst v63  }
0x50: {  	_ =	swait.ge [sflag:s18], $0x2000  }
0x51: {  	[sflag:s18] =	ssyncset.done $0x0  }
0x52: {  	s16 =	rddreg [dreg:$0x1c];
	[sflag:s18] =	ssyncadd.s32 $0xFFFFE000  }
0x53: {  	[spmem:s16] =	stream.linear.scatter [tilespmem:s17], [sflag:$0x4], $0x2000, $0x38;
	[tilespmem:$0x1F520] =	vst v63  }
0x54: {  	_ =	swait.ge [sflag:s18], $0x2000  }
0x55: {  	[sflag:s18] =	ssyncset.done $0x0  }
0x56: {  	[sflag:s18] =	ssyncadd.s32 $0xFFFFE000  }
0x57: {  	[bflag:$0x0] =	sbarrier.arrive $0xFFFF  }
0x58: {  	s25 =	rddreg [dreg:$0x4]  }
0x59: {  	s5 =	sadd.s32 $0x0, s25  }
0x5a: {  	[tilespmem:s3], [sflag:$0x4] =	stream.linear.gather [hbm4b:s5+s3], $0x690, $0x38;
	[tilespmem:$0x1F520] =	vst v63  }
0x5b: {  	_ =	swait.ge [sflag:s18], $0x690  }
0x5c: {  	s15 =	rddreg [dreg:$0x3];
	[sflag:s18] =	ssyncset.done $0x0  }
0x5d: {  	[sflag:s18] =	ssyncadd.s32 $0xFFFFF970;
	s5 =	sadd.s32 $0x0, s15  }
0x5e: {  	[tilespmem:s19], [sflag:$0x4] =	stream.linear.gather [hbm4b:s5+s3], $0x690, $0x38;
	[tilespmem:$0x1F520] =	vst v63  }
0x5f: {  	_ =	swait.ge [sflag:s18], $0x690  }
0x60: {  	[sflag:s18] =	ssyncset.done $0x0  }
0x61: {  	[sflag:s18] =	ssyncadd.s32 $0xFFFFF970  }
0x62: {  	[tilespmem:s17], [sflag:$0x1] =	stream.indirect.gather [hbm4b:s4+s20], $0x80, s3, s20, $0xb8;
	[tilespmem:$0x1F520] =	vst v63  }
0x63: {  	_ = 	snop  }
0x64: {  	[tilespmem:s21], [sflag:$0x2] =	stream.indirect.gather [hbm4b:s4+s20], $0x80, s20, s20, $0xb8;
	[tilespmem:$0x1F520] =	vst v63  }
0x65: {  	_ =	swait.ge [sflag:s22], $0x3800  }
0x66: {  	[sflag:s22] =	ssyncset.done $0x0  }
0x67: {  	s16 =	rddreg [dreg:$0x5];
	[sflag:s22] =	ssyncadd.s32 $0xFFFFC800  }
0x68: {  	[tilespmem:s23], [sflag:$0x3] =	stream.indirect.gather [hbm4b:s4+s20], $0x80, s16, s20, $0xb8;
	[tilespmem:$0x1F520] =	vst v63  }
0x69: {  	_ = 	snop  }
0x6a: {  	[spmem:s2] =	stream.indirect.scatter.add.f32 [tilespmem:s17], [sflag:$0x4], $0x80, s19, s20, $0xb8;
	[tilespmem:$0x1F520] =	vst v63  }
0x6b: {  	_ =	swait.ge [sflag:s18], $0x3800  }
0x6c: {  	[sflag:s18] =	ssyncset.done $0x0  }
0x6d: {  	[sflag:s18] =	ssyncadd.s32 $0xFFFFC800  }
0x6e: {  	_ =	swait.ge [sflag:s24], $0x3800  }
0x6f: {  	[sflag:s24] =	ssyncset.done $0x0  }
0x70: {  	s25 =	rddreg [dreg:$0x6];
	[sflag:s24] =	ssyncadd.s32 $0xFFFFC800  }
0x71: {  	[tilespmem:s17], [sflag:$0x1] =	stream.indirect.gather [hbm4b:s4+s20], $0x80, s25, s20, $0xb8;
	[tilespmem:$0x1F520] =	vst v63  }
0x72: {  	s15 =	rddreg [dreg:$0x7]  }
0x73: {  	[spmem:s2] =	stream.indirect.scatter.add.f32 [tilespmem:s21], [sflag:$0x4], $0x80, s15, s20, $0xb8;
	[tilespmem:$0x1F520] =	vst v63  }
0x74: {  	_ =	swait.ge [sflag:s18], $0x3800  }
0x75: {  	[sflag:s18] =	ssyncset.done $0x0  }
0x76: {  	[sflag:s18] =	ssyncadd.s32 $0xFFFFC800  }
0x77: {  	_ =	swait.ge [sflag:s26], $0x3800  }
0x78: {  	[sflag:s26] =	ssyncset.done $0x0  }
0x79: {  	s16 =	rddreg [dreg:$0x8];
	[sflag:s26] =	ssyncadd.s32 $0xFFFFC800  }
0x7a: {  	[tilespmem:s21], [sflag:$0x2] =	stream.indirect.gather [hbm4b:s4+s20], $0x80, s16, s20, $0xb8;
	[tilespmem:$0x1F520] =	vst v63  }
0x7b: {  	s25 =	rddreg [dreg:$0x9]  }
0x7c: {  	[spmem:s2] =	stream.indirect.scatter.add.f32 [tilespmem:s23], [sflag:$0x4], $0x80, s25, s20, $0xb8;
	[tilespmem:$0x1F520] =	vst v63  }
0x7d: {  	_ =	swait.ge [sflag:s18], $0x3800  }
0x7e: {  	[sflag:s18] =	ssyncset.done $0x0  }
0x7f: {  	[sflag:s18] =	ssyncadd.s32 $0xFFFFC800  }
0x80: {  	_ =	swait.ge [sflag:s22], $0x3800  }
0x81: {  	[sflag:s22] =	ssyncset.done $0x0  }
0x82: {  	s16 =	rddreg [dreg:$0xa];
	[sflag:s22] =	ssyncadd.s32 $0xFFFFC800  }
0x83: {  	[tilespmem:s23], [sflag:$0x3] =	stream.indirect.gather [hbm4b:s4+s20], $0x80, s16, s20, $0xb8;
	[tilespmem:$0x1F520] =	vst v63  }
0x84: {  	s25 =	rddreg [dreg:$0xb]  }
0x85: {  	[spmem:s2] =	stream.indirect.scatter.add.f32 [tilespmem:s17], [sflag:$0x4], $0x80, s25, s20, $0xb8;
	[tilespmem:$0x1F520] =	vst v63  }
0x86: {  	_ =	swait.ge [sflag:s18], $0x3800  }
0x87: {  	[sflag:s18] =	ssyncset.done $0x0  }
0x88: {  	[sflag:s18] =	ssyncadd.s32 $0xFFFFC800  }
0x89: {  	_ =	swait.ge [sflag:s24], $0x3800  }
0x8a: {  	[sflag:s24] =	ssyncset.done $0x0  }
0x8b: {  	s16 =	rddreg [dreg:$0xc];
	[sflag:s24] =	ssyncadd.s32 $0xFFFFC800  }
0x8c: {  	[tilespmem:s17], [sflag:$0x1] =	stream.indirect.gather [hbm4b:s4+s20], $0x80, s16, s20, $0xb8;
	[tilespmem:$0x1F520] =	vst v63  }
0x8d: {  	s25 =	rddreg [dreg:$0xd]  }
0x8e: {  	[spmem:s2] =	stream.indirect.scatter.add.f32 [tilespmem:s21], [sflag:$0x4], $0x80, s25, s20, $0xb8;
	[tilespmem:$0x1F520] =	vst v63  }
0x8f: {  	_ =	swait.ge [sflag:s18], $0x3800  }
0x90: {  	[sflag:s18] =	ssyncset.done $0x0  }
0x91: {  	[sflag:s18] =	ssyncadd.s32 $0xFFFFC800  }
0x92: {  	_ =	swait.ge [sflag:s26], $0x3800  }
0x93: {  	[sflag:s26] =	ssyncset.done $0x0  }
0x94: {  	s15 =	rddreg [dreg:$0xe];
	[sflag:s26] =	ssyncadd.s32 $0xFFFFC800  }
0x95: {  	[tilespmem:s21], [sflag:$0x2] =	stream.indirect.gather [hbm4b:s4+s20], $0x80, s15, s20, $0xb8;
	[tilespmem:$0x1F520] =	vst v63  }
0x96: {  	s16 =	rddreg [dreg:$0xf]  }
0x97: {  	[spmem:s2] =	stream.indirect.scatter.add.f32 [tilespmem:s23], [sflag:$0x4], $0x80, s16, s20, $0xb8;
	[tilespmem:$0x1F520] =	vst v63  }
0x98: {  	_ =	swait.ge [sflag:s18], $0x3800  }
0x99: {  	[sflag:s18] =	ssyncset.done $0x0  }
0x9a: {  	[sflag:s18] =	ssyncadd.s32 $0xFFFFC800  }
0x9b: {  	_ =	swait.ge [sflag:s22], $0x3800  }
0x9c: {  	[sflag:s22] =	ssyncset.done $0x0  }
0x9d: {  	s25 =	rddreg [dreg:$0x10];
	[sflag:s22] =	ssyncadd.s32 $0xFFFFC800  }
0x9e: {  	[tilespmem:s23], [sflag:$0x3] =	stream.indirect.gather [hbm4b:s4+s20], $0x80, s25, s20, $0xb8;
	[tilespmem:$0x1F520] =	vst v63  }
0x9f: {  	_ = 	snop  }
0xa0: {  	[spmem:s2] =	stream.indirect.scatter.add.f32 [tilespmem:s17], [sflag:$0x4], $0x80, s28, s20, $0xb8;
	[tilespmem:$0x1F520] =	vst v63  }
0xa1: {  	_ =	swait.ge [sflag:s18], $0x3800  }
0xa2: {  	[sflag:s18] =	ssyncset.done $0x0  }
0xa3: {  	[sflag:s18] =	ssyncadd.s32 $0xFFFFC800  }
0xa4: {  	_ =	swait.ge [sflag:s24], $0x3800  }
0xa5: {  	[sflag:s24] =	ssyncset.done $0x0  }
0xa6: {  	[sflag:s24] =	ssyncadd.s32 $0xFFFFC800  }
0xa7: {  	[tilespmem:s17], [sflag:$0x1] =	stream.indirect.gather [hbm4b:s4+s20], $0x80, s29, s20, $0xb8;
	[tilespmem:$0x1F520] =	vst v63  }
0xa8: {  	_ = 	snop  }
0xa9: {  	[spmem:s2] =	stream.indirect.scatter.add.f32 [tilespmem:s21], [sflag:$0x4], $0x80, s30, s20, $0xb8;
	[tilespmem:$0x1F520] =	vst v63  }
0xaa: {  	_ =	swait.ge [sflag:s18], $0x3800  }
0xab: {  	[sflag:s18] =	ssyncset.done $0x0  }
0xac: {  	[sflag:s18] =	ssyncadd.s32 $0xFFFFC800  }
0xad: {  	_ =	swait.ge [sflag:s26], $0x3800  }
0xae: {  	[sflag:s26] =	ssyncset.done $0x0  }
0xaf: {  	[sflag:s26] =	ssyncadd.s32 $0xFFFFC800  }
0xb0: {  	[tilespmem:s21], [sflag:$0x2] =	stream.indirect.gather [hbm4b:s4+s20], $0x80, s31, s20, $0xb8;
	[tilespmem:$0x1F520] =	vst v63  }
0xb1: {  	_ = 	snop  }
0xb2: {  	[spmem:s2] =	stream.indirect.scatter.add.f32 [tilespmem:s23], [sflag:$0x4], $0x80, s1, s20, $0xb8;
	[tilespmem:$0x1F520] =	vst v63  }
0xb3: {  	_ =	swait.ge [sflag:s18], $0x3800  }
0xb4: {  	[sflag:s18] =	ssyncset.done $0x0  }
0xb5: {  	[sflag:s18] =	ssyncadd.s32 $0xFFFFC800  }
0xb6: {  	_ =	swait.ge [sflag:s22], $0x3800  }
0xb7: {  	[sflag:s22] =	ssyncset.done $0x0  }
0xb8: {  	[sflag:s22] =	ssyncadd.s32 $0xFFFFC800  }
0xb9: {  	[tilespmem:s23], [sflag:$0x3] =	stream.indirect.gather [hbm4b:s4+s20], $0x80, s0, s20, $0xb8;
	[tilespmem:$0x1F520] =	vst v63  }
0xba: {  	_ = 	snop  }
0xbb: {  	[spmem:s2] =	stream.indirect.scatter.add.f32 [tilespmem:s17], [sflag:$0x4], $0x80, s6, s20, $0xb8;
	[tilespmem:$0x1F520] =	vst v63  }
0xbc: {  	_ =	swait.ge [sflag:s18], $0x3800  }
0xbd: {  	[sflag:s18] =	ssyncset.done $0x0  }
0xbe: {  	[sflag:s18] =	ssyncadd.s32 $0xFFFFC800  }
0xbf: {  	_ =	swait.ge [sflag:s24], $0x3800  }
0xc0: {  	[sflag:s24] =	ssyncset.done $0x0  }
0xc1: {  	[sflag:s24] =	ssyncadd.s32 $0xFFFFC800  }
0xc2: {  	[tilespmem:s17], [sflag:$0x1] =	stream.indirect.gather [hbm4b:s4+s20], $0x80, s7, s20, $0xb8;
	[tilespmem:$0x1F520] =	vst v63  }
0xc3: {  	_ = 	snop  }
0xc4: {  	[spmem:s2] =	stream.indirect.scatter.add.f32 [tilespmem:s21], [sflag:$0x4], $0x80, s8, s20, $0xb8;
	[tilespmem:$0x1F520] =	vst v63  }
0xc5: {  	_ =	swait.ge [sflag:s18], $0x3800  }
0xc6: {  	[sflag:s18] =	ssyncset.done $0x0  }
0xc7: {  	[sflag:s18] =	ssyncadd.s32 $0xFFFFC800  }
0xc8: {  	_ =	swait.ge [sflag:s26], $0x3800  }
0xc9: {  	[sflag:s26] =	ssyncset.done $0x0  }
0xca: {  	[sflag:s26] =	ssyncadd.s32 $0xFFFFC800  }
0xcb: {  	[tilespmem:s21], [sflag:$0x2] =	stream.indirect.gather [hbm4b:s4+s20], $0x80, s9, s20, $0xb8;
	[tilespmem:$0x1F520] =	vst v63  }
0xcc: {  	_ = 	snop  }
0xcd: {  	[spmem:s2] =	stream.indirect.scatter.add.f32 [tilespmem:s23], [sflag:$0x4], $0x80, s10, s20, $0xb8;
	[tilespmem:$0x1F520] =	vst v63  }
0xce: {  	_ =	swait.ge [sflag:s18], $0x3800  }
0xcf: {  	[sflag:s18] =	ssyncset.done $0x0  }
0xd0: {  	[sflag:s18] =	ssyncadd.s32 $0xFFFFC800  }
0xd1: {  	_ =	swait.ge [sflag:s22], $0x3800  }
0xd2: {  	[sflag:s22] =	ssyncset.done $0x0  }
0xd3: {  	[sflag:s22] =	ssyncadd.s32 $0xFFFFC800  }
0xd4: {  	[tilespmem:s23], [sflag:$0x3] =	stream.indirect.gather [hbm4b:s4+s20], $0x80, s11, s20, $0xb8;
	[tilespmem:$0x1F520] =	vst v63  }
0xd5: {  	_ = 	snop  }
0xd6: {  	[spmem:s2] =	stream.indirect.scatter.add.f32 [tilespmem:s17], [sflag:$0x4], $0x80, s12, s20, $0xb8;
	[tilespmem:$0x1F520] =	vst v63  }
0xd7: {  	_ =	swait.ge [sflag:s18], $0x3800  }
0xd8: {  	[sflag:s18] =	ssyncset.done $0x0  }
0xd9: {  	[sflag:s18] =	ssyncadd.s32 $0xFFFFC800  }
0xda: {  	_ =	swait.ge [sflag:s24], $0x3800  }
0xdb: {  	[sflag:s24] =	ssyncset.done $0x0  }
0xdc: {  	[sflag:s24] =	ssyncadd.s32 $0xFFFFC800  }
0xdd: {  	[spmem:s2] =	stream.indirect.scatter.add.f32 [tilespmem:s21], [sflag:$0x4], $0x80, s13, s20, $0xb8;
	[tilespmem:$0x1F520] =	vst v63  }
0xde: {  	_ =	swait.ge [sflag:s18], $0x3800  }
0xdf: {  	[sflag:s18] =	ssyncset.done $0x0  }
0xe0: {  	[sflag:s18] =	ssyncadd.s32 $0xFFFFC800  }
0xe1: {  	_ =	swait.ge [sflag:s26], $0x3800  }
0xe2: {  	[sflag:s26] =	ssyncset.done $0x0  }
0xe3: {  	[sflag:s26] =	ssyncadd.s32 $0xFFFFC800  }
0xe4: {  	[spmem:s2] =	stream.indirect.scatter.add.f32 [tilespmem:s23], [sflag:$0x4], $0x80, s14, s20, $0xb8;
	[tilespmem:$0x1F520] =	vst v63  }
0xe5: {  	s16 =	simm.s32 $0xD2;
	_ =	swait.ge [sflag:s18], $0x3800  }
0xe6: {  	s25 =	simm.s32 $0x1A4;
	s5 =	rddreg [dreg:$0x4];
	[sflag:s18] =	ssyncset.done $0x0  }
.LBB2_4:
0xe7: {  	[sflag:s18] =	ssyncadd.s32 $0xFFFFC800;
	s5 =	sadd.s32 s16, s5  }
0xe8: {  	[tilespmem:s3], [sflag:$0x4] =	stream.linear.gather [hbm4b:s5+s3], $0x690, $0x38;
	[tilespmem:$0x1F520] =	vst v63  }
0xe9: {  	_ =	swait.ge [sflag:s18], $0x690  }
0xea: {  	s5 =	rddreg [dreg:$0x3];
	[sflag:s18] =	ssyncset.done $0x0  }
0xeb: {  	[sflag:s18] =	ssyncadd.s32 $0xFFFFF970;
	s5 =	sadd.s32 s16, s5  }
0xec: {  	[tilespmem:s19], [sflag:$0x4] =	stream.linear.gather [hbm4b:s5+s3], $0x690, $0x38;
	[tilespmem:$0x1F520] =	vst v63  }
0xed: {  	_ =	swait.ge [sflag:s18], $0x690  }
0xee: {  	[sflag:s18] =	ssyncset.done $0x0  }
0xef: {  	[sflag:s18] =	ssyncadd.s32 $0xFFFFF970  }
0xf0: {  	[tilespmem:s17], [sflag:$0x1] =	stream.indirect.gather [hbm4b:s4+s20], $0x80, s3, s20, $0xb8;
	[tilespmem:$0x1F520] =	vst v63  }
0xf1: {  	_ = 	snop  }
0xf2: {  	[tilespmem:s21], [sflag:$0x2] =	stream.indirect.gather [hbm4b:s4+s20], $0x80, s20, s20, $0xb8;
	[tilespmem:$0x1F520] =	vst v63  }
0xf3: {  	_ =	swait.ge [sflag:s22], $0x3800  }
0xf4: {  	s15 =	smov.u32 s25;
	[sflag:s22] =	ssyncset.done $0x0  }
0xf5: {  	s16 =	smov.u32 s15;
	s15 =	rddreg [dreg:$0x5];
	[sflag:s22] =	ssyncadd.s32 $0xFFFFC800  }
0xf6: {  	[tilespmem:s23], [sflag:$0x3] =	stream.indirect.gather [hbm4b:s4+s20], $0x80, s15, s20, $0xb8;
	[tilespmem:$0x1F520] =	vst v63  }
0xf7: {  	_ = 	snop  }
0xf8: {  	[spmem:s2] =	stream.indirect.scatter.add.f32 [tilespmem:s17], [sflag:$0x4], $0x80, s19, s20, $0xb8;
	[tilespmem:$0x1F520] =	vst v63  }
0xf9: {  	_ =	swait.ge [sflag:s18], $0x3800  }
0xfa: {  	[sflag:s18] =	ssyncset.done $0x0  }
0xfb: {  	[sflag:s18] =	ssyncadd.s32 $0xFFFFC800  }
0xfc: {  	_ =	swait.ge [sflag:s24], $0x3800  }
0xfd: {  	[sflag:s24] =	ssyncset.done $0x0  }
0xfe: {  	s5 =	rddreg [dreg:$0x6];
	[sflag:s24] =	ssyncadd.s32 $0xFFFFC800  }
0xff: {  	[tilespmem:s17], [sflag:$0x1] =	stream.indirect.gather [hbm4b:s4+s20], $0x80, s5, s20, $0xb8;
	[tilespmem:$0x1F520] =	vst v63  }
0x100: {  	s15 =	rddreg [dreg:$0x7]  }
0x101: {  	[spmem:s2] =	stream.indirect.scatter.add.f32 [tilespmem:s21], [sflag:$0x4], $0x80, s15, s20, $0xb8;
	[tilespmem:$0x1F520] =	vst v63  }
0x102: {  	_ =	swait.ge [sflag:s18], $0x3800  }
0x103: {  	[sflag:s18] =	ssyncset.done $0x0  }
0x104: {  	[sflag:s18] =	ssyncadd.s32 $0xFFFFC800  }
0x105: {  	_ =	swait.ge [sflag:s26], $0x3800  }
0x106: {  	[sflag:s26] =	ssyncset.done $0x0  }
0x107: {  	s5 =	rddreg [dreg:$0x8];
	[sflag:s26] =	ssyncadd.s32 $0xFFFFC800  }
0x108: {  	[tilespmem:s21], [sflag:$0x2] =	stream.indirect.gather [hbm4b:s4+s20], $0x80, s5, s20, $0xb8;
	[tilespmem:$0x1F520] =	vst v63  }
0x109: {  	s15 =	rddreg [dreg:$0x9]  }
0x10a: {  	[spmem:s2] =	stream.indirect.scatter.add.f32 [tilespmem:s23], [sflag:$0x4], $0x80, s15, s20, $0xb8;
	[tilespmem:$0x1F520] =	vst v63  }
0x10b: {  	_ =	swait.ge [sflag:s18], $0x3800  }
0x10c: {  	[sflag:s18] =	ssyncset.done $0x0  }
0x10d: {  	[sflag:s18] =	ssyncadd.s32 $0xFFFFC800  }
0x10e: {  	_ =	swait.ge [sflag:s22], $0x3800  }
0x10f: {  	[sflag:s22] =	ssyncset.done $0x0  }
0x110: {  	s5 =	rddreg [dreg:$0xa];
	[sflag:s22] =	ssyncadd.s32 $0xFFFFC800  }
0x111: {  	[tilespmem:s23], [sflag:$0x3] =	stream.indirect.gather [hbm4b:s4+s20], $0x80, s5, s20, $0xb8;
	[tilespmem:$0x1F520] =	vst v63  }
0x112: {  	s15 =	rddreg [dreg:$0xb]  }
0x113: {  	[spmem:s2] =	stream.indirect.scatter.add.f32 [tilespmem:s17], [sflag:$0x4], $0x80, s15, s20, $0xb8;
	[tilespmem:$0x1F520] =	vst v63  }
0x114: {  	_ =	swait.ge [sflag:s18], $0x3800  }
0x115: {  	[sflag:s18] =	ssyncset.done $0x0  }
0x116: {  	[sflag:s18] =	ssyncadd.s32 $0xFFFFC800  }
0x117: {  	_ =	swait.ge [sflag:s24], $0x3800  }
0x118: {  	[sflag:s24] =	ssyncset.done $0x0  }
0x119: {  	s5 =	rddreg [dreg:$0xc];
	[sflag:s24] =	ssyncadd.s32 $0xFFFFC800  }
0x11a: {  	[tilespmem:s17], [sflag:$0x1] =	stream.indirect.gather [hbm4b:s4+s20], $0x80, s5, s20, $0xb8;
	[tilespmem:$0x1F520] =	vst v63  }
0x11b: {  	s15 =	rddreg [dreg:$0xd]  }
0x11c: {  	[spmem:s2] =	stream.indirect.scatter.add.f32 [tilespmem:s21], [sflag:$0x4], $0x80, s15, s20, $0xb8;
	[tilespmem:$0x1F520] =	vst v63  }
0x11d: {  	_ =	swait.ge [sflag:s18], $0x3800  }
0x11e: {  	[sflag:s18] =	ssyncset.done $0x0  }
0x11f: {  	[sflag:s18] =	ssyncadd.s32 $0xFFFFC800  }
0x120: {  	_ =	swait.ge [sflag:s26], $0x3800  }
0x121: {  	[sflag:s26] =	ssyncset.done $0x0  }
0x122: {  	s5 =	rddreg [dreg:$0xe];
	[sflag:s26] =	ssyncadd.s32 $0xFFFFC800  }
0x123: {  	[tilespmem:s21], [sflag:$0x2] =	stream.indirect.gather [hbm4b:s4+s20], $0x80, s5, s20, $0xb8;
	[tilespmem:$0x1F520] =	vst v63  }
0x124: {  	s15 =	rddreg [dreg:$0xf]  }
0x125: {  	[spmem:s2] =	stream.indirect.scatter.add.f32 [tilespmem:s23], [sflag:$0x4], $0x80, s15, s20, $0xb8;
	[tilespmem:$0x1F520] =	vst v63  }
0x126: {  	_ =	swait.ge [sflag:s18], $0x3800  }
0x127: {  	[sflag:s18] =	ssyncset.done $0x0  }
0x128: {  	[sflag:s18] =	ssyncadd.s32 $0xFFFFC800  }
0x129: {  	_ =	swait.ge [sflag:s22], $0x3800  }
0x12a: {  	[sflag:s22] =	ssyncset.done $0x0  }
0x12b: {  	s15 =	rddreg [dreg:$0x10];
	[sflag:s22] =	ssyncadd.s32 $0xFFFFC800  }
0x12c: {  	[tilespmem:s23], [sflag:$0x3] =	stream.indirect.gather [hbm4b:s4+s20], $0x80, s15, s20, $0xb8;
	[tilespmem:$0x1F520] =	vst v63  }
0x12d: {  	_ = 	snop  }
0x12e: {  	[spmem:s2] =	stream.indirect.scatter.add.f32 [tilespmem:s17], [sflag:$0x4], $0x80, s28, s20, $0xb8;
	[tilespmem:$0x1F520] =	vst v63  }
0x12f: {  	_ =	swait.ge [sflag:s18], $0x3800  }
0x130: {  	[sflag:s18] =	ssyncset.done $0x0  }
0x131: {  	[sflag:s18] =	ssyncadd.s32 $0xFFFFC800  }
0x132: {  	_ =	swait.ge [sflag:s24], $0x3800  }
0x133: {  	[sflag:s24] =	ssyncset.done $0x0  }
0x134: {  	[sflag:s24] =	ssyncadd.s32 $0xFFFFC800  }
0x135: {  	[tilespmem:s17], [sflag:$0x1] =	stream.indirect.gather [hbm4b:s4+s20], $0x80, s29, s20, $0xb8;
	[tilespmem:$0x1F520] =	vst v63  }
0x136: {  	_ = 	snop  }
0x137: {  	[spmem:s2] =	stream.indirect.scatter.add.f32 [tilespmem:s21], [sflag:$0x4], $0x80, s30, s20, $0xb8;
	[tilespmem:$0x1F520] =	vst v63  }
0x138: {  	_ =	swait.ge [sflag:s18], $0x3800  }
0x139: {  	[sflag:s18] =	ssyncset.done $0x0  }
0x13a: {  	[sflag:s18] =	ssyncadd.s32 $0xFFFFC800  }
0x13b: {  	_ =	swait.ge [sflag:s26], $0x3800  }
0x13c: {  	[sflag:s26] =	ssyncset.done $0x0  }
0x13d: {  	[sflag:s26] =	ssyncadd.s32 $0xFFFFC800  }
0x13e: {  	[tilespmem:s21], [sflag:$0x2] =	stream.indirect.gather [hbm4b:s4+s20], $0x80, s31, s20, $0xb8;
	[tilespmem:$0x1F520] =	vst v63  }
0x13f: {  	_ = 	snop  }
0x140: {  	[spmem:s2] =	stream.indirect.scatter.add.f32 [tilespmem:s23], [sflag:$0x4], $0x80, s1, s20, $0xb8;
	[tilespmem:$0x1F520] =	vst v63  }
0x141: {  	_ =	swait.ge [sflag:s18], $0x3800  }
0x142: {  	[sflag:s18] =	ssyncset.done $0x0  }
0x143: {  	[sflag:s18] =	ssyncadd.s32 $0xFFFFC800  }
0x144: {  	_ =	swait.ge [sflag:s22], $0x3800  }
0x145: {  	[sflag:s22] =	ssyncset.done $0x0  }
0x146: {  	[sflag:s22] =	ssyncadd.s32 $0xFFFFC800  }
0x147: {  	[tilespmem:s23], [sflag:$0x3] =	stream.indirect.gather [hbm4b:s4+s20], $0x80, s0, s20, $0xb8;
	[tilespmem:$0x1F520] =	vst v63  }
0x148: {  	_ = 	snop  }
0x149: {  	[spmem:s2] =	stream.indirect.scatter.add.f32 [tilespmem:s17], [sflag:$0x4], $0x80, s6, s20, $0xb8;
	[tilespmem:$0x1F520] =	vst v63  }
0x14a: {  	_ =	swait.ge [sflag:s18], $0x3800  }
0x14b: {  	[sflag:s18] =	ssyncset.done $0x0  }
0x14c: {  	[sflag:s18] =	ssyncadd.s32 $0xFFFFC800  }
0x14d: {  	_ =	swait.ge [sflag:s24], $0x3800  }
0x14e: {  	[sflag:s24] =	ssyncset.done $0x0  }
0x14f: {  	[sflag:s24] =	ssyncadd.s32 $0xFFFFC800  }
0x150: {  	[tilespmem:s17], [sflag:$0x1] =	stream.indirect.gather [hbm4b:s4+s20], $0x80, s7, s20, $0xb8;
	[tilespmem:$0x1F520] =	vst v63  }
0x151: {  	_ = 	snop  }
0x152: {  	[spmem:s2] =	stream.indirect.scatter.add.f32 [tilespmem:s21], [sflag:$0x4], $0x80, s8, s20, $0xb8;
	[tilespmem:$0x1F520] =	vst v63  }
0x153: {  	_ =	swait.ge [sflag:s18], $0x3800  }
0x154: {  	[sflag:s18] =	ssyncset.done $0x0  }
0x155: {  	[sflag:s18] =	ssyncadd.s32 $0xFFFFC800  }
0x156: {  	_ =	swait.ge [sflag:s26], $0x3800  }
0x157: {  	[sflag:s26] =	ssyncset.done $0x0  }
0x158: {  	[sflag:s26] =	ssyncadd.s32 $0xFFFFC800  }
0x159: {  	[tilespmem:s21], [sflag:$0x2] =	stream.indirect.gather [hbm4b:s4+s20], $0x80, s9, s20, $0xb8;
	[tilespmem:$0x1F520] =	vst v63  }
0x15a: {  	_ = 	snop  }
0x15b: {  	[spmem:s2] =	stream.indirect.scatter.add.f32 [tilespmem:s23], [sflag:$0x4], $0x80, s10, s20, $0xb8;
	[tilespmem:$0x1F520] =	vst v63  }
0x15c: {  	_ =	swait.ge [sflag:s18], $0x3800  }
0x15d: {  	[sflag:s18] =	ssyncset.done $0x0  }
0x15e: {  	[sflag:s18] =	ssyncadd.s32 $0xFFFFC800  }
0x15f: {  	_ =	swait.ge [sflag:s22], $0x3800  }
0x160: {  	[sflag:s22] =	ssyncset.done $0x0  }
0x161: {  	[sflag:s22] =	ssyncadd.s32 $0xFFFFC800  }
0x162: {  	[tilespmem:s23], [sflag:$0x3] =	stream.indirect.gather [hbm4b:s4+s20], $0x80, s11, s20, $0xb8;
	[tilespmem:$0x1F520] =	vst v63  }
0x163: {  	_ = 	snop  }
0x164: {  	[spmem:s2] =	stream.indirect.scatter.add.f32 [tilespmem:s17], [sflag:$0x4], $0x80, s12, s20, $0xb8;
	[tilespmem:$0x1F520] =	vst v63  }
0x165: {  	_ =	swait.ge [sflag:s18], $0x3800  }
0x166: {  	[sflag:s18] =	ssyncset.done $0x0  }
0x167: {  	[sflag:s18] =	ssyncadd.s32 $0xFFFFC800  }
0x168: {  	_ =	swait.ge [sflag:s24], $0x3800  }
0x169: {  	[sflag:s24] =	ssyncset.done $0x0  }
0x16a: {  	[sflag:s24] =	ssyncadd.s32 $0xFFFFC800  }
0x16b: {  	[spmem:s2] =	stream.indirect.scatter.add.f32 [tilespmem:s21], [sflag:$0x4], $0x80, s13, s20, $0xb8;
	[tilespmem:$0x1F520] =	vst v63  }
0x16c: {  	_ =	swait.ge [sflag:s18], $0x3800  }
0x16d: {  	[sflag:s18] =	ssyncset.done $0x0  }
0x16e: {  	[sflag:s18] =	ssyncadd.s32 $0xFFFFC800  }
0x16f: {  	p0 =	sne.s32 s25, $0x41A;
	_ =	swait.ge [sflag:s26], $0x3800  }
.Ltmp1:
0x170: {  	[sflag:s26] =	ssyncset.done $0x0;
	(pc) =	sbr.rel @p0 .LBB2_4-.Ltmp1, $4  }
0x171: {  	[sflag:s26] =	ssyncadd.s32 $0xFFFFC800  }
0x172: {  	[spmem:s2] =	stream.indirect.scatter.add.f32 [tilespmem:s23], [sflag:$0x4], $0x80, s14, s20, $0xb8;
	[tilespmem:$0x1F520] =	vst v63  }
0x173: {  	_ =	swait.ge [sflag:s18], $0x3800  }
0x174: {  	s25 =	sadd.s32 $0xD2, s25;
	s5 =	rddreg [dreg:$0x4];
	[sflag:s18] =	ssyncset.done $0x0  }
0x175: {  	[sflag:s18] =	ssyncadd.s32 $0xFFFFC800;
	s5 =	sadd.s32 s16, s5  }
0x176: {  	[tilespmem:s3], [sflag:$0x4] =	stream.linear.gather [hbm4b:s5+s3], $0x690, $0x38;
	[tilespmem:$0x1F520] =	vst v63  }
0x177: {  	_ =	swait.ge [sflag:s18], $0x690  }
0x178: {  	s15 =	rddreg [dreg:$0x3];
	[sflag:s18] =	ssyncset.done $0x0  }
0x179: {  	[sflag:s18] =	ssyncadd.s32 $0xFFFFF970;
	s5 =	sadd.s32 s16, s15  }
0x17a: {  	[tilespmem:s19], [sflag:$0x4] =	stream.linear.gather [hbm4b:s5+s3], $0x690, $0x38;
	[tilespmem:$0x1F520] =	vst v63  }
0x17b: {  	_ =	swait.ge [sflag:s18], $0x690  }
0x17c: {  	[sflag:s18] =	ssyncset.done $0x0  }
0x17d: {  	[sflag:s18] =	ssyncadd.s32 $0xFFFFF970  }
0x17e: {  	[tilespmem:s17], [sflag:$0x1] =	stream.indirect.gather [hbm4b:s4+s20], $0x80, s3, s20, $0xb8;
	[tilespmem:$0x1F520] =	vst v63  }
0x17f: {  	_ = 	snop  }
0x180: {  	[tilespmem:s21], [sflag:$0x2] =	stream.indirect.gather [hbm4b:s4+s20], $0x80, s20, s20, $0xb8;
	[tilespmem:$0x1F520] =	vst v63  }
0x181: {  	_ =	swait.ge [sflag:s22], $0x3800  }
0x182: {  	[sflag:s22] =	ssyncset.done $0x0  }
0x183: {  	s16 =	rddreg [dreg:$0x5];
	[sflag:s22] =	ssyncadd.s32 $0xFFFFC800  }
0x184: {  	[tilespmem:s23], [sflag:$0x3] =	stream.indirect.gather [hbm4b:s4+s20], $0x80, s16, s20, $0xb8;
	[tilespmem:$0x1F520] =	vst v63  }
0x185: {  	_ = 	snop  }
0x186: {  	[spmem:s2] =	stream.indirect.scatter.add.f32 [tilespmem:s17], [sflag:$0x4], $0x80, s19, s20, $0xb8;
	[tilespmem:$0x1F520] =	vst v63  }
0x187: {  	_ =	swait.ge [sflag:s18], $0x3800  }
0x188: {  	[sflag:s18] =	ssyncset.done $0x0  }
0x189: {  	[sflag:s18] =	ssyncadd.s32 $0xFFFFC800  }
0x18a: {  	_ =	swait.ge [sflag:s24], $0x3800  }
0x18b: {  	[sflag:s24] =	ssyncset.done $0x0  }
0x18c: {  	s25 =	rddreg [dreg:$0x6];
	[sflag:s24] =	ssyncadd.s32 $0xFFFFC800  }
0x18d: {  	[tilespmem:s17], [sflag:$0x1] =	stream.indirect.gather [hbm4b:s4+s20], $0x80, s25, s20, $0xb8;
	[tilespmem:$0x1F520] =	vst v63  }
0x18e: {  	s15 =	rddreg [dreg:$0x7]  }
0x18f: {  	[spmem:s2] =	stream.indirect.scatter.add.f32 [tilespmem:s21], [sflag:$0x4], $0x80, s15, s20, $0xb8;
	[tilespmem:$0x1F520] =	vst v63  }
0x190: {  	_ =	swait.ge [sflag:s18], $0x3800  }
0x191: {  	[sflag:s18] =	ssyncset.done $0x0  }
0x192: {  	[sflag:s18] =	ssyncadd.s32 $0xFFFFC800  }
0x193: {  	_ =	swait.ge [sflag:s26], $0x3800  }
0x194: {  	[sflag:s26] =	ssyncset.done $0x0  }
0x195: {  	s16 =	rddreg [dreg:$0x8];
	[sflag:s26] =	ssyncadd.s32 $0xFFFFC800  }
0x196: {  	[tilespmem:s21], [sflag:$0x2] =	stream.indirect.gather [hbm4b:s4+s20], $0x80, s16, s20, $0xb8;
	[tilespmem:$0x1F520] =	vst v63  }
0x197: {  	s25 =	rddreg [dreg:$0x9]  }
0x198: {  	[spmem:s2] =	stream.indirect.scatter.add.f32 [tilespmem:s23], [sflag:$0x4], $0x80, s25, s20, $0xb8;
	[tilespmem:$0x1F520] =	vst v63  }
0x199: {  	_ =	swait.ge [sflag:s18], $0x3800  }
0x19a: {  	[sflag:s18] =	ssyncset.done $0x0  }
0x19b: {  	[sflag:s18] =	ssyncadd.s32 $0xFFFFC800  }
0x19c: {  	_ =	swait.ge [sflag:s22], $0x3800  }
0x19d: {  	[sflag:s22] =	ssyncset.done $0x0  }
0x19e: {  	s16 =	rddreg [dreg:$0xa];
	[sflag:s22] =	ssyncadd.s32 $0xFFFFC800  }
0x19f: {  	[tilespmem:s23], [sflag:$0x3] =	stream.indirect.gather [hbm4b:s4+s20], $0x80, s16, s20, $0xb8;
	[tilespmem:$0x1F520] =	vst v63  }
0x1a0: {  	s25 =	rddreg [dreg:$0xb]  }
0x1a1: {  	[spmem:s2] =	stream.indirect.scatter.add.f32 [tilespmem:s17], [sflag:$0x4], $0x80, s25, s20, $0xb8;
	[tilespmem:$0x1F520] =	vst v63  }
0x1a2: {  	_ =	swait.ge [sflag:s18], $0x3800  }
0x1a3: {  	[sflag:s18] =	ssyncset.done $0x0  }
0x1a4: {  	[sflag:s18] =	ssyncadd.s32 $0xFFFFC800  }
0x1a5: {  	_ =	swait.ge [sflag:s24], $0x3800  }
0x1a6: {  	[sflag:s24] =	ssyncset.done $0x0  }
0x1a7: {  	s16 =	rddreg [dreg:$0xc];
	[sflag:s24] =	ssyncadd.s32 $0xFFFFC800  }
0x1a8: {  	[tilespmem:s17], [sflag:$0x1] =	stream.indirect.gather [hbm4b:s4+s20], $0x80, s16, s20, $0xb8;
	[tilespmem:$0x1F520] =	vst v63  }
0x1a9: {  	s25 =	rddreg [dreg:$0xd]  }
0x1aa: {  	[spmem:s2] =	stream.indirect.scatter.add.f32 [tilespmem:s21], [sflag:$0x4], $0x80, s25, s20, $0xb8;
	[tilespmem:$0x1F520] =	vst v63  }
0x1ab: {  	_ =	swait.ge [sflag:s18], $0x3800  }
0x1ac: {  	[sflag:s18] =	ssyncset.done $0x0  }
0x1ad: {  	[sflag:s18] =	ssyncadd.s32 $0xFFFFC800  }
0x1ae: {  	_ =	swait.ge [sflag:s26], $0x3800  }
0x1af: {  	[sflag:s26] =	ssyncset.done $0x0  }
0x1b0: {  	s15 =	rddreg [dreg:$0xe];
	[sflag:s26] =	ssyncadd.s32 $0xFFFFC800  }
0x1b1: {  	[tilespmem:s21], [sflag:$0x2] =	stream.indirect.gather [hbm4b:s4+s20], $0x80, s15, s20, $0xb8;
	[tilespmem:$0x1F520] =	vst v63  }
0x1b2: {  	s16 =	rddreg [dreg:$0xf]  }
0x1b3: {  	[spmem:s2] =	stream.indirect.scatter.add.f32 [tilespmem:s23], [sflag:$0x4], $0x80, s16, s20, $0xb8;
	[tilespmem:$0x1F520] =	vst v63  }
0x1b4: {  	_ =	swait.ge [sflag:s18], $0x3800  }
0x1b5: {  	[sflag:s18] =	ssyncset.done $0x0  }
0x1b6: {  	[sflag:s18] =	ssyncadd.s32 $0xFFFFC800  }
0x1b7: {  	_ =	swait.ge [sflag:s22], $0x3800  }
0x1b8: {  	[sflag:s22] =	ssyncset.done $0x0  }
0x1b9: {  	s25 =	rddreg [dreg:$0x10];
	[sflag:s22] =	ssyncadd.s32 $0xFFFFC800  }
0x1ba: {  	[tilespmem:s23], [sflag:$0x3] =	stream.indirect.gather [hbm4b:s4+s20], $0x80, s25, s20, $0xb8;
	[tilespmem:$0x1F520] =	vst v63  }
0x1bb: {  	_ = 	snop  }
0x1bc: {  	[spmem:s2] =	stream.indirect.scatter.add.f32 [tilespmem:s17], [sflag:$0x4], $0x80, s28, s20, $0xb8;
	[tilespmem:$0x1F520] =	vst v63  }
0x1bd: {  	_ =	swait.ge [sflag:s18], $0x3800  }
0x1be: {  	[sflag:s18] =	ssyncset.done $0x0  }
0x1bf: {  	[sflag:s18] =	ssyncadd.s32 $0xFFFFC800  }
0x1c0: {  	_ =	swait.ge [sflag:s24], $0x3800  }
0x1c1: {  	[sflag:s24] =	ssyncset.done $0x0  }
0x1c2: {  	[sflag:s24] =	ssyncadd.s32 $0xFFFFC800  }
0x1c3: {  	[tilespmem:s17], [sflag:$0x1] =	stream.indirect.gather [hbm4b:s4+s20], $0x80, s29, s20, $0xb8;
	[tilespmem:$0x1F520] =	vst v63  }
0x1c4: {  	_ = 	snop  }
0x1c5: {  	[spmem:s2] =	stream.indirect.scatter.add.f32 [tilespmem:s21], [sflag:$0x4], $0x80, s30, s20, $0xb8;
	[tilespmem:$0x1F520] =	vst v63  }
0x1c6: {  	_ =	swait.ge [sflag:s18], $0x3800  }
0x1c7: {  	[sflag:s18] =	ssyncset.done $0x0  }
0x1c8: {  	[sflag:s18] =	ssyncadd.s32 $0xFFFFC800  }
0x1c9: {  	_ =	swait.ge [sflag:s26], $0x3800  }
0x1ca: {  	[sflag:s26] =	ssyncset.done $0x0  }
0x1cb: {  	[sflag:s26] =	ssyncadd.s32 $0xFFFFC800  }
0x1cc: {  	[tilespmem:s21], [sflag:$0x2] =	stream.indirect.gather [hbm4b:s4+s20], $0x80, s31, s20, $0xb8;
	[tilespmem:$0x1F520] =	vst v63  }
0x1cd: {  	_ = 	snop  }
0x1ce: {  	[spmem:s2] =	stream.indirect.scatter.add.f32 [tilespmem:s23], [sflag:$0x4], $0x80, s1, s20, $0xb8;
	[tilespmem:$0x1F520] =	vst v63  }
0x1cf: {  	_ =	swait.ge [sflag:s18], $0x3800  }
0x1d0: {  	[sflag:s18] =	ssyncset.done $0x0  }
0x1d1: {  	[sflag:s18] =	ssyncadd.s32 $0xFFFFC800  }
0x1d2: {  	_ =	swait.ge [sflag:s22], $0x3800  }
0x1d3: {  	[sflag:s22] =	ssyncset.done $0x0  }
0x1d4: {  	[sflag:s22] =	ssyncadd.s32 $0xFFFFC800  }
0x1d5: {  	[tilespmem:s23], [sflag:$0x3] =	stream.indirect.gather [hbm4b:s4+s20], $0x80, s0, s20, $0xb8;
	[tilespmem:$0x1F520] =	vst v63  }
0x1d6: {  	_ = 	snop  }
0x1d7: {  	[spmem:s2] =	stream.indirect.scatter.add.f32 [tilespmem:s17], [sflag:$0x4], $0x80, s6, s20, $0xb8;
	[tilespmem:$0x1F520] =	vst v63  }
0x1d8: {  	_ =	swait.ge [sflag:s18], $0x3800  }
0x1d9: {  	[sflag:s18] =	ssyncset.done $0x0  }
0x1da: {  	[sflag:s18] =	ssyncadd.s32 $0xFFFFC800  }
0x1db: {  	_ =	swait.ge [sflag:s24], $0x3800  }
0x1dc: {  	[sflag:s24] =	ssyncset.done $0x0  }
0x1dd: {  	[sflag:s24] =	ssyncadd.s32 $0xFFFFC800  }
0x1de: {  	[tilespmem:s17], [sflag:$0x1] =	stream.indirect.gather [hbm4b:s4+s20], $0x80, s7, s20, $0xb8;
	[tilespmem:$0x1F520] =	vst v63  }
0x1df: {  	_ = 	snop  }
0x1e0: {  	[spmem:s2] =	stream.indirect.scatter.add.f32 [tilespmem:s21], [sflag:$0x4], $0x80, s8, s20, $0xb8;
	[tilespmem:$0x1F520] =	vst v63  }
0x1e1: {  	_ =	swait.ge [sflag:s18], $0x3800  }
0x1e2: {  	[sflag:s18] =	ssyncset.done $0x0  }
0x1e3: {  	[sflag:s18] =	ssyncadd.s32 $0xFFFFC800  }
0x1e4: {  	_ =	swait.ge [sflag:s26], $0x3800  }
0x1e5: {  	[sflag:s26] =	ssyncset.done $0x0  }
0x1e6: {  	[sflag:s26] =	ssyncadd.s32 $0xFFFFC800  }
0x1e7: {  	[tilespmem:s21], [sflag:$0x2] =	stream.indirect.gather [hbm4b:s4+s20], $0x80, s9, s20, $0xb8;
	[tilespmem:$0x1F520] =	vst v63  }
0x1e8: {  	_ = 	snop  }
0x1e9: {  	[spmem:s2] =	stream.indirect.scatter.add.f32 [tilespmem:s23], [sflag:$0x4], $0x80, s10, s20, $0xb8;
	[tilespmem:$0x1F520] =	vst v63  }
0x1ea: {  	_ =	swait.ge [sflag:s18], $0x3800  }
0x1eb: {  	[sflag:s18] =	ssyncset.done $0x0  }
0x1ec: {  	[sflag:s18] =	ssyncadd.s32 $0xFFFFC800  }
0x1ed: {  	_ =	swait.ge [sflag:s22], $0x3800  }
0x1ee: {  	[sflag:s22] =	ssyncset.done $0x0  }
0x1ef: {  	[sflag:s22] =	ssyncadd.s32 $0xFFFFC800  }
0x1f0: {  	[tilespmem:s23], [sflag:$0x3] =	stream.indirect.gather [hbm4b:s4+s20], $0x80, s11, s20, $0xb8;
	[tilespmem:$0x1F520] =	vst v63  }
0x1f1: {  	_ = 	snop  }
0x1f2: {  	[spmem:s2] =	stream.indirect.scatter.add.f32 [tilespmem:s17], [sflag:$0x4], $0x80, s12, s20, $0xb8;
	[tilespmem:$0x1F520] =	vst v63  }
0x1f3: {  	_ =	swait.ge [sflag:s18], $0x3800  }
0x1f4: {  	[sflag:s18] =	ssyncset.done $0x0  }
0x1f5: {  	[sflag:s18] =	ssyncadd.s32 $0xFFFFC800  }
0x1f6: {  	_ =	swait.ge [sflag:s24], $0x3800  }
0x1f7: {  	[sflag:s24] =	ssyncset.done $0x0  }
0x1f8: {  	[sflag:s24] =	ssyncadd.s32 $0xFFFFC800  }
0x1f9: {  	[spmem:s2] =	stream.indirect.scatter.add.f32 [tilespmem:s21], [sflag:$0x4], $0x80, s13, s20, $0xb8;
	[tilespmem:$0x1F520] =	vst v63  }
0x1fa: {  	_ =	swait.ge [sflag:s18], $0x3800  }
0x1fb: {  	[sflag:s18] =	ssyncset.done $0x0  }
0x1fc: {  	[sflag:s18] =	ssyncadd.s32 $0xFFFFC800  }
0x1fd: {  	_ =	swait.ge [sflag:s26], $0x3800  }
0x1fe: {  	[sflag:s26] =	ssyncset.done $0x0  }
0x1ff: {  	[sflag:s26] =	ssyncadd.s32 $0xFFFFC800  }
0x200: {  	[spmem:s2] =	stream.indirect.scatter.add.f32 [tilespmem:s23], [sflag:$0x4], $0x80, s14, s20, $0xb8;
	[tilespmem:$0x1F520] =	vst v63  }
0x201: {  	_ =	swait.ge [sflag:s18], $0x3800  }
0x202: {  	[sflag:s18] =	ssyncset.done $0x0  }
0x203: {  	[sflag:s18] =	ssyncadd.s32 $0xFFFFC800  }
0x204: {  	s15 =	stileid.u32;
	[bflag:$0x0] =	sbarrier.arrive $0xFFFF  }
0x205: {  	s5 =	sshll.u32 s15, $0x6;
	s16 =	rddreg [dreg:$0x12]  }
0x206: {  	s5 =	sor.u32 $0x1C04, s5;
	s25 =	rddreg [dreg:$0x1d]  }
0x207: {  	[hbm:s16], [sflag:s5] =	dma.local [spmem:s25], $0x2800  }
0x208: {  	_ =	swait.ge [sflag:s18], $0x2800  }
0x209: {  	s16 =	rddreg [dreg:$0x1e]  }
0x20a: {  	s25 =	rddreg [dreg:$0x13];
	s15 =	sadd.s32 $0x1, s16  }
0x20b: {  	p0 =	sne.s32 s15, s25  }
.Ltmp2:
0x20c: {  	_ = 	snop;
	(pc) =	sbr.rel @p0 .LBB2_1-.Ltmp2, $3  }
0x20d: {  	_ =	sdelay $0x1  }
0x20e: {  	[sflag:s18] =	ssyncset.done $0x0  }
0x20f: {  	[sflag:s18] =	ssyncadd.s32 $0xFFFFD800  }
0x210: {  	_ =	sfence.sel $0x180000  }
0x211: {  	[bflag:$0x0] =	sbarrier.arrive $0xFFFF  }
0x212: {  	_ =	strace $0x9000004A  }
0x213: {  	s0 =	stileid.u32;
	[bflag:$0x2] =	sbarrier.arrive $0xFFFF  }
0x214: {  	p0 =	sne.s32 s0, $0x0;
	s0 =	rddreg [dreg:$0x2]  }
0x215: {  	s0 =	sadd.s32 @!p0 $0x100000, s0  }
0x216: {  	[sflag:s0] =	ssyncadd.tile.s32 @!p0 $0x1;
	_ =	shalt  }
.Lfunc_end2:
_tile_overlayer_lowered:
.L_overlay_start_2:
0x217: {  	(tag) =	ssettag $0x2  }
0x218: {  	s0 =	rddreg [dreg:$0x0];
	s2 =	stileid.u32  }
0x219: {  	s1 =	rddreg [dreg:$0x1];
	p0 =	sne.s32 s2, $0x0  }
0x21a: {  	s3 =	rddreg [dreg:$0x2];
	[bflag:$0x3] =	sbarrier.arrive $0xFFFF;
	s2 =	simm.s32 @!p0 $0x1C04  }
0x21b: {  	[timem:s3], [sflag:s2] =	dma.local @!p0 [hbm:s0], s1  }
0x21c: {  	s0 =	simm.s32 @!p0 $0x4  }
0x21d: {  	_ =	swait.ge @!p0 [sflag:s0], s1  }
0x21e: {  	s1 =	ssub.s32 @!p0 $0x0, s1;
	[sflag:s0] =	ssyncset.done @!p0 $0x0  }
0x21f: {  	[sflag:s0] =	ssyncadd.s32 @!p0 s1  }
0x220: {  	[bflag:$0x3] =	sbarrier.arrive $0xFFFF  }
0x221: {  	_ =	shalt  }

// kernel: kernel.16.cloned.1.call-start
scs
__scs_entry_jumppad:
0x0: {  	(pc) =	sbr.rel $0x88, $3  }
0x1: {  	(tag) =	ssettag $0x0;
	lr =	simm.s32 $0x1  }
0x2: {  	[smem:$0x3F99] =	sst lr;
	_ =	strace $0xD0000000  }
0x3: {  	_ = 	snop  }
0x4: {  	_ = 	snop  }
0x5: {  	_ = 	snop  }
0x6: {  	_ = 	snop  }
0x7: {  	_ = 	snop  }
__scs_overlays_trampoline_lowered:
0x8: {  	[smem:$0x3FA8] =	sst s0  }
0x9: {  	[smem:$0x3FA9] =	sst s1  }
0xa: {  	[smem:$0x3FAA] =	sst s2  }
0xb: {  	[smem:$0x3FAB] =	sst s3  }
0xc: {  	[smem:$0x3FAC] =	sst s4  }
0xd: {  	[smem:$0x3FAD] =	sst s5  }
0xe: {  	[smem:$0x3FAE] =	sst s6  }
0xf: {  	[smem:$0x3FAF] =	sst s7  }
0x10: {  	[smem:$0x3FB0] =	sst s8  }
0x11: {  	[smem:$0x3FB1] =	sst s9;
	s0 =	simm.s32 @!p0 $0x0  }
0x12: {  	s1 =	sld [smem:$0x3F97];
	s0 =	simm.s32 @p0 $0x1  }
0x13: {  	[smem:$0x3FB2] =	sst s0;
	s0 =	simm.s32 @!p1 $0x0  }
0x14: {  	s2 =	sld [smem:$0x3F96];
	s0 =	simm.s32 @p1 $0x1  }
0x15: {  	[smem:$0x3FB3] =	sst s0;
	s0 =	simm.s32 @!p2 $0x0  }
0x16: {  	s3 =	sld [smem:$0x3FDB];
	s0 =	simm.s32 @p2 $0x1  }
0x17: {  	s4 =	simm.s32 $0x1BF5;
	[smem:$0x3FB5] =	sst s0  }
0x18: {  	s0 =	sld [smem:$0x3F98];
	_ =	swait.ge [sflag:s4], $0x0  }
0x19: {  	s7 =	sld [smem:$0x3F99]  }
0x1a: {  	s8 =	sadd.s32 $0xFFFFE003, lr  }
0x1b: {  	s9 =	sadd.s32 $0xFFFFFEF7, lr;
	s5 =	simm.s32 $0xFFFFFFFF;
	p2 =	slt.u32 s8, $0xFFFFF086  }
0x1c: {  	p1 =	slt.u32 s9, $0xF7A;
	s5 =	simm.s32 @!p2 $0x0  }
0x1d: {  	s5 =	simm.s32 @p1 $0x1;
	p0 =	seq.s32 s7, s2  }
0x1e: {  	s7 =	smul.u32 @!p0 $0xF7A, s2;
	p2 =	seq.s32 @!p0 s5, $0x0  }
0x1f: {  	s9 =	smul.u32 $0xF7A, s1;
	s8 =	simm.s32 @!p0 $0x1BF5;
	p2 =	por !p2, p0  }
0x20: {  	[sflag:s8] =	ssyncset.s32 @!p0 $0xFFFFF086;
	s6 =	sadd.s32 @!p0 s3, s7;
	s7 =	simm.s32 @!p0 $0x108  }
0x21: {  	s3 =	sadd.s32 s3, s9;
	s6 =	sadd.s32 @!p0 $0x88, s6;
	s7 =	simm.s32 @p2 $0x1082  }
0x22: {  	[simem:s7], [sflag:s8] =	dma.local @!p0 [hbm:s6], $0xF7A  }
0x23: {  	s9 =	sor.u32 $0xD0000000, s2;
	s6 =	simm.s32 $0x108;
	_ =	swait.ge @!p0 [sflag:s8], $0x0  }
0x24: {  	s3 =	sadd.s32 $0x88, s3;
	s6 =	simm.s32 @!p1 $0x1082;
	[sflag:s4] =	ssyncset.s32 $0xFFFFF086  }
0x25: {  	[simem:s6], [sflag:s4] =	dma.local [hbm:s3], $0xF7A  }
0x26: {  	[smem:$0x3F99] =	sst s1;
	(tag) =	ssettag s2;
	_ =	strace s9  }
0x27: {  	s1 =	sld [smem:$0x3FA9]  }
0x28: {  	s2 =	sld [smem:$0x3FAA]  }
0x29: {  	s4 =	sld [smem:$0x3FAC]  }
0x2a: {  	p0 =	seq.s32 s5, $0x0;
	s5 =	sld [smem:$0x3FAD]  }
0x2b: {  	s6 =	sld [smem:$0x3FAE]  }
0x2c: {  	s7 =	sld [smem:$0x3FAF]  }
0x2d: {  	s3 =	simm.s32 $0x108;
	s8 =	sld [smem:$0x3FB0]  }
0x2e: {  	s3 =	simm.s32 @!p0 $0x1082;
	s9 =	sld [smem:$0x3FB1]  }
0x2f: {  	lr =	sadd.s32 s0, s3;
	s0 =	sld [smem:$0x3FA8]  }
0x30: {  	s3 =	sld [smem:$0x3FAB]  }
0x31: {  	[smem:$0x3FB4] =	sst s10  }
0x32: {  	s10 =	sld [smem:$0x3FB2];
	_ =	sdelay $0x3  }
0x33: {  	p0 =	seq.s32 s10, $0x1;
	s10 =	sld [smem:$0x3FB4];
	_ =	sdelay $0x3  }
0x34: {  	[smem:$0x3FB4] =	sst s10  }
0x35: {  	s10 =	sld [smem:$0x3FB3];
	_ =	sdelay $0x3  }
0x36: {  	p1 =	seq.s32 s10, $0x1;
	s10 =	sld [smem:$0x3FB4];
	_ =	sdelay $0x3  }
0x37: {  	[smem:$0x3FB4] =	sst s10  }
0x38: {  	s10 =	sld [smem:$0x3FB5]  }
0x39: {  	_ = 	snop;
	(pc) =	sbr.ind lr, $3  }
0x3a: {  	_ = 	snop  }
0x3b: {  	_ = 	snop  }
0x3c: {  	p2 =	seq.s32 s10, $0x1;
	s10 =	sld [smem:$0x3FB4]  }
0x3d: {  	_ =	shalt  }
0x3e: {  	_ =	shalt  }
0x3f: {  	_ =	shalt  }
0x40: {  	_ =	shalt  }
0x41: {  	_ =	shalt  }
0x42: {  	_ =	shalt  }
0x43: {  	_ =	shalt  }
0x44: {  	_ =	shalt  }
0x45: {  	_ =	shalt  }
0x46: {  	_ =	shalt  }
0x47: {  	_ =	shalt  }
0x48: {  	_ =	shalt  }
0x49: {  	_ =	shalt  }
0x4a: {  	_ =	shalt  }
0x4b: {  	_ =	shalt  }
0x4c: {  	_ =	shalt  }
0x4d: {  	_ =	shalt  }
0x4e: {  	_ =	shalt  }
0x4f: {  	_ =	shalt  }
0x50: {  	_ =	shalt  }
0x51: {  	_ =	shalt  }
0x52: {  	_ =	shalt  }
0x53: {  	_ =	shalt  }
0x54: {  	_ =	shalt  }
0x55: {  	_ =	shalt  }
0x56: {  	_ =	shalt  }
0x57: {  	_ =	shalt  }
0x58: {  	_ =	shalt  }
0x59: {  	_ =	shalt  }
0x5a: {  	_ =	shalt  }
0x5b: {  	_ =	shalt  }
0x5c: {  	_ =	shalt  }
0x5d: {  	_ =	shalt  }
0x5e: {  	_ =	shalt  }
0x5f: {  	_ =	shalt  }
0x60: {  	_ =	shalt  }
0x61: {  	_ =	shalt  }
0x62: {  	_ =	shalt  }
0x63: {  	_ =	shalt  }
0x64: {  	_ =	shalt  }
0x65: {  	_ =	shalt  }
0x66: {  	_ =	shalt  }
0x67: {  	_ =	shalt  }
0x68: {  	_ =	shalt  }
0x69: {  	_ =	shalt  }
0x6a: {  	_ =	shalt  }
0x6b: {  	_ =	shalt  }
0x6c: {  	_ =	shalt  }
0x6d: {  	_ =	shalt  }
0x6e: {  	_ =	shalt  }
0x6f: {  	_ =	shalt  }
0x70: {  	_ =	shalt  }
0x71: {  	_ =	shalt  }
0x72: {  	_ =	shalt  }
0x73: {  	_ =	shalt  }
0x74: {  	_ =	shalt  }
0x75: {  	_ =	shalt  }
0x76: {  	_ =	shalt  }
0x77: {  	_ =	shalt  }
0x78: {  	_ =	shalt  }
0x79: {  	_ =	shalt  }
0x7a: {  	_ =	shalt  }
0x7b: {  	_ =	shalt  }
0x7c: {  	_ =	shalt  }
0x7d: {  	_ =	shalt  }
0x7e: {  	_ =	shalt  }
0x7f: {  	_ =	shalt  }
0x80: {  	_ =	shalt  }
0x81: {  	_ =	shalt  }
0x82: {  	_ =	shalt  }
0x83: {  	_ =	shalt  }
0x84: {  	_ =	shalt  }
0x85: {  	_ =	shalt  }
0x86: {  	_ =	shalt  }
0x87: {  	_ =	shalt  }
.Lfunc_end0:
.L_simem_size_0:
called_computation.2_lowered:
.L_overlay_start_0:
0x88: {  	s2 =	sld [smem:$0x3FD9]  }
0x89: {  	s3 =	sld [smem:$0x3FFE];
	_ =	sdelay $0x1  }
0x8a: {  	s1 =	srdreg.scid  }
0x8b: {  	s0 =	sand.u32 $0x1, s1  }
0x8c: {  	s16 =	sshll.u32 s0, $0xA;
	s2 =	sadd.s32 s3, s2  }
0x8d: {  	s2 =	sadd.s32 s2, s16  }
0x8e: {  	[smem:$0x3FC0] =	sst s2  }
0x8f: {  	_ = 	snop  }
0x90: {  	(tm) =	ssettm $0x1  }
0x91: {  	s17 =	sld [smem:$0x3FFB];
	_ =	sdelay $0x3  }
0x92: {  	_ =	strace s17  }
0x93: {  	s2 =	sld [smem:$0x3FFC];
	_ =	sdelay $0x3  }
0x94: {  	_ =	strace s2  }
0x95: {  	s2 =	sld [smem:$0x3FFD];
	_ =	sdelay $0x3  }
0x96: {  	_ =	strace s2  }
0x97: {  	_ =	strace $0x8FFFFFFF  }
0x98: {  	s18 =	sld [smem:$0x3FDB];
	_ =	sdelay $0x1  }
0x99: {  	s19 =	simm.s32 $_scs_section_size  }
0x9a: {  	s4 =	simm.s32 $_size__tile_overlayer_lowered;
	s5 =	simm.s32 $_tile_overlayer_lowered  }
0x9b: {  	s22 =	simm.s32 $0x1BFF;
	s21 =	sshll.u32 s5, $0x1;
	s2 =	sadd.s32 s19, s18  }
0x9c: {  	s6 =	simm.s32 $0x0;
	s20 =	sshll.u32 s4, $0x1;
	s4 =	sadd.s32 s21, s2  }
0x9d: {  	[timem:s6], [sflag:s22] =	dma.local [hbm:s4], s20  }
0x9e: {  	_ =	swait.ge [sflag:s22], s20  }
0x9f: {  	s3 =	ssub.s32 $0x0, s20;
	[sflag:s22] =	ssyncset.done $0x0  }
0xa0: {  	[sflag:s22] =	ssyncadd.s32 s3;
	_ =	sdelay $0x1  }
0xa1: {  	s23 =	simm.s32 $0x1B8B  }
0xa2: {  	_ =	swait.ge [sflag:s23], $0x1  }
0xa3: {  	[sflag:s23] =	ssyncset.done $0x0  }
0xa4: {  	s25 =	simm.s32 $0x1B8E;
	s24 =	sld [smem:$0x3FFE];
	[sflag:s23] =	ssyncadd.s32 $0xFFFFFFFF  }
0xa5: {  	s26 =	simm.s32 $execute0_lowered;
	[smem:$0x3FD2] =	sst s25  }
0xa6: {  	s4 =	sshll.u32 s26, $0x1;
	_ =	strace $0x8000004C;
	[dreg:$0x1] =	wrdreg $0xFFFFFFFF  }
0xa7: {  	s28 =	simm.s32 $_size_execute0_lowered;
	s2 =	sadd.s32 s2, s4;
	[dreg:$0x0] =	wrdreg $0x0  }
0xa8: {  	s4 =	sshll.u32 s28, $0x1;
	[dreg:$0x2] =	wrdreg s2  }
0xa9: {  	[dreg:$0x3] =	wrdreg s4  }
0xaa: {  	[dreg:$0x4] =	wrdreg $0xC0  }
0xab: {  	_ =	task [dreg:s6], $0x5FFFF  }
0xac: {  	[dreg:$0x1] =	wrdreg $0xFFFFFFFF  }
0xad: {  	[dreg:$0x0] =	wrdreg $0x60  }
0xae: {  	[dreg:$0x2] =	wrdreg s24  }
0xaf: {  	[dreg:$0x3] =	wrdreg $0xB5200  }
0xb0: {  	[dreg:$0x4] =	wrdreg $0x9  }
0xb1: {  	_ =	task.clear_ibuf [dreg:s6], $0x5FFFF;
	_ =	strace $0x9000004C  }
0xb2: {  	s29 =	simm.s32 $0x9;
	_ =	strace $0x8000004E  }
0xb3: {  	_ =	swait.ge [sflag:s29], $0x1  }
0xb4: {  	[sflag:s29] =	ssyncadd.s32 $0xFFFFFFFF  }
0xb5: {  	_ =	strace $0x9000004E  }
0xb6: {  	_ =	sfence  }
0xb7: {  	s30 =	sld [smem:$0x0];
	_ =	sdelay $0x2  }
0xb8: {  	s31 =	sshll.u32 s1, $0xD;
	s1 =	sshrl.u32 s1, $0x2  }
0xb9: {  	s3 =	sand.u32 $0x4000, s31;
	s1 =	sadd.s32 s1, s30  }
0xba: {  	s0 =	sor.u32 s3, s0;
	s1 =	sshll.u32 s1, $0x11  }
0xbb: {  	s0 =	sor.u32 s1, s0  }
0xbc: {  	s0 =	sadd.s32 $0x8F2B, s0  }
0xbd: {  	[sflag:s0] =	ssyncadd.remote.s32 $0x1  }
0xbe: {  	_ =	sfence.sel $0xFFFF  }
0xbf: {  	[dreg:$0x0] =	wrdreg $0xFFFFFFFF;
	(pc) =	sbr.abs _section_cstart, $3  }
0xc0: {  	[dreg:$0x1] =	wrdreg $0xFFFFFFFF  }
0xc1: {  	_ =	task.clear_ibuf [dreg:s6], $0x2FFFF;
	_ =	strace $0x9FFFFFFF  }
0xc2: {  	(tm) =	ssettm $0x7FFFFFFF  }
0xc3: {  	_ =	shalt  }
tec
execute0_lowered:
.L_overlay_start_1:
0x0: {  	(tag) =	ssettag $0x1  }
0x1: {  	s0 =	srdreg.scid;
	s1 =	rddreg [dreg:$0x0]  }
0x2: {  	s8 =	stileid.u32;
	s2 =	rddreg [dreg:$0x1];
	s3 =	simm.s32 $0x0  }
0x3: {  	s10 =	simm.s32 $0xE0;
	s12 =	simm.s32 $0x150;
	s14 =	simm.s32 $0x700  }
0x4: {  	s16 =	simm.s32 $0x1C0;
	s18 =	simm.s32 $0x770;
	s19 =	simm.s32 $0x230  }
0x5: {  	s20 =	simm.s32 $0x7E0;
	s28 =	simm.s32 $0x930;
	[smem:$0x7FF] =	sst s3  }
0x6: {  	s5 =	smul.u32 $0x2760, s8;
	_ =	strace $0x8000004D;
	[dreg:$0x5] =	wrdreg s10  }
0x7: {  	s29 =	simm.s32 $0x3F0;
	s6 =	smul.u32 $0x14000, s8;
	[dreg:$0x6] =	wrdreg s12  }
0x8: {  	s0 =	sand.u32 $0x1, s0;
	s8 =	smul.u32 $0x50000, s8;
	[dreg:$0x7] =	wrdreg s14  }
0x9: {  	s30 =	simm.s32 $0x9A0;
	s4 =	smul.u32 $0x27600, s0;
	[dreg:$0x8] =	wrdreg s16  }
0xa: {  	s31 =	simm.s32 $0x460;
	s21 =	smul.u32 $0x140000, s0;
	[dreg:$0x9] =	wrdreg s18  }
0xb: {  	s0 =	ssub.s32 $0x2, s0;
	[dreg:$0xa] =	wrdreg s19;
	s18 =	simm.s32 $0x4  }
0xc: {  	[dreg:$0xb] =	wrdreg s20;
	s9 =	sshrl.u32 s0, $0x1;
	s8 =	sshrl.u32 s8, $0x2  }
0xd: {  	s4 =	sadd.s32 s5, s4;
	s5 =	sadd.s32 s6, s21;
	s22 =	sadd.s32 s8, s2  }
0xe: {  	s0 =	ssub.s32 s0, s9;
	s21 =	simm.s32 $0x2A0;
	[dreg:$0x11] =	wrdreg s22  }
0xf: {  	s19 =	simm.s32 $0x690;
	s0 =	smax.u32 s0, $0x1;
	[dreg:$0xc] =	wrdreg s21  }
0x10: {  	s20 =	simm.s32 $0x70;
	s23 =	sadd.s32 $0x2000, s22;
	[dreg:$0x13] =	wrdreg s0  }
0x11: {  	s10 =	simm.s32 $0xB60;
	s24 =	sadd.s32 $0x4000, s22;
	[dreg:$0x14] =	wrdreg s23  }
0x12: {  	s12 =	simm.s32 $0xBD0;
	s26 =	sadd.s32 $0x6000, s22;
	[dreg:$0x15] =	wrdreg s24  }
0x13: {  	s14 =	simm.s32 $0xCB0;
	s9 =	sadd.s32 $0x8000, s22;
	[dreg:$0x16] =	wrdreg s26  }
0x14: {  	s4 =	sshrl.u32 s4, $0x3;
	s11 =	sadd.s32 $0xA000, s22;
	[dreg:$0x17] =	wrdreg s9  }
0x15: {  	s5 =	sshrl.u32 s5, $0x3;
	s13 =	sadd.s32 $0xC000, s22;
	[dreg:$0x18] =	wrdreg s11  }
0x16: {  	s15 =	sadd.s32 $0xE000, s22;
	s17 =	sadd.s32 $0x10000, s22;
	[dreg:$0x19] =	wrdreg s13  }
0x17: {  	s21 =	simm.s32 $0x4520;
	s7 =	sadd.s32 s4, s1;
	[dreg:$0x1a] =	wrdreg s15  }
0x18: {  	s4 =	sadd.s32 $0x16200, s1;
	s1 =	sadd.s32 s5, s1;
	[dreg:$0x1b] =	wrdreg s17  }
0x19: {  	s5 =	sadd.s32 $0x12000, s22;
	s17 =	simm.s32 $0xD20;
	s22 =	simm.s32 $0x850  }
0x1a: {  	s23 =	simm.s32 $0x310;
	s24 =	simm.s32 $0x8C0;
	s0 =	simm.s32 $0x4D0  }
0x1b: {  	s9 =	simm.s32 $0x5B0;
	s11 =	simm.s32 $0x620;
	[dreg:$0x1c] =	wrdreg s5  }
0x1c: {  	s13 =	simm.s32 $0xC40;
	s15 =	simm.s32 $0x0;
	[dreg:$0xd] =	wrdreg s22  }
0x1d: {  	s1 =	sadd.s32 $0x3D400, s1;
	s25 =	sadd.s32 $0xC400, s7;
	[dreg:$0xe] =	wrdreg s23  }
0x1e: {  	s8 =	sadd.s32 $0x2600, s7;
	s22 =	simm.s32 $0x1;
	[dreg:$0xf] =	wrdreg s24  }
0x1f: {  	s23 =	simm.s32 $0x7D20;
	s24 =	simm.s32 $0x2;
	[dreg:$0x12] =	wrdreg s1  }
0x20: {  	s7 =	simm.s32 $0x540;
	s1 =	sadd.s32 s6, s2;
	[dreg:$0x3] =	wrdreg s25  }
0x21: {  	[dreg:$0x4] =	wrdreg s8;
	s25 =	simm.s32 $0x380;
	s6 =	simm.s32 $0xA80  }
0x22: {  	s8 =	simm.s32 $0xAF0;
	[dreg:$0x10] =	wrdreg s25;
	s26 =	sshrl.u32 s1, $0x3  }
0x23: {  	v0 =	vimm.f32 $0.0e+00;
	s1 =	simm.s32 $0xA10;
	[dreg:$0x1d] =	wrdreg s26;
	s26 =	simm.s32 $0x3  }
.LBB2_1:
0x24: {  	s5 =	sand.u32 $0x7E00, s3  }
0x25: {  	[dreg:$0x1e] =	wrdreg s15;
	s25 =	sand.u32 $0x70, s3;
	s5 =	sshrl.u32 s5, $0x2  }
0x26: {  	s16 =	simm.s32 $0x40;
	s5 =	sor.u32 s25, s5;
	s25 =	simm.s32 $0x0  }
.LBB2_2:
0x27: {  	p0 =	sne.s32 s16, $0x7FC0  }
0x28: {  	[tilespmem:s5+$0xD20] =	vst v0;
	s25 =	sadd.s32 $0x10, s25;
	s5 =	smov.u32 s16;
	s16 =	sadd.s32 $0x40, s16  }
.Ltmp0:
0x29: {  	(pc) =	sbr.rel @p0 .LBB2_2-.Ltmp0, $4  }
0x2a: {  	_ = 	snop  }
0x2b: {  	s5 =	sand.u32 $0x7E00, s5  }
0x2c: {  	s15 =	sand.u32 $0x70, s25;
	s5 =	sshrl.u32 s5, $0x2  }
0x2d: {  	s5 =	sor.u32 s15, s5  }
0x2e: {  	[tilespmem:s5+$0xD20] =	vst v0;
	s16 =	rddreg [dreg:$0x11]  }
0x2f: {  	[spmem:s16] =	stream.linear.scatter [tilespmem:s17], [sflag:$0x4], $0x2000, $0x38;
	[tilespmem:$0x1F520] =	vst v63  }
0x30: {  	_ =	swait.ge [sflag:s18], $0x2000  }
0x31: {  	[sflag:s18] =	ssyncset.done $0x0  }
0x32: {  	s25 =	rddreg [dreg:$0x14];
	[sflag:s18] =	ssyncadd.s32 $0xFFFFE000  }
0x33: {  	[spmem:s25] =	stream.linear.scatter [tilespmem:s17], [sflag:$0x4], $0x2000, $0x38;
	[tilespmem:$0x1F520] =	vst v63  }
0x34: {  	_ =	swait.ge [sflag:s18], $0x2000  }
0x35: {  	[sflag:s18] =	ssyncset.done $0x0  }
0x36: {  	s15 =	rddreg [dreg:$0x15];
	[sflag:s18] =	ssyncadd.s32 $0xFFFFE000  }
0x37: {  	[spmem:s15] =	stream.linear.scatter [tilespmem:s17], [sflag:$0x4], $0x2000, $0x38;
	[tilespmem:$0x1F520] =	vst v63  }
0x38: {  	_ =	swait.ge [sflag:s18], $0x2000  }
0x39: {  	[sflag:s18] =	ssyncset.done $0x0  }
0x3a: {  	s16 =	rddreg [dreg:$0x16];
	[sflag:s18] =	ssyncadd.s32 $0xFFFFE000  }
0x3b: {  	[spmem:s16] =	stream.linear.scatter [tilespmem:s17], [sflag:$0x4], $0x2000, $0x38;
	[tilespmem:$0x1F520] =	vst v63  }
0x3c: {  	_ =	swait.ge [sflag:s18], $0x2000  }
0x3d: {  	[sflag:s18] =	ssyncset.done $0x0  }
0x3e: {  	s25 =	rddreg [dreg:$0x17];
	[sflag:s18] =	ssyncadd.s32 $0xFFFFE000  }
0x3f: {  	[spmem:s25] =	stream.linear.scatter [tilespmem:s17], [sflag:$0x4], $0x2000, $0x38;
	[tilespmem:$0x1F520] =	vst v63  }
0x40: {  	_ =	swait.ge [sflag:s18], $0x2000  }
0x41: {  	[sflag:s18] =	ssyncset.done $0x0  }
0x42: {  	s15 =	rddreg [dreg:$0x18];
	[sflag:s18] =	ssyncadd.s32 $0xFFFFE000  }
0x43: {  	[spmem:s15] =	stream.linear.scatter [tilespmem:s17], [sflag:$0x4], $0x2000, $0x38;
	[tilespmem:$0x1F520] =	vst v63  }
0x44: {  	_ =	swait.ge [sflag:s18], $0x2000  }
0x45: {  	[sflag:s18] =	ssyncset.done $0x0  }
0x46: {  	s16 =	rddreg [dreg:$0x19];
	[sflag:s18] =	ssyncadd.s32 $0xFFFFE000  }
0x47: {  	[spmem:s16] =	stream.linear.scatter [tilespmem:s17], [sflag:$0x4], $0x2000, $0x38;
	[tilespmem:$0x1F520] =	vst v63  }
0x48: {  	_ =	swait.ge [sflag:s18], $0x2000  }
0x49: {  	[sflag:s18] =	ssyncset.done $0x0  }
0x4a: {  	s25 =	rddreg [dreg:$0x1a];
	[sflag:s18] =	ssyncadd.s32 $0xFFFFE000  }
0x4b: {  	[spmem:s25] =	stream.linear.scatter [tilespmem:s17], [sflag:$0x4], $0x2000, $0x38;
	[tilespmem:$0x1F520] =	vst v63  }
0x4c: {  	_ =	swait.ge [sflag:s18], $0x2000  }
0x4d: {  	[sflag:s18] =	ssyncset.done $0x0  }
0x4e: {  	s15 =	rddreg [dreg:$0x1b];
	[sflag:s18] =	ssyncadd.s32 $0xFFFFE000  }
0x4f: {  	[spmem:s15] =	stream.linear.scatter [tilespmem:s17], [sflag:$0x4], $0x2000, $0x38;
	[tilespmem:$0x1F520] =	vst v63  }
0x50: {  	_ =	swait.ge [sflag:s18], $0x2000  }
0x51: {  	[sflag:s18] =	ssyncset.done $0x0  }
0x52: {  	s16 =	rddreg [dreg:$0x1c];
	[sflag:s18] =	ssyncadd.s32 $0xFFFFE000  }
0x53: {  	[spmem:s16] =	stream.linear.scatter [tilespmem:s17], [sflag:$0x4], $0x2000, $0x38;
	[tilespmem:$0x1F520] =	vst v63  }
0x54: {  	_ =	swait.ge [sflag:s18], $0x2000  }
0x55: {  	[sflag:s18] =	ssyncset.done $0x0  }
0x56: {  	[sflag:s18] =	ssyncadd.s32 $0xFFFFE000  }
0x57: {  	[bflag:$0x0] =	sbarrier.arrive $0xFFFF  }
0x58: {  	s25 =	rddreg [dreg:$0x4]  }
0x59: {  	s5 =	sadd.s32 $0x0, s25  }
0x5a: {  	[tilespmem:s3], [sflag:$0x4] =	stream.linear.gather [hbm4b:s5+s3], $0x690, $0x38;
	[tilespmem:$0x1F520] =	vst v63  }
0x5b: {  	_ =	swait.ge [sflag:s18], $0x690  }
0x5c: {  	s15 =	rddreg [dreg:$0x3];
	[sflag:s18] =	ssyncset.done $0x0  }
0x5d: {  	[sflag:s18] =	ssyncadd.s32 $0xFFFFF970;
	s5 =	sadd.s32 $0x0, s15  }
0x5e: {  	[tilespmem:s19], [sflag:$0x4] =	stream.linear.gather [hbm4b:s5+s3], $0x690, $0x38;
	[tilespmem:$0x1F520] =	vst v63  }
0x5f: {  	_ =	swait.ge [sflag:s18], $0x690  }
0x60: {  	[sflag:s18] =	ssyncset.done $0x0  }
0x61: {  	[sflag:s18] =	ssyncadd.s32 $0xFFFFF970  }
0x62: {  	[tilespmem:s17], [sflag:$0x1] =	stream.indirect.gather [hbm4b:s4+s20], $0x80, s3, s20, $0xb8;
	[tilespmem:$0x1F520] =	vst v63  }
0x63: {  	_ = 	snop  }
0x64: {  	[tilespmem:s21], [sflag:$0x2] =	stream.indirect.gather [hbm4b:s4+s20], $0x80, s20, s20, $0xb8;
	[tilespmem:$0x1F520] =	vst v63  }
0x65: {  	_ =	swait.ge [sflag:s22], $0x3800  }
0x66: {  	[sflag:s22] =	ssyncset.done $0x0  }
0x67: {  	s16 =	rddreg [dreg:$0x5];
	[sflag:s22] =	ssyncadd.s32 $0xFFFFC800  }
0x68: {  	[tilespmem:s23], [sflag:$0x3] =	stream.indirect.gather [hbm4b:s4+s20], $0x80, s16, s20, $0xb8;
	[tilespmem:$0x1F520] =	vst v63  }
0x69: {  	_ = 	snop  }
0x6a: {  	[spmem:s2] =	stream.indirect.scatter.add.f32 [tilespmem:s17], [sflag:$0x4], $0x80, s19, s20, $0xb8;
	[tilespmem:$0x1F520] =	vst v63  }
0x6b: {  	_ =	swait.ge [sflag:s18], $0x3800  }
0x6c: {  	[sflag:s18] =	ssyncset.done $0x0  }
0x6d: {  	[sflag:s18] =	ssyncadd.s32 $0xFFFFC800  }
0x6e: {  	_ =	swait.ge [sflag:s24], $0x3800  }
0x6f: {  	[sflag:s24] =	ssyncset.done $0x0  }
0x70: {  	s25 =	rddreg [dreg:$0x6];
	[sflag:s24] =	ssyncadd.s32 $0xFFFFC800  }
0x71: {  	[tilespmem:s17], [sflag:$0x1] =	stream.indirect.gather [hbm4b:s4+s20], $0x80, s25, s20, $0xb8;
	[tilespmem:$0x1F520] =	vst v63  }
0x72: {  	s15 =	rddreg [dreg:$0x7]  }
0x73: {  	[spmem:s2] =	stream.indirect.scatter.add.f32 [tilespmem:s21], [sflag:$0x4], $0x80, s15, s20, $0xb8;
	[tilespmem:$0x1F520] =	vst v63  }
0x74: {  	_ =	swait.ge [sflag:s18], $0x3800  }
0x75: {  	[sflag:s18] =	ssyncset.done $0x0  }
0x76: {  	[sflag:s18] =	ssyncadd.s32 $0xFFFFC800  }
0x77: {  	_ =	swait.ge [sflag:s26], $0x3800  }
0x78: {  	[sflag:s26] =	ssyncset.done $0x0  }
0x79: {  	s16 =	rddreg [dreg:$0x8];
	[sflag:s26] =	ssyncadd.s32 $0xFFFFC800  }
0x7a: {  	[tilespmem:s21], [sflag:$0x2] =	stream.indirect.gather [hbm4b:s4+s20], $0x80, s16, s20, $0xb8;
	[tilespmem:$0x1F520] =	vst v63  }
0x7b: {  	s25 =	rddreg [dreg:$0x9]  }
0x7c: {  	[spmem:s2] =	stream.indirect.scatter.add.f32 [tilespmem:s23], [sflag:$0x4], $0x80, s25, s20, $0xb8;
	[tilespmem:$0x1F520] =	vst v63  }
0x7d: {  	_ =	swait.ge [sflag:s18], $0x3800  }
0x7e: {  	[sflag:s18] =	ssyncset.done $0x0  }
0x7f: {  	[sflag:s18] =	ssyncadd.s32 $0xFFFFC800  }
0x80: {  	_ =	swait.ge [sflag:s22], $0x3800  }
0x81: {  	[sflag:s22] =	ssyncset.done $0x0  }
0x82: {  	s16 =	rddreg [dreg:$0xa];
	[sflag:s22] =	ssyncadd.s32 $0xFFFFC800  }
0x83: {  	[tilespmem:s23], [sflag:$0x3] =	stream.indirect.gather [hbm4b:s4+s20], $0x80, s16, s20, $0xb8;
	[tilespmem:$0x1F520] =	vst v63  }
0x84: {  	s25 =	rddreg [dreg:$0xb]  }
0x85: {  	[spmem:s2] =	stream.indirect.scatter.add.f32 [tilespmem:s17], [sflag:$0x4], $0x80, s25, s20, $0xb8;
	[tilespmem:$0x1F520] =	vst v63  }
0x86: {  	_ =	swait.ge [sflag:s18], $0x3800  }
0x87: {  	[sflag:s18] =	ssyncset.done $0x0  }
0x88: {  	[sflag:s18] =	ssyncadd.s32 $0xFFFFC800  }
0x89: {  	_ =	swait.ge [sflag:s24], $0x3800  }
0x8a: {  	[sflag:s24] =	ssyncset.done $0x0  }
0x8b: {  	s16 =	rddreg [dreg:$0xc];
	[sflag:s24] =	ssyncadd.s32 $0xFFFFC800  }
0x8c: {  	[tilespmem:s17], [sflag:$0x1] =	stream.indirect.gather [hbm4b:s4+s20], $0x80, s16, s20, $0xb8;
	[tilespmem:$0x1F520] =	vst v63  }
0x8d: {  	s25 =	rddreg [dreg:$0xd]  }
0x8e: {  	[spmem:s2] =	stream.indirect.scatter.add.f32 [tilespmem:s21], [sflag:$0x4], $0x80, s25, s20, $0xb8;
	[tilespmem:$0x1F520] =	vst v63  }
0x8f: {  	_ =	swait.ge [sflag:s18], $0x3800  }
0x90: {  	[sflag:s18] =	ssyncset.done $0x0  }
0x91: {  	[sflag:s18] =	ssyncadd.s32 $0xFFFFC800  }
0x92: {  	_ =	swait.ge [sflag:s26], $0x3800  }
0x93: {  	[sflag:s26] =	ssyncset.done $0x0  }
0x94: {  	s15 =	rddreg [dreg:$0xe];
	[sflag:s26] =	ssyncadd.s32 $0xFFFFC800  }
0x95: {  	[tilespmem:s21], [sflag:$0x2] =	stream.indirect.gather [hbm4b:s4+s20], $0x80, s15, s20, $0xb8;
	[tilespmem:$0x1F520] =	vst v63  }
0x96: {  	s16 =	rddreg [dreg:$0xf]  }
0x97: {  	[spmem:s2] =	stream.indirect.scatter.add.f32 [tilespmem:s23], [sflag:$0x4], $0x80, s16, s20, $0xb8;
	[tilespmem:$0x1F520] =	vst v63  }
0x98: {  	_ =	swait.ge [sflag:s18], $0x3800  }
0x99: {  	[sflag:s18] =	ssyncset.done $0x0  }
0x9a: {  	[sflag:s18] =	ssyncadd.s32 $0xFFFFC800  }
0x9b: {  	_ =	swait.ge [sflag:s22], $0x3800  }
0x9c: {  	[sflag:s22] =	ssyncset.done $0x0  }
0x9d: {  	s25 =	rddreg [dreg:$0x10];
	[sflag:s22] =	ssyncadd.s32 $0xFFFFC800  }
0x9e: {  	[tilespmem:s23], [sflag:$0x3] =	stream.indirect.gather [hbm4b:s4+s20], $0x80, s25, s20, $0xb8;
	[tilespmem:$0x1F520] =	vst v63  }
0x9f: {  	_ = 	snop  }
0xa0: {  	[spmem:s2] =	stream.indirect.scatter.add.f32 [tilespmem:s17], [sflag:$0x4], $0x80, s28, s20, $0xb8;
	[tilespmem:$0x1F520] =	vst v63  }
0xa1: {  	_ =	swait.ge [sflag:s18], $0x3800  }
0xa2: {  	[sflag:s18] =	ssyncset.done $0x0  }
0xa3: {  	[sflag:s18] =	ssyncadd.s32 $0xFFFFC800  }
0xa4: {  	_ =	swait.ge [sflag:s24], $0x3800  }
0xa5: {  	[sflag:s24] =	ssyncset.done $0x0  }
0xa6: {  	[sflag:s24] =	ssyncadd.s32 $0xFFFFC800  }
0xa7: {  	[tilespmem:s17], [sflag:$0x1] =	stream.indirect.gather [hbm4b:s4+s20], $0x80, s29, s20, $0xb8;
	[tilespmem:$0x1F520] =	vst v63  }
0xa8: {  	_ = 	snop  }
0xa9: {  	[spmem:s2] =	stream.indirect.scatter.add.f32 [tilespmem:s21], [sflag:$0x4], $0x80, s30, s20, $0xb8;
	[tilespmem:$0x1F520] =	vst v63  }
0xaa: {  	_ =	swait.ge [sflag:s18], $0x3800  }
0xab: {  	[sflag:s18] =	ssyncset.done $0x0  }
0xac: {  	[sflag:s18] =	ssyncadd.s32 $0xFFFFC800  }
0xad: {  	_ =	swait.ge [sflag:s26], $0x3800  }
0xae: {  	[sflag:s26] =	ssyncset.done $0x0  }
0xaf: {  	[sflag:s26] =	ssyncadd.s32 $0xFFFFC800  }
0xb0: {  	[tilespmem:s21], [sflag:$0x2] =	stream.indirect.gather [hbm4b:s4+s20], $0x80, s31, s20, $0xb8;
	[tilespmem:$0x1F520] =	vst v63  }
0xb1: {  	_ = 	snop  }
0xb2: {  	[spmem:s2] =	stream.indirect.scatter.add.f32 [tilespmem:s23], [sflag:$0x4], $0x80, s1, s20, $0xb8;
	[tilespmem:$0x1F520] =	vst v63  }
0xb3: {  	_ =	swait.ge [sflag:s18], $0x3800  }
0xb4: {  	[sflag:s18] =	ssyncset.done $0x0  }
0xb5: {  	[sflag:s18] =	ssyncadd.s32 $0xFFFFC800  }
0xb6: {  	_ =	swait.ge [sflag:s22], $0x3800  }
0xb7: {  	[sflag:s22] =	ssyncset.done $0x0  }
0xb8: {  	[sflag:s22] =	ssyncadd.s32 $0xFFFFC800  }
0xb9: {  	[tilespmem:s23], [sflag:$0x3] =	stream.indirect.gather [hbm4b:s4+s20], $0x80, s0, s20, $0xb8;
	[tilespmem:$0x1F520] =	vst v63  }
0xba: {  	_ = 	snop  }
0xbb: {  	[spmem:s2] =	stream.indirect.scatter.add.f32 [tilespmem:s17], [sflag:$0x4], $0x80, s6, s20, $0xb8;
	[tilespmem:$0x1F520] =	vst v63  }
0xbc: {  	_ =	swait.ge [sflag:s18], $0x3800  }
0xbd: {  	[sflag:s18] =	ssyncset.done $0x0  }
0xbe: {  	[sflag:s18] =	ssyncadd.s32 $0xFFFFC800  }
0xbf: {  	_ =	swait.ge [sflag:s24], $0x3800  }
0xc0: {  	[sflag:s24] =	ssyncset.done $0x0  }
0xc1: {  	[sflag:s24] =	ssyncadd.s32 $0xFFFFC800  }
0xc2: {  	[tilespmem:s17], [sflag:$0x1] =	stream.indirect.gather [hbm4b:s4+s20], $0x80, s7, s20, $0xb8;
	[tilespmem:$0x1F520] =	vst v63  }
0xc3: {  	_ = 	snop  }
0xc4: {  	[spmem:s2] =	stream.indirect.scatter.add.f32 [tilespmem:s21], [sflag:$0x4], $0x80, s8, s20, $0xb8;
	[tilespmem:$0x1F520] =	vst v63  }
0xc5: {  	_ =	swait.ge [sflag:s18], $0x3800  }
0xc6: {  	[sflag:s18] =	ssyncset.done $0x0  }
0xc7: {  	[sflag:s18] =	ssyncadd.s32 $0xFFFFC800  }
0xc8: {  	_ =	swait.ge [sflag:s26], $0x3800  }
0xc9: {  	[sflag:s26] =	ssyncset.done $0x0  }
0xca: {  	[sflag:s26] =	ssyncadd.s32 $0xFFFFC800  }
0xcb: {  	[tilespmem:s21], [sflag:$0x2] =	stream.indirect.gather [hbm4b:s4+s20], $0x80, s9, s20, $0xb8;
	[tilespmem:$0x1F520] =	vst v63  }
0xcc: {  	_ = 	snop  }
0xcd: {  	[spmem:s2] =	stream.indirect.scatter.add.f32 [tilespmem:s23], [sflag:$0x4], $0x80, s10, s20, $0xb8;
	[tilespmem:$0x1F520] =	vst v63  }
0xce: {  	_ =	swait.ge [sflag:s18], $0x3800  }
0xcf: {  	[sflag:s18] =	ssyncset.done $0x0  }
0xd0: {  	[sflag:s18] =	ssyncadd.s32 $0xFFFFC800  }
0xd1: {  	_ =	swait.ge [sflag:s22], $0x3800  }
0xd2: {  	[sflag:s22] =	ssyncset.done $0x0  }
0xd3: {  	[sflag:s22] =	ssyncadd.s32 $0xFFFFC800  }
0xd4: {  	[tilespmem:s23], [sflag:$0x3] =	stream.indirect.gather [hbm4b:s4+s20], $0x80, s11, s20, $0xb8;
	[tilespmem:$0x1F520] =	vst v63  }
0xd5: {  	_ = 	snop  }
0xd6: {  	[spmem:s2] =	stream.indirect.scatter.add.f32 [tilespmem:s17], [sflag:$0x4], $0x80, s12, s20, $0xb8;
	[tilespmem:$0x1F520] =	vst v63  }
0xd7: {  	_ =	swait.ge [sflag:s18], $0x3800  }
0xd8: {  	[sflag:s18] =	ssyncset.done $0x0  }
0xd9: {  	[sflag:s18] =	ssyncadd.s32 $0xFFFFC800  }
0xda: {  	_ =	swait.ge [sflag:s24], $0x3800  }
0xdb: {  	[sflag:s24] =	ssyncset.done $0x0  }
0xdc: {  	[sflag:s24] =	ssyncadd.s32 $0xFFFFC800  }
0xdd: {  	[spmem:s2] =	stream.indirect.scatter.add.f32 [tilespmem:s21], [sflag:$0x4], $0x80, s13, s20, $0xb8;
	[tilespmem:$0x1F520] =	vst v63  }
0xde: {  	_ =	swait.ge [sflag:s18], $0x3800  }
0xdf: {  	[sflag:s18] =	ssyncset.done $0x0  }
0xe0: {  	[sflag:s18] =	ssyncadd.s32 $0xFFFFC800  }
0xe1: {  	_ =	swait.ge [sflag:s26], $0x3800  }
0xe2: {  	[sflag:s26] =	ssyncset.done $0x0  }
0xe3: {  	[sflag:s26] =	ssyncadd.s32 $0xFFFFC800  }
0xe4: {  	[spmem:s2] =	stream.indirect.scatter.add.f32 [tilespmem:s23], [sflag:$0x4], $0x80, s14, s20, $0xb8;
	[tilespmem:$0x1F520] =	vst v63  }
0xe5: {  	s16 =	simm.s32 $0xD2;
	_ =	swait.ge [sflag:s18], $0x3800  }
0xe6: {  	s25 =	simm.s32 $0x1A4;
	s5 =	rddreg [dreg:$0x4];
	[sflag:s18] =	ssyncset.done $0x0  }
.LBB2_4:
0xe7: {  	[sflag:s18] =	ssyncadd.s32 $0xFFFFC800;
	s5 =	sadd.s32 s16, s5  }
0xe8: {  	[tilespmem:s3], [sflag:$0x4] =	stream.linear.gather [hbm4b:s5+s3], $0x690, $0x38;
	[tilespmem:$0x1F520] =	vst v63  }
0xe9: {  	_ =	swait.ge [sflag:s18], $0x690  }
0xea: {  	s5 =	rddreg [dreg:$0x3];
	[sflag:s18] =	ssyncset.done $0x0  }
0xeb: {  	[sflag:s18] =	ssyncadd.s32 $0xFFFFF970;
	s5 =	sadd.s32 s16, s5  }
0xec: {  	[tilespmem:s19], [sflag:$0x4] =	stream.linear.gather [hbm4b:s5+s3], $0x690, $0x38;
	[tilespmem:$0x1F520] =	vst v63  }
0xed: {  	_ =	swait.ge [sflag:s18], $0x690  }
0xee: {  	[sflag:s18] =	ssyncset.done $0x0  }
0xef: {  	[sflag:s18] =	ssyncadd.s32 $0xFFFFF970  }
0xf0: {  	[tilespmem:s17], [sflag:$0x1] =	stream.indirect.gather [hbm4b:s4+s20], $0x80, s3, s20, $0xb8;
	[tilespmem:$0x1F520] =	vst v63  }
0xf1: {  	_ = 	snop  }
0xf2: {  	[tilespmem:s21], [sflag:$0x2] =	stream.indirect.gather [hbm4b:s4+s20], $0x80, s20, s20, $0xb8;
	[tilespmem:$0x1F520] =	vst v63  }
0xf3: {  	_ =	swait.ge [sflag:s22], $0x3800  }
0xf4: {  	s15 =	smov.u32 s25;
	[sflag:s22] =	ssyncset.done $0x0  }
0xf5: {  	s16 =	smov.u32 s15;
	s15 =	rddreg [dreg:$0x5];
	[sflag:s22] =	ssyncadd.s32 $0xFFFFC800  }
0xf6: {  	[tilespmem:s23], [sflag:$0x3] =	stream.indirect.gather [hbm4b:s4+s20], $0x80, s15, s20, $0xb8;
	[tilespmem:$0x1F520] =	vst v63  }
0xf7: {  	_ = 	snop  }
0xf8: {  	[spmem:s2] =	stream.indirect.scatter.add.f32 [tilespmem:s17], [sflag:$0x4], $0x80, s19, s20, $0xb8;
	[tilespmem:$0x1F520] =	vst v63  }
0xf9: {  	_ =	swait.ge [sflag:s18], $0x3800  }
0xfa: {  	[sflag:s18] =	ssyncset.done $0x0  }
0xfb: {  	[sflag:s18] =	ssyncadd.s32 $0xFFFFC800  }
0xfc: {  	_ =	swait.ge [sflag:s24], $0x3800  }
0xfd: {  	[sflag:s24] =	ssyncset.done $0x0  }
0xfe: {  	s5 =	rddreg [dreg:$0x6];
	[sflag:s24] =	ssyncadd.s32 $0xFFFFC800  }
0xff: {  	[tilespmem:s17], [sflag:$0x1] =	stream.indirect.gather [hbm4b:s4+s20], $0x80, s5, s20, $0xb8;
	[tilespmem:$0x1F520] =	vst v63  }
0x100: {  	s15 =	rddreg [dreg:$0x7]  }
0x101: {  	[spmem:s2] =	stream.indirect.scatter.add.f32 [tilespmem:s21], [sflag:$0x4], $0x80, s15, s20, $0xb8;
	[tilespmem:$0x1F520] =	vst v63  }
0x102: {  	_ =	swait.ge [sflag:s18], $0x3800  }
0x103: {  	[sflag:s18] =	ssyncset.done $0x0  }
0x104: {  	[sflag:s18] =	ssyncadd.s32 $0xFFFFC800  }
0x105: {  	_ =	swait.ge [sflag:s26], $0x3800  }
0x106: {  	[sflag:s26] =	ssyncset.done $0x0  }
0x107: {  	s5 =	rddreg [dreg:$0x8];
	[sflag:s26] =	ssyncadd.s32 $0xFFFFC800  }
0x108: {  	[tilespmem:s21], [sflag:$0x2] =	stream.indirect.gather [hbm4b:s4+s20], $0x80, s5, s20, $0xb8;
	[tilespmem:$0x1F520] =	vst v63  }
0x109: {  	s15 =	rddreg [dreg:$0x9]  }
0x10a: {  	[spmem:s2] =	stream.indirect.scatter.add.f32 [tilespmem:s23], [sflag:$0x4], $0x80, s15, s20, $0xb8;
	[tilespmem:$0x1F520] =	vst v63  }
0x10b: {  	_ =	swait.ge [sflag:s18], $0x3800  }
0x10c: {  	[sflag:s18] =	ssyncset.done $0x0  }
0x10d: {  	[sflag:s18] =	ssyncadd.s32 $0xFFFFC800  }
0x10e: {  	_ =	swait.ge [sflag:s22], $0x3800  }
0x10f: {  	[sflag:s22] =	ssyncset.done $0x0  }
0x110: {  	s5 =	rddreg [dreg:$0xa];
	[sflag:s22] =	ssyncadd.s32 $0xFFFFC800  }
0x111: {  	[tilespmem:s23], [sflag:$0x3] =	stream.indirect.gather [hbm4b:s4+s20], $0x80, s5, s20, $0xb8;
	[tilespmem:$0x1F520] =	vst v63  }
0x112: {  	s15 =	rddreg [dreg:$0xb]  }
0x113: {  	[spmem:s2] =	stream.indirect.scatter.add.f32 [tilespmem:s17], [sflag:$0x4], $0x80, s15, s20, $0xb8;
	[tilespmem:$0x1F520] =	vst v63  }
0x114: {  	_ =	swait.ge [sflag:s18], $0x3800  }
0x115: {  	[sflag:s18] =	ssyncset.done $0x0  }
0x116: {  	[sflag:s18] =	ssyncadd.s32 $0xFFFFC800  }
0x117: {  	_ =	swait.ge [sflag:s24], $0x3800  }
0x118: {  	[sflag:s24] =	ssyncset.done $0x0  }
0x119: {  	s5 =	rddreg [dreg:$0xc];
	[sflag:s24] =	ssyncadd.s32 $0xFFFFC800  }
0x11a: {  	[tilespmem:s17], [sflag:$0x1] =	stream.indirect.gather [hbm4b:s4+s20], $0x80, s5, s20, $0xb8;
	[tilespmem:$0x1F520] =	vst v63  }
0x11b: {  	s15 =	rddreg [dreg:$0xd]  }
0x11c: {  	[spmem:s2] =	stream.indirect.scatter.add.f32 [tilespmem:s21], [sflag:$0x4], $0x80, s15, s20, $0xb8;
	[tilespmem:$0x1F520] =	vst v63  }
0x11d: {  	_ =	swait.ge [sflag:s18], $0x3800  }
0x11e: {  	[sflag:s18] =	ssyncset.done $0x0  }
0x11f: {  	[sflag:s18] =	ssyncadd.s32 $0xFFFFC800  }
0x120: {  	_ =	swait.ge [sflag:s26], $0x3800  }
0x121: {  	[sflag:s26] =	ssyncset.done $0x0  }
0x122: {  	s5 =	rddreg [dreg:$0xe];
	[sflag:s26] =	ssyncadd.s32 $0xFFFFC800  }
0x123: {  	[tilespmem:s21], [sflag:$0x2] =	stream.indirect.gather [hbm4b:s4+s20], $0x80, s5, s20, $0xb8;
	[tilespmem:$0x1F520] =	vst v63  }
0x124: {  	s15 =	rddreg [dreg:$0xf]  }
0x125: {  	[spmem:s2] =	stream.indirect.scatter.add.f32 [tilespmem:s23], [sflag:$0x4], $0x80, s15, s20, $0xb8;
	[tilespmem:$0x1F520] =	vst v63  }
0x126: {  	_ =	swait.ge [sflag:s18], $0x3800  }
0x127: {  	[sflag:s18] =	ssyncset.done $0x0  }
0x128: {  	[sflag:s18] =	ssyncadd.s32 $0xFFFFC800  }
0x129: {  	_ =	swait.ge [sflag:s22], $0x3800  }
0x12a: {  	[sflag:s22] =	ssyncset.done $0x0  }
0x12b: {  	s15 =	rddreg [dreg:$0x10];
	[sflag:s22] =	ssyncadd.s32 $0xFFFFC800  }
0x12c: {  	[tilespmem:s23], [sflag:$0x3] =	stream.indirect.gather [hbm4b:s4+s20], $0x80, s15, s20, $0xb8;
	[tilespmem:$0x1F520] =	vst v63  }
0x12d: {  	_ = 	snop  }
0x12e: {  	[spmem:s2] =	stream.indirect.scatter.add.f32 [tilespmem:s17], [sflag:$0x4], $0x80, s28, s20, $0xb8;
	[tilespmem:$0x1F520] =	vst v63  }
0x12f: {  	_ =	swait.ge [sflag:s18], $0x3800  }
0x130: {  	[sflag:s18] =	ssyncset.done $0x0  }
0x131: {  	[sflag:s18] =	ssyncadd.s32 $0xFFFFC800  }
0x132: {  	_ =	swait.ge [sflag:s24], $0x3800  }
0x133: {  	[sflag:s24] =	ssyncset.done $0x0  }
0x134: {  	[sflag:s24] =	ssyncadd.s32 $0xFFFFC800  }
0x135: {  	[tilespmem:s17], [sflag:$0x1] =	stream.indirect.gather [hbm4b:s4+s20], $0x80, s29, s20, $0xb8;
	[tilespmem:$0x1F520] =	vst v63  }
0x136: {  	_ = 	snop  }
0x137: {  	[spmem:s2] =	stream.indirect.scatter.add.f32 [tilespmem:s21], [sflag:$0x4], $0x80, s30, s20, $0xb8;
	[tilespmem:$0x1F520] =	vst v63  }
0x138: {  	_ =	swait.ge [sflag:s18], $0x3800  }
0x139: {  	[sflag:s18] =	ssyncset.done $0x0  }
0x13a: {  	[sflag:s18] =	ssyncadd.s32 $0xFFFFC800  }
0x13b: {  	_ =	swait.ge [sflag:s26], $0x3800  }
0x13c: {  	[sflag:s26] =	ssyncset.done $0x0  }
0x13d: {  	[sflag:s26] =	ssyncadd.s32 $0xFFFFC800  }
0x13e: {  	[tilespmem:s21], [sflag:$0x2] =	stream.indirect.gather [hbm4b:s4+s20], $0x80, s31, s20, $0xb8;
	[tilespmem:$0x1F520] =	vst v63  }
0x13f: {  	_ = 	snop  }
0x140: {  	[spmem:s2] =	stream.indirect.scatter.add.f32 [tilespmem:s23], [sflag:$0x4], $0x80, s1, s20, $0xb8;
	[tilespmem:$0x1F520] =	vst v63  }
0x141: {  	_ =	swait.ge [sflag:s18], $0x3800  }
0x142: {  	[sflag:s18] =	ssyncset.done $0x0  }
0x143: {  	[sflag:s18] =	ssyncadd.s32 $0xFFFFC800  }
0x144: {  	_ =	swait.ge [sflag:s22], $0x3800  }
0x145: {  	[sflag:s22] =	ssyncset.done $0x0  }
0x146: {  	[sflag:s22] =	ssyncadd.s32 $0xFFFFC800  }
0x147: {  	[tilespmem:s23], [sflag:$0x3] =	stream.indirect.gather [hbm4b:s4+s20], $0x80, s0, s20, $0xb8;
	[tilespmem:$0x1F520] =	vst v63  }
0x148: {  	_ = 	snop  }
0x149: {  	[spmem:s2] =	stream.indirect.scatter.add.f32 [tilespmem:s17], [sflag:$0x4], $0x80, s6, s20, $0xb8;
	[tilespmem:$0x1F520] =	vst v63  }
0x14a: {  	_ =	swait.ge [sflag:s18], $0x3800  }
0x14b: {  	[sflag:s18] =	ssyncset.done $0x0  }
0x14c: {  	[sflag:s18] =	ssyncadd.s32 $0xFFFFC800  }
0x14d: {  	_ =	swait.ge [sflag:s24], $0x3800  }
0x14e: {  	[sflag:s24] =	ssyncset.done $0x0  }
0x14f: {  	[sflag:s24] =	ssyncadd.s32 $0xFFFFC800  }
0x150: {  	[tilespmem:s17], [sflag:$0x1] =	stream.indirect.gather [hbm4b:s4+s20], $0x80, s7, s20, $0xb8;
	[tilespmem:$0x1F520] =	vst v63  }
0x151: {  	_ = 	snop  }
0x152: {  	[spmem:s2] =	stream.indirect.scatter.add.f32 [tilespmem:s21], [sflag:$0x4], $0x80, s8, s20, $0xb8;
	[tilespmem:$0x1F520] =	vst v63  }
0x153: {  	_ =	swait.ge [sflag:s18], $0x3800  }
0x154: {  	[sflag:s18] =	ssyncset.done $0x0  }
0x155: {  	[sflag:s18] =	ssyncadd.s32 $0xFFFFC800  }
0x156: {  	_ =	swait.ge [sflag:s26], $0x3800  }
0x157: {  	[sflag:s26] =	ssyncset.done $0x0  }
0x158: {  	[sflag:s26] =	ssyncadd.s32 $0xFFFFC800  }
0x159: {  	[tilespmem:s21], [sflag:$0x2] =	stream.indirect.gather [hbm4b:s4+s20], $0x80, s9, s20, $0xb8;
	[tilespmem:$0x1F520] =	vst v63  }
0x15a: {  	_ = 	snop  }
0x15b: {  	[spmem:s2] =	stream.indirect.scatter.add.f32 [tilespmem:s23], [sflag:$0x4], $0x80, s10, s20, $0xb8;
	[tilespmem:$0x1F520] =	vst v63  }
0x15c: {  	_ =	swait.ge [sflag:s18], $0x3800  }
0x15d: {  	[sflag:s18] =	ssyncset.done $0x0  }
0x15e: {  	[sflag:s18] =	ssyncadd.s32 $0xFFFFC800  }
0x15f: {  	_ =	swait.ge [sflag:s22], $0x3800  }
0x160: {  	[sflag:s22] =	ssyncset.done $0x0  }
0x161: {  	[sflag:s22] =	ssyncadd.s32 $0xFFFFC800  }
0x162: {  	[tilespmem:s23], [sflag:$0x3] =	stream.indirect.gather [hbm4b:s4+s20], $0x80, s11, s20, $0xb8;
	[tilespmem:$0x1F520] =	vst v63  }
0x163: {  	_ = 	snop  }
0x164: {  	[spmem:s2] =	stream.indirect.scatter.add.f32 [tilespmem:s17], [sflag:$0x4], $0x80, s12, s20, $0xb8;
	[tilespmem:$0x1F520] =	vst v63  }
0x165: {  	_ =	swait.ge [sflag:s18], $0x3800  }
0x166: {  	[sflag:s18] =	ssyncset.done $0x0  }
0x167: {  	[sflag:s18] =	ssyncadd.s32 $0xFFFFC800  }
0x168: {  	_ =	swait.ge [sflag:s24], $0x3800  }
0x169: {  	[sflag:s24] =	ssyncset.done $0x0  }
0x16a: {  	[sflag:s24] =	ssyncadd.s32 $0xFFFFC800  }
0x16b: {  	[spmem:s2] =	stream.indirect.scatter.add.f32 [tilespmem:s21], [sflag:$0x4], $0x80, s13, s20, $0xb8;
	[tilespmem:$0x1F520] =	vst v63  }
0x16c: {  	_ =	swait.ge [sflag:s18], $0x3800  }
0x16d: {  	[sflag:s18] =	ssyncset.done $0x0  }
0x16e: {  	[sflag:s18] =	ssyncadd.s32 $0xFFFFC800  }
0x16f: {  	p0 =	sne.s32 s25, $0x41A;
	_ =	swait.ge [sflag:s26], $0x3800  }
.Ltmp1:
0x170: {  	[sflag:s26] =	ssyncset.done $0x0;
	(pc) =	sbr.rel @p0 .LBB2_4-.Ltmp1, $4  }
0x171: {  	[sflag:s26] =	ssyncadd.s32 $0xFFFFC800  }
0x172: {  	[spmem:s2] =	stream.indirect.scatter.add.f32 [tilespmem:s23], [sflag:$0x4], $0x80, s14, s20, $0xb8;
	[tilespmem:$0x1F520] =	vst v63  }
0x173: {  	_ =	swait.ge [sflag:s18], $0x3800  }
0x174: {  	s25 =	sadd.s32 $0xD2, s25;
	s5 =	rddreg [dreg:$0x4];
	[sflag:s18] =	ssyncset.done $0x0  }
0x175: {  	[sflag:s18] =	ssyncadd.s32 $0xFFFFC800;
	s5 =	sadd.s32 s16, s5  }
0x176: {  	[tilespmem:s3], [sflag:$0x4] =	stream.linear.gather [hbm4b:s5+s3], $0x690, $0x38;
	[tilespmem:$0x1F520] =	vst v63  }
0x177: {  	_ =	swait.ge [sflag:s18], $0x690  }
0x178: {  	s15 =	rddreg [dreg:$0x3];
	[sflag:s18] =	ssyncset.done $0x0  }
0x179: {  	[sflag:s18] =	ssyncadd.s32 $0xFFFFF970;
	s5 =	sadd.s32 s16, s15  }
0x17a: {  	[tilespmem:s19], [sflag:$0x4] =	stream.linear.gather [hbm4b:s5+s3], $0x690, $0x38;
	[tilespmem:$0x1F520] =	vst v63  }
0x17b: {  	_ =	swait.ge [sflag:s18], $0x690  }
0x17c: {  	[sflag:s18] =	ssyncset.done $0x0  }
0x17d: {  	[sflag:s18] =	ssyncadd.s32 $0xFFFFF970  }
0x17e: {  	[tilespmem:s17], [sflag:$0x1] =	stream.indirect.gather [hbm4b:s4+s20], $0x80, s3, s20, $0xb8;
	[tilespmem:$0x1F520] =	vst v63  }
0x17f: {  	_ = 	snop  }
0x180: {  	[tilespmem:s21], [sflag:$0x2] =	stream.indirect.gather [hbm4b:s4+s20], $0x80, s20, s20, $0xb8;
	[tilespmem:$0x1F520] =	vst v63  }
0x181: {  	_ =	swait.ge [sflag:s22], $0x3800  }
0x182: {  	[sflag:s22] =	ssyncset.done $0x0  }
0x183: {  	s16 =	rddreg [dreg:$0x5];
	[sflag:s22] =	ssyncadd.s32 $0xFFFFC800  }
0x184: {  	[tilespmem:s23], [sflag:$0x3] =	stream.indirect.gather [hbm4b:s4+s20], $0x80, s16, s20, $0xb8;
	[tilespmem:$0x1F520] =	vst v63  }
0x185: {  	_ = 	snop  }
0x186: {  	[spmem:s2] =	stream.indirect.scatter.add.f32 [tilespmem:s17], [sflag:$0x4], $0x80, s19, s20, $0xb8;
	[tilespmem:$0x1F520] =	vst v63  }
0x187: {  	_ =	swait.ge [sflag:s18], $0x3800  }
0x188: {  	[sflag:s18] =	ssyncset.done $0x0  }
0x189: {  	[sflag:s18] =	ssyncadd.s32 $0xFFFFC800  }
0x18a: {  	_ =	swait.ge [sflag:s24], $0x3800  }
0x18b: {  	[sflag:s24] =	ssyncset.done $0x0  }
0x18c: {  	s25 =	rddreg [dreg:$0x6];
	[sflag:s24] =	ssyncadd.s32 $0xFFFFC800  }
0x18d: {  	[tilespmem:s17], [sflag:$0x1] =	stream.indirect.gather [hbm4b:s4+s20], $0x80, s25, s20, $0xb8;
	[tilespmem:$0x1F520] =	vst v63  }
0x18e: {  	s15 =	rddreg [dreg:$0x7]  }
0x18f: {  	[spmem:s2] =	stream.indirect.scatter.add.f32 [tilespmem:s21], [sflag:$0x4], $0x80, s15, s20, $0xb8;
	[tilespmem:$0x1F520] =	vst v63  }
0x190: {  	_ =	swait.ge [sflag:s18], $0x3800  }
0x191: {  	[sflag:s18] =	ssyncset.done $0x0  }
0x192: {  	[sflag:s18] =	ssyncadd.s32 $0xFFFFC800  }
0x193: {  	_ =	swait.ge [sflag:s26], $0x3800  }
0x194: {  	[sflag:s26] =	ssyncset.done $0x0  }
0x195: {  	s16 =	rddreg [dreg:$0x8];
	[sflag:s26] =	ssyncadd.s32 $0xFFFFC800  }
0x196: {  	[tilespmem:s21], [sflag:$0x2] =	stream.indirect.gather [hbm4b:s4+s20], $0x80, s16, s20, $0xb8;
	[tilespmem:$0x1F520] =	vst v63  }
0x197: {  	s25 =	rddreg [dreg:$0x9]  }
0x198: {  	[spmem:s2] =	stream.indirect.scatter.add.f32 [tilespmem:s23], [sflag:$0x4], $0x80, s25, s20, $0xb8;
	[tilespmem:$0x1F520] =	vst v63  }
0x199: {  	_ =	swait.ge [sflag:s18], $0x3800  }
0x19a: {  	[sflag:s18] =	ssyncset.done $0x0  }
0x19b: {  	[sflag:s18] =	ssyncadd.s32 $0xFFFFC800  }
0x19c: {  	_ =	swait.ge [sflag:s22], $0x3800  }
0x19d: {  	[sflag:s22] =	ssyncset.done $0x0  }
0x19e: {  	s16 =	rddreg [dreg:$0xa];
	[sflag:s22] =	ssyncadd.s32 $0xFFFFC800  }
0x19f: {  	[tilespmem:s23], [sflag:$0x3] =	stream.indirect.gather [hbm4b:s4+s20], $0x80, s16, s20, $0xb8;
	[tilespmem:$0x1F520] =	vst v63  }
0x1a0: {  	s25 =	rddreg [dreg:$0xb]  }
0x1a1: {  	[spmem:s2] =	stream.indirect.scatter.add.f32 [tilespmem:s17], [sflag:$0x4], $0x80, s25, s20, $0xb8;
	[tilespmem:$0x1F520] =	vst v63  }
0x1a2: {  	_ =	swait.ge [sflag:s18], $0x3800  }
0x1a3: {  	[sflag:s18] =	ssyncset.done $0x0  }
0x1a4: {  	[sflag:s18] =	ssyncadd.s32 $0xFFFFC800  }
0x1a5: {  	_ =	swait.ge [sflag:s24], $0x3800  }
0x1a6: {  	[sflag:s24] =	ssyncset.done $0x0  }
0x1a7: {  	s16 =	rddreg [dreg:$0xc];
	[sflag:s24] =	ssyncadd.s32 $0xFFFFC800  }
0x1a8: {  	[tilespmem:s17], [sflag:$0x1] =	stream.indirect.gather [hbm4b:s4+s20], $0x80, s16, s20, $0xb8;
	[tilespmem:$0x1F520] =	vst v63  }
0x1a9: {  	s25 =	rddreg [dreg:$0xd]  }
0x1aa: {  	[spmem:s2] =	stream.indirect.scatter.add.f32 [tilespmem:s21], [sflag:$0x4], $0x80, s25, s20, $0xb8;
	[tilespmem:$0x1F520] =	vst v63  }
0x1ab: {  	_ =	swait.ge [sflag:s18], $0x3800  }
0x1ac: {  	[sflag:s18] =	ssyncset.done $0x0  }
0x1ad: {  	[sflag:s18] =	ssyncadd.s32 $0xFFFFC800  }
0x1ae: {  	_ =	swait.ge [sflag:s26], $0x3800  }
0x1af: {  	[sflag:s26] =	ssyncset.done $0x0  }
0x1b0: {  	s15 =	rddreg [dreg:$0xe];
	[sflag:s26] =	ssyncadd.s32 $0xFFFFC800  }
0x1b1: {  	[tilespmem:s21], [sflag:$0x2] =	stream.indirect.gather [hbm4b:s4+s20], $0x80, s15, s20, $0xb8;
	[tilespmem:$0x1F520] =	vst v63  }
0x1b2: {  	s16 =	rddreg [dreg:$0xf]  }
0x1b3: {  	[spmem:s2] =	stream.indirect.scatter.add.f32 [tilespmem:s23], [sflag:$0x4], $0x80, s16, s20, $0xb8;
	[tilespmem:$0x1F520] =	vst v63  }
0x1b4: {  	_ =	swait.ge [sflag:s18], $0x3800  }
0x1b5: {  	[sflag:s18] =	ssyncset.done $0x0  }
0x1b6: {  	[sflag:s18] =	ssyncadd.s32 $0xFFFFC800  }
0x1b7: {  	_ =	swait.ge [sflag:s22], $0x3800  }
0x1b8: {  	[sflag:s22] =	ssyncset.done $0x0  }
0x1b9: {  	s25 =	rddreg [dreg:$0x10];
	[sflag:s22] =	ssyncadd.s32 $0xFFFFC800  }
0x1ba: {  	[tilespmem:s23], [sflag:$0x3] =	stream.indirect.gather [hbm4b:s4+s20], $0x80, s25, s20, $0xb8;
	[tilespmem:$0x1F520] =	vst v63  }
0x1bb: {  	_ = 	snop  }
0x1bc: {  	[spmem:s2] =	stream.indirect.scatter.add.f32 [tilespmem:s17], [sflag:$0x4], $0x80, s28, s20, $0xb8;
	[tilespmem:$0x1F520] =	vst v63  }
0x1bd: {  	_ =	swait.ge [sflag:s18], $0x3800  }
0x1be: {  	[sflag:s18] =	ssyncset.done $0x0  }
0x1bf: {  	[sflag:s18] =	ssyncadd.s32 $0xFFFFC800  }
0x1c0: {  	_ =	swait.ge [sflag:s24], $0x3800  }
0x1c1: {  	[sflag:s24] =	ssyncset.done $0x0  }
0x1c2: {  	[sflag:s24] =	ssyncadd.s32 $0xFFFFC800  }
0x1c3: {  	[tilespmem:s17], [sflag:$0x1] =	stream.indirect.gather [hbm4b:s4+s20], $0x80, s29, s20, $0xb8;
	[tilespmem:$0x1F520] =	vst v63  }
0x1c4: {  	_ = 	snop  }
0x1c5: {  	[spmem:s2] =	stream.indirect.scatter.add.f32 [tilespmem:s21], [sflag:$0x4], $0x80, s30, s20, $0xb8;
	[tilespmem:$0x1F520] =	vst v63  }
0x1c6: {  	_ =	swait.ge [sflag:s18], $0x3800  }
0x1c7: {  	[sflag:s18] =	ssyncset.done $0x0  }
0x1c8: {  	[sflag:s18] =	ssyncadd.s32 $0xFFFFC800  }
0x1c9: {  	_ =	swait.ge [sflag:s26], $0x3800  }
0x1ca: {  	[sflag:s26] =	ssyncset.done $0x0  }
0x1cb: {  	[sflag:s26] =	ssyncadd.s32 $0xFFFFC800  }
0x1cc: {  	[tilespmem:s21], [sflag:$0x2] =	stream.indirect.gather [hbm4b:s4+s20], $0x80, s31, s20, $0xb8;
	[tilespmem:$0x1F520] =	vst v63  }
0x1cd: {  	_ = 	snop  }
0x1ce: {  	[spmem:s2] =	stream.indirect.scatter.add.f32 [tilespmem:s23], [sflag:$0x4], $0x80, s1, s20, $0xb8;
	[tilespmem:$0x1F520] =	vst v63  }
0x1cf: {  	_ =	swait.ge [sflag:s18], $0x3800  }
0x1d0: {  	[sflag:s18] =	ssyncset.done $0x0  }
0x1d1: {  	[sflag:s18] =	ssyncadd.s32 $0xFFFFC800  }
0x1d2: {  	_ =	swait.ge [sflag:s22], $0x3800  }
0x1d3: {  	[sflag:s22] =	ssyncset.done $0x0  }
0x1d4: {  	[sflag:s22] =	ssyncadd.s32 $0xFFFFC800  }
0x1d5: {  	[tilespmem:s23], [sflag:$0x3] =	stream.indirect.gather [hbm4b:s4+s20], $0x80, s0, s20, $0xb8;
	[tilespmem:$0x1F520] =	vst v63  }
0x1d6: {  	_ = 	snop  }
0x1d7: {  	[spmem:s2] =	stream.indirect.scatter.add.f32 [tilespmem:s17], [sflag:$0x4], $0x80, s6, s20, $0xb8;
	[tilespmem:$0x1F520] =	vst v63  }
0x1d8: {  	_ =	swait.ge [sflag:s18], $0x3800  }
0x1d9: {  	[sflag:s18] =	ssyncset.done $0x0  }
0x1da: {  	[sflag:s18] =	ssyncadd.s32 $0xFFFFC800  }
0x1db: {  	_ =	swait.ge [sflag:s24], $0x3800  }
0x1dc: {  	[sflag:s24] =	ssyncset.done $0x0  }
0x1dd: {  	[sflag:s24] =	ssyncadd.s32 $0xFFFFC800  }
0x1de: {  	[tilespmem:s17], [sflag:$0x1] =	stream.indirect.gather [hbm4b:s4+s20], $0x80, s7, s20, $0xb8;
	[tilespmem:$0x1F520] =	vst v63  }
0x1df: {  	_ = 	snop  }
0x1e0: {  	[spmem:s2] =	stream.indirect.scatter.add.f32 [tilespmem:s21], [sflag:$0x4], $0x80, s8, s20, $0xb8;
	[tilespmem:$0x1F520] =	vst v63  }
0x1e1: {  	_ =	swait.ge [sflag:s18], $0x3800  }
0x1e2: {  	[sflag:s18] =	ssyncset.done $0x0  }
0x1e3: {  	[sflag:s18] =	ssyncadd.s32 $0xFFFFC800  }
0x1e4: {  	_ =	swait.ge [sflag:s26], $0x3800  }
0x1e5: {  	[sflag:s26] =	ssyncset.done $0x0  }
0x1e6: {  	[sflag:s26] =	ssyncadd.s32 $0xFFFFC800  }
0x1e7: {  	[tilespmem:s21], [sflag:$0x2] =	stream.indirect.gather [hbm4b:s4+s20], $0x80, s9, s20, $0xb8;
	[tilespmem:$0x1F520] =	vst v63  }
0x1e8: {  	_ = 	snop  }
0x1e9: {  	[spmem:s2] =	stream.indirect.scatter.add.f32 [tilespmem:s23], [sflag:$0x4], $0x80, s10, s20, $0xb8;
	[tilespmem:$0x1F520] =	vst v63  }
0x1ea: {  	_ =	swait.ge [sflag:s18], $0x3800  }
0x1eb: {  	[sflag:s18] =	ssyncset.done $0x0  }
0x1ec: {  	[sflag:s18] =	ssyncadd.s32 $0xFFFFC800  }
0x1ed: {  	_ =	swait.ge [sflag:s22], $0x3800  }
0x1ee: {  	[sflag:s22] =	ssyncset.done $0x0  }
0x1ef: {  	[sflag:s22] =	ssyncadd.s32 $0xFFFFC800  }
0x1f0: {  	[tilespmem:s23], [sflag:$0x3] =	stream.indirect.gather [hbm4b:s4+s20], $0x80, s11, s20, $0xb8;
	[tilespmem:$0x1F520] =	vst v63  }
0x1f1: {  	_ = 	snop  }
0x1f2: {  	[spmem:s2] =	stream.indirect.scatter.add.f32 [tilespmem:s17], [sflag:$0x4], $0x80, s12, s20, $0xb8;
	[tilespmem:$0x1F520] =	vst v63  }
0x1f3: {  	_ =	swait.ge [sflag:s18], $0x3800  }
0x1f4: {  	[sflag:s18] =	ssyncset.done $0x0  }
0x1f5: {  	[sflag:s18] =	ssyncadd.s32 $0xFFFFC800  }
0x1f6: {  	_ =	swait.ge [sflag:s24], $0x3800  }
0x1f7: {  	[sflag:s24] =	ssyncset.done $0x0  }
0x1f8: {  	[sflag:s24] =	ssyncadd.s32 $0xFFFFC800  }
0x1f9: {  	[spmem:s2] =	stream.indirect.scatter.add.f32 [tilespmem:s21], [sflag:$0x4], $0x80, s13, s20, $0xb8;
	[tilespmem:$0x1F520] =	vst v63  }
0x1fa: {  	_ =	swait.ge [sflag:s18], $0x3800  }
0x1fb: {  	[sflag:s18] =	ssyncset.done $0x0  }
0x1fc: {  	[sflag:s18] =	ssyncadd.s32 $0xFFFFC800  }
0x1fd: {  	_ =	swait.ge [sflag:s26], $0x3800  }
0x1fe: {  	[sflag:s26] =	ssyncset.done $0x0  }
0x1ff: {  	[sflag:s26] =	ssyncadd.s32 $0xFFFFC800  }
0x200: {  	[spmem:s2] =	stream.indirect.scatter.add.f32 [tilespmem:s23], [sflag:$0x4], $0x80, s14, s20, $0xb8;
	[tilespmem:$0x1F520] =	vst v63  }
0x201: {  	_ =	swait.ge [sflag:s18], $0x3800  }
0x202: {  	[sflag:s18] =	ssyncset.done $0x0  }
0x203: {  	[sflag:s18] =	ssyncadd.s32 $0xFFFFC800  }
0x204: {  	s15 =	stileid.u32;
	[bflag:$0x0] =	sbarrier.arrive $0xFFFF  }
0x205: {  	s5 =	sshll.u32 s15, $0x6;
	s16 =	rddreg [dreg:$0x12]  }
0x206: {  	s5 =	sor.u32 $0x1C04, s5;
	s25 =	rddreg [dreg:$0x1d]  }
0x207: {  	[hbm:s16], [sflag:s5] =	dma.local [spmem:s25], $0x2800  }
0x208: {  	_ =	swait.ge [sflag:s18], $0x2800  }
0x209: {  	s16 =	rddreg [dreg:$0x1e]  }
0x20a: {  	s25 =	rddreg [dreg:$0x13];
	s15 =	sadd.s32 $0x1, s16  }
0x20b: {  	p0 =	sne.s32 s15, s25  }
.Ltmp2:
0x20c: {  	_ = 	snop;
	(pc) =	sbr.rel @p0 .LBB2_1-.Ltmp2, $3  }
0x20d: {  	_ =	sdelay $0x1  }
0x20e: {  	[sflag:s18] =	ssyncset.done $0x0  }
0x20f: {  	[sflag:s18] =	ssyncadd.s32 $0xFFFFD800  }
0x210: {  	_ =	sfence.sel $0x180000  }
0x211: {  	[bflag:$0x0] =	sbarrier.arrive $0xFFFF  }
0x212: {  	_ =	strace $0x9000004D  }
0x213: {  	s0 =	stileid.u32;
	[bflag:$0x2] =	sbarrier.arrive $0xFFFF  }
0x214: {  	p0 =	sne.s32 s0, $0x0;
	s0 =	rddreg [dreg:$0x2]  }
0x215: {  	s0 =	sadd.s32 @!p0 $0x100000, s0  }
0x216: {  	[sflag:s0] =	ssyncadd.tile.s32 @!p0 $0x1;
	_ =	shalt  }
.Lfunc_end2:
_tile_overlayer_lowered:
.L_overlay_start_2:
0x217: {  	(tag) =	ssettag $0x2  }
0x218: {  	s0 =	rddreg [dreg:$0x0];
	s2 =	stileid.u32  }
0x219: {  	s1 =	rddreg [dreg:$0x1];
	p0 =	sne.s32 s2, $0x0  }
0x21a: {  	s3 =	rddreg [dreg:$0x2];
	[bflag:$0x3] =	sbarrier.arrive $0xFFFF;
	s2 =	simm.s32 @!p0 $0x1C04  }
0x21b: {  	[timem:s3], [sflag:s2] =	dma.local @!p0 [hbm:s0], s1  }
0x21c: {  	s0 =	simm.s32 @!p0 $0x4  }
0x21d: {  	_ =	swait.ge @!p0 [sflag:s0], s1  }
0x21e: {  	s1 =	ssub.s32 @!p0 $0x0, s1;
	[sflag:s0] =	ssyncset.done @!p0 $0x0  }
0x21f: {  	[sflag:s0] =	ssyncadd.s32 @!p0 s1  }
0x220: {  	[bflag:$0x3] =	sbarrier.arrive $0xFFFF  }
0x221: {  	_ =	shalt  }

// kernel: kernel.19.cloned.1.call-start
scs
__scs_entry_jumppad:
0x0: {  	(pc) =	sbr.rel $0x88, $3  }
0x1: {  	(tag) =	ssettag $0x0;
	lr =	simm.s32 $0x1  }
0x2: {  	[smem:$0x3F99] =	sst lr;
	_ =	strace $0xD0000000  }
0x3: {  	_ = 	snop  }
0x4: {  	_ = 	snop  }
0x5: {  	_ = 	snop  }
0x6: {  	_ = 	snop  }
0x7: {  	_ = 	snop  }
__scs_overlays_trampoline_lowered:
0x8: {  	[smem:$0x3FA8] =	sst s0  }
0x9: {  	[smem:$0x3FA9] =	sst s1  }
0xa: {  	[smem:$0x3FAA] =	sst s2  }
0xb: {  	[smem:$0x3FAB] =	sst s3  }
0xc: {  	[smem:$0x3FAC] =	sst s4  }
0xd: {  	[smem:$0x3FAD] =	sst s5  }
0xe: {  	[smem:$0x3FAE] =	sst s6  }
0xf: {  	[smem:$0x3FAF] =	sst s7  }
0x10: {  	[smem:$0x3FB0] =	sst s8  }
0x11: {  	[smem:$0x3FB1] =	sst s9;
	s0 =	simm.s32 @!p0 $0x0  }
0x12: {  	s1 =	sld [smem:$0x3F97];
	s0 =	simm.s32 @p0 $0x1  }
0x13: {  	[smem:$0x3FB2] =	sst s0;
	s0 =	simm.s32 @!p1 $0x0  }
0x14: {  	s2 =	sld [smem:$0x3F96];
	s0 =	simm.s32 @p1 $0x1  }
0x15: {  	[smem:$0x3FB3] =	sst s0;
	s0 =	simm.s32 @!p2 $0x0  }
0x16: {  	s3 =	sld [smem:$0x3FDB];
	s0 =	simm.s32 @p2 $0x1  }
0x17: {  	s4 =	simm.s32 $0x1BF5;
	[smem:$0x3FB5] =	sst s0  }
0x18: {  	s0 =	sld [smem:$0x3F98];
	_ =	swait.ge [sflag:s4], $0x0  }
0x19: {  	s7 =	sld [smem:$0x3F99]  }
0x1a: {  	s8 =	sadd.s32 $0xFFFFE003, lr  }
0x1b: {  	s9 =	sadd.s32 $0xFFFFFEF7, lr;
	s5 =	simm.s32 $0xFFFFFFFF;
	p2 =	slt.u32 s8, $0xFFFFF086  }
0x1c: {  	p1 =	slt.u32 s9, $0xF7A;
	s5 =	simm.s32 @!p2 $0x0  }
0x1d: {  	s5 =	simm.s32 @p1 $0x1;
	p0 =	seq.s32 s7, s2  }
0x1e: {  	s7 =	smul.u32 @!p0 $0xF7A, s2;
	p2 =	seq.s32 @!p0 s5, $0x0  }
0x1f: {  	s9 =	smul.u32 $0xF7A, s1;
	s8 =	simm.s32 @!p0 $0x1BF5;
	p2 =	por !p2, p0  }
0x20: {  	[sflag:s8] =	ssyncset.s32 @!p0 $0xFFFFF086;
	s6 =	sadd.s32 @!p0 s3, s7;
	s7 =	simm.s32 @!p0 $0x108  }
0x21: {  	s3 =	sadd.s32 s3, s9;
	s6 =	sadd.s32 @!p0 $0x88, s6;
	s7 =	simm.s32 @p2 $0x1082  }
0x22: {  	[simem:s7], [sflag:s8] =	dma.local @!p0 [hbm:s6], $0xF7A  }
0x23: {  	s9 =	sor.u32 $0xD0000000, s2;
	s6 =	simm.s32 $0x108;
	_ =	swait.ge @!p0 [sflag:s8], $0x0  }
0x24: {  	s3 =	sadd.s32 $0x88, s3;
	s6 =	simm.s32 @!p1 $0x1082;
	[sflag:s4] =	ssyncset.s32 $0xFFFFF086  }
0x25: {  	[simem:s6], [sflag:s4] =	dma.local [hbm:s3], $0xF7A  }
0x26: {  	[smem:$0x3F99] =	sst s1;
	(tag) =	ssettag s2;
	_ =	strace s9  }
0x27: {  	s1 =	sld [smem:$0x3FA9]  }
0x28: {  	s2 =	sld [smem:$0x3FAA]  }
0x29: {  	s4 =	sld [smem:$0x3FAC]  }
0x2a: {  	p0 =	seq.s32 s5, $0x0;
	s5 =	sld [smem:$0x3FAD]  }
0x2b: {  	s6 =	sld [smem:$0x3FAE]  }
0x2c: {  	s7 =	sld [smem:$0x3FAF]  }
0x2d: {  	s3 =	simm.s32 $0x108;
	s8 =	sld [smem:$0x3FB0]  }
0x2e: {  	s3 =	simm.s32 @!p0 $0x1082;
	s9 =	sld [smem:$0x3FB1]  }
0x2f: {  	lr =	sadd.s32 s0, s3;
	s0 =	sld [smem:$0x3FA8]  }
0x30: {  	s3 =	sld [smem:$0x3FAB]  }
0x31: {  	[smem:$0x3FB4] =	sst s10  }
0x32: {  	s10 =	sld [smem:$0x3FB2];
	_ =	sdelay $0x3  }
0x33: {  	p0 =	seq.s32 s10, $0x1;
	s10 =	sld [smem:$0x3FB4];
	_ =	sdelay $0x3  }
0x34: {  	[smem:$0x3FB4] =	sst s10  }
0x35: {  	s10 =	sld [smem:$0x3FB3];
	_ =	sdelay $0x3  }
0x36: {  	p1 =	seq.s32 s10, $0x1;
	s10 =	sld [smem:$0x3FB4];
	_ =	sdelay $0x3  }
0x37: {  	[smem:$0x3FB4] =	sst s10  }
0x38: {  	s10 =	sld [smem:$0x3FB5]  }
0x39: {  	_ = 	snop;
	(pc) =	sbr.ind lr, $3  }
0x3a: {  	_ = 	snop  }
0x3b: {  	_ = 	snop  }
0x3c: {  	p2 =	seq.s32 s10, $0x1;
	s10 =	sld [smem:$0x3FB4]  }
0x3d: {  	_ =	shalt  }
0x3e: {  	_ =	shalt  }
0x3f: {  	_ =	shalt  }
0x40: {  	_ =	shalt  }
0x41: {  	_ =	shalt  }
0x42: {  	_ =	shalt  }
0x43: {  	_ =	shalt  }
0x44: {  	_ =	shalt  }
0x45: {  	_ =	shalt  }
0x46: {  	_ =	shalt  }
0x47: {  	_ =	shalt  }
0x48: {  	_ =	shalt  }
0x49: {  	_ =	shalt  }
0x4a: {  	_ =	shalt  }
0x4b: {  	_ =	shalt  }
0x4c: {  	_ =	shalt  }
0x4d: {  	_ =	shalt  }
0x4e: {  	_ =	shalt  }
0x4f: {  	_ =	shalt  }
0x50: {  	_ =	shalt  }
0x51: {  	_ =	shalt  }
0x52: {  	_ =	shalt  }
0x53: {  	_ =	shalt  }
0x54: {  	_ =	shalt  }
0x55: {  	_ =	shalt  }
0x56: {  	_ =	shalt  }
0x57: {  	_ =	shalt  }
0x58: {  	_ =	shalt  }
0x59: {  	_ =	shalt  }
0x5a: {  	_ =	shalt  }
0x5b: {  	_ =	shalt  }
0x5c: {  	_ =	shalt  }
0x5d: {  	_ =	shalt  }
0x5e: {  	_ =	shalt  }
0x5f: {  	_ =	shalt  }
0x60: {  	_ =	shalt  }
0x61: {  	_ =	shalt  }
0x62: {  	_ =	shalt  }
0x63: {  	_ =	shalt  }
0x64: {  	_ =	shalt  }
0x65: {  	_ =	shalt  }
0x66: {  	_ =	shalt  }
0x67: {  	_ =	shalt  }
0x68: {  	_ =	shalt  }
0x69: {  	_ =	shalt  }
0x6a: {  	_ =	shalt  }
0x6b: {  	_ =	shalt  }
0x6c: {  	_ =	shalt  }
0x6d: {  	_ =	shalt  }
0x6e: {  	_ =	shalt  }
0x6f: {  	_ =	shalt  }
0x70: {  	_ =	shalt  }
0x71: {  	_ =	shalt  }
0x72: {  	_ =	shalt  }
0x73: {  	_ =	shalt  }
0x74: {  	_ =	shalt  }
0x75: {  	_ =	shalt  }
0x76: {  	_ =	shalt  }
0x77: {  	_ =	shalt  }
0x78: {  	_ =	shalt  }
0x79: {  	_ =	shalt  }
0x7a: {  	_ =	shalt  }
0x7b: {  	_ =	shalt  }
0x7c: {  	_ =	shalt  }
0x7d: {  	_ =	shalt  }
0x7e: {  	_ =	shalt  }
0x7f: {  	_ =	shalt  }
0x80: {  	_ =	shalt  }
0x81: {  	_ =	shalt  }
0x82: {  	_ =	shalt  }
0x83: {  	_ =	shalt  }
0x84: {  	_ =	shalt  }
0x85: {  	_ =	shalt  }
0x86: {  	_ =	shalt  }
0x87: {  	_ =	shalt  }
.Lfunc_end0:
.L_simem_size_0:
called_computation.3_lowered:
.L_overlay_start_0:
0x88: {  	s2 =	sld [smem:$0x3FD9]  }
0x89: {  	s3 =	sld [smem:$0x3FFE];
	_ =	sdelay $0x1  }
0x8a: {  	s1 =	srdreg.scid  }
0x8b: {  	s0 =	sand.u32 $0x1, s1  }
0x8c: {  	s16 =	sshll.u32 s0, $0xA;
	s2 =	sadd.s32 s3, s2  }
0x8d: {  	s2 =	sadd.s32 s2, s16  }
0x8e: {  	[smem:$0x3FC0] =	sst s2  }
0x8f: {  	_ = 	snop  }
0x90: {  	(tm) =	ssettm $0x1  }
0x91: {  	s17 =	sld [smem:$0x3FFB];
	_ =	sdelay $0x3  }
0x92: {  	_ =	strace s17  }
0x93: {  	s2 =	sld [smem:$0x3FFC];
	_ =	sdelay $0x3  }
0x94: {  	_ =	strace s2  }
0x95: {  	s2 =	sld [smem:$0x3FFD];
	_ =	sdelay $0x3  }
0x96: {  	_ =	strace s2  }
0x97: {  	_ =	strace $0x8FFFFFFF  }
0x98: {  	s18 =	sld [smem:$0x3FDB];
	_ =	sdelay $0x1  }
0x99: {  	s19 =	simm.s32 $_scs_section_size  }
0x9a: {  	s4 =	simm.s32 $_size__tile_overlayer_lowered;
	s5 =	simm.s32 $_tile_overlayer_lowered  }
0x9b: {  	s22 =	simm.s32 $0x1BFF;
	s21 =	sshll.u32 s5, $0x1;
	s2 =	sadd.s32 s19, s18  }
0x9c: {  	s6 =	simm.s32 $0x0;
	s20 =	sshll.u32 s4, $0x1;
	s4 =	sadd.s32 s21, s2  }
0x9d: {  	[timem:s6], [sflag:s22] =	dma.local [hbm:s4], s20  }
0x9e: {  	_ =	swait.ge [sflag:s22], s20  }
0x9f: {  	s3 =	ssub.s32 $0x0, s20;
	[sflag:s22] =	ssyncset.done $0x0  }
0xa0: {  	[sflag:s22] =	ssyncadd.s32 s3;
	_ =	sdelay $0x1  }
0xa1: {  	s23 =	simm.s32 $0x1B8B  }
0xa2: {  	_ =	swait.ge [sflag:s23], $0x1  }
0xa3: {  	[sflag:s23] =	ssyncset.done $0x0  }
0xa4: {  	s25 =	simm.s32 $0x1B8E;
	s24 =	sld [smem:$0x3FFE];
	[sflag:s23] =	ssyncadd.s32 $0xFFFFFFFF  }
0xa5: {  	s26 =	simm.s32 $execute0_lowered;
	[smem:$0x3FD2] =	sst s25  }
0xa6: {  	s4 =	sshll.u32 s26, $0x1;
	_ =	strace $0x8000004F;
	[dreg:$0x1] =	wrdreg $0xFFFFFFFF  }
0xa7: {  	s28 =	simm.s32 $_size_execute0_lowered;
	s2 =	sadd.s32 s2, s4;
	[dreg:$0x0] =	wrdreg $0x0  }
0xa8: {  	s4 =	sshll.u32 s28, $0x1;
	[dreg:$0x2] =	wrdreg s2  }
0xa9: {  	[dreg:$0x3] =	wrdreg s4  }
0xaa: {  	[dreg:$0x4] =	wrdreg $0xC0  }
0xab: {  	_ =	task [dreg:s6], $0x5FFFF  }
0xac: {  	[dreg:$0x1] =	wrdreg $0xFFFFFFFF  }
0xad: {  	[dreg:$0x0] =	wrdreg $0x60  }
0xae: {  	[dreg:$0x2] =	wrdreg s24  }
0xaf: {  	[dreg:$0x3] =	wrdreg $0x4C200  }
0xb0: {  	[dreg:$0x4] =	wrdreg $0x9  }
0xb1: {  	_ =	task.clear_ibuf [dreg:s6], $0x5FFFF;
	_ =	strace $0x9000004F  }
0xb2: {  	s29 =	simm.s32 $0x9;
	_ =	strace $0x80000051  }
0xb3: {  	_ =	swait.ge [sflag:s29], $0x1  }
0xb4: {  	[sflag:s29] =	ssyncadd.s32 $0xFFFFFFFF  }
0xb5: {  	_ =	strace $0x90000051  }
0xb6: {  	_ =	sfence  }
0xb7: {  	s30 =	sld [smem:$0x0];
	_ =	sdelay $0x2  }
0xb8: {  	s31 =	sshll.u32 s1, $0xD;
	s1 =	sshrl.u32 s1, $0x2  }
0xb9: {  	s3 =	sand.u32 $0x4000, s31;
	s1 =	sadd.s32 s1, s30  }
0xba: {  	s0 =	sor.u32 s3, s0;
	s1 =	sshll.u32 s1, $0x11  }
0xbb: {  	s0 =	sor.u32 s1, s0  }
0xbc: {  	s0 =	sadd.s32 $0x8F2B, s0  }
0xbd: {  	[sflag:s0] =	ssyncadd.remote.s32 $0x1  }
0xbe: {  	_ =	sfence.sel $0xFFFF  }
0xbf: {  	[dreg:$0x0] =	wrdreg $0xFFFFFFFF;
	(pc) =	sbr.abs _section_cstart, $3  }
0xc0: {  	[dreg:$0x1] =	wrdreg $0xFFFFFFFF  }
0xc1: {  	_ =	task.clear_ibuf [dreg:s6], $0x2FFFF;
	_ =	strace $0x9FFFFFFF  }
0xc2: {  	(tm) =	ssettm $0x7FFFFFFF  }
0xc3: {  	_ =	shalt  }
tec
execute0_lowered:
.L_overlay_start_1:
0x0: {  	(tag) =	ssettag $0x1  }
0x1: {  	s0 =	srdreg.scid  }
0x2: {  	s1 =	rddreg [dreg:$0x0];
	s8 =	stileid.u32  }
0x3: {  	s2 =	rddreg [dreg:$0x1];
	s3 =	simm.s32 $0x0;
	s12 =	simm.s32 $0xE0  }
0x4: {  	s14 =	simm.s32 $0x150;
	s16 =	simm.s32 $0x700;
	[smem:$0x7FF] =	sst s3  }
0x5: {  	s18 =	simm.s32 $0x1C0;
	_ =	strace $0x80000050;
	[dreg:$0x5] =	wrdreg s12  }
0x6: {  	s20 =	simm.s32 $0x770;
	s21 =	simm.s32 $0x230;
	[dreg:$0x6] =	wrdreg s14  }
0x7: {  	s22 =	simm.s32 $0x7E0;
	s5 =	smul.u32 $0x2760, s8;
	[dreg:$0x7] =	wrdreg s16  }
0x8: {  	s23 =	simm.s32 $0x2A0;
	s24 =	smul.u32 $0x7800, s8;
	[dreg:$0x8] =	wrdreg s18  }
0x9: {  	s0 =	sand.u32 $0x1, s0;
	s8 =	smul.u32 $0x1E000, s8;
	[dreg:$0x9] =	wrdreg s20  }
0xa: {  	s30 =	simm.s32 $0x9A0;
	s4 =	smul.u32 $0x27600, s0;
	[dreg:$0xa] =	wrdreg s21  }
0xb: {  	s6 =	smul.u32 $0x78000, s0;
	s0 =	ssub.s32 $0x2, s0;
	[dreg:$0xb] =	wrdreg s22  }
0xc: {  	[dreg:$0xc] =	wrdreg s23;
	s26 =	sshrl.u32 s0, $0x1;
	s4 =	sadd.s32 s5, s4  }
0xd: {  	s25 =	sadd.s32 s24, s6;
	s0 =	ssub.s32 s0, s26;
	s5 =	sadd.s32 s24, s2  }
0xe: {  	s24 =	simm.s32 $0x850;
	s26 =	simm.s32 $0x8C0;
	s4 =	sshrl.u32 s4, $0x3  }
0xf: {  	s6 =	sshrl.u32 s25, $0x3;
	s0 =	smax.u32 s0, $0x1;
	[dreg:$0xd] =	wrdreg s24  }
0x10: {  	s25 =	simm.s32 $0x310;
	[dreg:$0xf] =	wrdreg s26;
	s7 =	sadd.s32 s4, s1  }
0x11: {  	s4 =	sadd.s32 $0x16200, s1;
	s1 =	sadd.s32 s6, s1;
	[dreg:$0x12] =	wrdreg s0  }
0x12: {  	s31 =	simm.s32 $0x460;
	[dreg:$0xe] =	wrdreg s25;
	s1 =	sadd.s32 $0x24E00, s1  }
0x13: {  	s28 =	sshrl.u32 s8, $0x2;
	s8 =	sadd.s32 $0xC400, s7;
	[dreg:$0x11] =	wrdreg s1  }
0x14: {  	s18 =	simm.s32 $0x4;
	s10 =	sadd.s32 $0x2600, s7;
	[dreg:$0x3] =	wrdreg s8  }
0x15: {  	s20 =	simm.s32 $0x70;
	s1 =	sadd.s32 s28, s2;
	[dreg:$0x4] =	wrdreg s10  }
0x16: {  	s21 =	simm.s32 $0x2220;
	s28 =	simm.s32 $0x380;
	[dreg:$0x13] =	wrdreg s1  }
0x17: {  	s22 =	simm.s32 $0x1;
	s29 =	sadd.s32 $0xC00, s1;
	[dreg:$0x10] =	wrdreg s28  }
0x18: {  	s23 =	simm.s32 $0x3720;
	s6 =	sadd.s32 $0x1800, s1;
	[dreg:$0x14] =	wrdreg s29  }
0x19: {  	s12 =	simm.s32 $0xBD0;
	s9 =	sadd.s32 $0x2400, s1;
	[dreg:$0x15] =	wrdreg s6  }
0x1a: {  	s14 =	simm.s32 $0xCB0;
	s11 =	sadd.s32 $0x3000, s1;
	[dreg:$0x16] =	wrdreg s9  }
0x1b: {  	s24 =	simm.s32 $0x2;
	s13 =	sadd.s32 $0x3C00, s1;
	[dreg:$0x17] =	wrdreg s11  }
0x1c: {  	s26 =	simm.s32 $0x3;
	s15 =	sadd.s32 $0x4800, s1;
	[dreg:$0x18] =	wrdreg s13  }
0x1d: {  	s0 =	simm.s32 $0x4D0;
	s17 =	sadd.s32 $0x5400, s1;
	[dreg:$0x19] =	wrdreg s15  }
0x1e: {  	s8 =	simm.s32 $0xAF0;
	s19 =	sadd.s32 $0x6000, s1;
	[dreg:$0x1a] =	wrdreg s17  }
0x1f: {  	s10 =	simm.s32 $0xB60;
	s1 =	sadd.s32 $0x6C00, s1;
	[dreg:$0x1b] =	wrdreg s19  }
0x20: {  	[dreg:$0x1c] =	wrdreg s1;
	s17 =	simm.s32 $0xD20;
	s19 =	simm.s32 $0x690  }
0x21: {  	s29 =	sshrl.u32 s5, $0x3;
	s1 =	simm.s32 $0xA10;
	s5 =	simm.s32 $0xA80  }
0x22: {  	s6 =	simm.s32 $0x540;
	s9 =	simm.s32 $0x5B0;
	s11 =	simm.s32 $0x620  }
0x23: {  	v0 =	vimm.f32 $0.0e+00;
	s13 =	simm.s32 $0xC40;
	s15 =	simm.s32 $0x0;
	[dreg:$0x1d] =	wrdreg s29  }
.LBB2_1:
0x24: {  	s7 =	smul.u32 $0xAB, s3;
	_ =	sdelay $0x1  }
0x25: {  	s7 =	sshrl.u32 s7, $0x9  }
0x26: {  	s7 =	sand.u32 $0x7F, s7  }
0x27: {  	s16 =	simm.s32 $0x1;
	s29 =	smul.u32 $0x3, s7  }
0x28: {  	s28 =	smul.u32 $0xAB, s16  }
0x29: {  	[dreg:$0x1e] =	wrdreg s15;
	s7 =	smul.u32 $0xC0, s7;
	s15 =	ssub.s32 $0x0, s29  }
0x2a: {  	s25 =	simm.s32 $0x2;
	s15 =	sand.u32 $0xFF, s15  }
0x2b: {  	s28 =	sshrl.u32 s28, $0x9;
	s7 =	sshrl.u32 s7, $0x2;
	s15 =	sshll.u32 s15, $0x4  }
.LBB2_2:
0x2c: {  	s29 =	smul.u32 $0xAB, s25;
	s28 =	sand.u32 $0x7F, s28  }
0x2d: {  	s7 =	sadd.s32 s15, s7;
	p0 =	sne.s32 s25, $0xBF;
	s15 =	smul.u32 $0x3, s28  }
.Ltmp0:
0x2e: {  	[tilespmem:s7+$0xD20] =	vst v0;
	(pc) =	sbr.rel @p0 .LBB2_2-.Ltmp0, $4  }
0x2f: {  	s7 =	smul.u32 $0xC0, s28;
	s28 =	smov.u32 s25  }
0x30: {  	s25 =	sadd.s32 $0x1, s25;
	s15 =	ssub.s32 s16, s15  }
0x31: {  	s16 =	smov.u32 s28;
	s15 =	sand.u32 $0xFF, s15  }
0x32: {  	s28 =	sshrl.u32 s29, $0x9;
	s7 =	sshrl.u32 s7, $0x2;
	s15 =	sshll.u32 s15, $0x4  }
0x33: {  	s25 =	sand.u32 $0x7F, s28  }
0x34: {  	s28 =	smul.u32 $0x3, s25;
	_ =	sdelay $0x1  }
0x35: {  	s25 =	smul.u32 $0xC0, s25;
	s16 =	ssub.s32 s16, s28  }
0x36: {  	s16 =	sand.u32 $0xFF, s16  }
0x37: {  	s7 =	sadd.s32 s15, s7;
	s25 =	sshrl.u32 s25, $0x2;
	s16 =	sshll.u32 s16, $0x4  }
0x38: {  	[tilespmem:s7+$0xD20] =	vst v0;
	s25 =	sadd.s32 s16, s25  }
0x39: {  	s15 =	rddreg [dreg:$0x13];
	[tilespmem:s25+$0xD20] =	vst v0  }
0x3a: {  	[spmem:s15] =	stream.linear.scatter [tilespmem:s17], [sflag:$0x4], $0xC00, $0x38;
	[tilespmem:$0xC420] =	vst v63  }
0x3b: {  	_ =	swait.ge [sflag:s18], $0xC00  }
0x3c: {  	[sflag:s18] =	ssyncset.done $0x0  }
0x3d: {  	s16 =	rddreg [dreg:$0x14];
	[sflag:s18] =	ssyncadd.s32 $0xFFFFF400  }
0x3e: {  	[spmem:s16] =	stream.linear.scatter [tilespmem:s17], [sflag:$0x4], $0xC00, $0x38;
	[tilespmem:$0xC420] =	vst v63  }
0x3f: {  	_ =	swait.ge [sflag:s18], $0xC00  }
0x40: {  	[sflag:s18] =	ssyncset.done $0x0  }
0x41: {  	s25 =	rddreg [dreg:$0x15];
	[sflag:s18] =	ssyncadd.s32 $0xFFFFF400  }
0x42: {  	[spmem:s25] =	stream.linear.scatter [tilespmem:s17], [sflag:$0x4], $0xC00, $0x38;
	[tilespmem:$0xC420] =	vst v63  }
0x43: {  	_ =	swait.ge [sflag:s18], $0xC00  }
0x44: {  	[sflag:s18] =	ssyncset.done $0x0  }
0x45: {  	s15 =	rddreg [dreg:$0x16];
	[sflag:s18] =	ssyncadd.s32 $0xFFFFF400  }
0x46: {  	[spmem:s15] =	stream.linear.scatter [tilespmem:s17], [sflag:$0x4], $0xC00, $0x38;
	[tilespmem:$0xC420] =	vst v63  }
0x47: {  	_ =	swait.ge [sflag:s18], $0xC00  }
0x48: {  	[sflag:s18] =	ssyncset.done $0x0  }
0x49: {  	s16 =	rddreg [dreg:$0x17];
	[sflag:s18] =	ssyncadd.s32 $0xFFFFF400  }
0x4a: {  	[spmem:s16] =	stream.linear.scatter [tilespmem:s17], [sflag:$0x4], $0xC00, $0x38;
	[tilespmem:$0xC420] =	vst v63  }
0x4b: {  	_ =	swait.ge [sflag:s18], $0xC00  }
0x4c: {  	[sflag:s18] =	ssyncset.done $0x0  }
0x4d: {  	s25 =	rddreg [dreg:$0x18];
	[sflag:s18] =	ssyncadd.s32 $0xFFFFF400  }
0x4e: {  	[spmem:s25] =	stream.linear.scatter [tilespmem:s17], [sflag:$0x4], $0xC00, $0x38;
	[tilespmem:$0xC420] =	vst v63  }
0x4f: {  	_ =	swait.ge [sflag:s18], $0xC00  }
0x50: {  	[sflag:s18] =	ssyncset.done $0x0  }
0x51: {  	s15 =	rddreg [dreg:$0x19];
	[sflag:s18] =	ssyncadd.s32 $0xFFFFF400  }
0x52: {  	[spmem:s15] =	stream.linear.scatter [tilespmem:s17], [sflag:$0x4], $0xC00, $0x38;
	[tilespmem:$0xC420] =	vst v63  }
0x53: {  	_ =	swait.ge [sflag:s18], $0xC00  }
0x54: {  	[sflag:s18] =	ssyncset.done $0x0  }
0x55: {  	s16 =	rddreg [dreg:$0x1a];
	[sflag:s18] =	ssyncadd.s32 $0xFFFFF400  }
0x56: {  	[spmem:s16] =	stream.linear.scatter [tilespmem:s17], [sflag:$0x4], $0xC00, $0x38;
	[tilespmem:$0xC420] =	vst v63  }
0x57: {  	_ =	swait.ge [sflag:s18], $0xC00  }
0x58: {  	[sflag:s18] =	ssyncset.done $0x0  }
0x59: {  	s25 =	rddreg [dreg:$0x1b];
	[sflag:s18] =	ssyncadd.s32 $0xFFFFF400  }
0x5a: {  	[spmem:s25] =	stream.linear.scatter [tilespmem:s17], [sflag:$0x4], $0xC00, $0x38;
	[tilespmem:$0xC420] =	vst v63  }
0x5b: {  	_ =	swait.ge [sflag:s18], $0xC00  }
0x5c: {  	[sflag:s18] =	ssyncset.done $0x0  }
0x5d: {  	s15 =	rddreg [dreg:$0x1c];
	[sflag:s18] =	ssyncadd.s32 $0xFFFFF400  }
0x5e: {  	[spmem:s15] =	stream.linear.scatter [tilespmem:s17], [sflag:$0x4], $0xC00, $0x38;
	[tilespmem:$0xC420] =	vst v63  }
0x5f: {  	_ =	swait.ge [sflag:s18], $0xC00  }
0x60: {  	[sflag:s18] =	ssyncset.done $0x0  }
0x61: {  	[sflag:s18] =	ssyncadd.s32 $0xFFFFF400  }
0x62: {  	[bflag:$0x0] =	sbarrier.arrive $0xFFFF  }
0x63: {  	s16 =	rddreg [dreg:$0x4]  }
0x64: {  	s7 =	sadd.s32 $0x0, s16  }
0x65: {  	[tilespmem:s3], [sflag:$0x4] =	stream.linear.gather [hbm4b:s7+s3], $0x690, $0x38;
	[tilespmem:$0xC420] =	vst v63  }
0x66: {  	_ =	swait.ge [sflag:s18], $0x690  }
0x67: {  	s25 =	rddreg [dreg:$0x3];
	[sflag:s18] =	ssyncset.done $0x0  }
0x68: {  	[sflag:s18] =	ssyncadd.s32 $0xFFFFF970;
	s7 =	sadd.s32 $0x0, s25  }
0x69: {  	[tilespmem:s19], [sflag:$0x4] =	stream.linear.gather [hbm4b:s7+s3], $0x690, $0x38;
	[tilespmem:$0xC420] =	vst v63  }
0x6a: {  	_ =	swait.ge [sflag:s18], $0x690  }
0x6b: {  	[sflag:s18] =	ssyncset.done $0x0  }
0x6c: {  	[sflag:s18] =	ssyncadd.s32 $0xFFFFF970  }
0x6d: {  	[tilespmem:s17], [sflag:$0x1] =	stream.indirect.gather [hbm4b:s4+s20], $0x30, s3, s20, $0xb8;
	[tilespmem:$0xC420] =	vst v63  }
0x6e: {  	_ = 	snop  }
0x6f: {  	[tilespmem:s21], [sflag:$0x2] =	stream.indirect.gather [hbm4b:s4+s20], $0x30, s20, s20, $0xb8;
	[tilespmem:$0xC420] =	vst v63  }
0x70: {  	_ =	swait.ge [sflag:s22], $0x1500  }
0x71: {  	[sflag:s22] =	ssyncset.done $0x0  }
0x72: {  	s15 =	rddreg [dreg:$0x5];
	[sflag:s22] =	ssyncadd.s32 $0xFFFFEB00  }
0x73: {  	[tilespmem:s23], [sflag:$0x3] =	stream.indirect.gather [hbm4b:s4+s20], $0x30, s15, s20, $0xb8;
	[tilespmem:$0xC420] =	vst v63  }
0x74: {  	_ = 	snop  }
0x75: {  	[spmem:s2] =	stream.indirect.scatter.add.f32 [tilespmem:s17], [sflag:$0x4], $0x30, s19, s20, $0xb8;
	[tilespmem:$0xC420] =	vst v63  }
0x76: {  	_ =	swait.ge [sflag:s18], $0x1500  }
0x77: {  	[sflag:s18] =	ssyncset.done $0x0  }
0x78: {  	[sflag:s18] =	ssyncadd.s32 $0xFFFFEB00  }
0x79: {  	_ =	swait.ge [sflag:s24], $0x1500  }
0x7a: {  	[sflag:s24] =	ssyncset.done $0x0  }
0x7b: {  	s16 =	rddreg [dreg:$0x6];
	[sflag:s24] =	ssyncadd.s32 $0xFFFFEB00  }
0x7c: {  	[tilespmem:s17], [sflag:$0x1] =	stream.indirect.gather [hbm4b:s4+s20], $0x30, s16, s20, $0xb8;
	[tilespmem:$0xC420] =	vst v63  }
0x7d: {  	s25 =	rddreg [dreg:$0x7]  }
0x7e: {  	[spmem:s2] =	stream.indirect.scatter.add.f32 [tilespmem:s21], [sflag:$0x4], $0x30, s25, s20, $0xb8;
	[tilespmem:$0xC420] =	vst v63  }
0x7f: {  	_ =	swait.ge [sflag:s18], $0x1500  }
0x80: {  	[sflag:s18] =	ssyncset.done $0x0  }
0x81: {  	[sflag:s18] =	ssyncadd.s32 $0xFFFFEB00  }
0x82: {  	_ =	swait.ge [sflag:s26], $0x1500  }
0x83: {  	[sflag:s26] =	ssyncset.done $0x0  }
0x84: {  	s16 =	rddreg [dreg:$0x8];
	[sflag:s26] =	ssyncadd.s32 $0xFFFFEB00  }
0x85: {  	[tilespmem:s21], [sflag:$0x2] =	stream.indirect.gather [hbm4b:s4+s20], $0x30, s16, s20, $0xb8;
	[tilespmem:$0xC420] =	vst v63  }
0x86: {  	s25 =	rddreg [dreg:$0x9]  }
0x87: {  	[spmem:s2] =	stream.indirect.scatter.add.f32 [tilespmem:s23], [sflag:$0x4], $0x30, s25, s20, $0xb8;
	[tilespmem:$0xC420] =	vst v63  }
0x88: {  	_ =	swait.ge [sflag:s18], $0x1500  }
0x89: {  	[sflag:s18] =	ssyncset.done $0x0  }
0x8a: {  	[sflag:s18] =	ssyncadd.s32 $0xFFFFEB00  }
0x8b: {  	_ =	swait.ge [sflag:s22], $0x1500  }
0x8c: {  	[sflag:s22] =	ssyncset.done $0x0  }
0x8d: {  	s16 =	rddreg [dreg:$0xa];
	[sflag:s22] =	ssyncadd.s32 $0xFFFFEB00  }
0x8e: {  	[tilespmem:s23], [sflag:$0x3] =	stream.indirect.gather [hbm4b:s4+s20], $0x30, s16, s20, $0xb8;
	[tilespmem:$0xC420] =	vst v63  }
0x8f: {  	s25 =	rddreg [dreg:$0xb]  }
0x90: {  	[spmem:s2] =	stream.indirect.scatter.add.f32 [tilespmem:s17], [sflag:$0x4], $0x30, s25, s20, $0xb8;
	[tilespmem:$0xC420] =	vst v63  }
0x91: {  	_ =	swait.ge [sflag:s18], $0x1500  }
0x92: {  	[sflag:s18] =	ssyncset.done $0x0  }
0x93: {  	[sflag:s18] =	ssyncadd.s32 $0xFFFFEB00  }
0x94: {  	_ =	swait.ge [sflag:s24], $0x1500  }
0x95: {  	[sflag:s24] =	ssyncset.done $0x0  }
0x96: {  	s16 =	rddreg [dreg:$0xc];
	[sflag:s24] =	ssyncadd.s32 $0xFFFFEB00  }
0x97: {  	[tilespmem:s17], [sflag:$0x1] =	stream.indirect.gather [hbm4b:s4+s20], $0x30, s16, s20, $0xb8;
	[tilespmem:$0xC420] =	vst v63  }
0x98: {  	s25 =	rddreg [dreg:$0xd]  }
0x99: {  	[spmem:s2] =	stream.indirect.scatter.add.f32 [tilespmem:s21], [sflag:$0x4], $0x30, s25, s20, $0xb8;
	[tilespmem:$0xC420] =	vst v63  }
0x9a: {  	_ =	swait.ge [sflag:s18], $0x1500  }
0x9b: {  	[sflag:s18] =	ssyncset.done $0x0  }
0x9c: {  	[sflag:s18] =	ssyncadd.s32 $0xFFFFEB00  }
0x9d: {  	_ =	swait.ge [sflag:s26], $0x1500  }
0x9e: {  	[sflag:s26] =	ssyncset.done $0x0  }
0x9f: {  	s15 =	rddreg [dreg:$0xe];
	[sflag:s26] =	ssyncadd.s32 $0xFFFFEB00  }
0xa0: {  	[tilespmem:s21], [sflag:$0x2] =	stream.indirect.gather [hbm4b:s4+s20], $0x30, s15, s20, $0xb8;
	[tilespmem:$0xC420] =	vst v63  }
0xa1: {  	s16 =	rddreg [dreg:$0xf]  }
0xa2: {  	[spmem:s2] =	stream.indirect.scatter.add.f32 [tilespmem:s23], [sflag:$0x4], $0x30, s16, s20, $0xb8;
	[tilespmem:$0xC420] =	vst v63  }
0xa3: {  	_ =	swait.ge [sflag:s18], $0x1500  }
0xa4: {  	[sflag:s18] =	ssyncset.done $0x0  }
0xa5: {  	[sflag:s18] =	ssyncadd.s32 $0xFFFFEB00  }
0xa6: {  	_ =	swait.ge [sflag:s22], $0x1500  }
0xa7: {  	[sflag:s22] =	ssyncset.done $0x0  }
0xa8: {  	s25 =	rddreg [dreg:$0x10];
	[sflag:s22] =	ssyncadd.s32 $0xFFFFEB00  }
0xa9: {  	[tilespmem:s23], [sflag:$0x3] =	stream.indirect.gather [hbm4b:s4+s20], $0x30, s25, s20, $0xb8;
	[tilespmem:$0xC420] =	vst v63  }
0xaa: {  	s28 =	simm.s32 $0x930  }
0xab: {  	[spmem:s2] =	stream.indirect.scatter.add.f32 [tilespmem:s17], [sflag:$0x4], $0x30, s28, s20, $0xb8;
	[tilespmem:$0xC420] =	vst v63  }
0xac: {  	_ =	swait.ge [sflag:s18], $0x1500  }
0xad: {  	[sflag:s18] =	ssyncset.done $0x0  }
0xae: {  	[sflag:s18] =	ssyncadd.s32 $0xFFFFEB00  }
0xaf: {  	_ =	swait.ge [sflag:s24], $0x1500  }
0xb0: {  	[sflag:s24] =	ssyncset.done $0x0  }
0xb1: {  	s29 =	simm.s32 $0x3F0;
	[sflag:s24] =	ssyncadd.s32 $0xFFFFEB00  }
0xb2: {  	[tilespmem:s17], [sflag:$0x1] =	stream.indirect.gather [hbm4b:s4+s20], $0x30, s29, s20, $0xb8;
	[tilespmem:$0xC420] =	vst v63  }
0xb3: {  	_ = 	snop  }
0xb4: {  	[spmem:s2] =	stream.indirect.scatter.add.f32 [tilespmem:s21], [sflag:$0x4], $0x30, s30, s20, $0xb8;
	[tilespmem:$0xC420] =	vst v63  }
0xb5: {  	_ =	swait.ge [sflag:s18], $0x1500  }
0xb6: {  	[sflag:s18] =	ssyncset.done $0x0  }
0xb7: {  	[sflag:s18] =	ssyncadd.s32 $0xFFFFEB00  }
0xb8: {  	_ =	swait.ge [sflag:s26], $0x1500  }
0xb9: {  	[sflag:s26] =	ssyncset.done $0x0  }
0xba: {  	[sflag:s26] =	ssyncadd.s32 $0xFFFFEB00  }
0xbb: {  	[tilespmem:s21], [sflag:$0x2] =	stream.indirect.gather [hbm4b:s4+s20], $0x30, s31, s20, $0xb8;
	[tilespmem:$0xC420] =	vst v63  }
0xbc: {  	_ = 	snop  }
0xbd: {  	[spmem:s2] =	stream.indirect.scatter.add.f32 [tilespmem:s23], [sflag:$0x4], $0x30, s1, s20, $0xb8;
	[tilespmem:$0xC420] =	vst v63  }
0xbe: {  	_ =	swait.ge [sflag:s18], $0x1500  }
0xbf: {  	[sflag:s18] =	ssyncset.done $0x0  }
0xc0: {  	[sflag:s18] =	ssyncadd.s32 $0xFFFFEB00  }
0xc1: {  	_ =	swait.ge [sflag:s22], $0x1500  }
0xc2: {  	[sflag:s22] =	ssyncset.done $0x0  }
0xc3: {  	[sflag:s22] =	ssyncadd.s32 $0xFFFFEB00  }
0xc4: {  	[tilespmem:s23], [sflag:$0x3] =	stream.indirect.gather [hbm4b:s4+s20], $0x30, s0, s20, $0xb8;
	[tilespmem:$0xC420] =	vst v63  }
0xc5: {  	_ = 	snop  }
0xc6: {  	[spmem:s2] =	stream.indirect.scatter.add.f32 [tilespmem:s17], [sflag:$0x4], $0x30, s5, s20, $0xb8;
	[tilespmem:$0xC420] =	vst v63  }
0xc7: {  	_ =	swait.ge [sflag:s18], $0x1500  }
0xc8: {  	[sflag:s18] =	ssyncset.done $0x0  }
0xc9: {  	[sflag:s18] =	ssyncadd.s32 $0xFFFFEB00  }
0xca: {  	_ =	swait.ge [sflag:s24], $0x1500  }
0xcb: {  	[sflag:s24] =	ssyncset.done $0x0  }
0xcc: {  	[sflag:s24] =	ssyncadd.s32 $0xFFFFEB00  }
0xcd: {  	[tilespmem:s17], [sflag:$0x1] =	stream.indirect.gather [hbm4b:s4+s20], $0x30, s6, s20, $0xb8;
	[tilespmem:$0xC420] =	vst v63  }
0xce: {  	_ = 	snop  }
0xcf: {  	[spmem:s2] =	stream.indirect.scatter.add.f32 [tilespmem:s21], [sflag:$0x4], $0x30, s8, s20, $0xb8;
	[tilespmem:$0xC420] =	vst v63  }
0xd0: {  	_ =	swait.ge [sflag:s18], $0x1500  }
0xd1: {  	[sflag:s18] =	ssyncset.done $0x0  }
0xd2: {  	[sflag:s18] =	ssyncadd.s32 $0xFFFFEB00  }
0xd3: {  	_ =	swait.ge [sflag:s26], $0x1500  }
0xd4: {  	[sflag:s26] =	ssyncset.done $0x0  }
0xd5: {  	[sflag:s26] =	ssyncadd.s32 $0xFFFFEB00  }
0xd6: {  	[tilespmem:s21], [sflag:$0x2] =	stream.indirect.gather [hbm4b:s4+s20], $0x30, s9, s20, $0xb8;
	[tilespmem:$0xC420] =	vst v63  }
0xd7: {  	_ = 	snop  }
0xd8: {  	[spmem:s2] =	stream.indirect.scatter.add.f32 [tilespmem:s23], [sflag:$0x4], $0x30, s10, s20, $0xb8;
	[tilespmem:$0xC420] =	vst v63  }
0xd9: {  	_ =	swait.ge [sflag:s18], $0x1500  }
0xda: {  	[sflag:s18] =	ssyncset.done $0x0  }
0xdb: {  	[sflag:s18] =	ssyncadd.s32 $0xFFFFEB00  }
0xdc: {  	_ =	swait.ge [sflag:s22], $0x1500  }
0xdd: {  	[sflag:s22] =	ssyncset.done $0x0  }
0xde: {  	[sflag:s22] =	ssyncadd.s32 $0xFFFFEB00  }
0xdf: {  	[tilespmem:s23], [sflag:$0x3] =	stream.indirect.gather [hbm4b:s4+s20], $0x30, s11, s20, $0xb8;
	[tilespmem:$0xC420] =	vst v63  }
0xe0: {  	_ = 	snop  }
0xe1: {  	[spmem:s2] =	stream.indirect.scatter.add.f32 [tilespmem:s17], [sflag:$0x4], $0x30, s12, s20, $0xb8;
	[tilespmem:$0xC420] =	vst v63  }
0xe2: {  	_ =	swait.ge [sflag:s18], $0x1500  }
0xe3: {  	[sflag:s18] =	ssyncset.done $0x0  }
0xe4: {  	[sflag:s18] =	ssyncadd.s32 $0xFFFFEB00  }
0xe5: {  	_ =	swait.ge [sflag:s24], $0x1500  }
0xe6: {  	[sflag:s24] =	ssyncset.done $0x0  }
0xe7: {  	[sflag:s24] =	ssyncadd.s32 $0xFFFFEB00  }
0xe8: {  	[spmem:s2] =	stream.indirect.scatter.add.f32 [tilespmem:s21], [sflag:$0x4], $0x30, s13, s20, $0xb8;
	[tilespmem:$0xC420] =	vst v63  }
0xe9: {  	_ =	swait.ge [sflag:s18], $0x1500  }
0xea: {  	[sflag:s18] =	ssyncset.done $0x0  }
0xeb: {  	[sflag:s18] =	ssyncadd.s32 $0xFFFFEB00  }
0xec: {  	_ =	swait.ge [sflag:s26], $0x1500  }
0xed: {  	[sflag:s26] =	ssyncset.done $0x0  }
0xee: {  	[sflag:s26] =	ssyncadd.s32 $0xFFFFEB00  }
0xef: {  	[spmem:s2] =	stream.indirect.scatter.add.f32 [tilespmem:s23], [sflag:$0x4], $0x30, s14, s20, $0xb8;
	[tilespmem:$0xC420] =	vst v63  }
0xf0: {  	s16 =	simm.s32 $0xD2;
	_ =	swait.ge [sflag:s18], $0x1500  }
0xf1: {  	s25 =	simm.s32 $0x1A4;
	s7 =	rddreg [dreg:$0x4];
	[sflag:s18] =	ssyncset.done $0x0  }
.LBB2_4:
0xf2: {  	[sflag:s18] =	ssyncadd.s32 $0xFFFFEB00;
	s7 =	sadd.s32 s16, s7  }
0xf3: {  	[tilespmem:s3], [sflag:$0x4] =	stream.linear.gather [hbm4b:s7+s3], $0x690, $0x38;
	[tilespmem:$0xC420] =	vst v63  }
0xf4: {  	_ =	swait.ge [sflag:s18], $0x690  }
0xf5: {  	s7 =	rddreg [dreg:$0x3];
	[sflag:s18] =	ssyncset.done $0x0  }
0xf6: {  	[sflag:s18] =	ssyncadd.s32 $0xFFFFF970;
	s7 =	sadd.s32 s16, s7  }
0xf7: {  	[tilespmem:s19], [sflag:$0x4] =	stream.linear.gather [hbm4b:s7+s3], $0x690, $0x38;
	[tilespmem:$0xC420] =	vst v63  }
0xf8: {  	_ =	swait.ge [sflag:s18], $0x690  }
0xf9: {  	[sflag:s18] =	ssyncset.done $0x0  }
0xfa: {  	[sflag:s18] =	ssyncadd.s32 $0xFFFFF970  }
0xfb: {  	[tilespmem:s17], [sflag:$0x1] =	stream.indirect.gather [hbm4b:s4+s20], $0x30, s3, s20, $0xb8;
	[tilespmem:$0xC420] =	vst v63  }
0xfc: {  	_ = 	snop  }
0xfd: {  	[tilespmem:s21], [sflag:$0x2] =	stream.indirect.gather [hbm4b:s4+s20], $0x30, s20, s20, $0xb8;
	[tilespmem:$0xC420] =	vst v63  }
0xfe: {  	_ =	swait.ge [sflag:s22], $0x1500  }
0xff: {  	s15 =	smov.u32 s25;
	[sflag:s22] =	ssyncset.done $0x0  }
0x100: {  	s16 =	smov.u32 s15;
	s15 =	rddreg [dreg:$0x5];
	[sflag:s22] =	ssyncadd.s32 $0xFFFFEB00  }
0x101: {  	[tilespmem:s23], [sflag:$0x3] =	stream.indirect.gather [hbm4b:s4+s20], $0x30, s15, s20, $0xb8;
	[tilespmem:$0xC420] =	vst v63  }
0x102: {  	_ = 	snop  }
0x103: {  	[spmem:s2] =	stream.indirect.scatter.add.f32 [tilespmem:s17], [sflag:$0x4], $0x30, s19, s20, $0xb8;
	[tilespmem:$0xC420] =	vst v63  }
0x104: {  	_ =	swait.ge [sflag:s18], $0x1500  }
0x105: {  	[sflag:s18] =	ssyncset.done $0x0  }
0x106: {  	[sflag:s18] =	ssyncadd.s32 $0xFFFFEB00  }
0x107: {  	_ =	swait.ge [sflag:s24], $0x1500  }
0x108: {  	[sflag:s24] =	ssyncset.done $0x0  }
0x109: {  	s7 =	rddreg [dreg:$0x6];
	[sflag:s24] =	ssyncadd.s32 $0xFFFFEB00  }
0x10a: {  	[tilespmem:s17], [sflag:$0x1] =	stream.indirect.gather [hbm4b:s4+s20], $0x30, s7, s20, $0xb8;
	[tilespmem:$0xC420] =	vst v63  }
0x10b: {  	s15 =	rddreg [dreg:$0x7]  }
0x10c: {  	[spmem:s2] =	stream.indirect.scatter.add.f32 [tilespmem:s21], [sflag:$0x4], $0x30, s15, s20, $0xb8;
	[tilespmem:$0xC420] =	vst v63  }
0x10d: {  	_ =	swait.ge [sflag:s18], $0x1500  }
0x10e: {  	[sflag:s18] =	ssyncset.done $0x0  }
0x10f: {  	[sflag:s18] =	ssyncadd.s32 $0xFFFFEB00  }
0x110: {  	_ =	swait.ge [sflag:s26], $0x1500  }
0x111: {  	[sflag:s26] =	ssyncset.done $0x0  }
0x112: {  	s7 =	rddreg [dreg:$0x8];
	[sflag:s26] =	ssyncadd.s32 $0xFFFFEB00  }
0x113: {  	[tilespmem:s21], [sflag:$0x2] =	stream.indirect.gather [hbm4b:s4+s20], $0x30, s7, s20, $0xb8;
	[tilespmem:$0xC420] =	vst v63  }
0x114: {  	s15 =	rddreg [dreg:$0x9]  }
0x115: {  	[spmem:s2] =	stream.indirect.scatter.add.f32 [tilespmem:s23], [sflag:$0x4], $0x30, s15, s20, $0xb8;
	[tilespmem:$0xC420] =	vst v63  }
0x116: {  	_ =	swait.ge [sflag:s18], $0x1500  }
0x117: {  	[sflag:s18] =	ssyncset.done $0x0  }
0x118: {  	[sflag:s18] =	ssyncadd.s32 $0xFFFFEB00  }
0x119: {  	_ =	swait.ge [sflag:s22], $0x1500  }
0x11a: {  	[sflag:s22] =	ssyncset.done $0x0  }
0x11b: {  	s7 =	rddreg [dreg:$0xa];
	[sflag:s22] =	ssyncadd.s32 $0xFFFFEB00  }
0x11c: {  	[tilespmem:s23], [sflag:$0x3] =	stream.indirect.gather [hbm4b:s4+s20], $0x30, s7, s20, $0xb8;
	[tilespmem:$0xC420] =	vst v63  }
0x11d: {  	s15 =	rddreg [dreg:$0xb]  }
0x11e: {  	[spmem:s2] =	stream.indirect.scatter.add.f32 [tilespmem:s17], [sflag:$0x4], $0x30, s15, s20, $0xb8;
	[tilespmem:$0xC420] =	vst v63  }
0x11f: {  	_ =	swait.ge [sflag:s18], $0x1500  }
0x120: {  	[sflag:s18] =	ssyncset.done $0x0  }
0x121: {  	[sflag:s18] =	ssyncadd.s32 $0xFFFFEB00  }
0x122: {  	_ =	swait.ge [sflag:s24], $0x1500  }
0x123: {  	[sflag:s24] =	ssyncset.done $0x0  }
0x124: {  	s7 =	rddreg [dreg:$0xc];
	[sflag:s24] =	ssyncadd.s32 $0xFFFFEB00  }
0x125: {  	[tilespmem:s17], [sflag:$0x1] =	stream.indirect.gather [hbm4b:s4+s20], $0x30, s7, s20, $0xb8;
	[tilespmem:$0xC420] =	vst v63  }
0x126: {  	s15 =	rddreg [dreg:$0xd]  }
0x127: {  	[spmem:s2] =	stream.indirect.scatter.add.f32 [tilespmem:s21], [sflag:$0x4], $0x30, s15, s20, $0xb8;
	[tilespmem:$0xC420] =	vst v63  }
0x128: {  	_ =	swait.ge [sflag:s18], $0x1500  }
0x129: {  	[sflag:s18] =	ssyncset.done $0x0  }
0x12a: {  	[sflag:s18] =	ssyncadd.s32 $0xFFFFEB00  }
0x12b: {  	_ =	swait.ge [sflag:s26], $0x1500  }
0x12c: {  	[sflag:s26] =	ssyncset.done $0x0  }
0x12d: {  	s7 =	rddreg [dreg:$0xe];
	[sflag:s26] =	ssyncadd.s32 $0xFFFFEB00  }
0x12e: {  	[tilespmem:s21], [sflag:$0x2] =	stream.indirect.gather [hbm4b:s4+s20], $0x30, s7, s20, $0xb8;
	[tilespmem:$0xC420] =	vst v63  }
0x12f: {  	s15 =	rddreg [dreg:$0xf]  }
0x130: {  	[spmem:s2] =	stream.indirect.scatter.add.f32 [tilespmem:s23], [sflag:$0x4], $0x30, s15, s20, $0xb8;
	[tilespmem:$0xC420] =	vst v63  }
0x131: {  	_ =	swait.ge [sflag:s18], $0x1500  }
0x132: {  	[sflag:s18] =	ssyncset.done $0x0  }
0x133: {  	[sflag:s18] =	ssyncadd.s32 $0xFFFFEB00  }
0x134: {  	_ =	swait.ge [sflag:s22], $0x1500  }
0x135: {  	[sflag:s22] =	ssyncset.done $0x0  }
0x136: {  	s15 =	rddreg [dreg:$0x10];
	[sflag:s22] =	ssyncadd.s32 $0xFFFFEB00  }
0x137: {  	[tilespmem:s23], [sflag:$0x3] =	stream.indirect.gather [hbm4b:s4+s20], $0x30, s15, s20, $0xb8;
	[tilespmem:$0xC420] =	vst v63  }
0x138: {  	_ = 	snop  }
0x139: {  	[spmem:s2] =	stream.indirect.scatter.add.f32 [tilespmem:s17], [sflag:$0x4], $0x30, s28, s20, $0xb8;
	[tilespmem:$0xC420] =	vst v63  }
0x13a: {  	_ =	swait.ge [sflag:s18], $0x1500  }
0x13b: {  	[sflag:s18] =	ssyncset.done $0x0  }
0x13c: {  	[sflag:s18] =	ssyncadd.s32 $0xFFFFEB00  }
0x13d: {  	_ =	swait.ge [sflag:s24], $0x1500  }
0x13e: {  	[sflag:s24] =	ssyncset.done $0x0  }
0x13f: {  	[sflag:s24] =	ssyncadd.s32 $0xFFFFEB00  }
0x140: {  	[tilespmem:s17], [sflag:$0x1] =	stream.indirect.gather [hbm4b:s4+s20], $0x30, s29, s20, $0xb8;
	[tilespmem:$0xC420] =	vst v63  }
0x141: {  	_ = 	snop  }
0x142: {  	[spmem:s2] =	stream.indirect.scatter.add.f32 [tilespmem:s21], [sflag:$0x4], $0x30, s30, s20, $0xb8;
	[tilespmem:$0xC420] =	vst v63  }
0x143: {  	_ =	swait.ge [sflag:s18], $0x1500  }
0x144: {  	[sflag:s18] =	ssyncset.done $0x0  }
0x145: {  	[sflag:s18] =	ssyncadd.s32 $0xFFFFEB00  }
0x146: {  	_ =	swait.ge [sflag:s26], $0x1500  }
0x147: {  	[sflag:s26] =	ssyncset.done $0x0  }
0x148: {  	[sflag:s26] =	ssyncadd.s32 $0xFFFFEB00  }
0x149: {  	[tilespmem:s21], [sflag:$0x2] =	stream.indirect.gather [hbm4b:s4+s20], $0x30, s31, s20, $0xb8;
	[tilespmem:$0xC420] =	vst v63  }
0x14a: {  	_ = 	snop  }
0x14b: {  	[spmem:s2] =	stream.indirect.scatter.add.f32 [tilespmem:s23], [sflag:$0x4], $0x30, s1, s20, $0xb8;
	[tilespmem:$0xC420] =	vst v63  }
0x14c: {  	_ =	swait.ge [sflag:s18], $0x1500  }
0x14d: {  	[sflag:s18] =	ssyncset.done $0x0  }
0x14e: {  	[sflag:s18] =	ssyncadd.s32 $0xFFFFEB00  }
0x14f: {  	_ =	swait.ge [sflag:s22], $0x1500  }
0x150: {  	[sflag:s22] =	ssyncset.done $0x0  }
0x151: {  	[sflag:s22] =	ssyncadd.s32 $0xFFFFEB00  }
0x152: {  	[tilespmem:s23], [sflag:$0x3] =	stream.indirect.gather [hbm4b:s4+s20], $0x30, s0, s20, $0xb8;
	[tilespmem:$0xC420] =	vst v63  }
0x153: {  	_ = 	snop  }
0x154: {  	[spmem:s2] =	stream.indirect.scatter.add.f32 [tilespmem:s17], [sflag:$0x4], $0x30, s5, s20, $0xb8;
	[tilespmem:$0xC420] =	vst v63  }
0x155: {  	_ =	swait.ge [sflag:s18], $0x1500  }
0x156: {  	[sflag:s18] =	ssyncset.done $0x0  }
0x157: {  	[sflag:s18] =	ssyncadd.s32 $0xFFFFEB00  }
0x158: {  	_ =	swait.ge [sflag:s24], $0x1500  }
0x159: {  	[sflag:s24] =	ssyncset.done $0x0  }
0x15a: {  	[sflag:s24] =	ssyncadd.s32 $0xFFFFEB00  }
0x15b: {  	[tilespmem:s17], [sflag:$0x1] =	stream.indirect.gather [hbm4b:s4+s20], $0x30, s6, s20, $0xb8;
	[tilespmem:$0xC420] =	vst v63  }
0x15c: {  	_ = 	snop  }
0x15d: {  	[spmem:s2] =	stream.indirect.scatter.add.f32 [tilespmem:s21], [sflag:$0x4], $0x30, s8, s20, $0xb8;
	[tilespmem:$0xC420] =	vst v63  }
0x15e: {  	_ =	swait.ge [sflag:s18], $0x1500  }
0x15f: {  	[sflag:s18] =	ssyncset.done $0x0  }
0x160: {  	[sflag:s18] =	ssyncadd.s32 $0xFFFFEB00  }
0x161: {  	_ =	swait.ge [sflag:s26], $0x1500  }
0x162: {  	[sflag:s26] =	ssyncset.done $0x0  }
0x163: {  	[sflag:s26] =	ssyncadd.s32 $0xFFFFEB00  }
0x164: {  	[tilespmem:s21], [sflag:$0x2] =	stream.indirect.gather [hbm4b:s4+s20], $0x30, s9, s20, $0xb8;
	[tilespmem:$0xC420] =	vst v63  }
0x165: {  	_ = 	snop  }
0x166: {  	[spmem:s2] =	stream.indirect.scatter.add.f32 [tilespmem:s23], [sflag:$0x4], $0x30, s10, s20, $0xb8;
	[tilespmem:$0xC420] =	vst v63  }
0x167: {  	_ =	swait.ge [sflag:s18], $0x1500  }
0x168: {  	[sflag:s18] =	ssyncset.done $0x0  }
0x169: {  	[sflag:s18] =	ssyncadd.s32 $0xFFFFEB00  }
0x16a: {  	_ =	swait.ge [sflag:s22], $0x1500  }
0x16b: {  	[sflag:s22] =	ssyncset.done $0x0  }
0x16c: {  	[sflag:s22] =	ssyncadd.s32 $0xFFFFEB00  }
0x16d: {  	[tilespmem:s23], [sflag:$0x3] =	stream.indirect.gather [hbm4b:s4+s20], $0x30, s11, s20, $0xb8;
	[tilespmem:$0xC420] =	vst v63  }
0x16e: {  	_ = 	snop  }
0x16f: {  	[spmem:s2] =	stream.indirect.scatter.add.f32 [tilespmem:s17], [sflag:$0x4], $0x30, s12, s20, $0xb8;
	[tilespmem:$0xC420] =	vst v63  }
0x170: {  	_ =	swait.ge [sflag:s18], $0x1500  }
0x171: {  	[sflag:s18] =	ssyncset.done $0x0  }
0x172: {  	[sflag:s18] =	ssyncadd.s32 $0xFFFFEB00  }
0x173: {  	_ =	swait.ge [sflag:s24], $0x1500  }
0x174: {  	[sflag:s24] =	ssyncset.done $0x0  }
0x175: {  	[sflag:s24] =	ssyncadd.s32 $0xFFFFEB00  }
0x176: {  	[spmem:s2] =	stream.indirect.scatter.add.f32 [tilespmem:s21], [sflag:$0x4], $0x30, s13, s20, $0xb8;
	[tilespmem:$0xC420] =	vst v63  }
0x177: {  	_ =	swait.ge [sflag:s18], $0x1500  }
0x178: {  	[sflag:s18] =	ssyncset.done $0x0  }
0x179: {  	[sflag:s18] =	ssyncadd.s32 $0xFFFFEB00  }
0x17a: {  	p0 =	sne.s32 s25, $0x41A;
	_ =	swait.ge [sflag:s26], $0x1500  }
.Ltmp1:
0x17b: {  	[sflag:s26] =	ssyncset.done $0x0;
	(pc) =	sbr.rel @p0 .LBB2_4-.Ltmp1, $4  }
0x17c: {  	[sflag:s26] =	ssyncadd.s32 $0xFFFFEB00  }
0x17d: {  	[spmem:s2] =	stream.indirect.scatter.add.f32 [tilespmem:s23], [sflag:$0x4], $0x30, s14, s20, $0xb8;
	[tilespmem:$0xC420] =	vst v63  }
0x17e: {  	_ =	swait.ge [sflag:s18], $0x1500  }
0x17f: {  	s25 =	sadd.s32 $0xD2, s25;
	s7 =	rddreg [dreg:$0x4];
	[sflag:s18] =	ssyncset.done $0x0  }
0x180: {  	[sflag:s18] =	ssyncadd.s32 $0xFFFFEB00;
	s7 =	sadd.s32 s16, s7  }
0x181: {  	[tilespmem:s3], [sflag:$0x4] =	stream.linear.gather [hbm4b:s7+s3], $0x690, $0x38;
	[tilespmem:$0xC420] =	vst v63  }
0x182: {  	_ =	swait.ge [sflag:s18], $0x690  }
0x183: {  	s15 =	rddreg [dreg:$0x3];
	[sflag:s18] =	ssyncset.done $0x0  }
0x184: {  	[sflag:s18] =	ssyncadd.s32 $0xFFFFF970;
	s7 =	sadd.s32 s16, s15  }
0x185: {  	[tilespmem:s19], [sflag:$0x4] =	stream.linear.gather [hbm4b:s7+s3], $0x690, $0x38;
	[tilespmem:$0xC420] =	vst v63  }
0x186: {  	_ =	swait.ge [sflag:s18], $0x690  }
0x187: {  	[sflag:s18] =	ssyncset.done $0x0  }
0x188: {  	[sflag:s18] =	ssyncadd.s32 $0xFFFFF970  }
0x189: {  	[tilespmem:s17], [sflag:$0x1] =	stream.indirect.gather [hbm4b:s4+s20], $0x30, s3, s20, $0xb8;
	[tilespmem:$0xC420] =	vst v63  }
0x18a: {  	_ = 	snop  }
0x18b: {  	[tilespmem:s21], [sflag:$0x2] =	stream.indirect.gather [hbm4b:s4+s20], $0x30, s20, s20, $0xb8;
	[tilespmem:$0xC420] =	vst v63  }
0x18c: {  	_ =	swait.ge [sflag:s22], $0x1500  }
0x18d: {  	[sflag:s22] =	ssyncset.done $0x0  }
0x18e: {  	s16 =	rddreg [dreg:$0x5];
	[sflag:s22] =	ssyncadd.s32 $0xFFFFEB00  }
0x18f: {  	[tilespmem:s23], [sflag:$0x3] =	stream.indirect.gather [hbm4b:s4+s20], $0x30, s16, s20, $0xb8;
	[tilespmem:$0xC420] =	vst v63  }
0x190: {  	_ = 	snop  }
0x191: {  	[spmem:s2] =	stream.indirect.scatter.add.f32 [tilespmem:s17], [sflag:$0x4], $0x30, s19, s20, $0xb8;
	[tilespmem:$0xC420] =	vst v63  }
0x192: {  	_ =	swait.ge [sflag:s18], $0x1500  }
0x193: {  	[sflag:s18] =	ssyncset.done $0x0  }
0x194: {  	[sflag:s18] =	ssyncadd.s32 $0xFFFFEB00  }
0x195: {  	_ =	swait.ge [sflag:s24], $0x1500  }
0x196: {  	[sflag:s24] =	ssyncset.done $0x0  }
0x197: {  	s25 =	rddreg [dreg:$0x6];
	[sflag:s24] =	ssyncadd.s32 $0xFFFFEB00  }
0x198: {  	[tilespmem:s17], [sflag:$0x1] =	stream.indirect.gather [hbm4b:s4+s20], $0x30, s25, s20, $0xb8;
	[tilespmem:$0xC420] =	vst v63  }
0x199: {  	s15 =	rddreg [dreg:$0x7]  }
0x19a: {  	[spmem:s2] =	stream.indirect.scatter.add.f32 [tilespmem:s21], [sflag:$0x4], $0x30, s15, s20, $0xb8;
	[tilespmem:$0xC420] =	vst v63  }
0x19b: {  	_ =	swait.ge [sflag:s18], $0x1500  }
0x19c: {  	[sflag:s18] =	ssyncset.done $0x0  }
0x19d: {  	[sflag:s18] =	ssyncadd.s32 $0xFFFFEB00  }
0x19e: {  	_ =	swait.ge [sflag:s26], $0x1500  }
0x19f: {  	[sflag:s26] =	ssyncset.done $0x0  }
0x1a0: {  	s16 =	rddreg [dreg:$0x8];
	[sflag:s26] =	ssyncadd.s32 $0xFFFFEB00  }
0x1a1: {  	[tilespmem:s21], [sflag:$0x2] =	stream.indirect.gather [hbm4b:s4+s20], $0x30, s16, s20, $0xb8;
	[tilespmem:$0xC420] =	vst v63  }
0x1a2: {  	s25 =	rddreg [dreg:$0x9]  }
0x1a3: {  	[spmem:s2] =	stream.indirect.scatter.add.f32 [tilespmem:s23], [sflag:$0x4], $0x30, s25, s20, $0xb8;
	[tilespmem:$0xC420] =	vst v63  }
0x1a4: {  	_ =	swait.ge [sflag:s18], $0x1500  }
0x1a5: {  	[sflag:s18] =	ssyncset.done $0x0  }
0x1a6: {  	[sflag:s18] =	ssyncadd.s32 $0xFFFFEB00  }
0x1a7: {  	_ =	swait.ge [sflag:s22], $0x1500  }
0x1a8: {  	[sflag:s22] =	ssyncset.done $0x0  }
0x1a9: {  	s16 =	rddreg [dreg:$0xa];
	[sflag:s22] =	ssyncadd.s32 $0xFFFFEB00  }
0x1aa: {  	[tilespmem:s23], [sflag:$0x3] =	stream.indirect.gather [hbm4b:s4+s20], $0x30, s16, s20, $0xb8;
	[tilespmem:$0xC420] =	vst v63  }
0x1ab: {  	s25 =	rddreg [dreg:$0xb]  }
0x1ac: {  	[spmem:s2] =	stream.indirect.scatter.add.f32 [tilespmem:s17], [sflag:$0x4], $0x30, s25, s20, $0xb8;
	[tilespmem:$0xC420] =	vst v63  }
0x1ad: {  	_ =	swait.ge [sflag:s18], $0x1500  }
0x1ae: {  	[sflag:s18] =	ssyncset.done $0x0  }
0x1af: {  	[sflag:s18] =	ssyncadd.s32 $0xFFFFEB00  }
0x1b0: {  	_ =	swait.ge [sflag:s24], $0x1500  }
0x1b1: {  	[sflag:s24] =	ssyncset.done $0x0  }
0x1b2: {  	s16 =	rddreg [dreg:$0xc];
	[sflag:s24] =	ssyncadd.s32 $0xFFFFEB00  }
0x1b3: {  	[tilespmem:s17], [sflag:$0x1] =	stream.indirect.gather [hbm4b:s4+s20], $0x30, s16, s20, $0xb8;
	[tilespmem:$0xC420] =	vst v63  }
0x1b4: {  	s25 =	rddreg [dreg:$0xd]  }
0x1b5: {  	[spmem:s2] =	stream.indirect.scatter.add.f32 [tilespmem:s21], [sflag:$0x4], $0x30, s25, s20, $0xb8;
	[tilespmem:$0xC420] =	vst v63  }
0x1b6: {  	_ =	swait.ge [sflag:s18], $0x1500  }
0x1b7: {  	[sflag:s18] =	ssyncset.done $0x0  }
0x1b8: {  	[sflag:s18] =	ssyncadd.s32 $0xFFFFEB00  }
0x1b9: {  	_ =	swait.ge [sflag:s26], $0x1500  }
0x1ba: {  	[sflag:s26] =	ssyncset.done $0x0  }
0x1bb: {  	s15 =	rddreg [dreg:$0xe];
	[sflag:s26] =	ssyncadd.s32 $0xFFFFEB00  }
0x1bc: {  	[tilespmem:s21], [sflag:$0x2] =	stream.indirect.gather [hbm4b:s4+s20], $0x30, s15, s20, $0xb8;
	[tilespmem:$0xC420] =	vst v63  }
0x1bd: {  	s16 =	rddreg [dreg:$0xf]  }
0x1be: {  	[spmem:s2] =	stream.indirect.scatter.add.f32 [tilespmem:s23], [sflag:$0x4], $0x30, s16, s20, $0xb8;
	[tilespmem:$0xC420] =	vst v63  }
0x1bf: {  	_ =	swait.ge [sflag:s18], $0x1500  }
0x1c0: {  	[sflag:s18] =	ssyncset.done $0x0  }
0x1c1: {  	[sflag:s18] =	ssyncadd.s32 $0xFFFFEB00  }
0x1c2: {  	_ =	swait.ge [sflag:s22], $0x1500  }
0x1c3: {  	[sflag:s22] =	ssyncset.done $0x0  }
0x1c4: {  	s25 =	rddreg [dreg:$0x10];
	[sflag:s22] =	ssyncadd.s32 $0xFFFFEB00  }
0x1c5: {  	[tilespmem:s23], [sflag:$0x3] =	stream.indirect.gather [hbm4b:s4+s20], $0x30, s25, s20, $0xb8;
	[tilespmem:$0xC420] =	vst v63  }
0x1c6: {  	_ = 	snop  }
0x1c7: {  	[spmem:s2] =	stream.indirect.scatter.add.f32 [tilespmem:s17], [sflag:$0x4], $0x30, s28, s20, $0xb8;
	[tilespmem:$0xC420] =	vst v63  }
0x1c8: {  	_ =	swait.ge [sflag:s18], $0x1500  }
0x1c9: {  	[sflag:s18] =	ssyncset.done $0x0  }
0x1ca: {  	[sflag:s18] =	ssyncadd.s32 $0xFFFFEB00  }
0x1cb: {  	_ =	swait.ge [sflag:s24], $0x1500  }
0x1cc: {  	[sflag:s24] =	ssyncset.done $0x0  }
0x1cd: {  	[sflag:s24] =	ssyncadd.s32 $0xFFFFEB00  }
0x1ce: {  	[tilespmem:s17], [sflag:$0x1] =	stream.indirect.gather [hbm4b:s4+s20], $0x30, s29, s20, $0xb8;
	[tilespmem:$0xC420] =	vst v63  }
0x1cf: {  	_ = 	snop  }
0x1d0: {  	[spmem:s2] =	stream.indirect.scatter.add.f32 [tilespmem:s21], [sflag:$0x4], $0x30, s30, s20, $0xb8;
	[tilespmem:$0xC420] =	vst v63  }
0x1d1: {  	_ =	swait.ge [sflag:s18], $0x1500  }
0x1d2: {  	[sflag:s18] =	ssyncset.done $0x0  }
0x1d3: {  	[sflag:s18] =	ssyncadd.s32 $0xFFFFEB00  }
0x1d4: {  	_ =	swait.ge [sflag:s26], $0x1500  }
0x1d5: {  	[sflag:s26] =	ssyncset.done $0x0  }
0x1d6: {  	[sflag:s26] =	ssyncadd.s32 $0xFFFFEB00  }
0x1d7: {  	[tilespmem:s21], [sflag:$0x2] =	stream.indirect.gather [hbm4b:s4+s20], $0x30, s31, s20, $0xb8;
	[tilespmem:$0xC420] =	vst v63  }
0x1d8: {  	_ = 	snop  }
0x1d9: {  	[spmem:s2] =	stream.indirect.scatter.add.f32 [tilespmem:s23], [sflag:$0x4], $0x30, s1, s20, $0xb8;
	[tilespmem:$0xC420] =	vst v63  }
0x1da: {  	_ =	swait.ge [sflag:s18], $0x1500  }
0x1db: {  	[sflag:s18] =	ssyncset.done $0x0  }
0x1dc: {  	[sflag:s18] =	ssyncadd.s32 $0xFFFFEB00  }
0x1dd: {  	_ =	swait.ge [sflag:s22], $0x1500  }
0x1de: {  	[sflag:s22] =	ssyncset.done $0x0  }
0x1df: {  	[sflag:s22] =	ssyncadd.s32 $0xFFFFEB00  }
0x1e0: {  	[tilespmem:s23], [sflag:$0x3] =	stream.indirect.gather [hbm4b:s4+s20], $0x30, s0, s20, $0xb8;
	[tilespmem:$0xC420] =	vst v63  }
0x1e1: {  	_ = 	snop  }
0x1e2: {  	[spmem:s2] =	stream.indirect.scatter.add.f32 [tilespmem:s17], [sflag:$0x4], $0x30, s5, s20, $0xb8;
	[tilespmem:$0xC420] =	vst v63  }
0x1e3: {  	_ =	swait.ge [sflag:s18], $0x1500  }
0x1e4: {  	[sflag:s18] =	ssyncset.done $0x0  }
0x1e5: {  	[sflag:s18] =	ssyncadd.s32 $0xFFFFEB00  }
0x1e6: {  	_ =	swait.ge [sflag:s24], $0x1500  }
0x1e7: {  	[sflag:s24] =	ssyncset.done $0x0  }
0x1e8: {  	[sflag:s24] =	ssyncadd.s32 $0xFFFFEB00  }
0x1e9: {  	[tilespmem:s17], [sflag:$0x1] =	stream.indirect.gather [hbm4b:s4+s20], $0x30, s6, s20, $0xb8;
	[tilespmem:$0xC420] =	vst v63  }
0x1ea: {  	_ = 	snop  }
0x1eb: {  	[spmem:s2] =	stream.indirect.scatter.add.f32 [tilespmem:s21], [sflag:$0x4], $0x30, s8, s20, $0xb8;
	[tilespmem:$0xC420] =	vst v63  }
0x1ec: {  	_ =	swait.ge [sflag:s18], $0x1500  }
0x1ed: {  	[sflag:s18] =	ssyncset.done $0x0  }
0x1ee: {  	[sflag:s18] =	ssyncadd.s32 $0xFFFFEB00  }
0x1ef: {  	_ =	swait.ge [sflag:s26], $0x1500  }
0x1f0: {  	[sflag:s26] =	ssyncset.done $0x0  }
0x1f1: {  	[sflag:s26] =	ssyncadd.s32 $0xFFFFEB00  }
0x1f2: {  	[tilespmem:s21], [sflag:$0x2] =	stream.indirect.gather [hbm4b:s4+s20], $0x30, s9, s20, $0xb8;
	[tilespmem:$0xC420] =	vst v63  }
0x1f3: {  	_ = 	snop  }
0x1f4: {  	[spmem:s2] =	stream.indirect.scatter.add.f32 [tilespmem:s23], [sflag:$0x4], $0x30, s10, s20, $0xb8;
	[tilespmem:$0xC420] =	vst v63  }
0x1f5: {  	_ =	swait.ge [sflag:s18], $0x1500  }
0x1f6: {  	[sflag:s18] =	ssyncset.done $0x0  }
0x1f7: {  	[sflag:s18] =	ssyncadd.s32 $0xFFFFEB00  }
0x1f8: {  	_ =	swait.ge [sflag:s22], $0x1500  }
0x1f9: {  	[sflag:s22] =	ssyncset.done $0x0  }
0x1fa: {  	[sflag:s22] =	ssyncadd.s32 $0xFFFFEB00  }
0x1fb: {  	[tilespmem:s23], [sflag:$0x3] =	stream.indirect.gather [hbm4b:s4+s20], $0x30, s11, s20, $0xb8;
	[tilespmem:$0xC420] =	vst v63  }
0x1fc: {  	_ = 	snop  }
0x1fd: {  	[spmem:s2] =	stream.indirect.scatter.add.f32 [tilespmem:s17], [sflag:$0x4], $0x30, s12, s20, $0xb8;
	[tilespmem:$0xC420] =	vst v63  }
0x1fe: {  	_ =	swait.ge [sflag:s18], $0x1500  }
0x1ff: {  	[sflag:s18] =	ssyncset.done $0x0  }
0x200: {  	[sflag:s18] =	ssyncadd.s32 $0xFFFFEB00  }
0x201: {  	_ =	swait.ge [sflag:s24], $0x1500  }
0x202: {  	[sflag:s24] =	ssyncset.done $0x0  }
0x203: {  	[sflag:s24] =	ssyncadd.s32 $0xFFFFEB00  }
0x204: {  	[spmem:s2] =	stream.indirect.scatter.add.f32 [tilespmem:s21], [sflag:$0x4], $0x30, s13, s20, $0xb8;
	[tilespmem:$0xC420] =	vst v63  }
0x205: {  	_ =	swait.ge [sflag:s18], $0x1500  }
0x206: {  	[sflag:s18] =	ssyncset.done $0x0  }
0x207: {  	[sflag:s18] =	ssyncadd.s32 $0xFFFFEB00  }
0x208: {  	_ =	swait.ge [sflag:s26], $0x1500  }
0x209: {  	[sflag:s26] =	ssyncset.done $0x0  }
0x20a: {  	[sflag:s26] =	ssyncadd.s32 $0xFFFFEB00  }
0x20b: {  	[spmem:s2] =	stream.indirect.scatter.add.f32 [tilespmem:s23], [sflag:$0x4], $0x30, s14, s20, $0xb8;
	[tilespmem:$0xC420] =	vst v63  }
0x20c: {  	_ =	swait.ge [sflag:s18], $0x1500  }
0x20d: {  	[sflag:s18] =	ssyncset.done $0x0  }
0x20e: {  	[sflag:s18] =	ssyncadd.s32 $0xFFFFEB00  }
0x20f: {  	s15 =	stileid.u32;
	[bflag:$0x0] =	sbarrier.arrive $0xFFFF  }
0x210: {  	s7 =	sshll.u32 s15, $0x6;
	s16 =	rddreg [dreg:$0x11]  }
0x211: {  	s7 =	sor.u32 $0x1C04, s7;
	s25 =	rddreg [dreg:$0x1d]  }
0x212: {  	[hbm:s16], [sflag:s7] =	dma.local [spmem:s25], $0xF00  }
0x213: {  	_ =	swait.ge [sflag:s18], $0xF00  }
0x214: {  	s28 =	rddreg [dreg:$0x1e]  }
0x215: {  	s29 =	rddreg [dreg:$0x12];
	s15 =	sadd.s32 $0x1, s28  }
0x216: {  	p0 =	sne.s32 s15, s29  }
.Ltmp2:
0x217: {  	_ = 	snop;
	(pc) =	sbr.rel @p0 .LBB2_1-.Ltmp2, $3  }
0x218: {  	_ =	sdelay $0x1  }
0x219: {  	[sflag:s18] =	ssyncset.done $0x0  }
0x21a: {  	[sflag:s18] =	ssyncadd.s32 $0xFFFFF100  }
0x21b: {  	_ =	sfence.sel $0x180000  }
0x21c: {  	[bflag:$0x0] =	sbarrier.arrive $0xFFFF  }
0x21d: {  	_ =	strace $0x90000050  }
0x21e: {  	s0 =	stileid.u32;
	[bflag:$0x2] =	sbarrier.arrive $0xFFFF  }
0x21f: {  	p0 =	sne.s32 s0, $0x0;
	s0 =	rddreg [dreg:$0x2]  }
0x220: {  	s0 =	sadd.s32 @!p0 $0x100000, s0  }
0x221: {  	[sflag:s0] =	ssyncadd.tile.s32 @!p0 $0x1;
	_ =	shalt  }
.Lfunc_end2:
_tile_overlayer_lowered:
.L_overlay_start_2:
0x222: {  	(tag) =	ssettag $0x2  }
0x223: {  	s0 =	rddreg [dreg:$0x0];
	s2 =	stileid.u32  }
0x224: {  	s1 =	rddreg [dreg:$0x1];
	p0 =	sne.s32 s2, $0x0  }
0x225: {  	s3 =	rddreg [dreg:$0x2];
	[bflag:$0x3] =	sbarrier.arrive $0xFFFF;
	s2 =	simm.s32 @!p0 $0x1C04  }
0x226: {  	[timem:s3], [sflag:s2] =	dma.local @!p0 [hbm:s0], s1  }
0x227: {  	s0 =	simm.s32 @!p0 $0x4  }
0x228: {  	_ =	swait.ge @!p0 [sflag:s0], s1  }
0x229: {  	s1 =	ssub.s32 @!p0 $0x0, s1;
	[sflag:s0] =	ssyncset.done @!p0 $0x0  }
0x22a: {  	[sflag:s0] =	ssyncadd.s32 @!p0 s1  }
0x22b: {  	[bflag:$0x3] =	sbarrier.arrive $0xFFFF  }
0x22c: {  	_ =	shalt  }

</sc_bundles>
